<compile_context>
chip_gen: v7x
topology: tpu7x:2x2x1
jax: 0.10.2.dev20260603
libtpu: 0.0.44.dev20260713+nightly
codegen_flags: <defaults>
</compile_context>

<pallas_src>
import functools
import jax
import jax.numpy as jnp
from jax import lax
from jax.experimental import pallas as pl
from jax.experimental.pallas import tpu as pltpu
from jax.experimental.pallas import tpu_sc as plsc

N = 10000
E = 160000
NEG = 0.2
NT = 16
SLAB = 632
ZC = 8



def _edge_kernel_body(HW, PW, NH, edge_split, C,
                      *refs):
    (fs_tab, fd_tab, src_hbm, dst_hbm, attn_hbm,
     out_hbm,
     acc, attnb, srcb, dstb, fsidxb, fdidxb,
     fsb, fdb, msgb, zb, sem, sem2) = refs

    c = lax.axis_index("c")
    s = lax.axis_index("s")
    EP = (E // (2 * NT)) if edge_split else (E // NT)
    NCH = EP // C
    G = HW // 16
    GH = 64 // 16

    def zrow(i, _):
        for g in range(PW // 16):
            zb[i, pl.ds(16 * g, 16)] = jnp.zeros((16,), jnp.float32)
        return 0
    lax.fori_loop(0, ZC, zrow, 0)
    ncop = jnp.where(s < 15, SLAB // ZC, (N - 15 * SLAB) // ZC)

    def zcp(i, _):
        off = pl.multiple_of(s * SLAB + i * ZC, 8)
        pltpu.sync_copy(zb, acc.at[pl.ds(off, ZC)])
        return 0
    lax.fori_loop(0, ncop, zcp, 0)

    pltpu.sync_copy(attn_hbm.at[c if not edge_split else 0], attnb)

    plsc.subcore_barrier()

    ebase0 = s * EP + (c * (E // 2) if edge_split else 0)
    lane = lax.broadcasted_iota(jnp.int32, (16,), 0)

    def hsum(v):
        for sh in (8, 4, 2, 1):
            v = v + v.at[lane ^ sh].get(mode="promise_in_bounds")
        return v

    def chunk(k, _):
        base = ebase0 + k * C
        pltpu.sync_copy(src_hbm.at[pl.ds(base, C)], srcb)
        pltpu.sync_copy(dst_hbm.at[pl.ds(base, C)], dstb)
        if edge_split:
            cp1 = pltpu.async_copy(fs_tab.at[srcb], fsb, sem)
            cp2 = pltpu.async_copy(fd_tab.at[dstb], fdb, sem2)
        else:
            off = c * N
            def mkidx(j, _):
                sl = pl.ds(16 * j, 16)
                fsidxb[sl] = srcb[sl] + off
                fdidxb[sl] = dstb[sl] + off
                return 0
            lax.fori_loop(0, C // 16, mkidx, 0)
            cp1 = pltpu.async_copy(fs_tab.at[fsidxb], fsb, sem)
            cp2 = pltpu.async_copy(fd_tab.at[fdidxb], fdb, sem2)
        cp1.wait()
        cp2.wait()

        def edge(i, _):
            eacc = [jnp.zeros((16,), jnp.float32) for _ in range(NH)]
            for g in range(G):
                sl = pl.ds(16 * g, 16)
                v = fsb[i, sl] + fdb[i, sl]
                v = jnp.where(v > 0, v, NEG * v)
                eacc[g // GH] = eacc[g // GH] + v * attnb[sl]
            ev = [jnp.exp(hsum(eacc[h])) for h in range(NH)]
            for g in range(G):
                sl = pl.ds(16 * g, 16)
                msgb[i, sl] = fsb[i, sl] * ev[g // GH]
            if NH == 2:
                eev = jnp.where(lane == 0, ev[0],
                                jnp.where(lane == 1, ev[1], 0.0))
            else:
                eev = jnp.where(lane == 0, ev[0], 0.0)
            msgb[i, pl.ds(HW, 16)] = eev
            return 0
        lax.fori_loop(0, C, edge, 0)

        pltpu.sync_copy(msgb, acc.at[dstb], add=True)
        return 0
    lax.fori_loop(0, NCH, chunk, 0)

    plsc.subcore_barrier()

    def ccp(i, _):
        off = pl.multiple_of(s * SLAB + i * ZC, 8)
        pltpu.sync_copy(acc.at[pl.ds(off, ZC)], out_hbm.at[c, pl.ds(off, ZC)])
        return 0
    lax.fori_loop(0, ncop, ccp, 0)


def _make_edge_call(HW, NH, edge_split, C):
    PW = HW + 16
    mesh = plsc.VectorSubcoreMesh(core_axis_name="c", subcore_axis_name="s",
                                  num_cores=2, num_subcores=NT)
    out_type = [jax.ShapeDtypeStruct((2, N, PW), jnp.float32)]
    scratch = [pltpu.VMEM_SHARED((N, PW), jnp.float32)]
    scratch += [
        pltpu.VMEM((HW,), jnp.float32),
        pltpu.VMEM((C,), jnp.int32),
        pltpu.VMEM((C,), jnp.int32),
        pltpu.VMEM((C,), jnp.int32),
        pltpu.VMEM((C,), jnp.int32),
        pltpu.VMEM((C, HW), jnp.float32),
        pltpu.VMEM((C, HW), jnp.float32),
        pltpu.VMEM((C, PW), jnp.float32),
    ]
    scratch.append(pltpu.VMEM((ZC, PW), jnp.float32))
    scratch += [pltpu.SemaphoreType.DMA, pltpu.SemaphoreType.DMA]

    body = functools.partial(_edge_kernel_body, HW, PW, NH, edge_split, C)
    return pl.kernel(body, out_type=tuple(out_type), mesh=mesh,
                     scratch_types=tuple(scratch),
                     compiler_params=pltpu.CompilerParams(
                         use_tc_tiling_on_sc=False))


_edge_heads = _make_edge_call(128, 2, False, 80)
_edge_esplit = _make_edge_call(64, 1, True, 200)




ATT_C = 80

def _att_body(*refs):
    (fs_tab, fd_tab, dst_hbm, src_hbm, attn_hbm, den_tab,
     att_hbm,
     attnb, srcb, dstb, fsidxb, fdidxb, fsb, fdb, dnb, attb,
     sem, sem2, sem3) = refs
    c = lax.axis_index("c")
    s = lax.axis_index("s")
    EP = E // NT
    NCH = EP // ATT_C
    pltpu.sync_copy(attn_hbm.at[c], attnb)
    lane = lax.broadcasted_iota(jnp.int32, (16,), 0)

    def hsum(v):
        for sh in (8, 4, 2, 1):
            v = v + v.at[lane ^ sh].get(mode="promise_in_bounds")
        return v

    def chunk(k, _):
        base = s * EP + k * ATT_C
        pltpu.sync_copy(src_hbm.at[pl.ds(base, ATT_C)], srcb)
        pltpu.sync_copy(dst_hbm.at[pl.ds(base, ATT_C)], dstb)
        off = c * N

        def mkidx(j, _):
            sl = pl.ds(16 * j, 16)
            fsidxb[sl] = srcb[sl] + off
            fdidxb[sl] = dstb[sl] + off
            return 0
        lax.fori_loop(0, ATT_C // 16, mkidx, 0)
        pltpu.async_copy(fs_tab.at[fsidxb], fsb, sem).wait()
        pltpu.async_copy(fd_tab.at[fdidxb], fdb, sem2).wait()
        pltpu.async_copy(den_tab.at[fdidxb], dnb, sem3).wait()

        def edge(i, _):
            eacc = [jnp.zeros((16,), jnp.float32) for _ in range(2)]
            for g in range(8):
                sl = pl.ds(16 * g, 16)
                v = fsb[i, sl] + fdb[i, sl]
                v = jnp.where(v > 0, v, NEG * v)
                eacc[g // 4] = eacc[g // 4] + v * attnb[sl]
            ev = [jnp.exp(hsum(eacc[h])) for h in range(2)]
            dv = dnb[i, pl.ds(128, 16)]
            eev = jnp.where(lane == 0, ev[0],
                            jnp.where(lane == 1, ev[1], 0.0))
            attb[i, :] = eev / (dv + 1e-9)
            return 0
        lax.fori_loop(0, ATT_C, edge, 0)
        pltpu.sync_copy(attb, att_hbm.at[c, pl.ds(base, ATT_C)])
        return 0
    lax.fori_loop(0, NCH, chunk, 0)


_att_call = pl.kernel(
    _att_body,
    out_type=(jax.ShapeDtypeStruct((2, E, 16), jnp.float32),),
    mesh=plsc.VectorSubcoreMesh(core_axis_name="c", subcore_axis_name="s",
                                num_cores=2, num_subcores=NT),
    compiler_params=pltpu.CompilerParams(use_tc_tiling_on_sc=False),
    scratch_types=(pltpu.VMEM((128,), jnp.float32),
                   pltpu.VMEM((ATT_C,), jnp.int32),
                   pltpu.VMEM((ATT_C,), jnp.int32),
                   pltpu.VMEM((ATT_C,), jnp.int32),
                   pltpu.VMEM((ATT_C,), jnp.int32),
                   pltpu.VMEM((ATT_C, 128), jnp.float32),
                   pltpu.VMEM((ATT_C, 128), jnp.float32),
                   pltpu.VMEM((ATT_C, 144), jnp.float32),
                   pltpu.VMEM((ATT_C, 16), jnp.float32),
                   pltpu.SemaphoreType.DMA,
                   pltpu.SemaphoreType.DMA,
                   pltpu.SemaphoreType.DMA))



BM = 1000


def _mm2_tab(x, wa, wb):
    M, K = x.shape
    nb = M // BM

    def body(xr, war, wbr, oa, ob):
        oa[...] = jnp.dot(xr[...], war[...], preferred_element_type=jnp.float32)
        ob[...] = jnp.dot(xr[...], wbr[...], preferred_element_type=jnp.float32)

    return pl.pallas_call(
        body,
        grid=(2, nb),
        in_specs=[
            pl.BlockSpec((BM, K), lambda c, i: (i, 0)),
            pl.BlockSpec((K, 128), lambda c, i: (0, c)),
            pl.BlockSpec((K, 128), lambda c, i: (0, c)),
        ],
        out_specs=[
            pl.BlockSpec((BM, 128), lambda c, i: (c * nb + i, 0)),
            pl.BlockSpec((BM, 128), lambda c, i: (c * nb + i, 0)),
        ],
        out_shape=[
            jax.ShapeDtypeStruct((2 * M, 128), jnp.float32),
            jax.ShapeDtypeStruct((2 * M, 128), jnp.float32),
        ],
    )(x, wa, wb)


def _act_mm2_tab(accm, denb, bias, wa, wb):
    M, K = accm.shape
    nb = M // BM

    def body(ar, dr, br, war, wbr, oa, ob):
        h = _elu(_elu(ar[...] / dr[...] + br[...]))
        oa[...] = jnp.dot(h, war[...], preferred_element_type=jnp.float32)
        ob[...] = jnp.dot(h, wbr[...], preferred_element_type=jnp.float32)

    return pl.pallas_call(
        body,
        grid=(2, nb),
        in_specs=[
            pl.BlockSpec((BM, K), lambda c, i: (i, 0)),
            pl.BlockSpec((BM, K), lambda c, i: (i, 0)),
            pl.BlockSpec((1, K), lambda c, i: (0, 0)),
            pl.BlockSpec((K, 128), lambda c, i: (0, c)),
            pl.BlockSpec((K, 128), lambda c, i: (0, c)),
        ],
        out_specs=[
            pl.BlockSpec((BM, 128), lambda c, i: (c * nb + i, 0)),
            pl.BlockSpec((BM, 128), lambda c, i: (c * nb + i, 0)),
        ],
        out_shape=[
            jax.ShapeDtypeStruct((2 * M, 128), jnp.float32),
            jax.ShapeDtypeStruct((2 * M, 128), jnp.float32),
        ],
    )(accm, denb, bias.reshape(1, K), wa, wb)


def _elu(v):
    return jnp.where(v > 0, v, jnp.exp(jnp.minimum(v, 0.0)) - 1.0)


def _act_mm2(accm, denb, bias, wa, wb, want_gr):
    M, K = accm.shape
    Ca = wa.shape[1]
    Cb = wb.shape[1]
    nblk = M // BM

    def body(ar, dr, br, war, wbr, oa, ob, *gr):
        h = _elu(_elu(ar[...] / dr[...] + br[...]))
        oa[...] = jnp.dot(h, war[...], preferred_element_type=jnp.float32)
        ob[...] = jnp.dot(h, wbr[...], preferred_element_type=jnp.float32)
        if want_gr:
            i = pl.program_id(0)
            @pl.when(i == 0)
            def _():
                gr[0][...] = jnp.zeros_like(gr[0])
            gr[0][...] += jnp.sum(h, axis=0, keepdims=True) * (1.0 / M)

    in_specs = [
        pl.BlockSpec((BM, K), lambda i: (i, 0)),
        pl.BlockSpec((BM, K), lambda i: (i, 0)),
        pl.BlockSpec((1, K), lambda i: (0, 0)),
        pl.BlockSpec((K, Ca), lambda i: (0, 0)),
        pl.BlockSpec((K, Cb), lambda i: (0, 0)),
    ]
    out_specs = [
        pl.BlockSpec((BM, Ca), lambda i: (i, 0)),
        pl.BlockSpec((BM, Cb), lambda i: (i, 0)),
    ]
    out_shape = [
        jax.ShapeDtypeStruct((M, Ca), jnp.float32),
        jax.ShapeDtypeStruct((M, Cb), jnp.float32),
    ]
    if want_gr:
        out_specs.append(pl.BlockSpec((1, K), lambda i: (0, 0)))
        out_shape.append(jax.ShapeDtypeStruct((1, K), jnp.float32))
    return pl.pallas_call(
        body, grid=(nblk,), in_specs=in_specs, out_specs=out_specs,
        out_shape=out_shape,
    )(accm, denb, bias.reshape(1, K), wa, wb)


def _logits(a0, a1, bias):
    PW = a0.shape[1]

    def body(r0, r1, br, o):
        sacc = r0[...] + r1[...]
        msg = sacc[:, :64]
        den = sacc[:, 64:65]
        o[...] = _elu(msg / (den + 1e-9) + br[...])

    return pl.pallas_call(
        body,
        grid=(N // BM,),
        in_specs=[
            pl.BlockSpec((BM, PW), lambda i: (i, 0)),
            pl.BlockSpec((BM, PW), lambda i: (i, 0)),
            pl.BlockSpec((1, 64), lambda i: (0, 0)),
        ],
        out_specs=pl.BlockSpec((BM, 64), lambda i: (i, 0)),
        out_shape=jax.ShapeDtypeStruct((N, 64), jnp.float32),
    )(a0, a1, bias.reshape(1, 64))



def _split_acc(out):
    t = out.transpose(1, 0, 2)
    accm = t[:, :, :128].reshape(N, 256)
    den = t[:, :, 128:130].reshape(N, 4)
    denb = jnp.repeat(den, 64, axis=1) + 1e-9
    return accm, denb


def kernel(x, edge_index, W_src1, W_dst1, attn1, b1,
           W_src2, W_dst2, attn2, b2, W_src3, W_dst3, attn3, b3):
    src = edge_index[0]
    dst = edge_index[1]

    fs1t, fd1t = _mm2_tab(x, W_src1, W_dst1)
    (out1,) = _edge_heads(fs1t, fd1t, src, dst, attn1.reshape(2, 128))
    accm1, den1 = _split_acc(out1)

    fs2t, fd2t = _act_mm2_tab(accm1, den1, b1, W_src2, W_dst2)
    (out2,) = _edge_heads(fs2t, fd2t, src, dst, attn2.reshape(2, 128))
    (att2,) = _att_call(fs2t, fd2t, dst, src, attn2.reshape(2, 128),
                        out2.reshape(2 * N, 144))
    accm2, den2 = _split_acc(out2)

    fs3, fd3, gr = _act_mm2(accm2, den2, b2, W_src3, W_dst3, True)
    fs3, fd3, att2 = lax.optimization_barrier((fs3, fd3, att2))
    (out3,) = _edge_esplit(fs3, fd3, src, dst, attn3)

    logits = _logits(out3[0], out3[1], b3)
    graph_representation = gr.reshape(256)
    att = att2.transpose(1, 0, 2)[:, :, :2].reshape(E, 4)
    return (logits, graph_representation, att[:, :, None])

# --- scband reference (transcript-rebuilt; emitter-appended) ---
"""Pipeline reference for scband-gatv2-node-classifier-14654428414672 (READ-ONLY COPY).

The authoritative reference and input builder live on the scoring server;
editing this copy changes nothing except your own understanding.
"""

import jax, jax.numpy as jnp
import numpy as np

N = 10000
E = 160000
F_IN = 128
HID = 64
HEADS = 4
NCLS = 64
NEG_SLOPE = 0.2


def setup_inputs(seed: int = 0) -> dict:
    key = jax.random.key(seed)
    ks = jax.random.split(key, 16)
    s = 0.1
    inp = {}
    inp['x'] = jax.random.normal(ks[0], (N, F_IN), dtype=jnp.float32)
    inp['edge_index'] = jax.random.randint(ks[1], (2, E), 0, N, dtype=jnp.int32)
    # layer 1: F_IN -> HEADS*HID
    inp['W_src1'] = jax.random.normal(ks[2], (F_IN, HEADS * HID), dtype=jnp.float32) * s
    inp['W_dst1'] = jax.random.normal(ks[3], (F_IN, HEADS * HID), dtype=jnp.float32) * s
    inp['attn1'] = jax.random.normal(ks[4], (HEADS, HID), dtype=jnp.float32) * s
    inp['b1'] = jnp.zeros((HEADS * HID,), dtype=jnp.float32)
    # layer 2: HEADS*HID -> HEADS*HID
    inp['W_src2'] = jax.random.normal(ks[5], (HEADS * HID, HEADS * HID), dtype=jnp.float32) * s
    inp['W_dst2'] = jax.random.normal(ks[6], (HEADS * HID, HEADS * HID), dtype=jnp.float32) * s
    inp['attn2'] = jax.random.normal(ks[7], (HEADS, HID), dtype=jnp.float32) * s
    inp['b2'] = jnp.zeros((HEADS * HID,), dtype=jnp.float32)
    # out layer: HEADS*HID -> 1*NCLS
    inp['W_src3'] = jax.random.normal(ks[8], (HEADS * HID, NCLS), dtype=jnp.float32) * s
    inp['W_dst3'] = jax.random.normal(ks[9], (HEADS * HID, NCLS), dtype=jnp.float32) * s
    inp['attn3'] = jax.random.normal(ks[10], (1, NCLS), dtype=jnp.float32) * s
    inp['b3'] = jnp.zeros((NCLS,), dtype=jnp.float32)
    return inp


def gatv2_conv(x, src, dst, W_src, W_dst, attn, bias, heads, out_dim):
    # DGL GATv2Conv (share_weights=False, residual=False, bias=True, activation=elu)
    feat_src = (x @ W_src).reshape(N, heads, out_dim)
    feat_dst = (x @ W_dst).reshape(N, heads, out_dim)
    # gather endpoints per edge
    e_feat = feat_src[src] + feat_dst[dst]                      # [E, H, D]
    e_feat = jax.nn.leaky_relu(e_feat, NEG_SLOPE)
    e = jnp.sum(e_feat * attn[None, :, :], axis=-1)             # [E, H]
    # edge softmax over incoming edges of each dst node
    e_max = jax.ops.segment_max(e, dst, num_segments=N)         # [N, H]
    e_exp = jnp.exp(e - e_max[dst])
    denom = jax.ops.segment_sum(e_exp, dst, num_segments=N)     # [N, H]
    alpha = e_exp / (denom[dst] + 1e-9)                         # [E, H]
    msg = feat_src[src] * alpha[:, :, None]                     # [E, H, D]
    out = jax.ops.segment_sum(msg, dst, num_segments=N)         # [N, H, D]
    out = out + bias.reshape(1, heads, out_dim)
    out = jax.nn.elu(out)                                       # conv-internal activation
    return out, alpha


def reference(x, edge_index, W_src1, W_dst1, attn1, b1, W_src2, W_dst2, attn2, b2, W_src3, W_dst3, attn3, b3):
    src = edge_index[0]
    dst = edge_index[1]
    # hidden layer 1
    h, _ = gatv2_conv(x, src, dst, W_src1, W_dst1, attn1, b1, HEADS, HID)
    h = jax.nn.elu(h)                      # outer F.elu in forward
    h = h.reshape(N, HEADS * HID)          # flatten(1); dropout is identity in eval
    # hidden layer 2 (last hidden layer -> att returned)
    h, att = gatv2_conv(h, src, dst, W_src2, W_dst2, attn2, b2, HEADS, HID)
    h = jax.nn.elu(h)
    h = h.reshape(N, HEADS * HID)
    graph_representation = h.mean(axis=0)  # [HEADS*HID]
    # output layer, 1 head
    out, _ = gatv2_conv(h, src, dst, W_src3, W_dst3, attn3, b3, 1, NCLS)
    logits = out.reshape(N, NCLS)
    return (logits, graph_representation, att[:, :, None])

if __name__ == "__main__":
    import jax
    _d = setup_inputs()
    print(jax.jit(kernel)(*tuple(_d.values())))

</pallas_src>

<mosaic_0001>
#map = affine_map<(d0, d1) -> (0, 0)>
#map1 = affine_map<(d0, d1) -> (0)>
#map2 = affine_map<(d0, d1) -> (0, 0, 0)>
module attributes {stable_mosaic.version = 14 : i64} {
  func.func @_edge_kernel_body(%arg0: i32, %arg1: i32, %arg2: memref<20000x128xf32, #tpu.memory_space<hbm>>, %arg3: memref<20000x128xf32, #tpu.memory_space<hbm>>, %arg4: memref<160000xi32, #tpu.memory_space<hbm>>, %arg5: memref<160000xi32, #tpu.memory_space<hbm>>, %arg6: memref<2x128xf32, #tpu.memory_space<hbm>>, %arg7: memref<2x10000x144xf32, #tpu.memory_space<hbm>>, %arg8: memref<10000x144xf32, #tpu.memory_space<vmem_shared>>, %arg9: memref<128xf32, #tpu.memory_space<vmem>>, %arg10: memref<80xi32, #tpu.memory_space<vmem>>, %arg11: memref<80xi32, #tpu.memory_space<vmem>>, %arg12: memref<80xi32, #tpu.memory_space<vmem>>, %arg13: memref<80xi32, #tpu.memory_space<vmem>>, %arg14: memref<80x128xf32, #tpu.memory_space<vmem>>, %arg15: memref<80x128xf32, #tpu.memory_space<vmem>>, %arg16: memref<80x144xf32, #tpu.memory_space<vmem>>, %arg17: memref<8x144xf32, #tpu.memory_space<vmem>>, %arg18: memref<!tpu.dma_semaphore, #tpu.memory_space<semaphore_mem>>, %arg19: memref<!tpu.dma_semaphore, #tpu.memory_space<semaphore_mem>>) attributes {dimension_semantics = [#tpu.dimension_semantics<core_parallel>, #tpu.dimension_semantics<subcore_parallel>], iteration_bounds = array<i64: 2, 16>, scalar_prefetch = 0 : i64, scratch_operands = 12 : i64, tpu.core_type = #tpu.core_type<sc_vector_subcore>, window_params = [{transform_indices = #map}, {transform_indices = #map}, {transform_indices = #map1}, {transform_indices = #map1}, {transform_indices = #map}, {transform_indices = #map2}]} {
    %scan3A = arith.constant 0 : i32
    %scan3A_0 = arith.constant 0 : i32
    %scan3A_1 = arith.constant 8 : i32
    %scan3A_2 = arith.addi %scan3A_0, %scan3A_1 : i32
    %scan3A_3 = arith.constant 1 : i32
    %scan3A_4 = scf.for %scan3A_41 = %scan3A_0 to %scan3A_2 step %scan3A_3 iter_args(%scan3A_42 = %scan3A) -> (i32)  : i32 {
      %broadcast_in_dim3A = arith.constant 0.000000e+00 : f32
      %broadcast_in_dim3A_43 = vector.broadcast %broadcast_in_dim3A : f32 to vector<16xf32>
      %swap3A = arith.index_cast %scan3A_41 : i32 to index
      %swap3A_44 = arith.constant 0 : index
      %swap3A_45 = tpu.vector_load %arg17[%swap3A, %swap3A_44] {strides = array<i32>} : memref<8x144xf32, #tpu.memory_space<vmem>>, vector<1x16xf32>,
      %swap3A_46 = vector.shape_cast %swap3A_45 : vector<1x16xf32> to vector<16xf32>
      %swap3A_47 = vector.shape_cast %broadcast_in_dim3A_43 : vector<16xf32> to vector<1x16xf32>
      tpu.vector_store %arg17[%swap3A, %swap3A_44], %swap3A_47 {strides = array<i32>} : memref<8x144xf32, #tpu.memory_space<vmem>>, vector<1x16xf32>,
      %broadcast_in_dim3A_48 = arith.constant 0.000000e+00 : f32
      %broadcast_in_dim3A_49 = vector.broadcast %broadcast_in_dim3A_48 : f32 to vector<16xf32>
      %swap3A_50 = arith.index_cast %scan3A_41 : i32 to index
      %swap3A_51 = arith.constant 16 : index
      %swap3A_52 = tpu.vector_load %arg17[%swap3A_50, %swap3A_51] {strides = array<i32>} : memref<8x144xf32, #tpu.memory_space<vmem>>, vector<1x16xf32>,
      %swap3A_53 = vector.shape_cast %swap3A_52 : vector<1x16xf32> to vector<16xf32>
      %swap3A_54 = vector.shape_cast %broadcast_in_dim3A_49 : vector<16xf32> to vector<1x16xf32>
      tpu.vector_store %arg17[%swap3A_50, %swap3A_51], %swap3A_54 {strides = array<i32>} : memref<8x144xf32, #tpu.memory_space<vmem>>, vector<1x16xf32>,
      %broadcast_in_dim3A_55 = arith.constant 0.000000e+00 : f32
      %broadcast_in_dim3A_56 = vector.broadcast %broadcast_in_dim3A_55 : f32 to vector<16xf32>
      %swap3A_57 = arith.index_cast %scan3A_41 : i32 to index
      %swap3A_58 = arith.constant 32 : index
      %swap3A_59 = tpu.vector_load %arg17[%swap3A_57, %swap3A_58] {strides = array<i32>} : memref<8x144xf32, #tpu.memory_space<vmem>>, vector<1x16xf32>,
      %swap3A_60 = vector.shape_cast %swap3A_59 : vector<1x16xf32> to vector<16xf32>
      %swap3A_61 = vector.shape_cast %broadcast_in_dim3A_56 : vector<16xf32> to vector<1x16xf32>
      tpu.vector_store %arg17[%swap3A_57, %swap3A_58], %swap3A_61 {strides = array<i32>} : memref<8x144xf32, #tpu.memory_space<vmem>>, vector<1x16xf32>,
      %broadcast_in_dim3A_62 = arith.constant 0.000000e+00 : f32
      %broadcast_in_dim3A_63 = vector.broadcast %broadcast_in_dim3A_62 : f32 to vector<16xf32>
      %swap3A_64 = arith.index_cast %scan3A_41 : i32 to index
      %swap3A_65 = arith.constant 48 : index
      %swap3A_66 = tpu.vector_load %arg17[%swap3A_64, %swap3A_65] {strides = array<i32>} : memref<8x144xf32, #tpu.memory_space<vmem>>, vector<1x16xf32>,
      %swap3A_67 = vector.shape_cast %swap3A_66 : vector<1x16xf32> to vector<16xf32>
      %swap3A_68 = vector.shape_cast %broadcast_in_dim3A_63 : vector<16xf32> to vector<1x16xf32>
      tpu.vector_store %arg17[%swap3A_64, %swap3A_65], %swap3A_68 {strides = array<i32>} : memref<8x144xf32, #tpu.memory_space<vmem>>, vector<1x16xf32>,
      %broadcast_in_dim3A_69 = arith.constant 0.000000e+00 : f32
      %broadcast_in_dim3A_70 = vector.broadcast %broadcast_in_dim3A_69 : f32 to vector<16xf32>
      %swap3A_71 = arith.index_cast %scan3A_41 : i32 to index
      %swap3A_72 = arith.constant 64 : index
      %swap3A_73 = tpu.vector_load %arg17[%swap3A_71, %swap3A_72] {strides = array<i32>} : memref<8x144xf32, #tpu.memory_space<vmem>>, vector<1x16xf32>,
      %swap3A_74 = vector.shape_cast %swap3A_73 : vector<1x16xf32> to vector<16xf32>
      %swap3A_75 = vector.shape_cast %broadcast_in_dim3A_70 : vector<16xf32> to vector<1x16xf32>
      tpu.vector_store %arg17[%swap3A_71, %swap3A_72], %swap3A_75 {strides = array<i32>} : memref<8x144xf32, #tpu.memory_space<vmem>>, vector<1x16xf32>,
      %broadcast_in_dim3A_76 = arith.constant 0.000000e+00 : f32
      %broadcast_in_dim3A_77 = vector.broadcast %broadcast_in_dim3A_76 : f32 to vector<16xf32>
      %swap3A_78 = arith.index_cast %scan3A_41 : i32 to index
      %swap3A_79 = arith.constant 80 : index
      %swap3A_80 = tpu.vector_load %arg17[%swap3A_78, %swap3A_79] {strides = array<i32>} : memref<8x144xf32, #tpu.memory_space<vmem>>, vector<1x16xf32>,
      %swap3A_81 = vector.shape_cast %swap3A_80 : vector<1x16xf32> to vector<16xf32>
      %swap3A_82 = vector.shape_cast %broadcast_in_dim3A_77 : vector<16xf32> to vector<1x16xf32>
      tpu.vector_store %arg17[%swap3A_78, %swap3A_79], %swap3A_82 {strides = array<i32>} : memref<8x144xf32, #tpu.memory_space<vmem>>, vector<1x16xf32>,
      %broadcast_in_dim3A_83 = arith.constant 0.000000e+00 : f32
      %broadcast_in_dim3A_84 = vector.broadcast %broadcast_in_dim3A_83 : f32 to vector<16xf32>
      %swap3A_85 = arith.index_cast %scan3A_41 : i32 to index
      %swap3A_86 = arith.constant 96 : index
      %swap3A_87 = tpu.vector_load %arg17[%swap3A_85, %swap3A_86] {strides = array<i32>} : memref<8x144xf32, #tpu.memory_space<vmem>>, vector<1x16xf32>,
      %swap3A_88 = vector.shape_cast %swap3A_87 : vector<1x16xf32> to vector<16xf32>
      %swap3A_89 = vector.shape_cast %broadcast_in_dim3A_84 : vector<16xf32> to vector<1x16xf32>
      tpu.vector_store %arg17[%swap3A_85, %swap3A_86], %swap3A_89 {strides = array<i32>} : memref<8x144xf32, #tpu.memory_space<vmem>>, vector<1x16xf32>,
      %broadcast_in_dim3A_90 = arith.constant 0.000000e+00 : f32
      %broadcast_in_dim3A_91 = vector.broadcast %broadcast_in_dim3A_90 : f32 to vector<16xf32>
      %swap3A_92 = arith.index_cast %scan3A_41 : i32 to index
      %swap3A_93 = arith.constant 112 : index
      %swap3A_94 = tpu.vector_load %arg17[%swap3A_92, %swap3A_93] {strides = array<i32>} : memref<8x144xf32, #tpu.memory_space<vmem>>, vector<1x16xf32>,
      %swap3A_95 = vector.shape_cast %swap3A_94 : vector<1x16xf32> to vector<16xf32>
      %swap3A_96 = vector.shape_cast %broadcast_in_dim3A_91 : vector<16xf32> to vector<1x16xf32>
      tpu.vector_store %arg17[%swap3A_92, %swap3A_93], %swap3A_96 {strides = array<i32>} : memref<8x144xf32, #tpu.memory_space<vmem>>, vector<1x16xf32>,
      %broadcast_in_dim3A_97 = arith.constant 0.000000e+00 : f32
      %broadcast_in_dim3A_98 = vector.broadcast %broadcast_in_dim3A_97 : f32 to vector<16xf32>
      %swap3A_99 = arith.index_cast %scan3A_41 : i32 to index
      %swap3A_100 = arith.constant 128 : index
      %swap3A_101 = tpu.vector_load %arg17[%swap3A_99, %swap3A_100] {strides = array<i32>} : memref<8x144xf32, #tpu.memory_space<vmem>>, vector<1x16xf32>,
      %swap3A_102 = vector.shape_cast %swap3A_101 : vector<1x16xf32> to vector<16xf32>
      %swap3A_103 = vector.shape_cast %broadcast_in_dim3A_98 : vector<16xf32> to vector<1x16xf32>
      tpu.vector_store %arg17[%swap3A_99, %swap3A_100], %swap3A_103 {strides = array<i32>} : memref<8x144xf32, #tpu.memory_space<vmem>>, vector<1x16xf32>,
      %scan3A_104 = arith.constant 0 : i32
      scf.yield %scan3A_104 : i32
    }
    %scan3A_5 = arith.constant 8 : i32
    %lt3A = arith.constant 15 : i32
    %lt3A_6 = arith.cmpi slt, %arg1, %lt3A : i32
    %jit3A = arith.constant 79 : i32
    %jit3A_7 = arith.constant 65 : i32
    %select_n3A = arith.select %lt3A_6, %jit3A, %jit3A_7 : i32
    %while3A = arith.constant 0 : i32
    %while3A_8 = arith.constant 0 : i32
    %while3A_9 = arith.subi %select_n3A, %while3A : i32
    %while3A_10 = arith.addi %while3A, %while3A_9 : i32
    %while3A_11 = arith.constant 1 : i32
    %while3A_12 = arith.divsi %while3A_9, %while3A_11 : i32
    %while3A_13 = arith.muli %while3A_12, %while3A_11 : i32
    %while3A_14 = arith.addi %while3A, %while3A_13 : i32
    %while3A_15 = arith.constant 1 : i32
    %while3A_16 = scf.for %while3A_41 = %while3A to %while3A_14 step %while3A_15 iter_args(%while3A_42 = %while3A_8) -> (i32)  : i32 {
      %mul3A_43 = arith.constant 632 : i32
      %mul3A_44 = arith.muli %arg1, %mul3A_43 : i32
      %mul3A_45 = arith.constant 8 : i32
      %mul3A_46 = arith.muli %while3A_41, %mul3A_45 : i32
      %add3A_47 = arith.addi %mul3A_44, %mul3A_46 : i32
      %multiple_of3A = tpu.assume_multiple %add3A_47, 8 : i32
      "tpu.region"() ({
        %run_scoped3A = tpu.sem_alloc : memref<!tpu.dma_semaphore, #tpu.memory_space<semaphore_mem>>
        %dma_start3A = arith.constant 0 : i32
        %dma_start3A_49 = tpu.memref_slice %arg8[%multiple_of3A, %dma_start3A] : memref<10000x144xf32, #tpu.memory_space<vmem_shared>> -> memref<8x144xf32, #tpu.memory_space<vmem_shared>>
        %dma_start3A_50 = arith.constant 0 : i32
        %dma_start3A_51 = tpu.memref_slice %arg8[%multiple_of3A, %dma_start3A_50] : memref<10000x144xf32, #tpu.memory_space<vmem_shared>> -> memref<8x144xf32, #tpu.memory_space<vmem_shared>>
        tpu.enqueue_dma source(%arg17 : memref<8x144xf32, #tpu.memory_space<vmem>>) target(%dma_start3A_51 : memref<8x144xf32, #tpu.memory_space<vmem_shared>>) target_semaphore(%run_scoped3A : memref<!tpu.dma_semaphore, #tpu.memory_space<semaphore_mem>>)
        %dma_wait3A = arith.constant 0 : i32
        %dma_wait3A_52 = tpu.memref_slice %arg8[%multiple_of3A, %dma_wait3A] : memref<10000x144xf32, #tpu.memory_space<vmem_shared>> -> memref<8x144xf32, #tpu.memory_space<vmem_shared>>
        %dma_wait3A_53 = arith.constant 0 : i32
        %dma_wait3A_54 = tpu.memref_slice %arg8[%multiple_of3A, %dma_wait3A_53] : memref<10000x144xf32, #tpu.memory_space<vmem_shared>> -> memref<8x144xf32, #tpu.memory_space<vmem_shared>>
        tpu.wait_dma2 semaphore(%run_scoped3A : memref<!tpu.dma_semaphore, #tpu.memory_space<semaphore_mem>>) src(%arg17 : memref<8x144xf32, #tpu.memory_space<vmem>>) dst(%dma_wait3A_54 : memref<8x144xf32, #tpu.memory_space<vmem_shared>>)
        tpu.yield
      }) : () -> ()
      %while3A_48 = arith.constant 0 : i32
      scf.yield %while3A_48 : i32
    }
    %while3A_17 = arith.constant 1 : i32
    %while3A_18 = scf.for %while3A_41 = %while3A_14 to %while3A_10 step %while3A_17 iter_args(%while3A_42 = %while3A_16) -> (i32)  : i32 {
      %mul3A_43 = arith.constant 632 : i32
      %mul3A_44 = arith.muli %arg1, %mul3A_43 : i32
      %mul3A_45 = arith.constant 8 : i32
      %mul3A_46 = arith.muli %while3A_41, %mul3A_45 : i32
      %add3A_47 = arith.addi %mul3A_44, %mul3A_46 : i32
      %multiple_of3A = tpu.assume_multiple %add3A_47, 8 : i32
      "tpu.region"() ({
        %run_scoped3A = tpu.sem_alloc : memref<!tpu.dma_semaphore, #tpu.memory_space<semaphore_mem>>
        %dma_start3A = arith.constant 0 : i32
        %dma_start3A_49 = tpu.memref_slice %arg8[%multiple_of3A, %dma_start3A] : memref<10000x144xf32, #tpu.memory_space<vmem_shared>> -> memref<8x144xf32, #tpu.memory_space<vmem_shared>>
        %dma_start3A_50 = arith.constant 0 : i32
        %dma_start3A_51 = tpu.memref_slice %arg8[%multiple_of3A, %dma_start3A_50] : memref<10000x144xf32, #tpu.memory_space<vmem_shared>> -> memref<8x144xf32, #tpu.memory_space<vmem_shared>>
        tpu.enqueue_dma source(%arg17 : memref<8x144xf32, #tpu.memory_space<vmem>>) target(%dma_start3A_51 : memref<8x144xf32, #tpu.memory_space<vmem_shared>>) target_semaphore(%run_scoped3A : memref<!tpu.dma_semaphore, #tpu.memory_space<semaphore_mem>>)
        %dma_wait3A = arith.constant 0 : i32
        %dma_wait3A_52 = tpu.memref_slice %arg8[%multiple_of3A, %dma_wait3A] : memref<10000x144xf32, #tpu.memory_space<vmem_shared>> -> memref<8x144xf32, #tpu.memory_space<vmem_shared>>
        %dma_wait3A_53 = arith.constant 0 : i32
        %dma_wait3A_54 = tpu.memref_slice %arg8[%multiple_of3A, %dma_wait3A_53] : memref<10000x144xf32, #tpu.memory_space<vmem_shared>> -> memref<8x144xf32, #tpu.memory_space<vmem_shared>>
        tpu.wait_dma2 semaphore(%run_scoped3A : memref<!tpu.dma_semaphore, #tpu.memory_space<semaphore_mem>>) src(%arg17 : memref<8x144xf32, #tpu.memory_space<vmem>>) dst(%dma_wait3A_54 : memref<8x144xf32, #tpu.memory_space<vmem_shared>>)
        tpu.yield
      }) : () -> ()
      %while3A_48 = arith.constant 0 : i32
      scf.yield %while3A_48 : i32
    }
    "tpu.region"() ({
      %run_scoped3A = tpu.sem_alloc : memref<!tpu.dma_semaphore, #tpu.memory_space<semaphore_mem>>
      %dma_start3A = arith.constant 0 : i32
      %dma_start3A_41 = tpu.memref_slice %arg6[%arg0, %dma_start3A] : memref<2x128xf32, #tpu.memory_space<hbm>> -> memref<1x128xf32, #tpu.memory_space<hbm>>
      %dma_start3A_42 = tpu.memref_squeeze %dma_start3A_41 : memref<1x128xf32, #tpu.memory_space<hbm>> -> memref<128xf32, #tpu.memory_space<hbm>>
      %dma_start3A_43 = arith.constant 0 : i32
      %dma_start3A_44 = tpu.memref_slice %arg6[%arg0, %dma_start3A_43] : memref<2x128xf32, #tpu.memory_space<hbm>> -> memref<1x128xf32, #tpu.memory_space<hbm>>
      %dma_start3A_45 = tpu.memref_squeeze %dma_start3A_44 : memref<1x128xf32, #tpu.memory_space<hbm>> -> memref<128xf32, #tpu.memory_space<hbm>>
      tpu.enqueue_dma source(%dma_start3A_45 : memref<128xf32, #tpu.memory_space<hbm>>) target(%arg9 : memref<128xf32, #tpu.memory_space<vmem>>) target_semaphore(%run_scoped3A : memref<!tpu.dma_semaphore, #tpu.memory_space<semaphore_mem>>)
      %dma_wait3A = arith.constant 0 : i32
      %dma_wait3A_46 = tpu.memref_slice %arg6[%arg0, %dma_wait3A] : memref<2x128xf32, #tpu.memory_space<hbm>> -> memref<1x128xf32, #tpu.memory_space<hbm>>
      %dma_wait3A_47 = tpu.memref_squeeze %dma_wait3A_46 : memref<1x128xf32, #tpu.memory_space<hbm>> -> memref<128xf32, #tpu.memory_space<hbm>>
      %dma_wait3A_48 = arith.constant 0 : i32
      %dma_wait3A_49 = tpu.memref_slice %arg6[%arg0, %dma_wait3A_48] : memref<2x128xf32, #tpu.memory_space<hbm>> -> memref<1x128xf32, #tpu.memory_space<hbm>>
      %dma_wait3A_50 = tpu.memref_squeeze %dma_wait3A_49 : memref<1x128xf32, #tpu.memory_space<hbm>> -> memref<128xf32, #tpu.memory_space<hbm>>
      tpu.wait_dma2 semaphore(%run_scoped3A : memref<!tpu.dma_semaphore, #tpu.memory_space<semaphore_mem>>) src(%dma_wait3A_50 : memref<128xf32, #tpu.memory_space<hbm>>) dst(%arg9 : memref<128xf32, #tpu.memory_space<vmem>>)
      tpu.yield
    }) : () -> ()
    %barrier3A = arith.constant 0 : index
    tpu.barrier barrier_id(%barrier3A)
    %mul3A = arith.constant 10000 : i32
    %mul3A_19 = arith.muli %arg1, %mul3A : i32
    %add3A = arith.constant 0 : i32
    %add3A_20 = arith.addi %mul3A_19, %add3A : i32
    %iota3A = tpu.iota {dimensions = array<i32: 0>} : vector<16xi32>
    %scan3A_21 = arith.constant 0 : i32
    %scan3A_22 = arith.constant 0 : i32
    %scan3A_23 = arith.constant 125 : i32
    %scan3A_24 = arith.addi %scan3A_22, %scan3A_23 : i32
    %scan3A_25 = arith.constant 1 : i32
    %scan3A_26 = scf.for %scan3A_41 = %scan3A_22 to %scan3A_24 step %scan3A_25 iter_args(%scan3A_42 = %scan3A_21) -> (i32)  : i32 {
      %mul3A_43 = arith.constant 80 : i32
      %mul3A_44 = arith.muli %scan3A_41, %mul3A_43 : i32
      %add3A_45 = arith.addi %add3A_20, %mul3A_44 : i32
      "tpu.region"() ({
        %run_scoped3A = tpu.sem_alloc : memref<!tpu.dma_semaphore, #tpu.memory_space<semaphore_mem>>
        %dma_start3A_73 = tpu.memref_slice %arg4[%add3A_45] : memref<160000xi32, #tpu.memory_space<hbm>> -> memref<80xi32, #tpu.memory_space<hbm>>
        %dma_start3A_74 = tpu.memref_slice %arg4[%add3A_45] : memref<160000xi32, #tpu.memory_space<hbm>> -> memref<80xi32, #tpu.memory_space<hbm>>
        tpu.enqueue_dma source(%dma_start3A_74 : memref<80xi32, #tpu.memory_space<hbm>>) target(%arg10 : memref<80xi32, #tpu.memory_space<vmem>>) target_semaphore(%run_scoped3A : memref<!tpu.dma_semaphore, #tpu.memory_space<semaphore_mem>>)
        %dma_wait3A_75 = tpu.memref_slice %arg4[%add3A_45] : memref<160000xi32, #tpu.memory_space<hbm>> -> memref<80xi32, #tpu.memory_space<hbm>>
        %dma_wait3A_76 = tpu.memref_slice %arg4[%add3A_45] : memref<160000xi32, #tpu.memory_space<hbm>> -> memref<80xi32, #tpu.memory_space<hbm>>
        tpu.wait_dma2 semaphore(%run_scoped3A : memref<!tpu.dma_semaphore, #tpu.memory_space<semaphore_mem>>) src(%dma_wait3A_76 : memref<80xi32, #tpu.memory_space<hbm>>) dst(%arg10 : memref<80xi32, #tpu.memory_space<vmem>>)
        tpu.yield
      }) : () -> ()
      "tpu.region"() ({
        %run_scoped3A = tpu.sem_alloc : memref<!tpu.dma_semaphore, #tpu.memory_space<semaphore_mem>>
        %dma_start3A_73 = tpu.memref_slice %arg5[%add3A_45] : memref<160000xi32, #tpu.memory_space<hbm>> -> memref<80xi32, #tpu.memory_space<hbm>>
        %dma_start3A_74 = tpu.memref_slice %arg5[%add3A_45] : memref<160000xi32, #tpu.memory_space<hbm>> -> memref<80xi32, #tpu.memory_space<hbm>>
        tpu.enqueue_dma source(%dma_start3A_74 : memref<80xi32, #tpu.memory_space<hbm>>) target(%arg11 : memref<80xi32, #tpu.memory_space<vmem>>) target_semaphore(%run_scoped3A : memref<!tpu.dma_semaphore, #tpu.memory_space<semaphore_mem>>)
        %dma_wait3A_75 = tpu.memref_slice %arg5[%add3A_45] : memref<160000xi32, #tpu.memory_space<hbm>> -> memref<80xi32, #tpu.memory_space<hbm>>
        %dma_wait3A_76 = tpu.memref_slice %arg5[%add3A_45] : memref<160000xi32, #tpu.memory_space<hbm>> -> memref<80xi32, #tpu.memory_space<hbm>>
        tpu.wait_dma2 semaphore(%run_scoped3A : memref<!tpu.dma_semaphore, #tpu.memory_space<semaphore_mem>>) src(%dma_wait3A_76 : memref<80xi32, #tpu.memory_space<hbm>>) dst(%arg11 : memref<80xi32, #tpu.memory_space<vmem>>)
        tpu.yield
      }) : () -> ()
      %mul3A_46 = arith.constant 10000 : i32
      %mul3A_47 = arith.muli %arg0, %mul3A_46 : i32
      %scan3A_48 = arith.constant 0 : i32
      %scan3A_49 = arith.constant 0 : i32
      %scan3A_50 = arith.constant 5 : i32
      %scan3A_51 = arith.addi %scan3A_49, %scan3A_50 : i32
      %scan3A_52 = arith.constant 1 : i32
      %scan3A_53 = scf.for %scan3A_73 = %scan3A_49 to %scan3A_51 step %scan3A_52 iter_args(%scan3A_74 = %scan3A_48) -> (i32)  : i32 {
        %mul3A_75 = arith.constant 16 : i32
        %mul3A_76 = arith.muli %mul3A_75, %scan3A_73 : i32
        %get3A = arith.index_cast %mul3A_76 : i32 to index
        %get3A_77 = tpu.vector_load %arg10[%get3A] {strides = array<i32>} : memref<80xi32, #tpu.memory_space<vmem>>, vector<16xi32>,
        %get3A_78 = vector.shape_cast %get3A_77 : vector<16xi32> to vector<16xi32>
        %add3A_79 = vector.broadcast %mul3A_47 : i32 to vector<16xi32>
        %add3A_80 = arith.addi %get3A_78, %add3A_79 : vector<16xi32>
        %swap3A = arith.index_cast %mul3A_76 : i32 to index
        %swap3A_81 = tpu.vector_load %arg12[%swap3A] {strides = array<i32>} : memref<80xi32, #tpu.memory_space<vmem>>, vector<16xi32>,
        %swap3A_82 = vector.shape_cast %swap3A_81 : vector<16xi32> to vector<16xi32>
        %swap3A_83 = vector.shape_cast %add3A_80 : vector<16xi32> to vector<16xi32>
        tpu.vector_store %arg12[%swap3A], %swap3A_83 {strides = array<i32>} : memref<80xi32, #tpu.memory_space<vmem>>, vector<16xi32>,
        %get3A_84 = arith.index_cast %mul3A_76 : i32 to index
        %get3A_85 = tpu.vector_load %arg11[%get3A_84] {strides = array<i32>} : memref<80xi32, #tpu.memory_space<vmem>>, vector<16xi32>,
        %get3A_86 = vector.shape_cast %get3A_85 : vector<16xi32> to vector<16xi32>
        %add3A_87 = vector.broadcast %mul3A_47 : i32 to vector<16xi32>
        %add3A_88 = arith.addi %get3A_86, %add3A_87 : vector<16xi32>
        %swap3A_89 = arith.index_cast %mul3A_76 : i32 to index
        %swap3A_90 = tpu.vector_load %arg13[%swap3A_89] {strides = array<i32>} : memref<80xi32, #tpu.memory_space<vmem>>, vector<16xi32>,
        %swap3A_91 = vector.shape_cast %swap3A_90 : vector<16xi32> to vector<16xi32>
        %swap3A_92 = vector.shape_cast %add3A_88 : vector<16xi32> to vector<16xi32>
        tpu.vector_store %arg13[%swap3A_89], %swap3A_92 {strides = array<i32>} : memref<80xi32, #tpu.memory_space<vmem>>, vector<16xi32>,
        %scan3A_93 = arith.constant 0 : i32
        scf.yield %scan3A_93 : i32
      }
      %scan3A_54 = arith.constant 5 : i32
      %dma_start3A = arith.constant 0 : i32
      %dma_start3A_55 = arith.constant 0 : i32
      %dma_start3A_56 = tpu.memref_slice %arg2[%dma_start3A, %dma_start3A_55] : memref<20000x128xf32, #tpu.memory_space<hbm>> -> memref<20000x128xf32, #tpu.memory_space<hbm>>
      tpu.enqueue_indirect_dma source(%dma_start3A_56 : memref<20000x128xf32, #tpu.memory_space<hbm>>) target(%arg14 : memref<80x128xf32, #tpu.memory_space<vmem>>) offsets(%arg12 : memref<80xi32, #tpu.memory_space<vmem>>) semaphore(%arg18 : memref<!tpu.dma_semaphore, #tpu.memory_space<semaphore_mem>>)
      %dma_start3A_57 = arith.constant 0 : i32
      %dma_start3A_58 = arith.constant 0 : i32
      %dma_start3A_59 = tpu.memref_slice %arg3[%dma_start3A_57, %dma_start3A_58] : memref<20000x128xf32, #tpu.memory_space<hbm>> -> memref<20000x128xf32, #tpu.memory_space<hbm>>
      tpu.enqueue_indirect_dma source(%dma_start3A_59 : memref<20000x128xf32, #tpu.memory_space<hbm>>) target(%arg15 : memref<80x128xf32, #tpu.memory_space<vmem>>) offsets(%arg13 : memref<80xi32, #tpu.memory_space<vmem>>) semaphore(%arg19 : memref<!tpu.dma_semaphore, #tpu.memory_space<semaphore_mem>>)
      %dma_wait3A = arith.constant 0 : i32
      %dma_wait3A_60 = arith.constant 0 : i32
      %dma_wait3A_61 = tpu.memref_slice %arg2[%dma_wait3A, %dma_wait3A_60] : memref<20000x128xf32, #tpu.memory_space<hbm>> -> memref<20000x128xf32, #tpu.memory_space<hbm>>
      tpu.wait_indirect_dma semaphore(%arg18 : memref<!tpu.dma_semaphore, #tpu.memory_space<semaphore_mem>>) src(%dma_wait3A_61 : memref<20000x128xf32, #tpu.memory_space<hbm>>) dst(%arg14 : memref<80x128xf32, #tpu.memory_space<vmem>>)
      %dma_wait3A_62 = arith.constant 0 : i32
      %dma_wait3A_63 = arith.constant 0 : i32
      %dma_wait3A_64 = tpu.memref_slice %arg3[%dma_wait3A_62, %dma_wait3A_63] : memref<20000x128xf32, #tpu.memory_space<hbm>> -> memref<20000x128xf32, #tpu.memory_space<hbm>>
      tpu.wait_indirect_dma semaphore(%arg19 : memref<!tpu.dma_semaphore, #tpu.memory_space<semaphore_mem>>) src(%dma_wait3A_64 : memref<20000x128xf32, #tpu.memory_space<hbm>>) dst(%arg15 : memref<80x128xf32, #tpu.memory_space<vmem>>)
      %scan3A_65 = arith.constant 0 : i32
      %scan3A_66 = arith.constant 0 : i32
      %scan3A_67 = arith.constant 80 : i32
      %scan3A_68 = arith.addi %scan3A_66, %scan3A_67 : i32
      %scan3A_69 = arith.constant 1 : i32
      %scan3A_70 = scf.for %scan3A_73 = %scan3A_66 to %scan3A_68 step %scan3A_69 iter_args(%scan3A_74 = %scan3A_65) -> (i32)  : i32 {
        %broadcast_in_dim3A = arith.constant 0.000000e+00 : f32
        %broadcast_in_dim3A_75 = vector.broadcast %broadcast_in_dim3A : f32 to vector<16xf32>
        %broadcast_in_dim3A_76 = arith.constant 0.000000e+00 : f32
        %broadcast_in_dim3A_77 = vector.broadcast %broadcast_in_dim3A_76 : f32 to vector<16xf32>
        %get3A = arith.index_cast %scan3A_73 : i32 to index
        %get3A_78 = arith.constant 0 : index
        %get3A_79 = tpu.vector_load %arg14[%get3A, %get3A_78] {strides = array<i32>} : memref<80x128xf32, #tpu.memory_space<vmem>>, vector<1x16xf32>,
        %get3A_80 = vector.shape_cast %get3A_79 : vector<1x16xf32> to vector<16xf32>
        %get3A_81 = arith.index_cast %scan3A_73 : i32 to index
        %get3A_82 = arith.constant 0 : index
        %get3A_83 = tpu.vector_load %arg15[%get3A_81, %get3A_82] {strides = array<i32>} : memref<80x128xf32, #tpu.memory_space<vmem>>, vector<1x16xf32>,
        %get3A_84 = vector.shape_cast %get3A_83 : vector<1x16xf32> to vector<16xf32>
        %add3A_85 = arith.addf %get3A_80, %get3A_84 : vector<16xf32>
        %gt3A = arith.constant 0.000000e+00 : f32
        %gt3A_86 = vector.broadcast %gt3A : f32 to vector<16xf32>
        %gt3A_87 = arith.cmpf ogt, %add3A_85, %gt3A_86 : vector<16xf32>
        %mul3A_88 = arith.constant 2.000000e-01 : f32
        %mul3A_89 = vector.broadcast %mul3A_88 : f32 to vector<16xf32>
        %mul3A_90 = arith.mulf %mul3A_89, %add3A_85 : vector<16xf32>
        %select_n3A_91 = arith.select %gt3A_87, %add3A_85, %mul3A_90 : vector<16xi1>, vector<16xf32>
        %get3A_92 = arith.constant 0 : index
        %get3A_93 = tpu.vector_load %arg9[%get3A_92] {strides = array<i32>} : memref<128xf32, #tpu.memory_space<vmem>>, vector<16xf32>,
        %get3A_94 = vector.shape_cast %get3A_93 : vector<16xf32> to vector<16xf32>
        %mul3A_95 = arith.mulf %select_n3A_91, %get3A_94 : vector<16xf32>
        %add3A_96 = arith.addf %broadcast_in_dim3A_75, %mul3A_95 : vector<16xf32>
        %get3A_97 = arith.index_cast %scan3A_73 : i32 to index
        %get3A_98 = arith.constant 16 : index
        %get3A_99 = tpu.vector_load %arg14[%get3A_97, %get3A_98] {strides = array<i32>} : memref<80x128xf32, #tpu.memory_space<vmem>>, vector<1x16xf32>,
        %get3A_100 = vector.shape_cast %get3A_99 : vector<1x16xf32> to vector<16xf32>
        %get3A_101 = arith.index_cast %scan3A_73 : i32 to index
        %get3A_102 = arith.constant 16 : index
        %get3A_103 = tpu.vector_load %arg15[%get3A_101, %get3A_102] {strides = array<i32>} : memref<80x128xf32, #tpu.memory_space<vmem>>, vector<1x16xf32>,
        %get3A_104 = vector.shape_cast %get3A_103 : vector<1x16xf32> to vector<16xf32>
        %add3A_105 = arith.addf %get3A_100, %get3A_104 : vector<16xf32>
        %gt3A_106 = arith.constant 0.000000e+00 : f32
        %gt3A_107 = vector.broadcast %gt3A_106 : f32 to vector<16xf32>
        %gt3A_108 = arith.cmpf ogt, %add3A_105, %gt3A_107 : vector<16xf32>
        %mul3A_109 = arith.constant 2.000000e-01 : f32
        %mul3A_110 = vector.broadcast %mul3A_109 : f32 to vector<16xf32>
        %mul3A_111 = arith.mulf %mul3A_110, %add3A_105 : vector<16xf32>
        %select_n3A_112 = arith.select %gt3A_108, %add3A_105, %mul3A_111 : vector<16xi1>, vector<16xf32>
        %get3A_113 = arith.constant 16 : index
        %get3A_114 = tpu.vector_load %arg9[%get3A_113] {strides = array<i32>} : memref<128xf32, #tpu.memory_space<vmem>>, vector<16xf32>,
        %get3A_115 = vector.shape_cast %get3A_114 : vector<16xf32> to vector<16xf32>
        %mul3A_116 = arith.mulf %select_n3A_112, %get3A_115 : vector<16xf32>
        %add3A_117 = arith.addf %add3A_96, %mul3A_116 : vector<16xf32>
        %get3A_118 = arith.index_cast %scan3A_73 : i32 to index
        %get3A_119 = arith.constant 32 : index
        %get3A_120 = tpu.vector_load %arg14[%get3A_118, %get3A_119] {strides = array<i32>} : memref<80x128xf32, #tpu.memory_space<vmem>>, vector<1x16xf32>,
        %get3A_121 = vector.shape_cast %get3A_120 : vector<1x16xf32> to vector<16xf32>
        %get3A_122 = arith.index_cast %scan3A_73 : i32 to index
        %get3A_123 = arith.constant 32 : index
        %get3A_124 = tpu.vector_load %arg15[%get3A_122, %get3A_123] {strides = array<i32>} : memref<80x128xf32, #tpu.memory_space<vmem>>, vector<1x16xf32>,
        %get3A_125 = vector.shape_cast %get3A_124 : vector<1x16xf32> to vector<16xf32>
        %add3A_126 = arith.addf %get3A_121, %get3A_125 : vector<16xf32>
        %gt3A_127 = arith.constant 0.000000e+00 : f32
        %gt3A_128 = vector.broadcast %gt3A_127 : f32 to vector<16xf32>
        %gt3A_129 = arith.cmpf ogt, %add3A_126, %gt3A_128 : vector<16xf32>
        %mul3A_130 = arith.constant 2.000000e-01 : f32
        %mul3A_131 = vector.broadcast %mul3A_130 : f32 to vector<16xf32>
        %mul3A_132 = arith.mulf %mul3A_131, %add3A_126 : vector<16xf32>
        %select_n3A_133 = arith.select %gt3A_129, %add3A_126, %mul3A_132 : vector<16xi1>, vector<16xf32>
        %get3A_134 = arith.constant 32 : index
        %get3A_135 = tpu.vector_load %arg9[%get3A_134] {strides = array<i32>} : memref<128xf32, #tpu.memory_space<vmem>>, vector<16xf32>,
        %get3A_136 = vector.shape_cast %get3A_135 : vector<16xf32> to vector<16xf32>
        %mul3A_137 = arith.mulf %select_n3A_133, %get3A_136 : vector<16xf32>
        %add3A_138 = arith.addf %add3A_117, %mul3A_137 : vector<16xf32>
        %get3A_139 = arith.index_cast %scan3A_73 : i32 to index
        %get3A_140 = arith.constant 48 : index
        %get3A_141 = tpu.vector_load %arg14[%get3A_139, %get3A_140] {strides = array<i32>} : memref<80x128xf32, #tpu.memory_space<vmem>>, vector<1x16xf32>,
        %get3A_142 = vector.shape_cast %get3A_141 : vector<1x16xf32> to vector<16xf32>
        %get3A_143 = arith.index_cast %scan3A_73 : i32 to index
        %get3A_144 = arith.constant 48 : index
        %get3A_145 = tpu.vector_load %arg15[%get3A_143, %get3A_144] {strides = array<i32>} : memref<80x128xf32, #tpu.memory_space<vmem>>, vector<1x16xf32>,
        %get3A_146 = vector.shape_cast %get3A_145 : vector<1x16xf32> to vector<16xf32>
        %add3A_147 = arith.addf %get3A_142, %get3A_146 : vector<16xf32>
        %gt3A_148 = arith.constant 0.000000e+00 : f32
        %gt3A_149 = vector.broadcast %gt3A_148 : f32 to vector<16xf32>
        %gt3A_150 = arith.cmpf ogt, %add3A_147, %gt3A_149 : vector<16xf32>
        %mul3A_151 = arith.constant 2.000000e-01 : f32
        %mul3A_152 = vector.broadcast %mul3A_151 : f32 to vector<16xf32>
        %mul3A_153 = arith.mulf %mul3A_152, %add3A_147 : vector<16xf32>
        %select_n3A_154 = arith.select %gt3A_150, %add3A_147, %mul3A_153 : vector<16xi1>, vector<16xf32>
        %get3A_155 = arith.constant 48 : index
        %get3A_156 = tpu.vector_load %arg9[%get3A_155] {strides = array<i32>} : memref<128xf32, #tpu.memory_space<vmem>>, vector<16xf32>,
        %get3A_157 = vector.shape_cast %get3A_156 : vector<16xf32> to vector<16xf32>
        %mul3A_158 = arith.mulf %select_n3A_154, %get3A_157 : vector<16xf32>
        %add3A_159 = arith.addf %add3A_138, %mul3A_158 : vector<16xf32>
        %get3A_160 = arith.index_cast %scan3A_73 : i32 to index
        %get3A_161 = arith.constant 64 : index
        %get3A_162 = tpu.vector_load %arg14[%get3A_160, %get3A_161] {strides = array<i32>} : memref<80x128xf32, #tpu.memory_space<vmem>>, vector<1x16xf32>,
        %get3A_163 = vector.shape_cast %get3A_162 : vector<1x16xf32> to vector<16xf32>
        %get3A_164 = arith.index_cast %scan3A_73 : i32 to index
        %get3A_165 = arith.constant 64 : index
        %get3A_166 = tpu.vector_load %arg15[%get3A_164, %get3A_165] {strides = array<i32>} : memref<80x128xf32, #tpu.memory_space<vmem>>, vector<1x16xf32>,
        %get3A_167 = vector.shape_cast %get3A_166 : vector<1x16xf32> to vector<16xf32>
        %add3A_168 = arith.addf %get3A_163, %get3A_167 : vector<16xf32>
        %gt3A_169 = arith.constant 0.000000e+00 : f32
        %gt3A_170 = vector.broadcast %gt3A_169 : f32 to vector<16xf32>
        %gt3A_171 = arith.cmpf ogt, %add3A_168, %gt3A_170 : vector<16xf32>
        %mul3A_172 = arith.constant 2.000000e-01 : f32
        %mul3A_173 = vector.broadcast %mul3A_172 : f32 to vector<16xf32>
        %mul3A_174 = arith.mulf %mul3A_173, %add3A_168 : vector<16xf32>
        %select_n3A_175 = arith.select %gt3A_171, %add3A_168, %mul3A_174 : vector<16xi1>, vector<16xf32>
        %get3A_176 = arith.constant 64 : index
        %get3A_177 = tpu.vector_load %arg9[%get3A_176] {strides = array<i32>} : memref<128xf32, #tpu.memory_space<vmem>>, vector<16xf32>,
        %get3A_178 = vector.shape_cast %get3A_177 : vector<16xf32> to vector<16xf32>
        %mul3A_179 = arith.mulf %select_n3A_175, %get3A_178 : vector<16xf32>
        %add3A_180 = arith.addf %broadcast_in_dim3A_77, %mul3A_179 : vector<16xf32>
        %get3A_181 = arith.index_cast %scan3A_73 : i32 to index
        %get3A_182 = arith.constant 80 : index
        %get3A_183 = tpu.vector_load %arg14[%get3A_181, %get3A_182] {strides = array<i32>} : memref<80x128xf32, #tpu.memory_space<vmem>>, vector<1x16xf32>,
        %get3A_184 = vector.shape_cast %get3A_183 : vector<1x16xf32> to vector<16xf32>
        %get3A_185 = arith.index_cast %scan3A_73 : i32 to index
        %get3A_186 = arith.constant 80 : index
        %get3A_187 = tpu.vector_load %arg15[%get3A_185, %get3A_186] {strides = array<i32>} : memref<80x128xf32, #tpu.memory_space<vmem>>, vector<1x16xf32>,
        %get3A_188 = vector.shape_cast %get3A_187 : vector<1x16xf32> to vector<16xf32>
        %add3A_189 = arith.addf %get3A_184, %get3A_188 : vector<16xf32>
        %gt3A_190 = arith.constant 0.000000e+00 : f32
        %gt3A_191 = vector.broadcast %gt3A_190 : f32 to vector<16xf32>
        %gt3A_192 = arith.cmpf ogt, %add3A_189, %gt3A_191 : vector<16xf32>
        %mul3A_193 = arith.constant 2.000000e-01 : f32
        %mul3A_194 = vector.broadcast %mul3A_193 : f32 to vector<16xf32>
        %mul3A_195 = arith.mulf %mul3A_194, %add3A_189 : vector<16xf32>
        %select_n3A_196 = arith.select %gt3A_192, %add3A_189, %mul3A_195 : vector<16xi1>, vector<16xf32>
        %get3A_197 = arith.constant 80 : index
        %get3A_198 = tpu.vector_load %arg9[%get3A_197] {strides = array<i32>} : memref<128xf32, #tpu.memory_space<vmem>>, vector<16xf32>,
        %get3A_199 = vector.shape_cast %get3A_198 : vector<16xf32> to vector<16xf32>
        %mul3A_200 = arith.mulf %select_n3A_196, %get3A_199 : vector<16xf32>
        %add3A_201 = arith.addf %add3A_180, %mul3A_200 : vector<16xf32>
        %get3A_202 = arith.index_cast %scan3A_73 : i32 to index
        %get3A_203 = arith.constant 96 : index
        %get3A_204 = tpu.vector_load %arg14[%get3A_202, %get3A_203] {strides = array<i32>} : memref<80x128xf32, #tpu.memory_space<vmem>>, vector<1x16xf32>,
        %get3A_205 = vector.shape_cast %get3A_204 : vector<1x16xf32> to vector<16xf32>
        %get3A_206 = arith.index_cast %scan3A_73 : i32 to index
        %get3A_207 = arith.constant 96 : index
        %get3A_208 = tpu.vector_load %arg15[%get3A_206, %get3A_207] {strides = array<i32>} : memref<80x128xf32, #tpu.memory_space<vmem>>, vector<1x16xf32>,
        %get3A_209 = vector.shape_cast %get3A_208 : vector<1x16xf32> to vector<16xf32>
        %add3A_210 = arith.addf %get3A_205, %get3A_209 : vector<16xf32>
        %gt3A_211 = arith.constant 0.000000e+00 : f32
        %gt3A_212 = vector.broadcast %gt3A_211 : f32 to vector<16xf32>
        %gt3A_213 = arith.cmpf ogt, %add3A_210, %gt3A_212 : vector<16xf32>
        %mul3A_214 = arith.constant 2.000000e-01 : f32
        %mul3A_215 = vector.broadcast %mul3A_214 : f32 to vector<16xf32>
        %mul3A_216 = arith.mulf %mul3A_215, %add3A_210 : vector<16xf32>
        %select_n3A_217 = arith.select %gt3A_213, %add3A_210, %mul3A_216 : vector<16xi1>, vector<16xf32>
        %get3A_218 = arith.constant 96 : index
        %get3A_219 = tpu.vector_load %arg9[%get3A_218] {strides = array<i32>} : memref<128xf32, #tpu.memory_space<vmem>>, vector<16xf32>,
        %get3A_220 = vector.shape_cast %get3A_219 : vector<16xf32> to vector<16xf32>
        %mul3A_221 = arith.mulf %select_n3A_217, %get3A_220 : vector<16xf32>
        %add3A_222 = arith.addf %add3A_201, %mul3A_221 : vector<16xf32>
        %get3A_223 = arith.index_cast %scan3A_73 : i32 to index
        %get3A_224 = arith.constant 112 : index
        %get3A_225 = tpu.vector_load %arg14[%get3A_223, %get3A_224] {strides = array<i32>} : memref<80x128xf32, #tpu.memory_space<vmem>>, vector<1x16xf32>,
        %get3A_226 = vector.shape_cast %get3A_225 : vector<1x16xf32> to vector<16xf32>
        %get3A_227 = arith.index_cast %scan3A_73 : i32 to index
        %get3A_228 = arith.constant 112 : index
        %get3A_229 = tpu.vector_load %arg15[%get3A_227, %get3A_228] {strides = array<i32>} : memref<80x128xf32, #tpu.memory_space<vmem>>, vector<1x16xf32>,
        %get3A_230 = vector.shape_cast %get3A_229 : vector<1x16xf32> to vector<16xf32>
        %add3A_231 = arith.addf %get3A_226, %get3A_230 : vector<16xf32>
        %gt3A_232 = arith.constant 0.000000e+00 : f32
        %gt3A_233 = vector.broadcast %gt3A_232 : f32 to vector<16xf32>
        %gt3A_234 = arith.cmpf ogt, %add3A_231, %gt3A_233 : vector<16xf32>
        %mul3A_235 = arith.constant 2.000000e-01 : f32
        %mul3A_236 = vector.broadcast %mul3A_235 : f32 to vector<16xf32>
        %mul3A_237 = arith.mulf %mul3A_236, %add3A_231 : vector<16xf32>
        %select_n3A_238 = arith.select %gt3A_234, %add3A_231, %mul3A_237 : vector<16xi1>, vector<16xf32>
        %get3A_239 = arith.constant 112 : index
        %get3A_240 = tpu.vector_load %arg9[%get3A_239] {strides = array<i32>} : memref<128xf32, #tpu.memory_space<vmem>>, vector<16xf32>,
        %get3A_241 = vector.shape_cast %get3A_240 : vector<16xf32> to vector<16xf32>
        %mul3A_242 = arith.mulf %select_n3A_238, %get3A_241 : vector<16xf32>
        %add3A_243 = arith.addf %add3A_222, %mul3A_242 : vector<16xf32>
        %xor3A = arith.constant 8 : i32
        %xor3A_244 = vector.broadcast %xor3A : i32 to vector<16xi32>
        %xor3A_245 = arith.xori %iota3A, %xor3A_244 : vector<16xi32>
        %lt3A_246 = arith.constant 0 : i32
        %lt3A_247 = vector.broadcast %lt3A_246 : i32 to vector<16xi32>
        %lt3A_248 = arith.cmpi slt, %xor3A_245, %lt3A_247 : vector<16xi32>
        %add3A_249 = arith.constant 16 : i32
        %add3A_250 = vector.broadcast %add3A_249 : i32 to vector<16xi32>
        %add3A_251 = arith.addi %xor3A_245, %add3A_250 : vector<16xi32>
        %select_n3A_252 = arith.select %lt3A_248, %add3A_251, %xor3A_245 : vector<16xi1>, vector<16xi32>
        %broadcast_in_dim3A_253 = vector.shape_cast %select_n3A_252 : vector<16xi32> to vector<16x1xi32>
        %gather3A = vector.shape_cast %broadcast_in_dim3A_253 : vector<16x1xi32> to vector<16xi32>
        %gather3A_254 = tpu.dynamic_gather %add3A_159[%gather3A] in [0] : vector<16xf32>, vector<16xi32> -> vector<16xf32>
        %add3A_255 = arith.addf %add3A_159, %gather3A_254 : vector<16xf32>
        %xor3A_256 = arith.constant 4 : i32
        %xor3A_257 = vector.broadcast %xor3A_256 : i32 to vector<16xi32>
        %xor3A_258 = arith.xori %iota3A, %xor3A_257 : vector<16xi32>
        %lt3A_259 = arith.constant 0 : i32
        %lt3A_260 = vector.broadcast %lt3A_259 : i32 to vector<16xi32>
        %lt3A_261 = arith.cmpi slt, %xor3A_258, %lt3A_260 : vector<16xi32>
        %add3A_262 = arith.constant 16 : i32
        %add3A_263 = vector.broadcast %add3A_262 : i32 to vector<16xi32>
        %add3A_264 = arith.addi %xor3A_258, %add3A_263 : vector<16xi32>
        %select_n3A_265 = arith.select %lt3A_261, %add3A_264, %xor3A_258 : vector<16xi1>, vector<16xi32>
        %broadcast_in_dim3A_266 = vector.shape_cast %select_n3A_265 : vector<16xi32> to vector<16x1xi32>
        %gather3A_267 = vector.shape_cast %broadcast_in_dim3A_266 : vector<16x1xi32> to vector<16xi32>
        %gather3A_268 = tpu.dynamic_gather %add3A_255[%gather3A_267] in [0] : vector<16xf32>, vector<16xi32> -> vector<16xf32>
        %add3A_269 = arith.addf %add3A_255, %gather3A_268 : vector<16xf32>
        %xor3A_270 = arith.constant 2 : i32
        %xor3A_271 = vector.broadcast %xor3A_270 : i32 to vector<16xi32>
        %xor3A_272 = arith.xori %iota3A, %xor3A_271 : vector<16xi32>
        %lt3A_273 = arith.constant 0 : i32
        %lt3A_274 = vector.broadcast %lt3A_273 : i32 to vector<16xi32>
        %lt3A_275 = arith.cmpi slt, %xor3A_272, %lt3A_274 : vector<16xi32>
        %add3A_276 = arith.constant 16 : i32
        %add3A_277 = vector.broadcast %add3A_276 : i32 to vector<16xi32>
        %add3A_278 = arith.addi %xor3A_272, %add3A_277 : vector<16xi32>
        %select_n3A_279 = arith.select %lt3A_275, %add3A_278, %xor3A_272 : vector<16xi1>, vector<16xi32>
        %broadcast_in_dim3A_280 = vector.shape_cast %select_n3A_279 : vector<16xi32> to vector<16x1xi32>
        %gather3A_281 = vector.shape_cast %broadcast_in_dim3A_280 : vector<16x1xi32> to vector<16xi32>
        %gather3A_282 = tpu.dynamic_gather %add3A_269[%gather3A_281] in [0] : vector<16xf32>, vector<16xi32> -> vector<16xf32>
        %add3A_283 = arith.addf %add3A_269, %gather3A_282 : vector<16xf32>
        %xor3A_284 = arith.constant 1 : i32
        %xor3A_285 = vector.broadcast %xor3A_284 : i32 to vector<16xi32>
        %xor3A_286 = arith.xori %iota3A, %xor3A_285 : vector<16xi32>
        %lt3A_287 = arith.constant 0 : i32
        %lt3A_288 = vector.broadcast %lt3A_287 : i32 to vector<16xi32>
        %lt3A_289 = arith.cmpi slt, %xor3A_286, %lt3A_288 : vector<16xi32>
        %add3A_290 = arith.constant 16 : i32
        %add3A_291 = vector.broadcast %add3A_290 : i32 to vector<16xi32>
        %add3A_292 = arith.addi %xor3A_286, %add3A_291 : vector<16xi32>
        %select_n3A_293 = arith.select %lt3A_289, %add3A_292, %xor3A_286 : vector<16xi1>, vector<16xi32>
        %broadcast_in_dim3A_294 = vector.shape_cast %select_n3A_293 : vector<16xi32> to vector<16x1xi32>
        %gather3A_295 = vector.shape_cast %broadcast_in_dim3A_294 : vector<16x1xi32> to vector<16xi32>
        %gather3A_296 = tpu.dynamic_gather %add3A_283[%gather3A_295] in [0] : vector<16xf32>, vector<16xi32> -> vector<16xf32>
        %add3A_297 = arith.addf %add3A_283, %gather3A_296 : vector<16xf32>
        %exp3A = math.exp %add3A_297 : vector<16xf32>
        %xor3A_298 = arith.constant 8 : i32
        %xor3A_299 = vector.broadcast %xor3A_298 : i32 to vector<16xi32>
        %xor3A_300 = arith.xori %iota3A, %xor3A_299 : vector<16xi32>
        %lt3A_301 = arith.constant 0 : i32
        %lt3A_302 = vector.broadcast %lt3A_301 : i32 to vector<16xi32>
        %lt3A_303 = arith.cmpi slt, %xor3A_300, %lt3A_302 : vector<16xi32>
        %add3A_304 = arith.constant 16 : i32
        %add3A_305 = vector.broadcast %add3A_304 : i32 to vector<16xi32>
        %add3A_306 = arith.addi %xor3A_300, %add3A_305 : vector<16xi32>
        %select_n3A_307 = arith.select %lt3A_303, %add3A_306, %xor3A_300 : vector<16xi1>, vector<16xi32>
        %broadcast_in_dim3A_308 = vector.shape_cast %select_n3A_307 : vector<16xi32> to vector<16x1xi32>
        %gather3A_309 = vector.shape_cast %broadcast_in_dim3A_308 : vector<16x1xi32> to vector<16xi32>
        %gather3A_310 = tpu.dynamic_gather %add3A_243[%gather3A_309] in [0] : vector<16xf32>, vector<16xi32> -> vector<16xf32>
        %add3A_311 = arith.addf %add3A_243, %gather3A_310 : vector<16xf32>
        %xor3A_312 = arith.constant 4 : i32
        %xor3A_313 = vector.broadcast %xor3A_312 : i32 to vector<16xi32>
        %xor3A_314 = arith.xori %iota3A, %xor3A_313 : vector<16xi32>
        %lt3A_315 = arith.constant 0 : i32
        %lt3A_316 = vector.broadcast %lt3A_315 : i32 to vector<16xi32>
        %lt3A_317 = arith.cmpi slt, %xor3A_314, %lt3A_316 : vector<16xi32>
        %add3A_318 = arith.constant 16 : i32
        %add3A_319 = vector.broadcast %add3A_318 : i32 to vector<16xi32>
        %add3A_320 = arith.addi %xor3A_314, %add3A_319 : vector<16xi32>
        %select_n3A_321 = arith.select %lt3A_317, %add3A_320, %xor3A_314 : vector<16xi1>, vector<16xi32>
        %broadcast_in_dim3A_322 = vector.shape_cast %select_n3A_321 : vector<16xi32> to vector<16x1xi32>
        %gather3A_323 = vector.shape_cast %broadcast_in_dim3A_322 : vector<16x1xi32> to vector<16xi32>
        %gather3A_324 = tpu.dynamic_gather %add3A_311[%gather3A_323] in [0] : vector<16xf32>, vector<16xi32> -> vector<16xf32>
        %add3A_325 = arith.addf %add3A_311, %gather3A_324 : vector<16xf32>
        %xor3A_326 = arith.constant 2 : i32
        %xor3A_327 = vector.broadcast %xor3A_326 : i32 to vector<16xi32>
        %xor3A_328 = arith.xori %iota3A, %xor3A_327 : vector<16xi32>
        %lt3A_329 = arith.constant 0 : i32
        %lt3A_330 = vector.broadcast %lt3A_329 : i32 to vector<16xi32>
        %lt3A_331 = arith.cmpi slt, %xor3A_328, %lt3A_330 : vector<16xi32>
        %add3A_332 = arith.constant 16 : i32
        %add3A_333 = vector.broadcast %add3A_332 : i32 to vector<16xi32>
        %add3A_334 = arith.addi %xor3A_328, %add3A_333 : vector<16xi32>
        %select_n3A_335 = arith.select %lt3A_331, %add3A_334, %xor3A_328 : vector<16xi1>, vector<16xi32>
        %broadcast_in_dim3A_336 = vector.shape_cast %select_n3A_335 : vector<16xi32> to vector<16x1xi32>
        %gather3A_337 = vector.shape_cast %broadcast_in_dim3A_336 : vector<16x1xi32> to vector<16xi32>
        %gather3A_338 = tpu.dynamic_gather %add3A_325[%gather3A_337] in [0] : vector<16xf32>, vector<16xi32> -> vector<16xf32>
        %add3A_339 = arith.addf %add3A_325, %gather3A_338 : vector<16xf32>
        %xor3A_340 = arith.constant 1 : i32
        %xor3A_341 = vector.broadcast %xor3A_340 : i32 to vector<16xi32>
        %xor3A_342 = arith.xori %iota3A, %xor3A_341 : vector<16xi32>
        %lt3A_343 = arith.constant 0 : i32
        %lt3A_344 = vector.broadcast %lt3A_343 : i32 to vector<16xi32>
        %lt3A_345 = arith.cmpi slt, %xor3A_342, %lt3A_344 : vector<16xi32>
        %add3A_346 = arith.constant 16 : i32
        %add3A_347 = vector.broadcast %add3A_346 : i32 to vector<16xi32>
        %add3A_348 = arith.addi %xor3A_342, %add3A_347 : vector<16xi32>
        %select_n3A_349 = arith.select %lt3A_345, %add3A_348, %xor3A_342 : vector<16xi1>, vector<16xi32>
        %broadcast_in_dim3A_350 = vector.shape_cast %select_n3A_349 : vector<16xi32> to vector<16x1xi32>
        %gather3A_351 = vector.shape_cast %broadcast_in_dim3A_350 : vector<16x1xi32> to vector<16xi32>
        %gather3A_352 = tpu.dynamic_gather %add3A_339[%gather3A_351] in [0] : vector<16xf32>, vector<16xi32> -> vector<16xf32>
        %add3A_353 = arith.addf %add3A_339, %gather3A_352 : vector<16xf32>
        %exp3A_354 = math.exp %add3A_353 : vector<16xf32>
        %get3A_355 = arith.index_cast %scan3A_73 : i32 to index
        %get3A_356 = arith.constant 0 : index
        %get3A_357 = tpu.vector_load %arg14[%get3A_355, %get3A_356] {strides = array<i32>} : memref<80x128xf32, #tpu.memory_space<vmem>>, vector<1x16xf32>,
        %get3A_358 = vector.shape_cast %get3A_357 : vector<1x16xf32> to vector<16xf32>
        %mul3A_359 = arith.mulf %get3A_358, %exp3A : vector<16xf32>
        %swap3A = arith.index_cast %scan3A_73 : i32 to index
        %swap3A_360 = arith.constant 0 : index
        %swap3A_361 = tpu.vector_load %arg16[%swap3A, %swap3A_360] {strides = array<i32>} : memref<80x144xf32, #tpu.memory_space<vmem>>, vector<1x16xf32>,
        %swap3A_362 = vector.shape_cast %swap3A_361 : vector<1x16xf32> to vector<16xf32>
        %swap3A_363 = vector.shape_cast %mul3A_359 : vector<16xf32> to vector<1x16xf32>
        tpu.vector_store %arg16[%swap3A, %swap3A_360], %swap3A_363 {strides = array<i32>} : memref<80x144xf32, #tpu.memory_space<vmem>>, vector<1x16xf32>,
        %get3A_364 = arith.index_cast %scan3A_73 : i32 to index
        %get3A_365 = arith.constant 16 : index
        %get3A_366 = tpu.vector_load %arg14[%get3A_364, %get3A_365] {strides = array<i32>} : memref<80x128xf32, #tpu.memory_space<vmem>>, vector<1x16xf32>,
        %get3A_367 = vector.shape_cast %get3A_366 : vector<1x16xf32> to vector<16xf32>
        %mul3A_368 = arith.mulf %get3A_367, %exp3A : vector<16xf32>
        %swap3A_369 = arith.index_cast %scan3A_73 : i32 to index
        %swap3A_370 = arith.constant 16 : index
        %swap3A_371 = tpu.vector_load %arg16[%swap3A_369, %swap3A_370] {strides = array<i32>} : memref<80x144xf32, #tpu.memory_space<vmem>>, vector<1x16xf32>,
        %swap3A_372 = vector.shape_cast %swap3A_371 : vector<1x16xf32> to vector<16xf32>
        %swap3A_373 = vector.shape_cast %mul3A_368 : vector<16xf32> to vector<1x16xf32>
        tpu.vector_store %arg16[%swap3A_369, %swap3A_370], %swap3A_373 {strides = array<i32>} : memref<80x144xf32, #tpu.memory_space<vmem>>, vector<1x16xf32>,
        %get3A_374 = arith.index_cast %scan3A_73 : i32 to index
        %get3A_375 = arith.constant 32 : index
        %get3A_376 = tpu.vector_load %arg14[%get3A_374, %get3A_375] {strides = array<i32>} : memref<80x128xf32, #tpu.memory_space<vmem>>, vector<1x16xf32>,
        %get3A_377 = vector.shape_cast %get3A_376 : vector<1x16xf32> to vector<16xf32>
        %mul3A_378 = arith.mulf %get3A_377, %exp3A : vector<16xf32>
        %swap3A_379 = arith.index_cast %scan3A_73 : i32 to index
        %swap3A_380 = arith.constant 32 : index
        %swap3A_381 = tpu.vector_load %arg16[%swap3A_379, %swap3A_380] {strides = array<i32>} : memref<80x144xf32, #tpu.memory_space<vmem>>, vector<1x16xf32>,
        %swap3A_382 = vector.shape_cast %swap3A_381 : vector<1x16xf32> to vector<16xf32>
        %swap3A_383 = vector.shape_cast %mul3A_378 : vector<16xf32> to vector<1x16xf32>
        tpu.vector_store %arg16[%swap3A_379, %swap3A_380], %swap3A_383 {strides = array<i32>} : memref<80x144xf32, #tpu.memory_space<vmem>>, vector<1x16xf32>,
        %get3A_384 = arith.index_cast %scan3A_73 : i32 to index
        %get3A_385 = arith.constant 48 : index
        %get3A_386 = tpu.vector_load %arg14[%get3A_384, %get3A_385] {strides = array<i32>} : memref<80x128xf32, #tpu.memory_space<vmem>>, vector<1x16xf32>,
        %get3A_387 = vector.shape_cast %get3A_386 : vector<1x16xf32> to vector<16xf32>
        %mul3A_388 = arith.mulf %get3A_387, %exp3A : vector<16xf32>
        %swap3A_389 = arith.index_cast %scan3A_73 : i32 to index
        %swap3A_390 = arith.constant 48 : index
        %swap3A_391 = tpu.vector_load %arg16[%swap3A_389, %swap3A_390] {strides = array<i32>} : memref<80x144xf32, #tpu.memory_space<vmem>>, vector<1x16xf32>,
        %swap3A_392 = vector.shape_cast %swap3A_391 : vector<1x16xf32> to vector<16xf32>
        %swap3A_393 = vector.shape_cast %mul3A_388 : vector<16xf32> to vector<1x16xf32>
        tpu.vector_store %arg16[%swap3A_389, %swap3A_390], %swap3A_393 {strides = array<i32>} : memref<80x144xf32, #tpu.memory_space<vmem>>, vector<1x16xf32>,
        %get3A_394 = arith.index_cast %scan3A_73 : i32 to index
        %get3A_395 = arith.constant 64 : index
        %get3A_396 = tpu.vector_load %arg14[%get3A_394, %get3A_395] {strides = array<i32>} : memref<80x128xf32, #tpu.memory_space<vmem>>, vector<1x16xf32>,
        %get3A_397 = vector.shape_cast %get3A_396 : vector<1x16xf32> to vector<16xf32>
        %mul3A_398 = arith.mulf %get3A_397, %exp3A_354 : vector<16xf32>
        %swap3A_399 = arith.index_cast %scan3A_73 : i32 to index
        %swap3A_400 = arith.constant 64 : index
        %swap3A_401 = tpu.vector_load %arg16[%swap3A_399, %swap3A_400] {strides = array<i32>} : memref<80x144xf32, #tpu.memory_space<vmem>>, vector<1x16xf32>,
        %swap3A_402 = vector.shape_cast %swap3A_401 : vector<1x16xf32> to vector<16xf32>
        %swap3A_403 = vector.shape_cast %mul3A_398 : vector<16xf32> to vector<1x16xf32>
        tpu.vector_store %arg16[%swap3A_399, %swap3A_400], %swap3A_403 {strides = array<i32>} : memref<80x144xf32, #tpu.memory_space<vmem>>, vector<1x16xf32>,
        %get3A_404 = arith.index_cast %scan3A_73 : i32 to index
        %get3A_405 = arith.constant 80 : index
        %get3A_406 = tpu.vector_load %arg14[%get3A_404, %get3A_405] {strides = array<i32>} : memref<80x128xf32, #tpu.memory_space<vmem>>, vector<1x16xf32>,
        %get3A_407 = vector.shape_cast %get3A_406 : vector<1x16xf32> to vector<16xf32>
        %mul3A_408 = arith.mulf %get3A_407, %exp3A_354 : vector<16xf32>
        %swap3A_409 = arith.index_cast %scan3A_73 : i32 to index
        %swap3A_410 = arith.constant 80 : index
        %swap3A_411 = tpu.vector_load %arg16[%swap3A_409, %swap3A_410] {strides = array<i32>} : memref<80x144xf32, #tpu.memory_space<vmem>>, vector<1x16xf32>,
        %swap3A_412 = vector.shape_cast %swap3A_411 : vector<1x16xf32> to vector<16xf32>
        %swap3A_413 = vector.shape_cast %mul3A_408 : vector<16xf32> to vector<1x16xf32>
        tpu.vector_store %arg16[%swap3A_409, %swap3A_410], %swap3A_413 {strides = array<i32>} : memref<80x144xf32, #tpu.memory_space<vmem>>, vector<1x16xf32>,
        %get3A_414 = arith.index_cast %scan3A_73 : i32 to index
        %get3A_415 = arith.constant 96 : index
        %get3A_416 = tpu.vector_load %arg14[%get3A_414, %get3A_415] {strides = array<i32>} : memref<80x128xf32, #tpu.memory_space<vmem>>, vector<1x16xf32>,
        %get3A_417 = vector.shape_cast %get3A_416 : vector<1x16xf32> to vector<16xf32>
        %mul3A_418 = arith.mulf %get3A_417, %exp3A_354 : vector<16xf32>
        %swap3A_419 = arith.index_cast %scan3A_73 : i32 to index
        %swap3A_420 = arith.constant 96 : index
        %swap3A_421 = tpu.vector_load %arg16[%swap3A_419, %swap3A_420] {strides = array<i32>} : memref<80x144xf32, #tpu.memory_space<vmem>>, vector<1x16xf32>,
        %swap3A_422 = vector.shape_cast %swap3A_421 : vector<1x16xf32> to vector<16xf32>
        %swap3A_423 = vector.shape_cast %mul3A_418 : vector<16xf32> to vector<1x16xf32>
        tpu.vector_store %arg16[%swap3A_419, %swap3A_420], %swap3A_423 {strides = array<i32>} : memref<80x144xf32, #tpu.memory_space<vmem>>, vector<1x16xf32>,
        %get3A_424 = arith.index_cast %scan3A_73 : i32 to index
        %get3A_425 = arith.constant 112 : index
        %get3A_426 = tpu.vector_load %arg14[%get3A_424, %get3A_425] {strides = array<i32>} : memref<80x128xf32, #tpu.memory_space<vmem>>, vector<1x16xf32>,
        %get3A_427 = vector.shape_cast %get3A_426 : vector<1x16xf32> to vector<16xf32>
        %mul3A_428 = arith.mulf %get3A_427, %exp3A_354 : vector<16xf32>
        %swap3A_429 = arith.index_cast %scan3A_73 : i32 to index
        %swap3A_430 = arith.constant 112 : index
        %swap3A_431 = tpu.vector_load %arg16[%swap3A_429, %swap3A_430] {strides = array<i32>} : memref<80x144xf32, #tpu.memory_space<vmem>>, vector<1x16xf32>,
        %swap3A_432 = vector.shape_cast %swap3A_431 : vector<1x16xf32> to vector<16xf32>
        %swap3A_433 = vector.shape_cast %mul3A_428 : vector<16xf32> to vector<1x16xf32>
        tpu.vector_store %arg16[%swap3A_429, %swap3A_430], %swap3A_433 {strides = array<i32>} : memref<80x144xf32, #tpu.memory_space<vmem>>, vector<1x16xf32>,
        %eq3A = arith.constant 0 : i32
        %eq3A_434 = vector.broadcast %eq3A : i32 to vector<16xi32>
        %eq3A_435 = arith.cmpi eq, %iota3A, %eq3A_434 : vector<16xi32>
        %eq3A_436 = arith.constant 1 : i32
        %eq3A_437 = vector.broadcast %eq3A_436 : i32 to vector<16xi32>
        %eq3A_438 = arith.cmpi eq, %iota3A, %eq3A_437 : vector<16xi32>
        %jit3A_439 = arith.constant 0.000000e+00 : f32
        %broadcast_in_dim3A_440 = vector.broadcast %jit3A_439 : f32 to vector<16xf32>
        %select_n3A_441 = arith.select %eq3A_438, %exp3A_354, %broadcast_in_dim3A_440 : vector<16xi1>, vector<16xf32>
        %select_n3A_442 = arith.select %eq3A_435, %exp3A, %select_n3A_441 : vector<16xi1>, vector<16xf32>
        %swap3A_443 = arith.index_cast %scan3A_73 : i32 to index
        %swap3A_444 = arith.constant 128 : index
        %swap3A_445 = tpu.vector_load %arg16[%swap3A_443, %swap3A_444] {strides = array<i32>} : memref<80x144xf32, #tpu.memory_space<vmem>>, vector<1x16xf32>,
        %swap3A_446 = vector.shape_cast %swap3A_445 : vector<1x16xf32> to vector<16xf32>
        %swap3A_447 = vector.shape_cast %select_n3A_442 : vector<16xf32> to vector<1x16xf32>
        tpu.vector_store %arg16[%swap3A_443, %swap3A_444], %swap3A_447 {strides = array<i32>} : memref<80x144xf32, #tpu.memory_space<vmem>>, vector<1x16xf32>,
        %scan3A_448 = arith.constant 0 : i32
        scf.yield %scan3A_448 : i32
      }
      %scan3A_71 = arith.constant 80 : i32
      "tpu.region"() ({
        %run_scoped3A = tpu.sem_alloc : memref<!tpu.dma_semaphore, #tpu.memory_space<semaphore_mem>>
        %dma_start3A_73 = arith.constant 0 : i32
        %dma_start3A_74 = arith.constant 0 : i32
        %dma_start3A_75 = tpu.memref_slice %arg8[%dma_start3A_73, %dma_start3A_74] : memref<10000x144xf32, #tpu.memory_space<vmem_shared>> -> memref<10000x144xf32, #tpu.memory_space<vmem_shared>>
        tpu.enqueue_indirect_dma source(%arg16 : memref<80x144xf32, #tpu.memory_space<vmem>>) target(%dma_start3A_75 : memref<10000x144xf32, #tpu.memory_space<vmem_shared>>) offsets(%arg11 : memref<80xi32, #tpu.memory_space<vmem>>) semaphore(%run_scoped3A : memref<!tpu.dma_semaphore, #tpu.memory_space<semaphore_mem>>) {add = true}
        %dma_wait3A_76 = arith.constant 0 : i32
        %dma_wait3A_77 = arith.constant 0 : i32
        %dma_wait3A_78 = tpu.memref_slice %arg8[%dma_wait3A_76, %dma_wait3A_77] : memref<10000x144xf32, #tpu.memory_space<vmem_shared>> -> memref<10000x144xf32, #tpu.memory_space<vmem_shared>>
        tpu.wait_indirect_dma semaphore(%run_scoped3A : memref<!tpu.dma_semaphore, #tpu.memory_space<semaphore_mem>>) src(%arg16 : memref<80x144xf32, #tpu.memory_space<vmem>>) dst(%dma_wait3A_78 : memref<10000x144xf32, #tpu.memory_space<vmem_shared>>)
        tpu.yield
      }) : () -> ()
      %scan3A_72 = arith.constant 0 : i32
      scf.yield %scan3A_72 : i32
    }
    %scan3A_27 = arith.constant 125 : i32
    %barrier3A_28 = arith.constant 0 : index
    tpu.barrier barrier_id(%barrier3A_28)
    %while3A_29 = arith.constant 0 : i32
    %while3A_30 = arith.constant 0 : i32
    %while3A_31 = arith.subi %select_n3A, %while3A_29 : i32
    %while3A_32 = arith.addi %while3A_29, %while3A_31 : i32
    %while3A_33 = arith.constant 1 : i32
    %while3A_34 = arith.divsi %while3A_31, %while3A_33 : i32
    %while3A_35 = arith.muli %while3A_34, %while3A_33 : i32
    %while3A_36 = arith.addi %while3A_29, %while3A_35 : i32
    %while3A_37 = arith.constant 1 : i32
    %while3A_38 = scf.for %while3A_41 = %while3A_29 to %while3A_36 step %while3A_37 iter_args(%while3A_42 = %while3A_30) -> (i32)  : i32 {
      %mul3A_43 = arith.constant 632 : i32
      %mul3A_44 = arith.muli %arg1, %mul3A_43 : i32
      %mul3A_45 = arith.constant 8 : i32
      %mul3A_46 = arith.muli %while3A_41, %mul3A_45 : i32
      %add3A_47 = arith.addi %mul3A_44, %mul3A_46 : i32
      %multiple_of3A = tpu.assume_multiple %add3A_47, 8 : i32
      "tpu.region"() ({
        %run_scoped3A = tpu.sem_alloc : memref<!tpu.dma_semaphore, #tpu.memory_space<semaphore_mem>>
        %dma_start3A = arith.constant 0 : i32
        %dma_start3A_49 = tpu.memref_slice %arg7[%arg0, %multiple_of3A, %dma_start3A] : memref<2x10000x144xf32, #tpu.memory_space<hbm>> -> memref<1x8x144xf32, #tpu.memory_space<hbm>>
        %dma_start3A_50 = tpu.memref_squeeze %dma_start3A_49 : memref<1x8x144xf32, #tpu.memory_space<hbm>> -> memref<8x144xf32, #tpu.memory_space<hbm>>
        %dma_start3A_51 = arith.constant 0 : i32
        %dma_start3A_52 = tpu.memref_slice %arg8[%multiple_of3A, %dma_start3A_51] : memref<10000x144xf32, #tpu.memory_space<vmem_shared>> -> memref<8x144xf32, #tpu.memory_space<vmem_shared>>
        tpu.enqueue_dma source(%dma_start3A_52 : memref<8x144xf32, #tpu.memory_space<vmem_shared>>) target(%dma_start3A_50 : memref<8x144xf32, #tpu.memory_space<hbm>>) target_semaphore(%run_scoped3A : memref<!tpu.dma_semaphore, #tpu.memory_space<semaphore_mem>>)
        %dma_wait3A = arith.constant 0 : i32
        %dma_wait3A_53 = tpu.memref_slice %arg7[%arg0, %multiple_of3A, %dma_wait3A] : memref<2x10000x144xf32, #tpu.memory_space<hbm>> -> memref<1x8x144xf32, #tpu.memory_space<hbm>>
        %dma_wait3A_54 = tpu.memref_squeeze %dma_wait3A_53 : memref<1x8x144xf32, #tpu.memory_space<hbm>> -> memref<8x144xf32, #tpu.memory_space<hbm>>
        %dma_wait3A_55 = arith.constant 0 : i32
        %dma_wait3A_56 = tpu.memref_slice %arg8[%multiple_of3A, %dma_wait3A_55] : memref<10000x144xf32, #tpu.memory_space<vmem_shared>> -> memref<8x144xf32, #tpu.memory_space<vmem_shared>>
        tpu.wait_dma2 semaphore(%run_scoped3A : memref<!tpu.dma_semaphore, #tpu.memory_space<semaphore_mem>>) src(%dma_wait3A_56 : memref<8x144xf32, #tpu.memory_space<vmem_shared>>) dst(%dma_wait3A_54 : memref<8x144xf32, #tpu.memory_space<hbm>>)
        tpu.yield
      }) : () -> ()
      %while3A_48 = arith.constant 0 : i32
      scf.yield %while3A_48 : i32
    }
    %while3A_39 = arith.constant 1 : i32
    %while3A_40 = scf.for %while3A_41 = %while3A_36 to %while3A_32 step %while3A_39 iter_args(%while3A_42 = %while3A_38) -> (i32)  : i32 {
      %mul3A_43 = arith.constant 632 : i32
      %mul3A_44 = arith.muli %arg1, %mul3A_43 : i32
      %mul3A_45 = arith.constant 8 : i32
      %mul3A_46 = arith.muli %while3A_41, %mul3A_45 : i32
      %add3A_47 = arith.addi %mul3A_44, %mul3A_46 : i32
      %multiple_of3A = tpu.assume_multiple %add3A_47, 8 : i32
      "tpu.region"() ({
        %run_scoped3A = tpu.sem_alloc : memref<!tpu.dma_semaphore, #tpu.memory_space<semaphore_mem>>
        %dma_start3A = arith.constant 0 : i32
        %dma_start3A_49 = tpu.memref_slice %arg7[%arg0, %multiple_of3A, %dma_start3A] : memref<2x10000x144xf32, #tpu.memory_space<hbm>> -> memref<1x8x144xf32, #tpu.memory_space<hbm>>
        %dma_start3A_50 = tpu.memref_squeeze %dma_start3A_49 : memref<1x8x144xf32, #tpu.memory_space<hbm>> -> memref<8x144xf32, #tpu.memory_space<hbm>>
        %dma_start3A_51 = arith.constant 0 : i32
        %dma_start3A_52 = tpu.memref_slice %arg8[%multiple_of3A, %dma_start3A_51] : memref<10000x144xf32, #tpu.memory_space<vmem_shared>> -> memref<8x144xf32, #tpu.memory_space<vmem_shared>>
        tpu.enqueue_dma source(%dma_start3A_52 : memref<8x144xf32, #tpu.memory_space<vmem_shared>>) target(%dma_start3A_50 : memref<8x144xf32, #tpu.memory_space<hbm>>) target_semaphore(%run_scoped3A : memref<!tpu.dma_semaphore, #tpu.memory_space<semaphore_mem>>)
        %dma_wait3A = arith.constant 0 : i32
        %dma_wait3A_53 = tpu.memref_slice %arg7[%arg0, %multiple_of3A, %dma_wait3A] : memref<2x10000x144xf32, #tpu.memory_space<hbm>> -> memref<1x8x144xf32, #tpu.memory_space<hbm>>
        %dma_wait3A_54 = tpu.memref_squeeze %dma_wait3A_53 : memref<1x8x144xf32, #tpu.memory_space<hbm>> -> memref<8x144xf32, #tpu.memory_space<hbm>>
        %dma_wait3A_55 = arith.constant 0 : i32
        %dma_wait3A_56 = tpu.memref_slice %arg8[%multiple_of3A, %dma_wait3A_55] : memref<10000x144xf32, #tpu.memory_space<vmem_shared>> -> memref<8x144xf32, #tpu.memory_space<vmem_shared>>
        tpu.wait_dma2 semaphore(%run_scoped3A : memref<!tpu.dma_semaphore, #tpu.memory_space<semaphore_mem>>) src(%dma_wait3A_56 : memref<8x144xf32, #tpu.memory_space<vmem_shared>>) dst(%dma_wait3A_54 : memref<8x144xf32, #tpu.memory_space<hbm>>)
        tpu.yield
      }) : () -> ()
      %while3A_48 = arith.constant 0 : i32
      scf.yield %while3A_48 : i32
    }
    return
  }
}

#map = affine_map<(d0, d1) -> (0, 0)>
#map1 = affine_map<(d0, d1) -> (0)>
#map2 = affine_map<(d0, d1) -> (0, 0, 0)>
module attributes {stable_mosaic.version = 14 : i64} {
  func.func @_att_body(%arg0: i32, %arg1: i32, %arg2: memref<20000x128xf32, #tpu.memory_space<hbm>>, %arg3: memref<20000x128xf32, #tpu.memory_space<hbm>>, %arg4: memref<160000xi32, #tpu.memory_space<hbm>>, %arg5: memref<160000xi32, #tpu.memory_space<hbm>>, %arg6: memref<2x128xf32, #tpu.memory_space<hbm>>, %arg7: memref<20000x144xf32, #tpu.memory_space<hbm>>, %arg8: memref<2x160000x16xf32, #tpu.memory_space<hbm>>, %arg9: memref<128xf32, #tpu.memory_space<vmem>>, %arg10: memref<80xi32, #tpu.memory_space<vmem>>, %arg11: memref<80xi32, #tpu.memory_space<vmem>>, %arg12: memref<80xi32, #tpu.memory_space<vmem>>, %arg13: memref<80xi32, #tpu.memory_space<vmem>>, %arg14: memref<80x128xf32, #tpu.memory_space<vmem>>, %arg15: memref<80x128xf32, #tpu.memory_space<vmem>>, %arg16: memref<80x144xf32, #tpu.memory_space<vmem>>, %arg17: memref<80x16xf32, #tpu.memory_space<vmem>>, %arg18: memref<!tpu.dma_semaphore, #tpu.memory_space<semaphore_mem>>, %arg19: memref<!tpu.dma_semaphore, #tpu.memory_space<semaphore_mem>>, %arg20: memref<!tpu.dma_semaphore, #tpu.memory_space<semaphore_mem>>) attributes {dimension_semantics = [#tpu.dimension_semantics<core_parallel>, #tpu.dimension_semantics<subcore_parallel>], iteration_bounds = array<i64: 2, 16>, scalar_prefetch = 0 : i64, scratch_operands = 12 : i64, tpu.core_type = #tpu.core_type<sc_vector_subcore>, window_params = [{transform_indices = #map}, {transform_indices = #map}, {transform_indices = #map1}, {transform_indices = #map1}, {transform_indices = #map}, {transform_indices = #map}, {transform_indices = #map2}]} {
    "tpu.region"() ({
      %run_scoped3A = tpu.sem_alloc : memref<!tpu.dma_semaphore, #tpu.memory_space<semaphore_mem>>
      %dma_start3A = arith.constant 0 : i32
      %dma_start3A_6 = tpu.memref_slice %arg6[%arg0, %dma_start3A] : memref<2x128xf32, #tpu.memory_space<hbm>> -> memref<1x128xf32, #tpu.memory_space<hbm>>
      %dma_start3A_7 = tpu.memref_squeeze %dma_start3A_6 : memref<1x128xf32, #tpu.memory_space<hbm>> -> memref<128xf32, #tpu.memory_space<hbm>>
      %dma_start3A_8 = arith.constant 0 : i32
      %dma_start3A_9 = tpu.memref_slice %arg6[%arg0, %dma_start3A_8] : memref<2x128xf32, #tpu.memory_space<hbm>> -> memref<1x128xf32, #tpu.memory_space<hbm>>
      %dma_start3A_10 = tpu.memref_squeeze %dma_start3A_9 : memref<1x128xf32, #tpu.memory_space<hbm>> -> memref<128xf32, #tpu.memory_space<hbm>>
      tpu.enqueue_dma source(%dma_start3A_10 : memref<128xf32, #tpu.memory_space<hbm>>) target(%arg9 : memref<128xf32, #tpu.memory_space<vmem>>) target_semaphore(%run_scoped3A : memref<!tpu.dma_semaphore, #tpu.memory_space<semaphore_mem>>)
      %dma_wait3A = arith.constant 0 : i32
      %dma_wait3A_11 = tpu.memref_slice %arg6[%arg0, %dma_wait3A] : memref<2x128xf32, #tpu.memory_space<hbm>> -> memref<1x128xf32, #tpu.memory_space<hbm>>
      %dma_wait3A_12 = tpu.memref_squeeze %dma_wait3A_11 : memref<1x128xf32, #tpu.memory_space<hbm>> -> memref<128xf32, #tpu.memory_space<hbm>>
      %dma_wait3A_13 = arith.constant 0 : i32
      %dma_wait3A_14 = tpu.memref_slice %arg6[%arg0, %dma_wait3A_13] : memref<2x128xf32, #tpu.memory_space<hbm>> -> memref<1x128xf32, #tpu.memory_space<hbm>>
      %dma_wait3A_15 = tpu.memref_squeeze %dma_wait3A_14 : memref<1x128xf32, #tpu.memory_space<hbm>> -> memref<128xf32, #tpu.memory_space<hbm>>
      tpu.wait_dma2 semaphore(%run_scoped3A : memref<!tpu.dma_semaphore, #tpu.memory_space<semaphore_mem>>) src(%dma_wait3A_15 : memref<128xf32, #tpu.memory_space<hbm>>) dst(%arg9 : memref<128xf32, #tpu.memory_space<vmem>>)
      tpu.yield
    }) : () -> ()
    %iota3A = tpu.iota {dimensions = array<i32: 0>} : vector<16xi32>
    %scan3A = arith.constant 0 : i32
    %scan3A_0 = arith.constant 0 : i32
    %scan3A_1 = arith.constant 125 : i32
    %scan3A_2 = arith.addi %scan3A_0, %scan3A_1 : i32
    %scan3A_3 = arith.constant 1 : i32
    %scan3A_4 = scf.for %scan3A_6 = %scan3A_0 to %scan3A_2 step %scan3A_3 iter_args(%scan3A_7 = %scan3A) -> (i32)  : i32 {
      %mul3A = arith.constant 10000 : i32
      %mul3A_8 = arith.muli %arg1, %mul3A : i32
      %mul3A_9 = arith.constant 80 : i32
      %mul3A_10 = arith.muli %scan3A_6, %mul3A_9 : i32
      %add3A = arith.addi %mul3A_8, %mul3A_10 : i32
      "tpu.region"() ({
        %run_scoped3A = tpu.sem_alloc : memref<!tpu.dma_semaphore, #tpu.memory_space<semaphore_mem>>
        %dma_start3A_44 = tpu.memref_slice %arg5[%add3A] : memref<160000xi32, #tpu.memory_space<hbm>> -> memref<80xi32, #tpu.memory_space<hbm>>
        %dma_start3A_45 = tpu.memref_slice %arg5[%add3A] : memref<160000xi32, #tpu.memory_space<hbm>> -> memref<80xi32, #tpu.memory_space<hbm>>
        tpu.enqueue_dma source(%dma_start3A_45 : memref<80xi32, #tpu.memory_space<hbm>>) target(%arg10 : memref<80xi32, #tpu.memory_space<vmem>>) target_semaphore(%run_scoped3A : memref<!tpu.dma_semaphore, #tpu.memory_space<semaphore_mem>>)
        %dma_wait3A_46 = tpu.memref_slice %arg5[%add3A] : memref<160000xi32, #tpu.memory_space<hbm>> -> memref<80xi32, #tpu.memory_space<hbm>>
        %dma_wait3A_47 = tpu.memref_slice %arg5[%add3A] : memref<160000xi32, #tpu.memory_space<hbm>> -> memref<80xi32, #tpu.memory_space<hbm>>
        tpu.wait_dma2 semaphore(%run_scoped3A : memref<!tpu.dma_semaphore, #tpu.memory_space<semaphore_mem>>) src(%dma_wait3A_47 : memref<80xi32, #tpu.memory_space<hbm>>) dst(%arg10 : memref<80xi32, #tpu.memory_space<vmem>>)
        tpu.yield
      }) : () -> ()
      "tpu.region"() ({
        %run_scoped3A = tpu.sem_alloc : memref<!tpu.dma_semaphore, #tpu.memory_space<semaphore_mem>>
        %dma_start3A_44 = tpu.memref_slice %arg4[%add3A] : memref<160000xi32, #tpu.memory_space<hbm>> -> memref<80xi32, #tpu.memory_space<hbm>>
        %dma_start3A_45 = tpu.memref_slice %arg4[%add3A] : memref<160000xi32, #tpu.memory_space<hbm>> -> memref<80xi32, #tpu.memory_space<hbm>>
        tpu.enqueue_dma source(%dma_start3A_45 : memref<80xi32, #tpu.memory_space<hbm>>) target(%arg11 : memref<80xi32, #tpu.memory_space<vmem>>) target_semaphore(%run_scoped3A : memref<!tpu.dma_semaphore, #tpu.memory_space<semaphore_mem>>)
        %dma_wait3A_46 = tpu.memref_slice %arg4[%add3A] : memref<160000xi32, #tpu.memory_space<hbm>> -> memref<80xi32, #tpu.memory_space<hbm>>
        %dma_wait3A_47 = tpu.memref_slice %arg4[%add3A] : memref<160000xi32, #tpu.memory_space<hbm>> -> memref<80xi32, #tpu.memory_space<hbm>>
        tpu.wait_dma2 semaphore(%run_scoped3A : memref<!tpu.dma_semaphore, #tpu.memory_space<semaphore_mem>>) src(%dma_wait3A_47 : memref<80xi32, #tpu.memory_space<hbm>>) dst(%arg11 : memref<80xi32, #tpu.memory_space<vmem>>)
        tpu.yield
      }) : () -> ()
      %mul3A_11 = arith.constant 10000 : i32
      %mul3A_12 = arith.muli %arg0, %mul3A_11 : i32
      %scan3A_13 = arith.constant 0 : i32
      %scan3A_14 = arith.constant 0 : i32
      %scan3A_15 = arith.constant 5 : i32
      %scan3A_16 = arith.addi %scan3A_14, %scan3A_15 : i32
      %scan3A_17 = arith.constant 1 : i32
      %scan3A_18 = scf.for %scan3A_44 = %scan3A_14 to %scan3A_16 step %scan3A_17 iter_args(%scan3A_45 = %scan3A_13) -> (i32)  : i32 {
        %mul3A_46 = arith.constant 16 : i32
        %mul3A_47 = arith.muli %mul3A_46, %scan3A_44 : i32
        %get3A = arith.index_cast %mul3A_47 : i32 to index
        %get3A_48 = tpu.vector_load %arg10[%get3A] {strides = array<i32>} : memref<80xi32, #tpu.memory_space<vmem>>, vector<16xi32>,
        %get3A_49 = vector.shape_cast %get3A_48 : vector<16xi32> to vector<16xi32>
        %add3A_50 = vector.broadcast %mul3A_12 : i32 to vector<16xi32>
        %add3A_51 = arith.addi %get3A_49, %add3A_50 : vector<16xi32>
        %swap3A = arith.index_cast %mul3A_47 : i32 to index
        %swap3A_52 = tpu.vector_load %arg12[%swap3A] {strides = array<i32>} : memref<80xi32, #tpu.memory_space<vmem>>, vector<16xi32>,
        %swap3A_53 = vector.shape_cast %swap3A_52 : vector<16xi32> to vector<16xi32>
        %swap3A_54 = vector.shape_cast %add3A_51 : vector<16xi32> to vector<16xi32>
        tpu.vector_store %arg12[%swap3A], %swap3A_54 {strides = array<i32>} : memref<80xi32, #tpu.memory_space<vmem>>, vector<16xi32>,
        %get3A_55 = arith.index_cast %mul3A_47 : i32 to index
        %get3A_56 = tpu.vector_load %arg11[%get3A_55] {strides = array<i32>} : memref<80xi32, #tpu.memory_space<vmem>>, vector<16xi32>,
        %get3A_57 = vector.shape_cast %get3A_56 : vector<16xi32> to vector<16xi32>
        %add3A_58 = vector.broadcast %mul3A_12 : i32 to vector<16xi32>
        %add3A_59 = arith.addi %get3A_57, %add3A_58 : vector<16xi32>
        %swap3A_60 = arith.index_cast %mul3A_47 : i32 to index
        %swap3A_61 = tpu.vector_load %arg13[%swap3A_60] {strides = array<i32>} : memref<80xi32, #tpu.memory_space<vmem>>, vector<16xi32>,
        %swap3A_62 = vector.shape_cast %swap3A_61 : vector<16xi32> to vector<16xi32>
        %swap3A_63 = vector.shape_cast %add3A_59 : vector<16xi32> to vector<16xi32>
        tpu.vector_store %arg13[%swap3A_60], %swap3A_63 {strides = array<i32>} : memref<80xi32, #tpu.memory_space<vmem>>, vector<16xi32>,
        %scan3A_64 = arith.constant 0 : i32
        scf.yield %scan3A_64 : i32
      }
      %scan3A_19 = arith.constant 5 : i32
      %dma_start3A = arith.constant 0 : i32
      %dma_start3A_20 = arith.constant 0 : i32
      %dma_start3A_21 = tpu.memref_slice %arg2[%dma_start3A, %dma_start3A_20] : memref<20000x128xf32, #tpu.memory_space<hbm>> -> memref<20000x128xf32, #tpu.memory_space<hbm>>
      tpu.enqueue_indirect_dma source(%dma_start3A_21 : memref<20000x128xf32, #tpu.memory_space<hbm>>) target(%arg14 : memref<80x128xf32, #tpu.memory_space<vmem>>) offsets(%arg12 : memref<80xi32, #tpu.memory_space<vmem>>) semaphore(%arg18 : memref<!tpu.dma_semaphore, #tpu.memory_space<semaphore_mem>>)
      %dma_wait3A = arith.constant 0 : i32
      %dma_wait3A_22 = arith.constant 0 : i32
      %dma_wait3A_23 = tpu.memref_slice %arg2[%dma_wait3A, %dma_wait3A_22] : memref<20000x128xf32, #tpu.memory_space<hbm>> -> memref<20000x128xf32, #tpu.memory_space<hbm>>
      tpu.wait_indirect_dma semaphore(%arg18 : memref<!tpu.dma_semaphore, #tpu.memory_space<semaphore_mem>>) src(%dma_wait3A_23 : memref<20000x128xf32, #tpu.memory_space<hbm>>) dst(%arg14 : memref<80x128xf32, #tpu.memory_space<vmem>>)
      %dma_start3A_24 = arith.constant 0 : i32
      %dma_start3A_25 = arith.constant 0 : i32
      %dma_start3A_26 = tpu.memref_slice %arg3[%dma_start3A_24, %dma_start3A_25] : memref<20000x128xf32, #tpu.memory_space<hbm>> -> memref<20000x128xf32, #tpu.memory_space<hbm>>
      tpu.enqueue_indirect_dma source(%dma_start3A_26 : memref<20000x128xf32, #tpu.memory_space<hbm>>) target(%arg15 : memref<80x128xf32, #tpu.memory_space<vmem>>) offsets(%arg13 : memref<80xi32, #tpu.memory_space<vmem>>) semaphore(%arg19 : memref<!tpu.dma_semaphore, #tpu.memory_space<semaphore_mem>>)
      %dma_wait3A_27 = arith.constant 0 : i32
      %dma_wait3A_28 = arith.constant 0 : i32
      %dma_wait3A_29 = tpu.memref_slice %arg3[%dma_wait3A_27, %dma_wait3A_28] : memref<20000x128xf32, #tpu.memory_space<hbm>> -> memref<20000x128xf32, #tpu.memory_space<hbm>>
      tpu.wait_indirect_dma semaphore(%arg19 : memref<!tpu.dma_semaphore, #tpu.memory_space<semaphore_mem>>) src(%dma_wait3A_29 : memref<20000x128xf32, #tpu.memory_space<hbm>>) dst(%arg15 : memref<80x128xf32, #tpu.memory_space<vmem>>)
      %dma_start3A_30 = arith.constant 0 : i32
      %dma_start3A_31 = arith.constant 0 : i32
      %dma_start3A_32 = tpu.memref_slice %arg7[%dma_start3A_30, %dma_start3A_31] : memref<20000x144xf32, #tpu.memory_space<hbm>> -> memref<20000x144xf32, #tpu.memory_space<hbm>>
      tpu.enqueue_indirect_dma source(%dma_start3A_32 : memref<20000x144xf32, #tpu.memory_space<hbm>>) target(%arg16 : memref<80x144xf32, #tpu.memory_space<vmem>>) offsets(%arg13 : memref<80xi32, #tpu.memory_space<vmem>>) semaphore(%arg20 : memref<!tpu.dma_semaphore, #tpu.memory_space<semaphore_mem>>)
      %dma_wait3A_33 = arith.constant 0 : i32
      %dma_wait3A_34 = arith.constant 0 : i32
      %dma_wait3A_35 = tpu.memref_slice %arg7[%dma_wait3A_33, %dma_wait3A_34] : memref<20000x144xf32, #tpu.memory_space<hbm>> -> memref<20000x144xf32, #tpu.memory_space<hbm>>
      tpu.wait_indirect_dma semaphore(%arg20 : memref<!tpu.dma_semaphore, #tpu.memory_space<semaphore_mem>>) src(%dma_wait3A_35 : memref<20000x144xf32, #tpu.memory_space<hbm>>) dst(%arg16 : memref<80x144xf32, #tpu.memory_space<vmem>>)
      %scan3A_36 = arith.constant 0 : i32
      %scan3A_37 = arith.constant 0 : i32
      %scan3A_38 = arith.constant 80 : i32
      %scan3A_39 = arith.addi %scan3A_37, %scan3A_38 : i32
      %scan3A_40 = arith.constant 1 : i32
      %scan3A_41 = scf.for %scan3A_44 = %scan3A_37 to %scan3A_39 step %scan3A_40 iter_args(%scan3A_45 = %scan3A_36) -> (i32)  : i32 {
        %broadcast_in_dim3A = arith.constant 0.000000e+00 : f32
        %broadcast_in_dim3A_46 = vector.broadcast %broadcast_in_dim3A : f32 to vector<16xf32>
        %broadcast_in_dim3A_47 = arith.constant 0.000000e+00 : f32
        %broadcast_in_dim3A_48 = vector.broadcast %broadcast_in_dim3A_47 : f32 to vector<16xf32>
        %get3A = arith.index_cast %scan3A_44 : i32 to index
        %get3A_49 = arith.constant 0 : index
        %get3A_50 = tpu.vector_load %arg14[%get3A, %get3A_49] {strides = array<i32>} : memref<80x128xf32, #tpu.memory_space<vmem>>, vector<1x16xf32>,
        %get3A_51 = vector.shape_cast %get3A_50 : vector<1x16xf32> to vector<16xf32>
        %get3A_52 = arith.index_cast %scan3A_44 : i32 to index
        %get3A_53 = arith.constant 0 : index
        %get3A_54 = tpu.vector_load %arg15[%get3A_52, %get3A_53] {strides = array<i32>} : memref<80x128xf32, #tpu.memory_space<vmem>>, vector<1x16xf32>,
        %get3A_55 = vector.shape_cast %get3A_54 : vector<1x16xf32> to vector<16xf32>
        %add3A_56 = arith.addf %get3A_51, %get3A_55 : vector<16xf32>
        %gt3A = arith.constant 0.000000e+00 : f32
        %gt3A_57 = vector.broadcast %gt3A : f32 to vector<16xf32>
        %gt3A_58 = arith.cmpf ogt, %add3A_56, %gt3A_57 : vector<16xf32>
        %mul3A_59 = arith.constant 2.000000e-01 : f32
        %mul3A_60 = vector.broadcast %mul3A_59 : f32 to vector<16xf32>
        %mul3A_61 = arith.mulf %mul3A_60, %add3A_56 : vector<16xf32>
        %select_n3A = arith.select %gt3A_58, %add3A_56, %mul3A_61 : vector<16xi1>, vector<16xf32>
        %get3A_62 = arith.constant 0 : index
        %get3A_63 = tpu.vector_load %arg9[%get3A_62] {strides = array<i32>} : memref<128xf32, #tpu.memory_space<vmem>>, vector<16xf32>,
        %get3A_64 = vector.shape_cast %get3A_63 : vector<16xf32> to vector<16xf32>
        %mul3A_65 = arith.mulf %select_n3A, %get3A_64 : vector<16xf32>
        %add3A_66 = arith.addf %broadcast_in_dim3A_46, %mul3A_65 : vector<16xf32>
        %get3A_67 = arith.index_cast %scan3A_44 : i32 to index
        %get3A_68 = arith.constant 16 : index
        %get3A_69 = tpu.vector_load %arg14[%get3A_67, %get3A_68] {strides = array<i32>} : memref<80x128xf32, #tpu.memory_space<vmem>>, vector<1x16xf32>,
        %get3A_70 = vector.shape_cast %get3A_69 : vector<1x16xf32> to vector<16xf32>
        %get3A_71 = arith.index_cast %scan3A_44 : i32 to index
        %get3A_72 = arith.constant 16 : index
        %get3A_73 = tpu.vector_load %arg15[%get3A_71, %get3A_72] {strides = array<i32>} : memref<80x128xf32, #tpu.memory_space<vmem>>, vector<1x16xf32>,
        %get3A_74 = vector.shape_cast %get3A_73 : vector<1x16xf32> to vector<16xf32>
        %add3A_75 = arith.addf %get3A_70, %get3A_74 : vector<16xf32>
        %gt3A_76 = arith.constant 0.000000e+00 : f32
        %gt3A_77 = vector.broadcast %gt3A_76 : f32 to vector<16xf32>
        %gt3A_78 = arith.cmpf ogt, %add3A_75, %gt3A_77 : vector<16xf32>
        %mul3A_79 = arith.constant 2.000000e-01 : f32
        %mul3A_80 = vector.broadcast %mul3A_79 : f32 to vector<16xf32>
        %mul3A_81 = arith.mulf %mul3A_80, %add3A_75 : vector<16xf32>
        %select_n3A_82 = arith.select %gt3A_78, %add3A_75, %mul3A_81 : vector<16xi1>, vector<16xf32>
        %get3A_83 = arith.constant 16 : index
        %get3A_84 = tpu.vector_load %arg9[%get3A_83] {strides = array<i32>} : memref<128xf32, #tpu.memory_space<vmem>>, vector<16xf32>,
        %get3A_85 = vector.shape_cast %get3A_84 : vector<16xf32> to vector<16xf32>
        %mul3A_86 = arith.mulf %select_n3A_82, %get3A_85 : vector<16xf32>
        %add3A_87 = arith.addf %add3A_66, %mul3A_86 : vector<16xf32>
        %get3A_88 = arith.index_cast %scan3A_44 : i32 to index
        %get3A_89 = arith.constant 32 : index
        %get3A_90 = tpu.vector_load %arg14[%get3A_88, %get3A_89] {strides = array<i32>} : memref<80x128xf32, #tpu.memory_space<vmem>>, vector<1x16xf32>,
        %get3A_91 = vector.shape_cast %get3A_90 : vector<1x16xf32> to vector<16xf32>
        %get3A_92 = arith.index_cast %scan3A_44 : i32 to index
        %get3A_93 = arith.constant 32 : index
        %get3A_94 = tpu.vector_load %arg15[%get3A_92, %get3A_93] {strides = array<i32>} : memref<80x128xf32, #tpu.memory_space<vmem>>, vector<1x16xf32>,
        %get3A_95 = vector.shape_cast %get3A_94 : vector<1x16xf32> to vector<16xf32>
        %add3A_96 = arith.addf %get3A_91, %get3A_95 : vector<16xf32>
        %gt3A_97 = arith.constant 0.000000e+00 : f32
        %gt3A_98 = vector.broadcast %gt3A_97 : f32 to vector<16xf32>
        %gt3A_99 = arith.cmpf ogt, %add3A_96, %gt3A_98 : vector<16xf32>
        %mul3A_100 = arith.constant 2.000000e-01 : f32
        %mul3A_101 = vector.broadcast %mul3A_100 : f32 to vector<16xf32>
        %mul3A_102 = arith.mulf %mul3A_101, %add3A_96 : vector<16xf32>
        %select_n3A_103 = arith.select %gt3A_99, %add3A_96, %mul3A_102 : vector<16xi1>, vector<16xf32>
        %get3A_104 = arith.constant 32 : index
        %get3A_105 = tpu.vector_load %arg9[%get3A_104] {strides = array<i32>} : memref<128xf32, #tpu.memory_space<vmem>>, vector<16xf32>,
        %get3A_106 = vector.shape_cast %get3A_105 : vector<16xf32> to vector<16xf32>
        %mul3A_107 = arith.mulf %select_n3A_103, %get3A_106 : vector<16xf32>
        %add3A_108 = arith.addf %add3A_87, %mul3A_107 : vector<16xf32>
        %get3A_109 = arith.index_cast %scan3A_44 : i32 to index
        %get3A_110 = arith.constant 48 : index
        %get3A_111 = tpu.vector_load %arg14[%get3A_109, %get3A_110] {strides = array<i32>} : memref<80x128xf32, #tpu.memory_space<vmem>>, vector<1x16xf32>,
        %get3A_112 = vector.shape_cast %get3A_111 : vector<1x16xf32> to vector<16xf32>
        %get3A_113 = arith.index_cast %scan3A_44 : i32 to index
        %get3A_114 = arith.constant 48 : index
        %get3A_115 = tpu.vector_load %arg15[%get3A_113, %get3A_114] {strides = array<i32>} : memref<80x128xf32, #tpu.memory_space<vmem>>, vector<1x16xf32>,
        %get3A_116 = vector.shape_cast %get3A_115 : vector<1x16xf32> to vector<16xf32>
        %add3A_117 = arith.addf %get3A_112, %get3A_116 : vector<16xf32>
        %gt3A_118 = arith.constant 0.000000e+00 : f32
        %gt3A_119 = vector.broadcast %gt3A_118 : f32 to vector<16xf32>
        %gt3A_120 = arith.cmpf ogt, %add3A_117, %gt3A_119 : vector<16xf32>
        %mul3A_121 = arith.constant 2.000000e-01 : f32
        %mul3A_122 = vector.broadcast %mul3A_121 : f32 to vector<16xf32>
        %mul3A_123 = arith.mulf %mul3A_122, %add3A_117 : vector<16xf32>
        %select_n3A_124 = arith.select %gt3A_120, %add3A_117, %mul3A_123 : vector<16xi1>, vector<16xf32>
        %get3A_125 = arith.constant 48 : index
        %get3A_126 = tpu.vector_load %arg9[%get3A_125] {strides = array<i32>} : memref<128xf32, #tpu.memory_space<vmem>>, vector<16xf32>,
        %get3A_127 = vector.shape_cast %get3A_126 : vector<16xf32> to vector<16xf32>
        %mul3A_128 = arith.mulf %select_n3A_124, %get3A_127 : vector<16xf32>
        %add3A_129 = arith.addf %add3A_108, %mul3A_128 : vector<16xf32>
        %get3A_130 = arith.index_cast %scan3A_44 : i32 to index
        %get3A_131 = arith.constant 64 : index
        %get3A_132 = tpu.vector_load %arg14[%get3A_130, %get3A_131] {strides = array<i32>} : memref<80x128xf32, #tpu.memory_space<vmem>>, vector<1x16xf32>,
        %get3A_133 = vector.shape_cast %get3A_132 : vector<1x16xf32> to vector<16xf32>
        %get3A_134 = arith.index_cast %scan3A_44 : i32 to index
        %get3A_135 = arith.constant 64 : index
        %get3A_136 = tpu.vector_load %arg15[%get3A_134, %get3A_135] {strides = array<i32>} : memref<80x128xf32, #tpu.memory_space<vmem>>, vector<1x16xf32>,
        %get3A_137 = vector.shape_cast %get3A_136 : vector<1x16xf32> to vector<16xf32>
        %add3A_138 = arith.addf %get3A_133, %get3A_137 : vector<16xf32>
        %gt3A_139 = arith.constant 0.000000e+00 : f32
        %gt3A_140 = vector.broadcast %gt3A_139 : f32 to vector<16xf32>
        %gt3A_141 = arith.cmpf ogt, %add3A_138, %gt3A_140 : vector<16xf32>
        %mul3A_142 = arith.constant 2.000000e-01 : f32
        %mul3A_143 = vector.broadcast %mul3A_142 : f32 to vector<16xf32>
        %mul3A_144 = arith.mulf %mul3A_143, %add3A_138 : vector<16xf32>
        %select_n3A_145 = arith.select %gt3A_141, %add3A_138, %mul3A_144 : vector<16xi1>, vector<16xf32>
        %get3A_146 = arith.constant 64 : index
        %get3A_147 = tpu.vector_load %arg9[%get3A_146] {strides = array<i32>} : memref<128xf32, #tpu.memory_space<vmem>>, vector<16xf32>,
        %get3A_148 = vector.shape_cast %get3A_147 : vector<16xf32> to vector<16xf32>
        %mul3A_149 = arith.mulf %select_n3A_145, %get3A_148 : vector<16xf32>
        %add3A_150 = arith.addf %broadcast_in_dim3A_48, %mul3A_149 : vector<16xf32>
        %get3A_151 = arith.index_cast %scan3A_44 : i32 to index
        %get3A_152 = arith.constant 80 : index
        %get3A_153 = tpu.vector_load %arg14[%get3A_151, %get3A_152] {strides = array<i32>} : memref<80x128xf32, #tpu.memory_space<vmem>>, vector<1x16xf32>,
        %get3A_154 = vector.shape_cast %get3A_153 : vector<1x16xf32> to vector<16xf32>
        %get3A_155 = arith.index_cast %scan3A_44 : i32 to index
        %get3A_156 = arith.constant 80 : index
        %get3A_157 = tpu.vector_load %arg15[%get3A_155, %get3A_156] {strides = array<i32>} : memref<80x128xf32, #tpu.memory_space<vmem>>, vector<1x16xf32>,
        %get3A_158 = vector.shape_cast %get3A_157 : vector<1x16xf32> to vector<16xf32>
        %add3A_159 = arith.addf %get3A_154, %get3A_158 : vector<16xf32>
        %gt3A_160 = arith.constant 0.000000e+00 : f32
        %gt3A_161 = vector.broadcast %gt3A_160 : f32 to vector<16xf32>
        %gt3A_162 = arith.cmpf ogt, %add3A_159, %gt3A_161 : vector<16xf32>
        %mul3A_163 = arith.constant 2.000000e-01 : f32
        %mul3A_164 = vector.broadcast %mul3A_163 : f32 to vector<16xf32>
        %mul3A_165 = arith.mulf %mul3A_164, %add3A_159 : vector<16xf32>
        %select_n3A_166 = arith.select %gt3A_162, %add3A_159, %mul3A_165 : vector<16xi1>, vector<16xf32>
        %get3A_167 = arith.constant 80 : index
        %get3A_168 = tpu.vector_load %arg9[%get3A_167] {strides = array<i32>} : memref<128xf32, #tpu.memory_space<vmem>>, vector<16xf32>,
        %get3A_169 = vector.shape_cast %get3A_168 : vector<16xf32> to vector<16xf32>
        %mul3A_170 = arith.mulf %select_n3A_166, %get3A_169 : vector<16xf32>
        %add3A_171 = arith.addf %add3A_150, %mul3A_170 : vector<16xf32>
        %get3A_172 = arith.index_cast %scan3A_44 : i32 to index
        %get3A_173 = arith.constant 96 : index
        %get3A_174 = tpu.vector_load %arg14[%get3A_172, %get3A_173] {strides = array<i32>} : memref<80x128xf32, #tpu.memory_space<vmem>>, vector<1x16xf32>,
        %get3A_175 = vector.shape_cast %get3A_174 : vector<1x16xf32> to vector<16xf32>
        %get3A_176 = arith.index_cast %scan3A_44 : i32 to index
        %get3A_177 = arith.constant 96 : index
        %get3A_178 = tpu.vector_load %arg15[%get3A_176, %get3A_177] {strides = array<i32>} : memref<80x128xf32, #tpu.memory_space<vmem>>, vector<1x16xf32>,
        %get3A_179 = vector.shape_cast %get3A_178 : vector<1x16xf32> to vector<16xf32>
        %add3A_180 = arith.addf %get3A_175, %get3A_179 : vector<16xf32>
        %gt3A_181 = arith.constant 0.000000e+00 : f32
        %gt3A_182 = vector.broadcast %gt3A_181 : f32 to vector<16xf32>
        %gt3A_183 = arith.cmpf ogt, %add3A_180, %gt3A_182 : vector<16xf32>
        %mul3A_184 = arith.constant 2.000000e-01 : f32
        %mul3A_185 = vector.broadcast %mul3A_184 : f32 to vector<16xf32>
        %mul3A_186 = arith.mulf %mul3A_185, %add3A_180 : vector<16xf32>
        %select_n3A_187 = arith.select %gt3A_183, %add3A_180, %mul3A_186 : vector<16xi1>, vector<16xf32>
        %get3A_188 = arith.constant 96 : index
        %get3A_189 = tpu.vector_load %arg9[%get3A_188] {strides = array<i32>} : memref<128xf32, #tpu.memory_space<vmem>>, vector<16xf32>,
        %get3A_190 = vector.shape_cast %get3A_189 : vector<16xf32> to vector<16xf32>
        %mul3A_191 = arith.mulf %select_n3A_187, %get3A_190 : vector<16xf32>
        %add3A_192 = arith.addf %add3A_171, %mul3A_191 : vector<16xf32>
        %get3A_193 = arith.index_cast %scan3A_44 : i32 to index
        %get3A_194 = arith.constant 112 : index
        %get3A_195 = tpu.vector_load %arg14[%get3A_193, %get3A_194] {strides = array<i32>} : memref<80x128xf32, #tpu.memory_space<vmem>>, vector<1x16xf32>,
        %get3A_196 = vector.shape_cast %get3A_195 : vector<1x16xf32> to vector<16xf32>
        %get3A_197 = arith.index_cast %scan3A_44 : i32 to index
        %get3A_198 = arith.constant 112 : index
        %get3A_199 = tpu.vector_load %arg15[%get3A_197, %get3A_198] {strides = array<i32>} : memref<80x128xf32, #tpu.memory_space<vmem>>, vector<1x16xf32>,
        %get3A_200 = vector.shape_cast %get3A_199 : vector<1x16xf32> to vector<16xf32>
        %add3A_201 = arith.addf %get3A_196, %get3A_200 : vector<16xf32>
        %gt3A_202 = arith.constant 0.000000e+00 : f32
        %gt3A_203 = vector.broadcast %gt3A_202 : f32 to vector<16xf32>
        %gt3A_204 = arith.cmpf ogt, %add3A_201, %gt3A_203 : vector<16xf32>
        %mul3A_205 = arith.constant 2.000000e-01 : f32
        %mul3A_206 = vector.broadcast %mul3A_205 : f32 to vector<16xf32>
        %mul3A_207 = arith.mulf %mul3A_206, %add3A_201 : vector<16xf32>
        %select_n3A_208 = arith.select %gt3A_204, %add3A_201, %mul3A_207 : vector<16xi1>, vector<16xf32>
        %get3A_209 = arith.constant 112 : index
        %get3A_210 = tpu.vector_load %arg9[%get3A_209] {strides = array<i32>} : memref<128xf32, #tpu.memory_space<vmem>>, vector<16xf32>,
        %get3A_211 = vector.shape_cast %get3A_210 : vector<16xf32> to vector<16xf32>
        %mul3A_212 = arith.mulf %select_n3A_208, %get3A_211 : vector<16xf32>
        %add3A_213 = arith.addf %add3A_192, %mul3A_212 : vector<16xf32>
        %xor3A = arith.constant 8 : i32
        %xor3A_214 = vector.broadcast %xor3A : i32 to vector<16xi32>
        %xor3A_215 = arith.xori %iota3A, %xor3A_214 : vector<16xi32>
        %lt3A = arith.constant 0 : i32
        %lt3A_216 = vector.broadcast %lt3A : i32 to vector<16xi32>
        %lt3A_217 = arith.cmpi slt, %xor3A_215, %lt3A_216 : vector<16xi32>
        %add3A_218 = arith.constant 16 : i32
        %add3A_219 = vector.broadcast %add3A_218 : i32 to vector<16xi32>
        %add3A_220 = arith.addi %xor3A_215, %add3A_219 : vector<16xi32>
        %select_n3A_221 = arith.select %lt3A_217, %add3A_220, %xor3A_215 : vector<16xi1>, vector<16xi32>
        %broadcast_in_dim3A_222 = vector.shape_cast %select_n3A_221 : vector<16xi32> to vector<16x1xi32>
        %gather3A = vector.shape_cast %broadcast_in_dim3A_222 : vector<16x1xi32> to vector<16xi32>
        %gather3A_223 = tpu.dynamic_gather %add3A_129[%gather3A] in [0] : vector<16xf32>, vector<16xi32> -> vector<16xf32>
        %add3A_224 = arith.addf %add3A_129, %gather3A_223 : vector<16xf32>
        %xor3A_225 = arith.constant 4 : i32
        %xor3A_226 = vector.broadcast %xor3A_225 : i32 to vector<16xi32>
        %xor3A_227 = arith.xori %iota3A, %xor3A_226 : vector<16xi32>
        %lt3A_228 = arith.constant 0 : i32
        %lt3A_229 = vector.broadcast %lt3A_228 : i32 to vector<16xi32>
        %lt3A_230 = arith.cmpi slt, %xor3A_227, %lt3A_229 : vector<16xi32>
        %add3A_231 = arith.constant 16 : i32
        %add3A_232 = vector.broadcast %add3A_231 : i32 to vector<16xi32>
        %add3A_233 = arith.addi %xor3A_227, %add3A_232 : vector<16xi32>
        %select_n3A_234 = arith.select %lt3A_230, %add3A_233, %xor3A_227 : vector<16xi1>, vector<16xi32>
        %broadcast_in_dim3A_235 = vector.shape_cast %select_n3A_234 : vector<16xi32> to vector<16x1xi32>
        %gather3A_236 = vector.shape_cast %broadcast_in_dim3A_235 : vector<16x1xi32> to vector<16xi32>
        %gather3A_237 = tpu.dynamic_gather %add3A_224[%gather3A_236] in [0] : vector<16xf32>, vector<16xi32> -> vector<16xf32>
        %add3A_238 = arith.addf %add3A_224, %gather3A_237 : vector<16xf32>
        %xor3A_239 = arith.constant 2 : i32
        %xor3A_240 = vector.broadcast %xor3A_239 : i32 to vector<16xi32>
        %xor3A_241 = arith.xori %iota3A, %xor3A_240 : vector<16xi32>
        %lt3A_242 = arith.constant 0 : i32
        %lt3A_243 = vector.broadcast %lt3A_242 : i32 to vector<16xi32>
        %lt3A_244 = arith.cmpi slt, %xor3A_241, %lt3A_243 : vector<16xi32>
        %add3A_245 = arith.constant 16 : i32
        %add3A_246 = vector.broadcast %add3A_245 : i32 to vector<16xi32>
        %add3A_247 = arith.addi %xor3A_241, %add3A_246 : vector<16xi32>
        %select_n3A_248 = arith.select %lt3A_244, %add3A_247, %xor3A_241 : vector<16xi1>, vector<16xi32>
        %broadcast_in_dim3A_249 = vector.shape_cast %select_n3A_248 : vector<16xi32> to vector<16x1xi32>
        %gather3A_250 = vector.shape_cast %broadcast_in_dim3A_249 : vector<16x1xi32> to vector<16xi32>
        %gather3A_251 = tpu.dynamic_gather %add3A_238[%gather3A_250] in [0] : vector<16xf32>, vector<16xi32> -> vector<16xf32>
        %add3A_252 = arith.addf %add3A_238, %gather3A_251 : vector<16xf32>
        %xor3A_253 = arith.constant 1 : i32
        %xor3A_254 = vector.broadcast %xor3A_253 : i32 to vector<16xi32>
        %xor3A_255 = arith.xori %iota3A, %xor3A_254 : vector<16xi32>
        %lt3A_256 = arith.constant 0 : i32
        %lt3A_257 = vector.broadcast %lt3A_256 : i32 to vector<16xi32>
        %lt3A_258 = arith.cmpi slt, %xor3A_255, %lt3A_257 : vector<16xi32>
        %add3A_259 = arith.constant 16 : i32
        %add3A_260 = vector.broadcast %add3A_259 : i32 to vector<16xi32>
        %add3A_261 = arith.addi %xor3A_255, %add3A_260 : vector<16xi32>
        %select_n3A_262 = arith.select %lt3A_258, %add3A_261, %xor3A_255 : vector<16xi1>, vector<16xi32>
        %broadcast_in_dim3A_263 = vector.shape_cast %select_n3A_262 : vector<16xi32> to vector<16x1xi32>
        %gather3A_264 = vector.shape_cast %broadcast_in_dim3A_263 : vector<16x1xi32> to vector<16xi32>
        %gather3A_265 = tpu.dynamic_gather %add3A_252[%gather3A_264] in [0] : vector<16xf32>, vector<16xi32> -> vector<16xf32>
        %add3A_266 = arith.addf %add3A_252, %gather3A_265 : vector<16xf32>
        %exp3A = math.exp %add3A_266 : vector<16xf32>
        %xor3A_267 = arith.constant 8 : i32
        %xor3A_268 = vector.broadcast %xor3A_267 : i32 to vector<16xi32>
        %xor3A_269 = arith.xori %iota3A, %xor3A_268 : vector<16xi32>
        %lt3A_270 = arith.constant 0 : i32
        %lt3A_271 = vector.broadcast %lt3A_270 : i32 to vector<16xi32>
        %lt3A_272 = arith.cmpi slt, %xor3A_269, %lt3A_271 : vector<16xi32>
        %add3A_273 = arith.constant 16 : i32
        %add3A_274 = vector.broadcast %add3A_273 : i32 to vector<16xi32>
        %add3A_275 = arith.addi %xor3A_269, %add3A_274 : vector<16xi32>
        %select_n3A_276 = arith.select %lt3A_272, %add3A_275, %xor3A_269 : vector<16xi1>, vector<16xi32>
        %broadcast_in_dim3A_277 = vector.shape_cast %select_n3A_276 : vector<16xi32> to vector<16x1xi32>
        %gather3A_278 = vector.shape_cast %broadcast_in_dim3A_277 : vector<16x1xi32> to vector<16xi32>
        %gather3A_279 = tpu.dynamic_gather %add3A_213[%gather3A_278] in [0] : vector<16xf32>, vector<16xi32> -> vector<16xf32>
        %add3A_280 = arith.addf %add3A_213, %gather3A_279 : vector<16xf32>
        %xor3A_281 = arith.constant 4 : i32
        %xor3A_282 = vector.broadcast %xor3A_281 : i32 to vector<16xi32>
        %xor3A_283 = arith.xori %iota3A, %xor3A_282 : vector<16xi32>
        %lt3A_284 = arith.constant 0 : i32
        %lt3A_285 = vector.broadcast %lt3A_284 : i32 to vector<16xi32>
        %lt3A_286 = arith.cmpi slt, %xor3A_283, %lt3A_285 : vector<16xi32>
        %add3A_287 = arith.constant 16 : i32
        %add3A_288 = vector.broadcast %add3A_287 : i32 to vector<16xi32>
        %add3A_289 = arith.addi %xor3A_283, %add3A_288 : vector<16xi32>
        %select_n3A_290 = arith.select %lt3A_286, %add3A_289, %xor3A_283 : vector<16xi1>, vector<16xi32>
        %broadcast_in_dim3A_291 = vector.shape_cast %select_n3A_290 : vector<16xi32> to vector<16x1xi32>
        %gather3A_292 = vector.shape_cast %broadcast_in_dim3A_291 : vector<16x1xi32> to vector<16xi32>
        %gather3A_293 = tpu.dynamic_gather %add3A_280[%gather3A_292] in [0] : vector<16xf32>, vector<16xi32> -> vector<16xf32>
        %add3A_294 = arith.addf %add3A_280, %gather3A_293 : vector<16xf32>
        %xor3A_295 = arith.constant 2 : i32
        %xor3A_296 = vector.broadcast %xor3A_295 : i32 to vector<16xi32>
        %xor3A_297 = arith.xori %iota3A, %xor3A_296 : vector<16xi32>
        %lt3A_298 = arith.constant 0 : i32
        %lt3A_299 = vector.broadcast %lt3A_298 : i32 to vector<16xi32>
        %lt3A_300 = arith.cmpi slt, %xor3A_297, %lt3A_299 : vector<16xi32>
        %add3A_301 = arith.constant 16 : i32
        %add3A_302 = vector.broadcast %add3A_301 : i32 to vector<16xi32>
        %add3A_303 = arith.addi %xor3A_297, %add3A_302 : vector<16xi32>
        %select_n3A_304 = arith.select %lt3A_300, %add3A_303, %xor3A_297 : vector<16xi1>, vector<16xi32>
        %broadcast_in_dim3A_305 = vector.shape_cast %select_n3A_304 : vector<16xi32> to vector<16x1xi32>
        %gather3A_306 = vector.shape_cast %broadcast_in_dim3A_305 : vector<16x1xi32> to vector<16xi32>
        %gather3A_307 = tpu.dynamic_gather %add3A_294[%gather3A_306] in [0] : vector<16xf32>, vector<16xi32> -> vector<16xf32>
        %add3A_308 = arith.addf %add3A_294, %gather3A_307 : vector<16xf32>
        %xor3A_309 = arith.constant 1 : i32
        %xor3A_310 = vector.broadcast %xor3A_309 : i32 to vector<16xi32>
        %xor3A_311 = arith.xori %iota3A, %xor3A_310 : vector<16xi32>
        %lt3A_312 = arith.constant 0 : i32
        %lt3A_313 = vector.broadcast %lt3A_312 : i32 to vector<16xi32>
        %lt3A_314 = arith.cmpi slt, %xor3A_311, %lt3A_313 : vector<16xi32>
        %add3A_315 = arith.constant 16 : i32
        %add3A_316 = vector.broadcast %add3A_315 : i32 to vector<16xi32>
        %add3A_317 = arith.addi %xor3A_311, %add3A_316 : vector<16xi32>
        %select_n3A_318 = arith.select %lt3A_314, %add3A_317, %xor3A_311 : vector<16xi1>, vector<16xi32>
        %broadcast_in_dim3A_319 = vector.shape_cast %select_n3A_318 : vector<16xi32> to vector<16x1xi32>
        %gather3A_320 = vector.shape_cast %broadcast_in_dim3A_319 : vector<16x1xi32> to vector<16xi32>
        %gather3A_321 = tpu.dynamic_gather %add3A_308[%gather3A_320] in [0] : vector<16xf32>, vector<16xi32> -> vector<16xf32>
        %add3A_322 = arith.addf %add3A_308, %gather3A_321 : vector<16xf32>
        %exp3A_323 = math.exp %add3A_322 : vector<16xf32>
        %get3A_324 = arith.index_cast %scan3A_44 : i32 to index
        %get3A_325 = arith.constant 128 : index
        %get3A_326 = tpu.vector_load %arg16[%get3A_324, %get3A_325] {strides = array<i32>} : memref<80x144xf32, #tpu.memory_space<vmem>>, vector<1x16xf32>,
        %get3A_327 = vector.shape_cast %get3A_326 : vector<1x16xf32> to vector<16xf32>
        %eq3A = arith.constant 0 : i32
        %eq3A_328 = vector.broadcast %eq3A : i32 to vector<16xi32>
        %eq3A_329 = arith.cmpi eq, %iota3A, %eq3A_328 : vector<16xi32>
        %eq3A_330 = arith.constant 1 : i32
        %eq3A_331 = vector.broadcast %eq3A_330 : i32 to vector<16xi32>
        %eq3A_332 = arith.cmpi eq, %iota3A, %eq3A_331 : vector<16xi32>
        %jit3A = arith.constant 0.000000e+00 : f32
        %broadcast_in_dim3A_333 = vector.broadcast %jit3A : f32 to vector<16xf32>
        %select_n3A_334 = arith.select %eq3A_332, %exp3A_323, %broadcast_in_dim3A_333 : vector<16xi1>, vector<16xf32>
        %select_n3A_335 = arith.select %eq3A_329, %exp3A, %select_n3A_334 : vector<16xi1>, vector<16xf32>
        %add3A_336 = arith.constant 9.99999971E-10 : f32
        %add3A_337 = vector.broadcast %add3A_336 : f32 to vector<16xf32>
        %add3A_338 = arith.addf %get3A_327, %add3A_337 : vector<16xf32>
        %div3A = arith.divf %select_n3A_335, %add3A_338 : vector<16xf32>
        %swap3A = arith.index_cast %scan3A_44 : i32 to index
        %swap3A_339 = arith.constant 0 : index
        %swap3A_340 = tpu.vector_load %arg17[%swap3A, %swap3A_339] {strides = array<i32>} : memref<80x16xf32, #tpu.memory_space<vmem>>, vector<1x16xf32>,
        %swap3A_341 = vector.shape_cast %swap3A_340 : vector<1x16xf32> to vector<16xf32>
        %swap3A_342 = vector.shape_cast %div3A : vector<16xf32> to vector<1x16xf32>
        tpu.vector_store %arg17[%swap3A, %swap3A_339], %swap3A_342 {strides = array<i32>} : memref<80x16xf32, #tpu.memory_space<vmem>>, vector<1x16xf32>,
        %scan3A_343 = arith.constant 0 : i32
        scf.yield %scan3A_343 : i32
      }
      %scan3A_42 = arith.constant 80 : i32
      "tpu.region"() ({
        %run_scoped3A = tpu.sem_alloc : memref<!tpu.dma_semaphore, #tpu.memory_space<semaphore_mem>>
        %dma_start3A_44 = arith.constant 0 : i32
        %dma_start3A_45 = tpu.memref_slice %arg8[%arg0, %add3A, %dma_start3A_44] : memref<2x160000x16xf32, #tpu.memory_space<hbm>> -> memref<1x80x16xf32, #tpu.memory_space<hbm>>
        %dma_start3A_46 = tpu.memref_squeeze %dma_start3A_45 : memref<1x80x16xf32, #tpu.memory_space<hbm>> -> memref<80x16xf32, #tpu.memory_space<hbm>>
        %dma_start3A_47 = arith.constant 0 : i32
        %dma_start3A_48 = tpu.memref_slice %arg8[%arg0, %add3A, %dma_start3A_47] : memref<2x160000x16xf32, #tpu.memory_space<hbm>> -> memref<1x80x16xf32, #tpu.memory_space<hbm>>
        %dma_start3A_49 = tpu.memref_squeeze %dma_start3A_48 : memref<1x80x16xf32, #tpu.memory_space<hbm>> -> memref<80x16xf32, #tpu.memory_space<hbm>>
        tpu.enqueue_dma source(%arg17 : memref<80x16xf32, #tpu.memory_space<vmem>>) target(%dma_start3A_49 : memref<80x16xf32, #tpu.memory_space<hbm>>) target_semaphore(%run_scoped3A : memref<!tpu.dma_semaphore, #tpu.memory_space<semaphore_mem>>)
        %dma_wait3A_50 = arith.constant 0 : i32
        %dma_wait3A_51 = tpu.memref_slice %arg8[%arg0, %add3A, %dma_wait3A_50] : memref<2x160000x16xf32, #tpu.memory_space<hbm>> -> memref<1x80x16xf32, #tpu.memory_space<hbm>>
        %dma_wait3A_52 = tpu.memref_squeeze %dma_wait3A_51 : memref<1x80x16xf32, #tpu.memory_space<hbm>> -> memref<80x16xf32, #tpu.memory_space<hbm>>
        %dma_wait3A_53 = arith.constant 0 : i32
        %dma_wait3A_54 = tpu.memref_slice %arg8[%arg0, %add3A, %dma_wait3A_53] : memref<2x160000x16xf32, #tpu.memory_space<hbm>> -> memref<1x80x16xf32, #tpu.memory_space<hbm>>
        %dma_wait3A_55 = tpu.memref_squeeze %dma_wait3A_54 : memref<1x80x16xf32, #tpu.memory_space<hbm>> -> memref<80x16xf32, #tpu.memory_space<hbm>>
        tpu.wait_dma2 semaphore(%run_scoped3A : memref<!tpu.dma_semaphore, #tpu.memory_space<semaphore_mem>>) src(%arg17 : memref<80x16xf32, #tpu.memory_space<vmem>>) dst(%dma_wait3A_55 : memref<80x16xf32, #tpu.memory_space<hbm>>)
        tpu.yield
      }) : () -> ()
      %scan3A_43 = arith.constant 0 : i32
      scf.yield %scan3A_43 : i32
    }
    %scan3A_5 = arith.constant 125 : i32
    return
  }
}

#map = affine_map<(d0, d1) -> (0, 0)>
#map1 = affine_map<(d0, d1) -> (0)>
#map2 = affine_map<(d0, d1) -> (0, 0, 0)>
module attributes {stable_mosaic.version = 14 : i64} {
  func.func @_edge_kernel_body(%arg0: i32, %arg1: i32, %arg2: memref<20000x128xf32, #tpu.memory_space<hbm>>, %arg3: memref<20000x128xf32, #tpu.memory_space<hbm>>, %arg4: memref<160000xi32, #tpu.memory_space<hbm>>, %arg5: memref<160000xi32, #tpu.memory_space<hbm>>, %arg6: memref<2x128xf32, #tpu.memory_space<hbm>>, %arg7: memref<2x10000x144xf32, #tpu.memory_space<hbm>>, %arg8: memref<10000x144xf32, #tpu.memory_space<vmem_shared>>, %arg9: memref<128xf32, #tpu.memory_space<vmem>>, %arg10: memref<80xi32, #tpu.memory_space<vmem>>, %arg11: memref<80xi32, #tpu.memory_space<vmem>>, %arg12: memref<80xi32, #tpu.memory_space<vmem>>, %arg13: memref<80xi32, #tpu.memory_space<vmem>>, %arg14: memref<80x128xf32, #tpu.memory_space<vmem>>, %arg15: memref<80x128xf32, #tpu.memory_space<vmem>>, %arg16: memref<80x144xf32, #tpu.memory_space<vmem>>, %arg17: memref<8x144xf32, #tpu.memory_space<vmem>>, %arg18: memref<!tpu.dma_semaphore, #tpu.memory_space<semaphore_mem>>, %arg19: memref<!tpu.dma_semaphore, #tpu.memory_space<semaphore_mem>>) attributes {dimension_semantics = [#tpu.dimension_semantics<core_parallel>, #tpu.dimension_semantics<subcore_parallel>], iteration_bounds = array<i64: 2, 16>, scalar_prefetch = 0 : i64, scratch_operands = 12 : i64, tpu.core_type = #tpu.core_type<sc_vector_subcore>, window_params = [{transform_indices = #map}, {transform_indices = #map}, {transform_indices = #map1}, {transform_indices = #map1}, {transform_indices = #map}, {transform_indices = #map2}]} {
    %scan3A = arith.constant 0 : i32
    %scan3A_0 = arith.constant 0 : i32
    %scan3A_1 = arith.constant 8 : i32
    %scan3A_2 = arith.addi %scan3A_0, %scan3A_1 : i32
    %scan3A_3 = arith.constant 1 : i32
    %scan3A_4 = scf.for %scan3A_41 = %scan3A_0 to %scan3A_2 step %scan3A_3 iter_args(%scan3A_42 = %scan3A) -> (i32)  : i32 {
      %broadcast_in_dim3A = arith.constant 0.000000e+00 : f32
      %broadcast_in_dim3A_43 = vector.broadcast %broadcast_in_dim3A : f32 to vector<16xf32>
      %swap3A = arith.index_cast %scan3A_41 : i32 to index
      %swap3A_44 = arith.constant 0 : index
      %swap3A_45 = tpu.vector_load %arg17[%swap3A, %swap3A_44] {strides = array<i32>} : memref<8x144xf32, #tpu.memory_space<vmem>>, vector<1x16xf32>,
      %swap3A_46 = vector.shape_cast %swap3A_45 : vector<1x16xf32> to vector<16xf32>
      %swap3A_47 = vector.shape_cast %broadcast_in_dim3A_43 : vector<16xf32> to vector<1x16xf32>
      tpu.vector_store %arg17[%swap3A, %swap3A_44], %swap3A_47 {strides = array<i32>} : memref<8x144xf32, #tpu.memory_space<vmem>>, vector<1x16xf32>,
      %broadcast_in_dim3A_48 = arith.constant 0.000000e+00 : f32
      %broadcast_in_dim3A_49 = vector.broadcast %broadcast_in_dim3A_48 : f32 to vector<16xf32>
      %swap3A_50 = arith.index_cast %scan3A_41 : i32 to index
      %swap3A_51 = arith.constant 16 : index
      %swap3A_52 = tpu.vector_load %arg17[%swap3A_50, %swap3A_51] {strides = array<i32>} : memref<8x144xf32, #tpu.memory_space<vmem>>, vector<1x16xf32>,
      %swap3A_53 = vector.shape_cast %swap3A_52 : vector<1x16xf32> to vector<16xf32>
      %swap3A_54 = vector.shape_cast %broadcast_in_dim3A_49 : vector<16xf32> to vector<1x16xf32>
      tpu.vector_store %arg17[%swap3A_50, %swap3A_51], %swap3A_54 {strides = array<i32>} : memref<8x144xf32, #tpu.memory_space<vmem>>, vector<1x16xf32>,
      %broadcast_in_dim3A_55 = arith.constant 0.000000e+00 : f32
      %broadcast_in_dim3A_56 = vector.broadcast %broadcast_in_dim3A_55 : f32 to vector<16xf32>
      %swap3A_57 = arith.index_cast %scan3A_41 : i32 to index
      %swap3A_58 = arith.constant 32 : index
      %swap3A_59 = tpu.vector_load %arg17[%swap3A_57, %swap3A_58] {strides = array<i32>} : memref<8x144xf32, #tpu.memory_space<vmem>>, vector<1x16xf32>,
      %swap3A_60 = vector.shape_cast %swap3A_59 : vector<1x16xf32> to vector<16xf32>
      %swap3A_61 = vector.shape_cast %broadcast_in_dim3A_56 : vector<16xf32> to vector<1x16xf32>
      tpu.vector_store %arg17[%swap3A_57, %swap3A_58], %swap3A_61 {strides = array<i32>} : memref<8x144xf32, #tpu.memory_space<vmem>>, vector<1x16xf32>,
      %broadcast_in_dim3A_62 = arith.constant 0.000000e+00 : f32
      %broadcast_in_dim3A_63 = vector.broadcast %broadcast_in_dim3A_62 : f32 to vector<16xf32>
      %swap3A_64 = arith.index_cast %scan3A_41 : i32 to index
      %swap3A_65 = arith.constant 48 : index
      %swap3A_66 = tpu.vector_load %arg17[%swap3A_64, %swap3A_65] {strides = array<i32>} : memref<8x144xf32, #tpu.memory_space<vmem>>, vector<1x16xf32>,
      %swap3A_67 = vector.shape_cast %swap3A_66 : vector<1x16xf32> to vector<16xf32>
      %swap3A_68 = vector.shape_cast %broadcast_in_dim3A_63 : vector<16xf32> to vector<1x16xf32>
      tpu.vector_store %arg17[%swap3A_64, %swap3A_65], %swap3A_68 {strides = array<i32>} : memref<8x144xf32, #tpu.memory_space<vmem>>, vector<1x16xf32>,
      %broadcast_in_dim3A_69 = arith.constant 0.000000e+00 : f32
      %broadcast_in_dim3A_70 = vector.broadcast %broadcast_in_dim3A_69 : f32 to vector<16xf32>
      %swap3A_71 = arith.index_cast %scan3A_41 : i32 to index
      %swap3A_72 = arith.constant 64 : index
      %swap3A_73 = tpu.vector_load %arg17[%swap3A_71, %swap3A_72] {strides = array<i32>} : memref<8x144xf32, #tpu.memory_space<vmem>>, vector<1x16xf32>,
      %swap3A_74 = vector.shape_cast %swap3A_73 : vector<1x16xf32> to vector<16xf32>
      %swap3A_75 = vector.shape_cast %broadcast_in_dim3A_70 : vector<16xf32> to vector<1x16xf32>
      tpu.vector_store %arg17[%swap3A_71, %swap3A_72], %swap3A_75 {strides = array<i32>} : memref<8x144xf32, #tpu.memory_space<vmem>>, vector<1x16xf32>,
      %broadcast_in_dim3A_76 = arith.constant 0.000000e+00 : f32
      %broadcast_in_dim3A_77 = vector.broadcast %broadcast_in_dim3A_76 : f32 to vector<16xf32>
      %swap3A_78 = arith.index_cast %scan3A_41 : i32 to index
      %swap3A_79 = arith.constant 80 : index
      %swap3A_80 = tpu.vector_load %arg17[%swap3A_78, %swap3A_79] {strides = array<i32>} : memref<8x144xf32, #tpu.memory_space<vmem>>, vector<1x16xf32>,
      %swap3A_81 = vector.shape_cast %swap3A_80 : vector<1x16xf32> to vector<16xf32>
      %swap3A_82 = vector.shape_cast %broadcast_in_dim3A_77 : vector<16xf32> to vector<1x16xf32>
      tpu.vector_store %arg17[%swap3A_78, %swap3A_79], %swap3A_82 {strides = array<i32>} : memref<8x144xf32, #tpu.memory_space<vmem>>, vector<1x16xf32>,
      %broadcast_in_dim3A_83 = arith.constant 0.000000e+00 : f32
      %broadcast_in_dim3A_84 = vector.broadcast %broadcast_in_dim3A_83 : f32 to vector<16xf32>
      %swap3A_85 = arith.index_cast %scan3A_41 : i32 to index
      %swap3A_86 = arith.constant 96 : index
      %swap3A_87 = tpu.vector_load %arg17[%swap3A_85, %swap3A_86] {strides = array<i32>} : memref<8x144xf32, #tpu.memory_space<vmem>>, vector<1x16xf32>,
      %swap3A_88 = vector.shape_cast %swap3A_87 : vector<1x16xf32> to vector<16xf32>
      %swap3A_89 = vector.shape_cast %broadcast_in_dim3A_84 : vector<16xf32> to vector<1x16xf32>
      tpu.vector_store %arg17[%swap3A_85, %swap3A_86], %swap3A_89 {strides = array<i32>} : memref<8x144xf32, #tpu.memory_space<vmem>>, vector<1x16xf32>,
      %broadcast_in_dim3A_90 = arith.constant 0.000000e+00 : f32
      %broadcast_in_dim3A_91 = vector.broadcast %broadcast_in_dim3A_90 : f32 to vector<16xf32>
      %swap3A_92 = arith.index_cast %scan3A_41 : i32 to index
      %swap3A_93 = arith.constant 112 : index
      %swap3A_94 = tpu.vector_load %arg17[%swap3A_92, %swap3A_93] {strides = array<i32>} : memref<8x144xf32, #tpu.memory_space<vmem>>, vector<1x16xf32>,
      %swap3A_95 = vector.shape_cast %swap3A_94 : vector<1x16xf32> to vector<16xf32>
      %swap3A_96 = vector.shape_cast %broadcast_in_dim3A_91 : vector<16xf32> to vector<1x16xf32>
      tpu.vector_store %arg17[%swap3A_92, %swap3A_93], %swap3A_96 {strides = array<i32>} : memref<8x144xf32, #tpu.memory_space<vmem>>, vector<1x16xf32>,
      %broadcast_in_dim3A_97 = arith.constant 0.000000e+00 : f32
      %broadcast_in_dim3A_98 = vector.broadcast %broadcast_in_dim3A_97 : f32 to vector<16xf32>
      %swap3A_99 = arith.index_cast %scan3A_41 : i32 to index
      %swap3A_100 = arith.constant 128 : index
      %swap3A_101 = tpu.vector_load %arg17[%swap3A_99, %swap3A_100] {strides = array<i32>} : memref<8x144xf32, #tpu.memory_space<vmem>>, vector<1x16xf32>,
      %swap3A_102 = vector.shape_cast %swap3A_101 : vector<1x16xf32> to vector<16xf32>
      %swap3A_103 = vector.shape_cast %broadcast_in_dim3A_98 : vector<16xf32> to vector<1x16xf32>
      tpu.vector_store %arg17[%swap3A_99, %swap3A_100], %swap3A_103 {strides = array<i32>} : memref<8x144xf32, #tpu.memory_space<vmem>>, vector<1x16xf32>,
      %scan3A_104 = arith.constant 0 : i32
      scf.yield %scan3A_104 : i32
    }
    %scan3A_5 = arith.constant 8 : i32
    %lt3A = arith.constant 15 : i32
    %lt3A_6 = arith.cmpi slt, %arg1, %lt3A : i32
    %jit3A = arith.constant 79 : i32
    %jit3A_7 = arith.constant 65 : i32
    %select_n3A = arith.select %lt3A_6, %jit3A, %jit3A_7 : i32
    %while3A = arith.constant 0 : i32
    %while3A_8 = arith.constant 0 : i32
    %while3A_9 = arith.subi %select_n3A, %while3A : i32
    %while3A_10 = arith.addi %while3A, %while3A_9 : i32
    %while3A_11 = arith.constant 1 : i32
    %while3A_12 = arith.divsi %while3A_9, %while3A_11 : i32
    %while3A_13 = arith.muli %while3A_12, %while3A_11 : i32
    %while3A_14 = arith.addi %while3A, %while3A_13 : i32
    %while3A_15 = arith.constant 1 : i32
    %while3A_16 = scf.for %while3A_41 = %while3A to %while3A_14 step %while3A_15 iter_args(%while3A_42 = %while3A_8) -> (i32)  : i32 {
      %mul3A_43 = arith.constant 632 : i32
      %mul3A_44 = arith.muli %arg1, %mul3A_43 : i32
      %mul3A_45 = arith.constant 8 : i32
      %mul3A_46 = arith.muli %while3A_41, %mul3A_45 : i32
      %add3A_47 = arith.addi %mul3A_44, %mul3A_46 : i32
      %multiple_of3A = tpu.assume_multiple %add3A_47, 8 : i32
      "tpu.region"() ({
        %run_scoped3A = tpu.sem_alloc : memref<!tpu.dma_semaphore, #tpu.memory_space<semaphore_mem>>
        %dma_start3A = arith.constant 0 : i32
        %dma_start3A_49 = tpu.memref_slice %arg8[%multiple_of3A, %dma_start3A] : memref<10000x144xf32, #tpu.memory_space<vmem_shared>> -> memref<8x144xf32, #tpu.memory_space<vmem_shared>>
        %dma_start3A_50 = arith.constant 0 : i32
        %dma_start3A_51 = tpu.memref_slice %arg8[%multiple_of3A, %dma_start3A_50] : memref<10000x144xf32, #tpu.memory_space<vmem_shared>> -> memref<8x144xf32, #tpu.memory_space<vmem_shared>>
        tpu.enqueue_dma source(%arg17 : memref<8x144xf32, #tpu.memory_space<vmem>>) target(%dma_start3A_51 : memref<8x144xf32, #tpu.memory_space<vmem_shared>>) target_semaphore(%run_scoped3A : memref<!tpu.dma_semaphore, #tpu.memory_space<semaphore_mem>>)
        %dma_wait3A = arith.constant 0 : i32
        %dma_wait3A_52 = tpu.memref_slice %arg8[%multiple_of3A, %dma_wait3A] : memref<10000x144xf32, #tpu.memory_space<vmem_shared>> -> memref<8x144xf32, #tpu.memory_space<vmem_shared>>
        %dma_wait3A_53 = arith.constant 0 : i32
        %dma_wait3A_54 = tpu.memref_slice %arg8[%multiple_of3A, %dma_wait3A_53] : memref<10000x144xf32, #tpu.memory_space<vmem_shared>> -> memref<8x144xf32, #tpu.memory_space<vmem_shared>>
        tpu.wait_dma2 semaphore(%run_scoped3A : memref<!tpu.dma_semaphore, #tpu.memory_space<semaphore_mem>>) src(%arg17 : memref<8x144xf32, #tpu.memory_space<vmem>>) dst(%dma_wait3A_54 : memref<8x144xf32, #tpu.memory_space<vmem_shared>>)
        tpu.yield
      }) : () -> ()
      %while3A_48 = arith.constant 0 : i32
      scf.yield %while3A_48 : i32
    }
    %while3A_17 = arith.constant 1 : i32
    %while3A_18 = scf.for %while3A_41 = %while3A_14 to %while3A_10 step %while3A_17 iter_args(%while3A_42 = %while3A_16) -> (i32)  : i32 {
      %mul3A_43 = arith.constant 632 : i32
      %mul3A_44 = arith.muli %arg1, %mul3A_43 : i32
      %mul3A_45 = arith.constant 8 : i32
      %mul3A_46 = arith.muli %while3A_41, %mul3A_45 : i32
      %add3A_47 = arith.addi %mul3A_44, %mul3A_46 : i32
      %multiple_of3A = tpu.assume_multiple %add3A_47, 8 : i32
      "tpu.region"() ({
        %run_scoped3A = tpu.sem_alloc : memref<!tpu.dma_semaphore, #tpu.memory_space<semaphore_mem>>
        %dma_start3A = arith.constant 0 : i32
        %dma_start3A_49 = tpu.memref_slice %arg8[%multiple_of3A, %dma_start3A] : memref<10000x144xf32, #tpu.memory_space<vmem_shared>> -> memref<8x144xf32, #tpu.memory_space<vmem_shared>>
        %dma_start3A_50 = arith.constant 0 : i32
        %dma_start3A_51 = tpu.memref_slice %arg8[%multiple_of3A, %dma_start3A_50] : memref<10000x144xf32, #tpu.memory_space<vmem_shared>> -> memref<8x144xf32, #tpu.memory_space<vmem_shared>>
        tpu.enqueue_dma source(%arg17 : memref<8x144xf32, #tpu.memory_space<vmem>>) target(%dma_start3A_51 : memref<8x144xf32, #tpu.memory_space<vmem_shared>>) target_semaphore(%run_scoped3A : memref<!tpu.dma_semaphore, #tpu.memory_space<semaphore_mem>>)
        %dma_wait3A = arith.constant 0 : i32
        %dma_wait3A_52 = tpu.memref_slice %arg8[%multiple_of3A, %dma_wait3A] : memref<10000x144xf32, #tpu.memory_space<vmem_shared>> -> memref<8x144xf32, #tpu.memory_space<vmem_shared>>
        %dma_wait3A_53 = arith.constant 0 : i32
        %dma_wait3A_54 = tpu.memref_slice %arg8[%multiple_of3A, %dma_wait3A_53] : memref<10000x144xf32, #tpu.memory_space<vmem_shared>> -> memref<8x144xf32, #tpu.memory_space<vmem_shared>>
        tpu.wait_dma2 semaphore(%run_scoped3A : memref<!tpu.dma_semaphore, #tpu.memory_space<semaphore_mem>>) src(%arg17 : memref<8x144xf32, #tpu.memory_space<vmem>>) dst(%dma_wait3A_54 : memref<8x144xf32, #tpu.memory_space<vmem_shared>>)
        tpu.yield
      }) : () -> ()
      %while3A_48 = arith.constant 0 : i32
      scf.yield %while3A_48 : i32
    }
    "tpu.region"() ({
      %run_scoped3A = tpu.sem_alloc : memref<!tpu.dma_semaphore, #tpu.memory_space<semaphore_mem>>
      %dma_start3A = arith.constant 0 : i32
      %dma_start3A_41 = tpu.memref_slice %arg6[%arg0, %dma_start3A] : memref<2x128xf32, #tpu.memory_space<hbm>> -> memref<1x128xf32, #tpu.memory_space<hbm>>
      %dma_start3A_42 = tpu.memref_squeeze %dma_start3A_41 : memref<1x128xf32, #tpu.memory_space<hbm>> -> memref<128xf32, #tpu.memory_space<hbm>>
      %dma_start3A_43 = arith.constant 0 : i32
      %dma_start3A_44 = tpu.memref_slice %arg6[%arg0, %dma_start3A_43] : memref<2x128xf32, #tpu.memory_space<hbm>> -> memref<1x128xf32, #tpu.memory_space<hbm>>
      %dma_start3A_45 = tpu.memref_squeeze %dma_start3A_44 : memref<1x128xf32, #tpu.memory_space<hbm>> -> memref<128xf32, #tpu.memory_space<hbm>>
      tpu.enqueue_dma source(%dma_start3A_45 : memref<128xf32, #tpu.memory_space<hbm>>) target(%arg9 : memref<128xf32, #tpu.memory_space<vmem>>) target_semaphore(%run_scoped3A : memref<!tpu.dma_semaphore, #tpu.memory_space<semaphore_mem>>)
      %dma_wait3A = arith.constant 0 : i32
      %dma_wait3A_46 = tpu.memref_slice %arg6[%arg0, %dma_wait3A] : memref<2x128xf32, #tpu.memory_space<hbm>> -> memref<1x128xf32, #tpu.memory_space<hbm>>
      %dma_wait3A_47 = tpu.memref_squeeze %dma_wait3A_46 : memref<1x128xf32, #tpu.memory_space<hbm>> -> memref<128xf32, #tpu.memory_space<hbm>>
      %dma_wait3A_48 = arith.constant 0 : i32
      %dma_wait3A_49 = tpu.memref_slice %arg6[%arg0, %dma_wait3A_48] : memref<2x128xf32, #tpu.memory_space<hbm>> -> memref<1x128xf32, #tpu.memory_space<hbm>>
      %dma_wait3A_50 = tpu.memref_squeeze %dma_wait3A_49 : memref<1x128xf32, #tpu.memory_space<hbm>> -> memref<128xf32, #tpu.memory_space<hbm>>
      tpu.wait_dma2 semaphore(%run_scoped3A : memref<!tpu.dma_semaphore, #tpu.memory_space<semaphore_mem>>) src(%dma_wait3A_50 : memref<128xf32, #tpu.memory_space<hbm>>) dst(%arg9 : memref<128xf32, #tpu.memory_space<vmem>>)
      tpu.yield
    }) : () -> ()
    %barrier3A = arith.constant 0 : index
    tpu.barrier barrier_id(%barrier3A)
    %mul3A = arith.constant 10000 : i32
    %mul3A_19 = arith.muli %arg1, %mul3A : i32
    %add3A = arith.constant 0 : i32
    %add3A_20 = arith.addi %mul3A_19, %add3A : i32
    %iota3A = tpu.iota {dimensions = array<i32: 0>} : vector<16xi32>
    %scan3A_21 = arith.constant 0 : i32
    %scan3A_22 = arith.constant 0 : i32
    %scan3A_23 = arith.constant 125 : i32
    %scan3A_24 = arith.addi %scan3A_22, %scan3A_23 : i32
    %scan3A_25 = arith.constant 1 : i32
    %scan3A_26 = scf.for %scan3A_41 = %scan3A_22 to %scan3A_24 step %scan3A_25 iter_args(%scan3A_42 = %scan3A_21) -> (i32)  : i32 {
      %mul3A_43 = arith.constant 80 : i32
      %mul3A_44 = arith.muli %scan3A_41, %mul3A_43 : i32
      %add3A_45 = arith.addi %add3A_20, %mul3A_44 : i32
      "tpu.region"() ({
        %run_scoped3A = tpu.sem_alloc : memref<!tpu.dma_semaphore, #tpu.memory_space<semaphore_mem>>
        %dma_start3A_73 = tpu.memref_slice %arg4[%add3A_45] : memref<160000xi32, #tpu.memory_space<hbm>> -> memref<80xi32, #tpu.memory_space<hbm>>
        %dma_start3A_74 = tpu.memref_slice %arg4[%add3A_45] : memref<160000xi32, #tpu.memory_space<hbm>> -> memref<80xi32, #tpu.memory_space<hbm>>
        tpu.enqueue_dma source(%dma_start3A_74 : memref<80xi32, #tpu.memory_space<hbm>>) target(%arg10 : memref<80xi32, #tpu.memory_space<vmem>>) target_semaphore(%run_scoped3A : memref<!tpu.dma_semaphore, #tpu.memory_space<semaphore_mem>>)
        %dma_wait3A_75 = tpu.memref_slice %arg4[%add3A_45] : memref<160000xi32, #tpu.memory_space<hbm>> -> memref<80xi32, #tpu.memory_space<hbm>>
        %dma_wait3A_76 = tpu.memref_slice %arg4[%add3A_45] : memref<160000xi32, #tpu.memory_space<hbm>> -> memref<80xi32, #tpu.memory_space<hbm>>
        tpu.wait_dma2 semaphore(%run_scoped3A : memref<!tpu.dma_semaphore, #tpu.memory_space<semaphore_mem>>) src(%dma_wait3A_76 : memref<80xi32, #tpu.memory_space<hbm>>) dst(%arg10 : memref<80xi32, #tpu.memory_space<vmem>>)
        tpu.yield
      }) : () -> ()
      "tpu.region"() ({
        %run_scoped3A = tpu.sem_alloc : memref<!tpu.dma_semaphore, #tpu.memory_space<semaphore_mem>>
        %dma_start3A_73 = tpu.memref_slice %arg5[%add3A_45] : memref<160000xi32, #tpu.memory_space<hbm>> -> memref<80xi32, #tpu.memory_space<hbm>>
        %dma_start3A_74 = tpu.memref_slice %arg5[%add3A_45] : memref<160000xi32, #tpu.memory_space<hbm>> -> memref<80xi32, #tpu.memory_space<hbm>>
        tpu.enqueue_dma source(%dma_start3A_74 : memref<80xi32, #tpu.memory_space<hbm>>) target(%arg11 : memref<80xi32, #tpu.memory_space<vmem>>) target_semaphore(%run_scoped3A : memref<!tpu.dma_semaphore, #tpu.memory_space<semaphore_mem>>)
        %dma_wait3A_75 = tpu.memref_slice %arg5[%add3A_45] : memref<160000xi32, #tpu.memory_space<hbm>> -> memref<80xi32, #tpu.memory_space<hbm>>
        %dma_wait3A_76 = tpu.memref_slice %arg5[%add3A_45] : memref<160000xi32, #tpu.memory_space<hbm>> -> memref<80xi32, #tpu.memory_space<hbm>>
        tpu.wait_dma2 semaphore(%run_scoped3A : memref<!tpu.dma_semaphore, #tpu.memory_space<semaphore_mem>>) src(%dma_wait3A_76 : memref<80xi32, #tpu.memory_space<hbm>>) dst(%arg11 : memref<80xi32, #tpu.memory_space<vmem>>)
        tpu.yield
      }) : () -> ()
      %mul3A_46 = arith.constant 10000 : i32
      %mul3A_47 = arith.muli %arg0, %mul3A_46 : i32
      %scan3A_48 = arith.constant 0 : i32
      %scan3A_49 = arith.constant 0 : i32
      %scan3A_50 = arith.constant 5 : i32
      %scan3A_51 = arith.addi %scan3A_49, %scan3A_50 : i32
      %scan3A_52 = arith.constant 1 : i32
      %scan3A_53 = scf.for %scan3A_73 = %scan3A_49 to %scan3A_51 step %scan3A_52 iter_args(%scan3A_74 = %scan3A_48) -> (i32)  : i32 {
        %mul3A_75 = arith.constant 16 : i32
        %mul3A_76 = arith.muli %mul3A_75, %scan3A_73 : i32
        %get3A = arith.index_cast %mul3A_76 : i32 to index
        %get3A_77 = tpu.vector_load %arg10[%get3A] {strides = array<i32>} : memref<80xi32, #tpu.memory_space<vmem>>, vector<16xi32>,
        %get3A_78 = vector.shape_cast %get3A_77 : vector<16xi32> to vector<16xi32>
        %add3A_79 = vector.broadcast %mul3A_47 : i32 to vector<16xi32>
        %add3A_80 = arith.addi %get3A_78, %add3A_79 : vector<16xi32>
        %swap3A = arith.index_cast %mul3A_76 : i32 to index
        %swap3A_81 = tpu.vector_load %arg12[%swap3A] {strides = array<i32>} : memref<80xi32, #tpu.memory_space<vmem>>, vector<16xi32>,
        %swap3A_82 = vector.shape_cast %swap3A_81 : vector<16xi32> to vector<16xi32>
        %swap3A_83 = vector.shape_cast %add3A_80 : vector<16xi32> to vector<16xi32>
        tpu.vector_store %arg12[%swap3A], %swap3A_83 {strides = array<i32>} : memref<80xi32, #tpu.memory_space<vmem>>, vector<16xi32>,
        %get3A_84 = arith.index_cast %mul3A_76 : i32 to index
        %get3A_85 = tpu.vector_load %arg11[%get3A_84] {strides = array<i32>} : memref<80xi32, #tpu.memory_space<vmem>>, vector<16xi32>,
        %get3A_86 = vector.shape_cast %get3A_85 : vector<16xi32> to vector<16xi32>
        %add3A_87 = vector.broadcast %mul3A_47 : i32 to vector<16xi32>
        %add3A_88 = arith.addi %get3A_86, %add3A_87 : vector<16xi32>
        %swap3A_89 = arith.index_cast %mul3A_76 : i32 to index
        %swap3A_90 = tpu.vector_load %arg13[%swap3A_89] {strides = array<i32>} : memref<80xi32, #tpu.memory_space<vmem>>, vector<16xi32>,
        %swap3A_91 = vector.shape_cast %swap3A_90 : vector<16xi32> to vector<16xi32>
        %swap3A_92 = vector.shape_cast %add3A_88 : vector<16xi32> to vector<16xi32>
        tpu.vector_store %arg13[%swap3A_89], %swap3A_92 {strides = array<i32>} : memref<80xi32, #tpu.memory_space<vmem>>, vector<16xi32>,
        %scan3A_93 = arith.constant 0 : i32
        scf.yield %scan3A_93 : i32
      }
      %scan3A_54 = arith.constant 5 : i32
      %dma_start3A = arith.constant 0 : i32
      %dma_start3A_55 = arith.constant 0 : i32
      %dma_start3A_56 = tpu.memref_slice %arg2[%dma_start3A, %dma_start3A_55] : memref<20000x128xf32, #tpu.memory_space<hbm>> -> memref<20000x128xf32, #tpu.memory_space<hbm>>
      tpu.enqueue_indirect_dma source(%dma_start3A_56 : memref<20000x128xf32, #tpu.memory_space<hbm>>) target(%arg14 : memref<80x128xf32, #tpu.memory_space<vmem>>) offsets(%arg12 : memref<80xi32, #tpu.memory_space<vmem>>) semaphore(%arg18 : memref<!tpu.dma_semaphore, #tpu.memory_space<semaphore_mem>>)
      %dma_start3A_57 = arith.constant 0 : i32
      %dma_start3A_58 = arith.constant 0 : i32
      %dma_start3A_59 = tpu.memref_slice %arg3[%dma_start3A_57, %dma_start3A_58] : memref<20000x128xf32, #tpu.memory_space<hbm>> -> memref<20000x128xf32, #tpu.memory_space<hbm>>
      tpu.enqueue_indirect_dma source(%dma_start3A_59 : memref<20000x128xf32, #tpu.memory_space<hbm>>) target(%arg15 : memref<80x128xf32, #tpu.memory_space<vmem>>) offsets(%arg13 : memref<80xi32, #tpu.memory_space<vmem>>) semaphore(%arg19 : memref<!tpu.dma_semaphore, #tpu.memory_space<semaphore_mem>>)
      %dma_wait3A = arith.constant 0 : i32
      %dma_wait3A_60 = arith.constant 0 : i32
      %dma_wait3A_61 = tpu.memref_slice %arg2[%dma_wait3A, %dma_wait3A_60] : memref<20000x128xf32, #tpu.memory_space<hbm>> -> memref<20000x128xf32, #tpu.memory_space<hbm>>
      tpu.wait_indirect_dma semaphore(%arg18 : memref<!tpu.dma_semaphore, #tpu.memory_space<semaphore_mem>>) src(%dma_wait3A_61 : memref<20000x128xf32, #tpu.memory_space<hbm>>) dst(%arg14 : memref<80x128xf32, #tpu.memory_space<vmem>>)
      %dma_wait3A_62 = arith.constant 0 : i32
      %dma_wait3A_63 = arith.constant 0 : i32
      %dma_wait3A_64 = tpu.memref_slice %arg3[%dma_wait3A_62, %dma_wait3A_63] : memref<20000x128xf32, #tpu.memory_space<hbm>> -> memref<20000x128xf32, #tpu.memory_space<hbm>>
      tpu.wait_indirect_dma semaphore(%arg19 : memref<!tpu.dma_semaphore, #tpu.memory_space<semaphore_mem>>) src(%dma_wait3A_64 : memref<20000x128xf32, #tpu.memory_space<hbm>>) dst(%arg15 : memref<80x128xf32, #tpu.memory_space<vmem>>)
      %scan3A_65 = arith.constant 0 : i32
      %scan3A_66 = arith.constant 0 : i32
      %scan3A_67 = arith.constant 80 : i32
      %scan3A_68 = arith.addi %scan3A_66, %scan3A_67 : i32
      %scan3A_69 = arith.constant 1 : i32
      %scan3A_70 = scf.for %scan3A_73 = %scan3A_66 to %scan3A_68 step %scan3A_69 iter_args(%scan3A_74 = %scan3A_65) -> (i32)  : i32 {
        %broadcast_in_dim3A = arith.constant 0.000000e+00 : f32
        %broadcast_in_dim3A_75 = vector.broadcast %broadcast_in_dim3A : f32 to vector<16xf32>
        %broadcast_in_dim3A_76 = arith.constant 0.000000e+00 : f32
        %broadcast_in_dim3A_77 = vector.broadcast %broadcast_in_dim3A_76 : f32 to vector<16xf32>
        %get3A = arith.index_cast %scan3A_73 : i32 to index
        %get3A_78 = arith.constant 0 : index
        %get3A_79 = tpu.vector_load %arg14[%get3A, %get3A_78] {strides = array<i32>} : memref<80x128xf32, #tpu.memory_space<vmem>>, vector<1x16xf32>,
        %get3A_80 = vector.shape_cast %get3A_79 : vector<1x16xf32> to vector<16xf32>
        %get3A_81 = arith.index_cast %scan3A_73 : i32 to index
        %get3A_82 = arith.constant 0 : index
        %get3A_83 = tpu.vector_load %arg15[%get3A_81, %get3A_82] {strides = array<i32>} : memref<80x128xf32, #tpu.memory_space<vmem>>, vector<1x16xf32>,
        %get3A_84 = vector.shape_cast %get3A_83 : vector<1x16xf32> to vector<16xf32>
        %add3A_85 = arith.addf %get3A_80, %get3A_84 : vector<16xf32>
        %gt3A = arith.constant 0.000000e+00 : f32
        %gt3A_86 = vector.broadcast %gt3A : f32 to vector<16xf32>
        %gt3A_87 = arith.cmpf ogt, %add3A_85, %gt3A_86 : vector<16xf32>
        %mul3A_88 = arith.constant 2.000000e-01 : f32
        %mul3A_89 = vector.broadcast %mul3A_88 : f32 to vector<16xf32>
        %mul3A_90 = arith.mulf %mul3A_89, %add3A_85 : vector<16xf32>
        %select_n3A_91 = arith.select %gt3A_87, %add3A_85, %mul3A_90 : vector<16xi1>, vector<16xf32>
        %get3A_92 = arith.constant 0 : index
        %get3A_93 = tpu.vector_load %arg9[%get3A_92] {strides = array<i32>} : memref<128xf32, #tpu.memory_space<vmem>>, vector<16xf32>,
        %get3A_94 = vector.shape_cast %get3A_93 : vector<16xf32> to vector<16xf32>
        %mul3A_95 = arith.mulf %select_n3A_91, %get3A_94 : vector<16xf32>
        %add3A_96 = arith.addf %broadcast_in_dim3A_75, %mul3A_95 : vector<16xf32>
        %get3A_97 = arith.index_cast %scan3A_73 : i32 to index
        %get3A_98 = arith.constant 16 : index
        %get3A_99 = tpu.vector_load %arg14[%get3A_97, %get3A_98] {strides = array<i32>} : memref<80x128xf32, #tpu.memory_space<vmem>>, vector<1x16xf32>,
        %get3A_100 = vector.shape_cast %get3A_99 : vector<1x16xf32> to vector<16xf32>
        %get3A_101 = arith.index_cast %scan3A_73 : i32 to index
        %get3A_102 = arith.constant 16 : index
        %get3A_103 = tpu.vector_load %arg15[%get3A_101, %get3A_102] {strides = array<i32>} : memref<80x128xf32, #tpu.memory_space<vmem>>, vector<1x16xf32>,
        %get3A_104 = vector.shape_cast %get3A_103 : vector<1x16xf32> to vector<16xf32>
        %add3A_105 = arith.addf %get3A_100, %get3A_104 : vector<16xf32>
        %gt3A_106 = arith.constant 0.000000e+00 : f32
        %gt3A_107 = vector.broadcast %gt3A_106 : f32 to vector<16xf32>
        %gt3A_108 = arith.cmpf ogt, %add3A_105, %gt3A_107 : vector<16xf32>
        %mul3A_109 = arith.constant 2.000000e-01 : f32
        %mul3A_110 = vector.broadcast %mul3A_109 : f32 to vector<16xf32>
        %mul3A_111 = arith.mulf %mul3A_110, %add3A_105 : vector<16xf32>
        %select_n3A_112 = arith.select %gt3A_108, %add3A_105, %mul3A_111 : vector<16xi1>, vector<16xf32>
        %get3A_113 = arith.constant 16 : index
        %get3A_114 = tpu.vector_load %arg9[%get3A_113] {strides = array<i32>} : memref<128xf32, #tpu.memory_space<vmem>>, vector<16xf32>,
        %get3A_115 = vector.shape_cast %get3A_114 : vector<16xf32> to vector<16xf32>
        %mul3A_116 = arith.mulf %select_n3A_112, %get3A_115 : vector<16xf32>
        %add3A_117 = arith.addf %add3A_96, %mul3A_116 : vector<16xf32>
        %get3A_118 = arith.index_cast %scan3A_73 : i32 to index
        %get3A_119 = arith.constant 32 : index
        %get3A_120 = tpu.vector_load %arg14[%get3A_118, %get3A_119] {strides = array<i32>} : memref<80x128xf32, #tpu.memory_space<vmem>>, vector<1x16xf32>,
        %get3A_121 = vector.shape_cast %get3A_120 : vector<1x16xf32> to vector<16xf32>
        %get3A_122 = arith.index_cast %scan3A_73 : i32 to index
        %get3A_123 = arith.constant 32 : index
        %get3A_124 = tpu.vector_load %arg15[%get3A_122, %get3A_123] {strides = array<i32>} : memref<80x128xf32, #tpu.memory_space<vmem>>, vector<1x16xf32>,
        %get3A_125 = vector.shape_cast %get3A_124 : vector<1x16xf32> to vector<16xf32>
        %add3A_126 = arith.addf %get3A_121, %get3A_125 : vector<16xf32>
        %gt3A_127 = arith.constant 0.000000e+00 : f32
        %gt3A_128 = vector.broadcast %gt3A_127 : f32 to vector<16xf32>
        %gt3A_129 = arith.cmpf ogt, %add3A_126, %gt3A_128 : vector<16xf32>
        %mul3A_130 = arith.constant 2.000000e-01 : f32
        %mul3A_131 = vector.broadcast %mul3A_130 : f32 to vector<16xf32>
        %mul3A_132 = arith.mulf %mul3A_131, %add3A_126 : vector<16xf32>
        %select_n3A_133 = arith.select %gt3A_129, %add3A_126, %mul3A_132 : vector<16xi1>, vector<16xf32>
        %get3A_134 = arith.constant 32 : index
        %get3A_135 = tpu.vector_load %arg9[%get3A_134] {strides = array<i32>} : memref<128xf32, #tpu.memory_space<vmem>>, vector<16xf32>,
        %get3A_136 = vector.shape_cast %get3A_135 : vector<16xf32> to vector<16xf32>
        %mul3A_137 = arith.mulf %select_n3A_133, %get3A_136 : vector<16xf32>
        %add3A_138 = arith.addf %add3A_117, %mul3A_137 : vector<16xf32>
        %get3A_139 = arith.index_cast %scan3A_73 : i32 to index
        %get3A_140 = arith.constant 48 : index
        %get3A_141 = tpu.vector_load %arg14[%get3A_139, %get3A_140] {strides = array<i32>} : memref<80x128xf32, #tpu.memory_space<vmem>>, vector<1x16xf32>,
        %get3A_142 = vector.shape_cast %get3A_141 : vector<1x16xf32> to vector<16xf32>
        %get3A_143 = arith.index_cast %scan3A_73 : i32 to index
        %get3A_144 = arith.constant 48 : index
        %get3A_145 = tpu.vector_load %arg15[%get3A_143, %get3A_144] {strides = array<i32>} : memref<80x128xf32, #tpu.memory_space<vmem>>, vector<1x16xf32>,
        %get3A_146 = vector.shape_cast %get3A_145 : vector<1x16xf32> to vector<16xf32>
        %add3A_147 = arith.addf %get3A_142, %get3A_146 : vector<16xf32>
        %gt3A_148 = arith.constant 0.000000e+00 : f32
        %gt3A_149 = vector.broadcast %gt3A_148 : f32 to vector<16xf32>
        %gt3A_150 = arith.cmpf ogt, %add3A_147, %gt3A_149 : vector<16xf32>
        %mul3A_151 = arith.constant 2.000000e-01 : f32
        %mul3A_152 = vector.broadcast %mul3A_151 : f32 to vector<16xf32>
        %mul3A_153 = arith.mulf %mul3A_152, %add3A_147 : vector<16xf32>
        %select_n3A_154 = arith.select %gt3A_150, %add3A_147, %mul3A_153 : vector<16xi1>, vector<16xf32>
        %get3A_155 = arith.constant 48 : index
        %get3A_156 = tpu.vector_load %arg9[%get3A_155] {strides = array<i32>} : memref<128xf32, #tpu.memory_space<vmem>>, vector<16xf32>,
        %get3A_157 = vector.shape_cast %get3A_156 : vector<16xf32> to vector<16xf32>
        %mul3A_158 = arith.mulf %select_n3A_154, %get3A_157 : vector<16xf32>
        %add3A_159 = arith.addf %add3A_138, %mul3A_158 : vector<16xf32>
        %get3A_160 = arith.index_cast %scan3A_73 : i32 to index
        %get3A_161 = arith.constant 64 : index
        %get3A_162 = tpu.vector_load %arg14[%get3A_160, %get3A_161] {strides = array<i32>} : memref<80x128xf32, #tpu.memory_space<vmem>>, vector<1x16xf32>,
        %get3A_163 = vector.shape_cast %get3A_162 : vector<1x16xf32> to vector<16xf32>
        %get3A_164 = arith.index_cast %scan3A_73 : i32 to index
        %get3A_165 = arith.constant 64 : index
        %get3A_166 = tpu.vector_load %arg15[%get3A_164, %get3A_165] {strides = array<i32>} : memref<80x128xf32, #tpu.memory_space<vmem>>, vector<1x16xf32>,
        %get3A_167 = vector.shape_cast %get3A_166 : vector<1x16xf32> to vector<16xf32>
        %add3A_168 = arith.addf %get3A_163, %get3A_167 : vector<16xf32>
        %gt3A_169 = arith.constant 0.000000e+00 : f32
        %gt3A_170 = vector.broadcast %gt3A_169 : f32 to vector<16xf32>
        %gt3A_171 = arith.cmpf ogt, %add3A_168, %gt3A_170 : vector<16xf32>
        %mul3A_172 = arith.constant 2.000000e-01 : f32
        %mul3A_173 = vector.broadcast %mul3A_172 : f32 to vector<16xf32>
        %mul3A_174 = arith.mulf %mul3A_173, %add3A_168 : vector<16xf32>
        %select_n3A_175 = arith.select %gt3A_171, %add3A_168, %mul3A_174 : vector<16xi1>, vector<16xf32>
        %get3A_176 = arith.constant 64 : index
        %get3A_177 = tpu.vector_load %arg9[%get3A_176] {strides = array<i32>} : memref<128xf32, #tpu.memory_space<vmem>>, vector<16xf32>,
        %get3A_178 = vector.shape_cast %get3A_177 : vector<16xf32> to vector<16xf32>
        %mul3A_179 = arith.mulf %select_n3A_175, %get3A_178 : vector<16xf32>
        %add3A_180 = arith.addf %broadcast_in_dim3A_77, %mul3A_179 : vector<16xf32>
        %get3A_181 = arith.index_cast %scan3A_73 : i32 to index
        %get3A_182 = arith.constant 80 : index
        %get3A_183 = tpu.vector_load %arg14[%get3A_181, %get3A_182] {strides = array<i32>} : memref<80x128xf32, #tpu.memory_space<vmem>>, vector<1x16xf32>,
        %get3A_184 = vector.shape_cast %get3A_183 : vector<1x16xf32> to vector<16xf32>
        %get3A_185 = arith.index_cast %scan3A_73 : i32 to index
        %get3A_186 = arith.constant 80 : index
        %get3A_187 = tpu.vector_load %arg15[%get3A_185, %get3A_186] {strides = array<i32>} : memref<80x128xf32, #tpu.memory_space<vmem>>, vector<1x16xf32>,
        %get3A_188 = vector.shape_cast %get3A_187 : vector<1x16xf32> to vector<16xf32>
        %add3A_189 = arith.addf %get3A_184, %get3A_188 : vector<16xf32>
        %gt3A_190 = arith.constant 0.000000e+00 : f32
        %gt3A_191 = vector.broadcast %gt3A_190 : f32 to vector<16xf32>
        %gt3A_192 = arith.cmpf ogt, %add3A_189, %gt3A_191 : vector<16xf32>
        %mul3A_193 = arith.constant 2.000000e-01 : f32
        %mul3A_194 = vector.broadcast %mul3A_193 : f32 to vector<16xf32>
        %mul3A_195 = arith.mulf %mul3A_194, %add3A_189 : vector<16xf32>
        %select_n3A_196 = arith.select %gt3A_192, %add3A_189, %mul3A_195 : vector<16xi1>, vector<16xf32>
        %get3A_197 = arith.constant 80 : index
        %get3A_198 = tpu.vector_load %arg9[%get3A_197] {strides = array<i32>} : memref<128xf32, #tpu.memory_space<vmem>>, vector<16xf32>,
        %get3A_199 = vector.shape_cast %get3A_198 : vector<16xf32> to vector<16xf32>
        %mul3A_200 = arith.mulf %select_n3A_196, %get3A_199 : vector<16xf32>
        %add3A_201 = arith.addf %add3A_180, %mul3A_200 : vector<16xf32>
        %get3A_202 = arith.index_cast %scan3A_73 : i32 to index
        %get3A_203 = arith.constant 96 : index
        %get3A_204 = tpu.vector_load %arg14[%get3A_202, %get3A_203] {strides = array<i32>} : memref<80x128xf32, #tpu.memory_space<vmem>>, vector<1x16xf32>,
        %get3A_205 = vector.shape_cast %get3A_204 : vector<1x16xf32> to vector<16xf32>
        %get3A_206 = arith.index_cast %scan3A_73 : i32 to index
        %get3A_207 = arith.constant 96 : index
        %get3A_208 = tpu.vector_load %arg15[%get3A_206, %get3A_207] {strides = array<i32>} : memref<80x128xf32, #tpu.memory_space<vmem>>, vector<1x16xf32>,
        %get3A_209 = vector.shape_cast %get3A_208 : vector<1x16xf32> to vector<16xf32>
        %add3A_210 = arith.addf %get3A_205, %get3A_209 : vector<16xf32>
        %gt3A_211 = arith.constant 0.000000e+00 : f32
        %gt3A_212 = vector.broadcast %gt3A_211 : f32 to vector<16xf32>
        %gt3A_213 = arith.cmpf ogt, %add3A_210, %gt3A_212 : vector<16xf32>
        %mul3A_214 = arith.constant 2.000000e-01 : f32
        %mul3A_215 = vector.broadcast %mul3A_214 : f32 to vector<16xf32>
        %mul3A_216 = arith.mulf %mul3A_215, %add3A_210 : vector<16xf32>
        %select_n3A_217 = arith.select %gt3A_213, %add3A_210, %mul3A_216 : vector<16xi1>, vector<16xf32>
        %get3A_218 = arith.constant 96 : index
        %get3A_219 = tpu.vector_load %arg9[%get3A_218] {strides = array<i32>} : memref<128xf32, #tpu.memory_space<vmem>>, vector<16xf32>,
        %get3A_220 = vector.shape_cast %get3A_219 : vector<16xf32> to vector<16xf32>
        %mul3A_221 = arith.mulf %select_n3A_217, %get3A_220 : vector<16xf32>
        %add3A_222 = arith.addf %add3A_201, %mul3A_221 : vector<16xf32>
        %get3A_223 = arith.index_cast %scan3A_73 : i32 to index
        %get3A_224 = arith.constant 112 : index
        %get3A_225 = tpu.vector_load %arg14[%get3A_223, %get3A_224] {strides = array<i32>} : memref<80x128xf32, #tpu.memory_space<vmem>>, vector<1x16xf32>,
        %get3A_226 = vector.shape_cast %get3A_225 : vector<1x16xf32> to vector<16xf32>
        %get3A_227 = arith.index_cast %scan3A_73 : i32 to index
        %get3A_228 = arith.constant 112 : index
        %get3A_229 = tpu.vector_load %arg15[%get3A_227, %get3A_228] {strides = array<i32>} : memref<80x128xf32, #tpu.memory_space<vmem>>, vector<1x16xf32>,
        %get3A_230 = vector.shape_cast %get3A_229 : vector<1x16xf32> to vector<16xf32>
        %add3A_231 = arith.addf %get3A_226, %get3A_230 : vector<16xf32>
        %gt3A_232 = arith.constant 0.000000e+00 : f32
        %gt3A_233 = vector.broadcast %gt3A_232 : f32 to vector<16xf32>
        %gt3A_234 = arith.cmpf ogt, %add3A_231, %gt3A_233 : vector<16xf32>
        %mul3A_235 = arith.constant 2.000000e-01 : f32
        %mul3A_236 = vector.broadcast %mul3A_235 : f32 to vector<16xf32>
        %mul3A_237 = arith.mulf %mul3A_236, %add3A_231 : vector<16xf32>
        %select_n3A_238 = arith.select %gt3A_234, %add3A_231, %mul3A_237 : vector<16xi1>, vector<16xf32>
        %get3A_239 = arith.constant 112 : index
        %get3A_240 = tpu.vector_load %arg9[%get3A_239] {strides = array<i32>} : memref<128xf32, #tpu.memory_space<vmem>>, vector<16xf32>,
        %get3A_241 = vector.shape_cast %get3A_240 : vector<16xf32> to vector<16xf32>
        %mul3A_242 = arith.mulf %select_n3A_238, %get3A_241 : vector<16xf32>
        %add3A_243 = arith.addf %add3A_222, %mul3A_242 : vector<16xf32>
        %xor3A = arith.constant 8 : i32
        %xor3A_244 = vector.broadcast %xor3A : i32 to vector<16xi32>
        %xor3A_245 = arith.xori %iota3A, %xor3A_244 : vector<16xi32>
        %lt3A_246 = arith.constant 0 : i32
        %lt3A_247 = vector.broadcast %lt3A_246 : i32 to vector<16xi32>
        %lt3A_248 = arith.cmpi slt, %xor3A_245, %lt3A_247 : vector<16xi32>
        %add3A_249 = arith.constant 16 : i32
        %add3A_250 = vector.broadcast %add3A_249 : i32 to vector<16xi32>
        %add3A_251 = arith.addi %xor3A_245, %add3A_250 : vector<16xi32>
        %select_n3A_252 = arith.select %lt3A_248, %add3A_251, %xor3A_245 : vector<16xi1>, vector<16xi32>
        %broadcast_in_dim3A_253 = vector.shape_cast %select_n3A_252 : vector<16xi32> to vector<16x1xi32>
        %gather3A = vector.shape_cast %broadcast_in_dim3A_253 : vector<16x1xi32> to vector<16xi32>
        %gather3A_254 = tpu.dynamic_gather %add3A_159[%gather3A] in [0] : vector<16xf32>, vector<16xi32> -> vector<16xf32>
        %add3A_255 = arith.addf %add3A_159, %gather3A_254 : vector<16xf32>
        %xor3A_256 = arith.constant 4 : i32
        %xor3A_257 = vector.broadcast %xor3A_256 : i32 to vector<16xi32>
        %xor3A_258 = arith.xori %iota3A, %xor3A_257 : vector<16xi32>
        %lt3A_259 = arith.constant 0 : i32
        %lt3A_260 = vector.broadcast %lt3A_259 : i32 to vector<16xi32>
        %lt3A_261 = arith.cmpi slt, %xor3A_258, %lt3A_260 : vector<16xi32>
        %add3A_262 = arith.constant 16 : i32
        %add3A_263 = vector.broadcast %add3A_262 : i32 to vector<16xi32>
        %add3A_264 = arith.addi %xor3A_258, %add3A_263 : vector<16xi32>
        %select_n3A_265 = arith.select %lt3A_261, %add3A_264, %xor3A_258 : vector<16xi1>, vector<16xi32>
        %broadcast_in_dim3A_266 = vector.shape_cast %select_n3A_265 : vector<16xi32> to vector<16x1xi32>
        %gather3A_267 = vector.shape_cast %broadcast_in_dim3A_266 : vector<16x1xi32> to vector<16xi32>
        %gather3A_268 = tpu.dynamic_gather %add3A_255[%gather3A_267] in [0] : vector<16xf32>, vector<16xi32> -> vector<16xf32>
        %add3A_269 = arith.addf %add3A_255, %gather3A_268 : vector<16xf32>
        %xor3A_270 = arith.constant 2 : i32
        %xor3A_271 = vector.broadcast %xor3A_270 : i32 to vector<16xi32>
        %xor3A_272 = arith.xori %iota3A, %xor3A_271 : vector<16xi32>
        %lt3A_273 = arith.constant 0 : i32
        %lt3A_274 = vector.broadcast %lt3A_273 : i32 to vector<16xi32>
        %lt3A_275 = arith.cmpi slt, %xor3A_272, %lt3A_274 : vector<16xi32>
        %add3A_276 = arith.constant 16 : i32
        %add3A_277 = vector.broadcast %add3A_276 : i32 to vector<16xi32>
        %add3A_278 = arith.addi %xor3A_272, %add3A_277 : vector<16xi32>
        %select_n3A_279 = arith.select %lt3A_275, %add3A_278, %xor3A_272 : vector<16xi1>, vector<16xi32>
        %broadcast_in_dim3A_280 = vector.shape_cast %select_n3A_279 : vector<16xi32> to vector<16x1xi32>
        %gather3A_281 = vector.shape_cast %broadcast_in_dim3A_280 : vector<16x1xi32> to vector<16xi32>
        %gather3A_282 = tpu.dynamic_gather %add3A_269[%gather3A_281] in [0] : vector<16xf32>, vector<16xi32> -> vector<16xf32>
        %add3A_283 = arith.addf %add3A_269, %gather3A_282 : vector<16xf32>
        %xor3A_284 = arith.constant 1 : i32
        %xor3A_285 = vector.broadcast %xor3A_284 : i32 to vector<16xi32>
        %xor3A_286 = arith.xori %iota3A, %xor3A_285 : vector<16xi32>
        %lt3A_287 = arith.constant 0 : i32
        %lt3A_288 = vector.broadcast %lt3A_287 : i32 to vector<16xi32>
        %lt3A_289 = arith.cmpi slt, %xor3A_286, %lt3A_288 : vector<16xi32>
        %add3A_290 = arith.constant 16 : i32
        %add3A_291 = vector.broadcast %add3A_290 : i32 to vector<16xi32>
        %add3A_292 = arith.addi %xor3A_286, %add3A_291 : vector<16xi32>
        %select_n3A_293 = arith.select %lt3A_289, %add3A_292, %xor3A_286 : vector<16xi1>, vector<16xi32>
        %broadcast_in_dim3A_294 = vector.shape_cast %select_n3A_293 : vector<16xi32> to vector<16x1xi32>
        %gather3A_295 = vector.shape_cast %broadcast_in_dim3A_294 : vector<16x1xi32> to vector<16xi32>
        %gather3A_296 = tpu.dynamic_gather %add3A_283[%gather3A_295] in [0] : vector<16xf32>, vector<16xi32> -> vector<16xf32>
        %add3A_297 = arith.addf %add3A_283, %gather3A_296 : vector<16xf32>
        %exp3A = math.exp %add3A_297 : vector<16xf32>
        %xor3A_298 = arith.constant 8 : i32
        %xor3A_299 = vector.broadcast %xor3A_298 : i32 to vector<16xi32>
        %xor3A_300 = arith.xori %iota3A, %xor3A_299 : vector<16xi32>
        %lt3A_301 = arith.constant 0 : i32
        %lt3A_302 = vector.broadcast %lt3A_301 : i32 to vector<16xi32>
        %lt3A_303 = arith.cmpi slt, %xor3A_300, %lt3A_302 : vector<16xi32>
        %add3A_304 = arith.constant 16 : i32
        %add3A_305 = vector.broadcast %add3A_304 : i32 to vector<16xi32>
        %add3A_306 = arith.addi %xor3A_300, %add3A_305 : vector<16xi32>
        %select_n3A_307 = arith.select %lt3A_303, %add3A_306, %xor3A_300 : vector<16xi1>, vector<16xi32>
        %broadcast_in_dim3A_308 = vector.shape_cast %select_n3A_307 : vector<16xi32> to vector<16x1xi32>
        %gather3A_309 = vector.shape_cast %broadcast_in_dim3A_308 : vector<16x1xi32> to vector<16xi32>
        %gather3A_310 = tpu.dynamic_gather %add3A_243[%gather3A_309] in [0] : vector<16xf32>, vector<16xi32> -> vector<16xf32>
        %add3A_311 = arith.addf %add3A_243, %gather3A_310 : vector<16xf32>
        %xor3A_312 = arith.constant 4 : i32
        %xor3A_313 = vector.broadcast %xor3A_312 : i32 to vector<16xi32>
        %xor3A_314 = arith.xori %iota3A, %xor3A_313 : vector<16xi32>
        %lt3A_315 = arith.constant 0 : i32
        %lt3A_316 = vector.broadcast %lt3A_315 : i32 to vector<16xi32>
        %lt3A_317 = arith.cmpi slt, %xor3A_314, %lt3A_316 : vector<16xi32>
        %add3A_318 = arith.constant 16 : i32
        %add3A_319 = vector.broadcast %add3A_318 : i32 to vector<16xi32>
        %add3A_320 = arith.addi %xor3A_314, %add3A_319 : vector<16xi32>
        %select_n3A_321 = arith.select %lt3A_317, %add3A_320, %xor3A_314 : vector<16xi1>, vector<16xi32>
        %broadcast_in_dim3A_322 = vector.shape_cast %select_n3A_321 : vector<16xi32> to vector<16x1xi32>
        %gather3A_323 = vector.shape_cast %broadcast_in_dim3A_322 : vector<16x1xi32> to vector<16xi32>
        %gather3A_324 = tpu.dynamic_gather %add3A_311[%gather3A_323] in [0] : vector<16xf32>, vector<16xi32> -> vector<16xf32>
        %add3A_325 = arith.addf %add3A_311, %gather3A_324 : vector<16xf32>
        %xor3A_326 = arith.constant 2 : i32
        %xor3A_327 = vector.broadcast %xor3A_326 : i32 to vector<16xi32>
        %xor3A_328 = arith.xori %iota3A, %xor3A_327 : vector<16xi32>
        %lt3A_329 = arith.constant 0 : i32
        %lt3A_330 = vector.broadcast %lt3A_329 : i32 to vector<16xi32>
        %lt3A_331 = arith.cmpi slt, %xor3A_328, %lt3A_330 : vector<16xi32>
        %add3A_332 = arith.constant 16 : i32
        %add3A_333 = vector.broadcast %add3A_332 : i32 to vector<16xi32>
        %add3A_334 = arith.addi %xor3A_328, %add3A_333 : vector<16xi32>
        %select_n3A_335 = arith.select %lt3A_331, %add3A_334, %xor3A_328 : vector<16xi1>, vector<16xi32>
        %broadcast_in_dim3A_336 = vector.shape_cast %select_n3A_335 : vector<16xi32> to vector<16x1xi32>
        %gather3A_337 = vector.shape_cast %broadcast_in_dim3A_336 : vector<16x1xi32> to vector<16xi32>
        %gather3A_338 = tpu.dynamic_gather %add3A_325[%gather3A_337] in [0] : vector<16xf32>, vector<16xi32> -> vector<16xf32>
        %add3A_339 = arith.addf %add3A_325, %gather3A_338 : vector<16xf32>
        %xor3A_340 = arith.constant 1 : i32
        %xor3A_341 = vector.broadcast %xor3A_340 : i32 to vector<16xi32>
        %xor3A_342 = arith.xori %iota3A, %xor3A_341 : vector<16xi32>
        %lt3A_343 = arith.constant 0 : i32
        %lt3A_344 = vector.broadcast %lt3A_343 : i32 to vector<16xi32>
        %lt3A_345 = arith.cmpi slt, %xor3A_342, %lt3A_344 : vector<16xi32>
        %add3A_346 = arith.constant 16 : i32
        %add3A_347 = vector.broadcast %add3A_346 : i32 to vector<16xi32>
        %add3A_348 = arith.addi %xor3A_342, %add3A_347 : vector<16xi32>
        %select_n3A_349 = arith.select %lt3A_345, %add3A_348, %xor3A_342 : vector<16xi1>, vector<16xi32>
        %broadcast_in_dim3A_350 = vector.shape_cast %select_n3A_349 : vector<16xi32> to vector<16x1xi32>
        %gather3A_351 = vector.shape_cast %broadcast_in_dim3A_350 : vector<16x1xi32> to vector<16xi32>
        %gather3A_352 = tpu.dynamic_gather %add3A_339[%gather3A_351] in [0] : vector<16xf32>, vector<16xi32> -> vector<16xf32>
        %add3A_353 = arith.addf %add3A_339, %gather3A_352 : vector<16xf32>
        %exp3A_354 = math.exp %add3A_353 : vector<16xf32>
        %get3A_355 = arith.index_cast %scan3A_73 : i32 to index
        %get3A_356 = arith.constant 0 : index
        %get3A_357 = tpu.vector_load %arg14[%get3A_355, %get3A_356] {strides = array<i32>} : memref<80x128xf32, #tpu.memory_space<vmem>>, vector<1x16xf32>,
        %get3A_358 = vector.shape_cast %get3A_357 : vector<1x16xf32> to vector<16xf32>
        %mul3A_359 = arith.mulf %get3A_358, %exp3A : vector<16xf32>
        %swap3A = arith.index_cast %scan3A_73 : i32 to index
        %swap3A_360 = arith.constant 0 : index
        %swap3A_361 = tpu.vector_load %arg16[%swap3A, %swap3A_360] {strides = array<i32>} : memref<80x144xf32, #tpu.memory_space<vmem>>, vector<1x16xf32>,
        %swap3A_362 = vector.shape_cast %swap3A_361 : vector<1x16xf32> to vector<16xf32>
        %swap3A_363 = vector.shape_cast %mul3A_359 : vector<16xf32> to vector<1x16xf32>
        tpu.vector_store %arg16[%swap3A, %swap3A_360], %swap3A_363 {strides = array<i32>} : memref<80x144xf32, #tpu.memory_space<vmem>>, vector<1x16xf32>,
        %get3A_364 = arith.index_cast %scan3A_73 : i32 to index
        %get3A_365 = arith.constant 16 : index
        %get3A_366 = tpu.vector_load %arg14[%get3A_364, %get3A_365] {strides = array<i32>} : memref<80x128xf32, #tpu.memory_space<vmem>>, vector<1x16xf32>,
        %get3A_367 = vector.shape_cast %get3A_366 : vector<1x16xf32> to vector<16xf32>
        %mul3A_368 = arith.mulf %get3A_367, %exp3A : vector<16xf32>
        %swap3A_369 = arith.index_cast %scan3A_73 : i32 to index
        %swap3A_370 = arith.constant 16 : index
        %swap3A_371 = tpu.vector_load %arg16[%swap3A_369, %swap3A_370] {strides = array<i32>} : memref<80x144xf32, #tpu.memory_space<vmem>>, vector<1x16xf32>,
        %swap3A_372 = vector.shape_cast %swap3A_371 : vector<1x16xf32> to vector<16xf32>
        %swap3A_373 = vector.shape_cast %mul3A_368 : vector<16xf32> to vector<1x16xf32>
        tpu.vector_store %arg16[%swap3A_369, %swap3A_370], %swap3A_373 {strides = array<i32>} : memref<80x144xf32, #tpu.memory_space<vmem>>, vector<1x16xf32>,
        %get3A_374 = arith.index_cast %scan3A_73 : i32 to index
        %get3A_375 = arith.constant 32 : index
        %get3A_376 = tpu.vector_load %arg14[%get3A_374, %get3A_375] {strides = array<i32>} : memref<80x128xf32, #tpu.memory_space<vmem>>, vector<1x16xf32>,
        %get3A_377 = vector.shape_cast %get3A_376 : vector<1x16xf32> to vector<16xf32>
        %mul3A_378 = arith.mulf %get3A_377, %exp3A : vector<16xf32>
        %swap3A_379 = arith.index_cast %scan3A_73 : i32 to index
        %swap3A_380 = arith.constant 32 : index
        %swap3A_381 = tpu.vector_load %arg16[%swap3A_379, %swap3A_380] {strides = array<i32>} : memref<80x144xf32, #tpu.memory_space<vmem>>, vector<1x16xf32>,
        %swap3A_382 = vector.shape_cast %swap3A_381 : vector<1x16xf32> to vector<16xf32>
        %swap3A_383 = vector.shape_cast %mul3A_378 : vector<16xf32> to vector<1x16xf32>
        tpu.vector_store %arg16[%swap3A_379, %swap3A_380], %swap3A_383 {strides = array<i32>} : memref<80x144xf32, #tpu.memory_space<vmem>>, vector<1x16xf32>,
        %get3A_384 = arith.index_cast %scan3A_73 : i32 to index
        %get3A_385 = arith.constant 48 : index
        %get3A_386 = tpu.vector_load %arg14[%get3A_384, %get3A_385] {strides = array<i32>} : memref<80x128xf32, #tpu.memory_space<vmem>>, vector<1x16xf32>,
        %get3A_387 = vector.shape_cast %get3A_386 : vector<1x16xf32> to vector<16xf32>
        %mul3A_388 = arith.mulf %get3A_387, %exp3A : vector<16xf32>
        %swap3A_389 = arith.index_cast %scan3A_73 : i32 to index
        %swap3A_390 = arith.constant 48 : index
        %swap3A_391 = tpu.vector_load %arg16[%swap3A_389, %swap3A_390] {strides = array<i32>} : memref<80x144xf32, #tpu.memory_space<vmem>>, vector<1x16xf32>,
        %swap3A_392 = vector.shape_cast %swap3A_391 : vector<1x16xf32> to vector<16xf32>
        %swap3A_393 = vector.shape_cast %mul3A_388 : vector<16xf32> to vector<1x16xf32>
        tpu.vector_store %arg16[%swap3A_389, %swap3A_390], %swap3A_393 {strides = array<i32>} : memref<80x144xf32, #tpu.memory_space<vmem>>, vector<1x16xf32>,
        %get3A_394 = arith.index_cast %scan3A_73 : i32 to index
        %get3A_395 = arith.constant 64 : index
        %get3A_396 = tpu.vector_load %arg14[%get3A_394, %get3A_395] {strides = array<i32>} : memref<80x128xf32, #tpu.memory_space<vmem>>, vector<1x16xf32>,
        %get3A_397 = vector.shape_cast %get3A_396 : vector<1x16xf32> to vector<16xf32>
        %mul3A_398 = arith.mulf %get3A_397, %exp3A_354 : vector<16xf32>
        %swap3A_399 = arith.index_cast %scan3A_73 : i32 to index
        %swap3A_400 = arith.constant 64 : index
        %swap3A_401 = tpu.vector_load %arg16[%swap3A_399, %swap3A_400] {strides = array<i32>} : memref<80x144xf32, #tpu.memory_space<vmem>>, vector<1x16xf32>,
        %swap3A_402 = vector.shape_cast %swap3A_401 : vector<1x16xf32> to vector<16xf32>
        %swap3A_403 = vector.shape_cast %mul3A_398 : vector<16xf32> to vector<1x16xf32>
        tpu.vector_store %arg16[%swap3A_399, %swap3A_400], %swap3A_403 {strides = array<i32>} : memref<80x144xf32, #tpu.memory_space<vmem>>, vector<1x16xf32>,
        %get3A_404 = arith.index_cast %scan3A_73 : i32 to index
        %get3A_405 = arith.constant 80 : index
        %get3A_406 = tpu.vector_load %arg14[%get3A_404, %get3A_405] {strides = array<i32>} : memref<80x128xf32, #tpu.memory_space<vmem>>, vector<1x16xf32>,
        %get3A_407 = vector.shape_cast %get3A_406 : vector<1x16xf32> to vector<16xf32>
        %mul3A_408 = arith.mulf %get3A_407, %exp3A_354 : vector<16xf32>
        %swap3A_409 = arith.index_cast %scan3A_73 : i32 to index
        %swap3A_410 = arith.constant 80 : index
        %swap3A_411 = tpu.vector_load %arg16[%swap3A_409, %swap3A_410] {strides = array<i32>} : memref<80x144xf32, #tpu.memory_space<vmem>>, vector<1x16xf32>,
        %swap3A_412 = vector.shape_cast %swap3A_411 : vector<1x16xf32> to vector<16xf32>
        %swap3A_413 = vector.shape_cast %mul3A_408 : vector<16xf32> to vector<1x16xf32>
        tpu.vector_store %arg16[%swap3A_409, %swap3A_410], %swap3A_413 {strides = array<i32>} : memref<80x144xf32, #tpu.memory_space<vmem>>, vector<1x16xf32>,
        %get3A_414 = arith.index_cast %scan3A_73 : i32 to index
        %get3A_415 = arith.constant 96 : index
        %get3A_416 = tpu.vector_load %arg14[%get3A_414, %get3A_415] {strides = array<i32>} : memref<80x128xf32, #tpu.memory_space<vmem>>, vector<1x16xf32>,
        %get3A_417 = vector.shape_cast %get3A_416 : vector<1x16xf32> to vector<16xf32>
        %mul3A_418 = arith.mulf %get3A_417, %exp3A_354 : vector<16xf32>
        %swap3A_419 = arith.index_cast %scan3A_73 : i32 to index
        %swap3A_420 = arith.constant 96 : index
        %swap3A_421 = tpu.vector_load %arg16[%swap3A_419, %swap3A_420] {strides = array<i32>} : memref<80x144xf32, #tpu.memory_space<vmem>>, vector<1x16xf32>,
        %swap3A_422 = vector.shape_cast %swap3A_421 : vector<1x16xf32> to vector<16xf32>
        %swap3A_423 = vector.shape_cast %mul3A_418 : vector<16xf32> to vector<1x16xf32>
        tpu.vector_store %arg16[%swap3A_419, %swap3A_420], %swap3A_423 {strides = array<i32>} : memref<80x144xf32, #tpu.memory_space<vmem>>, vector<1x16xf32>,
        %get3A_424 = arith.index_cast %scan3A_73 : i32 to index
        %get3A_425 = arith.constant 112 : index
        %get3A_426 = tpu.vector_load %arg14[%get3A_424, %get3A_425] {strides = array<i32>} : memref<80x128xf32, #tpu.memory_space<vmem>>, vector<1x16xf32>,
        %get3A_427 = vector.shape_cast %get3A_426 : vector<1x16xf32> to vector<16xf32>
        %mul3A_428 = arith.mulf %get3A_427, %exp3A_354 : vector<16xf32>
        %swap3A_429 = arith.index_cast %scan3A_73 : i32 to index
        %swap3A_430 = arith.constant 112 : index
        %swap3A_431 = tpu.vector_load %arg16[%swap3A_429, %swap3A_430] {strides = array<i32>} : memref<80x144xf32, #tpu.memory_space<vmem>>, vector<1x16xf32>,
        %swap3A_432 = vector.shape_cast %swap3A_431 : vector<1x16xf32> to vector<16xf32>
        %swap3A_433 = vector.shape_cast %mul3A_428 : vector<16xf32> to vector<1x16xf32>
        tpu.vector_store %arg16[%swap3A_429, %swap3A_430], %swap3A_433 {strides = array<i32>} : memref<80x144xf32, #tpu.memory_space<vmem>>, vector<1x16xf32>,
        %eq3A = arith.constant 0 : i32
        %eq3A_434 = vector.broadcast %eq3A : i32 to vector<16xi32>
        %eq3A_435 = arith.cmpi eq, %iota3A, %eq3A_434 : vector<16xi32>
        %eq3A_436 = arith.constant 1 : i32
        %eq3A_437 = vector.broadcast %eq3A_436 : i32 to vector<16xi32>
        %eq3A_438 = arith.cmpi eq, %iota3A, %eq3A_437 : vector<16xi32>
        %jit3A_439 = arith.constant 0.000000e+00 : f32
        %broadcast_in_dim3A_440 = vector.broadcast %jit3A_439 : f32 to vector<16xf32>
        %select_n3A_441 = arith.select %eq3A_438, %exp3A_354, %broadcast_in_dim3A_440 : vector<16xi1>, vector<16xf32>
        %select_n3A_442 = arith.select %eq3A_435, %exp3A, %select_n3A_441 : vector<16xi1>, vector<16xf32>
        %swap3A_443 = arith.index_cast %scan3A_73 : i32 to index
        %swap3A_444 = arith.constant 128 : index
        %swap3A_445 = tpu.vector_load %arg16[%swap3A_443, %swap3A_444] {strides = array<i32>} : memref<80x144xf32, #tpu.memory_space<vmem>>, vector<1x16xf32>,
        %swap3A_446 = vector.shape_cast %swap3A_445 : vector<1x16xf32> to vector<16xf32>
        %swap3A_447 = vector.shape_cast %select_n3A_442 : vector<16xf32> to vector<1x16xf32>
        tpu.vector_store %arg16[%swap3A_443, %swap3A_444], %swap3A_447 {strides = array<i32>} : memref<80x144xf32, #tpu.memory_space<vmem>>, vector<1x16xf32>,
        %scan3A_448 = arith.constant 0 : i32
        scf.yield %scan3A_448 : i32
      }
      %scan3A_71 = arith.constant 80 : i32
      "tpu.region"() ({
        %run_scoped3A = tpu.sem_alloc : memref<!tpu.dma_semaphore, #tpu.memory_space<semaphore_mem>>
        %dma_start3A_73 = arith.constant 0 : i32
        %dma_start3A_74 = arith.constant 0 : i32
        %dma_start3A_75 = tpu.memref_slice %arg8[%dma_start3A_73, %dma_start3A_74] : memref<10000x144xf32, #tpu.memory_space<vmem_shared>> -> memref<10000x144xf32, #tpu.memory_space<vmem_shared>>
        tpu.enqueue_indirect_dma source(%arg16 : memref<80x144xf32, #tpu.memory_space<vmem>>) target(%dma_start3A_75 : memref<10000x144xf32, #tpu.memory_space<vmem_shared>>) offsets(%arg11 : memref<80xi32, #tpu.memory_space<vmem>>) semaphore(%run_scoped3A : memref<!tpu.dma_semaphore, #tpu.memory_space<semaphore_mem>>) {add = true}
        %dma_wait3A_76 = arith.constant 0 : i32
        %dma_wait3A_77 = arith.constant 0 : i32
        %dma_wait3A_78 = tpu.memref_slice %arg8[%dma_wait3A_76, %dma_wait3A_77] : memref<10000x144xf32, #tpu.memory_space<vmem_shared>> -> memref<10000x144xf32, #tpu.memory_space<vmem_shared>>
        tpu.wait_indirect_dma semaphore(%run_scoped3A : memref<!tpu.dma_semaphore, #tpu.memory_space<semaphore_mem>>) src(%arg16 : memref<80x144xf32, #tpu.memory_space<vmem>>) dst(%dma_wait3A_78 : memref<10000x144xf32, #tpu.memory_space<vmem_shared>>)
        tpu.yield
      }) : () -> ()
      %scan3A_72 = arith.constant 0 : i32
      scf.yield %scan3A_72 : i32
    }
    %scan3A_27 = arith.constant 125 : i32
    %barrier3A_28 = arith.constant 0 : index
    tpu.barrier barrier_id(%barrier3A_28)
    %while3A_29 = arith.constant 0 : i32
    %while3A_30 = arith.constant 0 : i32
    %while3A_31 = arith.subi %select_n3A, %while3A_29 : i32
    %while3A_32 = arith.addi %while3A_29, %while3A_31 : i32
    %while3A_33 = arith.constant 1 : i32
    %while3A_34 = arith.divsi %while3A_31, %while3A_33 : i32
    %while3A_35 = arith.muli %while3A_34, %while3A_33 : i32
    %while3A_36 = arith.addi %while3A_29, %while3A_35 : i32
    %while3A_37 = arith.constant 1 : i32
    %while3A_38 = scf.for %while3A_41 = %while3A_29 to %while3A_36 step %while3A_37 iter_args(%while3A_42 = %while3A_30) -> (i32)  : i32 {
      %mul3A_43 = arith.constant 632 : i32
      %mul3A_44 = arith.muli %arg1, %mul3A_43 : i32
      %mul3A_45 = arith.constant 8 : i32
      %mul3A_46 = arith.muli %while3A_41, %mul3A_45 : i32
      %add3A_47 = arith.addi %mul3A_44, %mul3A_46 : i32
      %multiple_of3A = tpu.assume_multiple %add3A_47, 8 : i32
      "tpu.region"() ({
        %run_scoped3A = tpu.sem_alloc : memref<!tpu.dma_semaphore, #tpu.memory_space<semaphore_mem>>
        %dma_start3A = arith.constant 0 : i32
        %dma_start3A_49 = tpu.memref_slice %arg7[%arg0, %multiple_of3A, %dma_start3A] : memref<2x10000x144xf32, #tpu.memory_space<hbm>> -> memref<1x8x144xf32, #tpu.memory_space<hbm>>
        %dma_start3A_50 = tpu.memref_squeeze %dma_start3A_49 : memref<1x8x144xf32, #tpu.memory_space<hbm>> -> memref<8x144xf32, #tpu.memory_space<hbm>>
        %dma_start3A_51 = arith.constant 0 : i32
        %dma_start3A_52 = tpu.memref_slice %arg8[%multiple_of3A, %dma_start3A_51] : memref<10000x144xf32, #tpu.memory_space<vmem_shared>> -> memref<8x144xf32, #tpu.memory_space<vmem_shared>>
        tpu.enqueue_dma source(%dma_start3A_52 : memref<8x144xf32, #tpu.memory_space<vmem_shared>>) target(%dma_start3A_50 : memref<8x144xf32, #tpu.memory_space<hbm>>) target_semaphore(%run_scoped3A : memref<!tpu.dma_semaphore, #tpu.memory_space<semaphore_mem>>)
        %dma_wait3A = arith.constant 0 : i32
        %dma_wait3A_53 = tpu.memref_slice %arg7[%arg0, %multiple_of3A, %dma_wait3A] : memref<2x10000x144xf32, #tpu.memory_space<hbm>> -> memref<1x8x144xf32, #tpu.memory_space<hbm>>
        %dma_wait3A_54 = tpu.memref_squeeze %dma_wait3A_53 : memref<1x8x144xf32, #tpu.memory_space<hbm>> -> memref<8x144xf32, #tpu.memory_space<hbm>>
        %dma_wait3A_55 = arith.constant 0 : i32
        %dma_wait3A_56 = tpu.memref_slice %arg8[%multiple_of3A, %dma_wait3A_55] : memref<10000x144xf32, #tpu.memory_space<vmem_shared>> -> memref<8x144xf32, #tpu.memory_space<vmem_shared>>
        tpu.wait_dma2 semaphore(%run_scoped3A : memref<!tpu.dma_semaphore, #tpu.memory_space<semaphore_mem>>) src(%dma_wait3A_56 : memref<8x144xf32, #tpu.memory_space<vmem_shared>>) dst(%dma_wait3A_54 : memref<8x144xf32, #tpu.memory_space<hbm>>)
        tpu.yield
      }) : () -> ()
      %while3A_48 = arith.constant 0 : i32
      scf.yield %while3A_48 : i32
    }
    %while3A_39 = arith.constant 1 : i32
    %while3A_40 = scf.for %while3A_41 = %while3A_36 to %while3A_32 step %while3A_39 iter_args(%while3A_42 = %while3A_38) -> (i32)  : i32 {
      %mul3A_43 = arith.constant 632 : i32
      %mul3A_44 = arith.muli %arg1, %mul3A_43 : i32
      %mul3A_45 = arith.constant 8 : i32
      %mul3A_46 = arith.muli %while3A_41, %mul3A_45 : i32
      %add3A_47 = arith.addi %mul3A_44, %mul3A_46 : i32
      %multiple_of3A = tpu.assume_multiple %add3A_47, 8 : i32
      "tpu.region"() ({
        %run_scoped3A = tpu.sem_alloc : memref<!tpu.dma_semaphore, #tpu.memory_space<semaphore_mem>>
        %dma_start3A = arith.constant 0 : i32
        %dma_start3A_49 = tpu.memref_slice %arg7[%arg0, %multiple_of3A, %dma_start3A] : memref<2x10000x144xf32, #tpu.memory_space<hbm>> -> memref<1x8x144xf32, #tpu.memory_space<hbm>>
        %dma_start3A_50 = tpu.memref_squeeze %dma_start3A_49 : memref<1x8x144xf32, #tpu.memory_space<hbm>> -> memref<8x144xf32, #tpu.memory_space<hbm>>
        %dma_start3A_51 = arith.constant 0 : i32
        %dma_start3A_52 = tpu.memref_slice %arg8[%multiple_of3A, %dma_start3A_51] : memref<10000x144xf32, #tpu.memory_space<vmem_shared>> -> memref<8x144xf32, #tpu.memory_space<vmem_shared>>
        tpu.enqueue_dma source(%dma_start3A_52 : memref<8x144xf32, #tpu.memory_space<vmem_shared>>) target(%dma_start3A_50 : memref<8x144xf32, #tpu.memory_space<hbm>>) target_semaphore(%run_scoped3A : memref<!tpu.dma_semaphore, #tpu.memory_space<semaphore_mem>>)
        %dma_wait3A = arith.constant 0 : i32
        %dma_wait3A_53 = tpu.memref_slice %arg7[%arg0, %multiple_of3A, %dma_wait3A] : memref<2x10000x144xf32, #tpu.memory_space<hbm>> -> memref<1x8x144xf32, #tpu.memory_space<hbm>>
        %dma_wait3A_54 = tpu.memref_squeeze %dma_wait3A_53 : memref<1x8x144xf32, #tpu.memory_space<hbm>> -> memref<8x144xf32, #tpu.memory_space<hbm>>
        %dma_wait3A_55 = arith.constant 0 : i32
        %dma_wait3A_56 = tpu.memref_slice %arg8[%multiple_of3A, %dma_wait3A_55] : memref<10000x144xf32, #tpu.memory_space<vmem_shared>> -> memref<8x144xf32, #tpu.memory_space<vmem_shared>>
        tpu.wait_dma2 semaphore(%run_scoped3A : memref<!tpu.dma_semaphore, #tpu.memory_space<semaphore_mem>>) src(%dma_wait3A_56 : memref<8x144xf32, #tpu.memory_space<vmem_shared>>) dst(%dma_wait3A_54 : memref<8x144xf32, #tpu.memory_space<hbm>>)
        tpu.yield
      }) : () -> ()
      %while3A_48 = arith.constant 0 : i32
      scf.yield %while3A_48 : i32
    }
    return
  }
}

#map = affine_map<(d0, d1) -> (0, 0)>
#map1 = affine_map<(d0, d1) -> (0)>
#map2 = affine_map<(d0, d1) -> (0, 0, 0)>
module attributes {stable_mosaic.version = 14 : i64} {
  func.func @_edge_kernel_body(%arg0: i32, %arg1: i32, %arg2: memref<10000x64xf32, #tpu.memory_space<hbm>>, %arg3: memref<10000x64xf32, #tpu.memory_space<hbm>>, %arg4: memref<160000xi32, #tpu.memory_space<hbm>>, %arg5: memref<160000xi32, #tpu.memory_space<hbm>>, %arg6: memref<1x64xf32, #tpu.memory_space<hbm>>, %arg7: memref<2x10000x80xf32, #tpu.memory_space<hbm>>, %arg8: memref<10000x80xf32, #tpu.memory_space<vmem_shared>>, %arg9: memref<64xf32, #tpu.memory_space<vmem>>, %arg10: memref<200xi32, #tpu.memory_space<vmem>>, %arg11: memref<200xi32, #tpu.memory_space<vmem>>, %arg12: memref<200xi32, #tpu.memory_space<vmem>>, %arg13: memref<200xi32, #tpu.memory_space<vmem>>, %arg14: memref<200x64xf32, #tpu.memory_space<vmem>>, %arg15: memref<200x64xf32, #tpu.memory_space<vmem>>, %arg16: memref<200x80xf32, #tpu.memory_space<vmem>>, %arg17: memref<8x80xf32, #tpu.memory_space<vmem>>, %arg18: memref<!tpu.dma_semaphore, #tpu.memory_space<semaphore_mem>>, %arg19: memref<!tpu.dma_semaphore, #tpu.memory_space<semaphore_mem>>) attributes {dimension_semantics = [#tpu.dimension_semantics<core_parallel>, #tpu.dimension_semantics<subcore_parallel>], iteration_bounds = array<i64: 2, 16>, scalar_prefetch = 0 : i64, scratch_operands = 12 : i64, tpu.core_type = #tpu.core_type<sc_vector_subcore>, window_params = [{transform_indices = #map}, {transform_indices = #map}, {transform_indices = #map1}, {transform_indices = #map1}, {transform_indices = #map}, {transform_indices = #map2}]} {
    %scan3A = arith.constant 0 : i32
    %scan3A_0 = arith.constant 0 : i32
    %scan3A_1 = arith.constant 8 : i32
    %scan3A_2 = arith.addi %scan3A_0, %scan3A_1 : i32
    %scan3A_3 = arith.constant 1 : i32
    %scan3A_4 = scf.for %scan3A_42 = %scan3A_0 to %scan3A_2 step %scan3A_3 iter_args(%scan3A_43 = %scan3A) -> (i32)  : i32 {
      %broadcast_in_dim3A = arith.constant 0.000000e+00 : f32
      %broadcast_in_dim3A_44 = vector.broadcast %broadcast_in_dim3A : f32 to vector<16xf32>
      %swap3A = arith.index_cast %scan3A_42 : i32 to index
      %swap3A_45 = arith.constant 0 : index
      %swap3A_46 = tpu.vector_load %arg17[%swap3A, %swap3A_45] {strides = array<i32>} : memref<8x80xf32, #tpu.memory_space<vmem>>, vector<1x16xf32>,
      %swap3A_47 = vector.shape_cast %swap3A_46 : vector<1x16xf32> to vector<16xf32>
      %swap3A_48 = vector.shape_cast %broadcast_in_dim3A_44 : vector<16xf32> to vector<1x16xf32>
      tpu.vector_store %arg17[%swap3A, %swap3A_45], %swap3A_48 {strides = array<i32>} : memref<8x80xf32, #tpu.memory_space<vmem>>, vector<1x16xf32>,
      %broadcast_in_dim3A_49 = arith.constant 0.000000e+00 : f32
      %broadcast_in_dim3A_50 = vector.broadcast %broadcast_in_dim3A_49 : f32 to vector<16xf32>
      %swap3A_51 = arith.index_cast %scan3A_42 : i32 to index
      %swap3A_52 = arith.constant 16 : index
      %swap3A_53 = tpu.vector_load %arg17[%swap3A_51, %swap3A_52] {strides = array<i32>} : memref<8x80xf32, #tpu.memory_space<vmem>>, vector<1x16xf32>,
      %swap3A_54 = vector.shape_cast %swap3A_53 : vector<1x16xf32> to vector<16xf32>
      %swap3A_55 = vector.shape_cast %broadcast_in_dim3A_50 : vector<16xf32> to vector<1x16xf32>
      tpu.vector_store %arg17[%swap3A_51, %swap3A_52], %swap3A_55 {strides = array<i32>} : memref<8x80xf32, #tpu.memory_space<vmem>>, vector<1x16xf32>,
      %broadcast_in_dim3A_56 = arith.constant 0.000000e+00 : f32
      %broadcast_in_dim3A_57 = vector.broadcast %broadcast_in_dim3A_56 : f32 to vector<16xf32>
      %swap3A_58 = arith.index_cast %scan3A_42 : i32 to index
      %swap3A_59 = arith.constant 32 : index
      %swap3A_60 = tpu.vector_load %arg17[%swap3A_58, %swap3A_59] {strides = array<i32>} : memref<8x80xf32, #tpu.memory_space<vmem>>, vector<1x16xf32>,
      %swap3A_61 = vector.shape_cast %swap3A_60 : vector<1x16xf32> to vector<16xf32>
      %swap3A_62 = vector.shape_cast %broadcast_in_dim3A_57 : vector<16xf32> to vector<1x16xf32>
      tpu.vector_store %arg17[%swap3A_58, %swap3A_59], %swap3A_62 {strides = array<i32>} : memref<8x80xf32, #tpu.memory_space<vmem>>, vector<1x16xf32>,
      %broadcast_in_dim3A_63 = arith.constant 0.000000e+00 : f32
      %broadcast_in_dim3A_64 = vector.broadcast %broadcast_in_dim3A_63 : f32 to vector<16xf32>
      %swap3A_65 = arith.index_cast %scan3A_42 : i32 to index
      %swap3A_66 = arith.constant 48 : index
      %swap3A_67 = tpu.vector_load %arg17[%swap3A_65, %swap3A_66] {strides = array<i32>} : memref<8x80xf32, #tpu.memory_space<vmem>>, vector<1x16xf32>,
      %swap3A_68 = vector.shape_cast %swap3A_67 : vector<1x16xf32> to vector<16xf32>
      %swap3A_69 = vector.shape_cast %broadcast_in_dim3A_64 : vector<16xf32> to vector<1x16xf32>
      tpu.vector_store %arg17[%swap3A_65, %swap3A_66], %swap3A_69 {strides = array<i32>} : memref<8x80xf32, #tpu.memory_space<vmem>>, vector<1x16xf32>,
      %broadcast_in_dim3A_70 = arith.constant 0.000000e+00 : f32
      %broadcast_in_dim3A_71 = vector.broadcast %broadcast_in_dim3A_70 : f32 to vector<16xf32>
      %swap3A_72 = arith.index_cast %scan3A_42 : i32 to index
      %swap3A_73 = arith.constant 64 : index
      %swap3A_74 = tpu.vector_load %arg17[%swap3A_72, %swap3A_73] {strides = array<i32>} : memref<8x80xf32, #tpu.memory_space<vmem>>, vector<1x16xf32>,
      %swap3A_75 = vector.shape_cast %swap3A_74 : vector<1x16xf32> to vector<16xf32>
      %swap3A_76 = vector.shape_cast %broadcast_in_dim3A_71 : vector<16xf32> to vector<1x16xf32>
      tpu.vector_store %arg17[%swap3A_72, %swap3A_73], %swap3A_76 {strides = array<i32>} : memref<8x80xf32, #tpu.memory_space<vmem>>, vector<1x16xf32>,
      %scan3A_77 = arith.constant 0 : i32
      scf.yield %scan3A_77 : i32
    }
    %scan3A_5 = arith.constant 8 : i32
    %lt3A = arith.constant 15 : i32
    %lt3A_6 = arith.cmpi slt, %arg1, %lt3A : i32
    %jit3A = arith.constant 79 : i32
    %jit3A_7 = arith.constant 65 : i32
    %select_n3A = arith.select %lt3A_6, %jit3A, %jit3A_7 : i32
    %while3A = arith.constant 0 : i32
    %while3A_8 = arith.constant 0 : i32
    %while3A_9 = arith.subi %select_n3A, %while3A : i32
    %while3A_10 = arith.addi %while3A, %while3A_9 : i32
    %while3A_11 = arith.constant 1 : i32
    %while3A_12 = arith.divsi %while3A_9, %while3A_11 : i32
    %while3A_13 = arith.muli %while3A_12, %while3A_11 : i32
    %while3A_14 = arith.addi %while3A, %while3A_13 : i32
    %while3A_15 = arith.constant 1 : i32
    %while3A_16 = scf.for %while3A_42 = %while3A to %while3A_14 step %while3A_15 iter_args(%while3A_43 = %while3A_8) -> (i32)  : i32 {
      %mul3A_44 = arith.constant 632 : i32
      %mul3A_45 = arith.muli %arg1, %mul3A_44 : i32
      %mul3A_46 = arith.constant 8 : i32
      %mul3A_47 = arith.muli %while3A_42, %mul3A_46 : i32
      %add3A_48 = arith.addi %mul3A_45, %mul3A_47 : i32
      %multiple_of3A = tpu.assume_multiple %add3A_48, 8 : i32
      "tpu.region"() ({
        %run_scoped3A_50 = tpu.sem_alloc : memref<!tpu.dma_semaphore, #tpu.memory_space<semaphore_mem>>
        %dma_start3A = arith.constant 0 : i32
        %dma_start3A_51 = tpu.memref_slice %arg8[%multiple_of3A, %dma_start3A] : memref<10000x80xf32, #tpu.memory_space<vmem_shared>> -> memref<8x80xf32, #tpu.memory_space<vmem_shared>>
        %dma_start3A_52 = arith.constant 0 : i32
        %dma_start3A_53 = tpu.memref_slice %arg8[%multiple_of3A, %dma_start3A_52] : memref<10000x80xf32, #tpu.memory_space<vmem_shared>> -> memref<8x80xf32, #tpu.memory_space<vmem_shared>>
        tpu.enqueue_dma source(%arg17 : memref<8x80xf32, #tpu.memory_space<vmem>>) target(%dma_start3A_53 : memref<8x80xf32, #tpu.memory_space<vmem_shared>>) target_semaphore(%run_scoped3A_50 : memref<!tpu.dma_semaphore, #tpu.memory_space<semaphore_mem>>)
        %dma_wait3A = arith.constant 0 : i32
        %dma_wait3A_54 = tpu.memref_slice %arg8[%multiple_of3A, %dma_wait3A] : memref<10000x80xf32, #tpu.memory_space<vmem_shared>> -> memref<8x80xf32, #tpu.memory_space<vmem_shared>>
        %dma_wait3A_55 = arith.constant 0 : i32
        %dma_wait3A_56 = tpu.memref_slice %arg8[%multiple_of3A, %dma_wait3A_55] : memref<10000x80xf32, #tpu.memory_space<vmem_shared>> -> memref<8x80xf32, #tpu.memory_space<vmem_shared>>
        tpu.wait_dma2 semaphore(%run_scoped3A_50 : memref<!tpu.dma_semaphore, #tpu.memory_space<semaphore_mem>>) src(%arg17 : memref<8x80xf32, #tpu.memory_space<vmem>>) dst(%dma_wait3A_56 : memref<8x80xf32, #tpu.memory_space<vmem_shared>>)
        tpu.yield
      }) : () -> ()
      %while3A_49 = arith.constant 0 : i32
      scf.yield %while3A_49 : i32
    }
    %while3A_17 = arith.constant 1 : i32
    %while3A_18 = scf.for %while3A_42 = %while3A_14 to %while3A_10 step %while3A_17 iter_args(%while3A_43 = %while3A_16) -> (i32)  : i32 {
      %mul3A_44 = arith.constant 632 : i32
      %mul3A_45 = arith.muli %arg1, %mul3A_44 : i32
      %mul3A_46 = arith.constant 8 : i32
      %mul3A_47 = arith.muli %while3A_42, %mul3A_46 : i32
      %add3A_48 = arith.addi %mul3A_45, %mul3A_47 : i32
      %multiple_of3A = tpu.assume_multiple %add3A_48, 8 : i32
      "tpu.region"() ({
        %run_scoped3A_50 = tpu.sem_alloc : memref<!tpu.dma_semaphore, #tpu.memory_space<semaphore_mem>>
        %dma_start3A = arith.constant 0 : i32
        %dma_start3A_51 = tpu.memref_slice %arg8[%multiple_of3A, %dma_start3A] : memref<10000x80xf32, #tpu.memory_space<vmem_shared>> -> memref<8x80xf32, #tpu.memory_space<vmem_shared>>
        %dma_start3A_52 = arith.constant 0 : i32
        %dma_start3A_53 = tpu.memref_slice %arg8[%multiple_of3A, %dma_start3A_52] : memref<10000x80xf32, #tpu.memory_space<vmem_shared>> -> memref<8x80xf32, #tpu.memory_space<vmem_shared>>
        tpu.enqueue_dma source(%arg17 : memref<8x80xf32, #tpu.memory_space<vmem>>) target(%dma_start3A_53 : memref<8x80xf32, #tpu.memory_space<vmem_shared>>) target_semaphore(%run_scoped3A_50 : memref<!tpu.dma_semaphore, #tpu.memory_space<semaphore_mem>>)
        %dma_wait3A = arith.constant 0 : i32
        %dma_wait3A_54 = tpu.memref_slice %arg8[%multiple_of3A, %dma_wait3A] : memref<10000x80xf32, #tpu.memory_space<vmem_shared>> -> memref<8x80xf32, #tpu.memory_space<vmem_shared>>
        %dma_wait3A_55 = arith.constant 0 : i32
        %dma_wait3A_56 = tpu.memref_slice %arg8[%multiple_of3A, %dma_wait3A_55] : memref<10000x80xf32, #tpu.memory_space<vmem_shared>> -> memref<8x80xf32, #tpu.memory_space<vmem_shared>>
        tpu.wait_dma2 semaphore(%run_scoped3A_50 : memref<!tpu.dma_semaphore, #tpu.memory_space<semaphore_mem>>) src(%arg17 : memref<8x80xf32, #tpu.memory_space<vmem>>) dst(%dma_wait3A_56 : memref<8x80xf32, #tpu.memory_space<vmem_shared>>)
        tpu.yield
      }) : () -> ()
      %while3A_49 = arith.constant 0 : i32
      scf.yield %while3A_49 : i32
    }
    %run_scoped3A = arith.constant 0 : i32
    "tpu.region"() ({
      %run_scoped3A_42 = tpu.sem_alloc : memref<!tpu.dma_semaphore, #tpu.memory_space<semaphore_mem>>
      %dma_start3A = arith.constant 0 : i32
      %dma_start3A_43 = tpu.memref_slice %arg6[%run_scoped3A, %dma_start3A] : memref<1x64xf32, #tpu.memory_space<hbm>> -> memref<1x64xf32, #tpu.memory_space<hbm>>
      %dma_start3A_44 = tpu.memref_squeeze %dma_start3A_43 : memref<1x64xf32, #tpu.memory_space<hbm>> -> memref<64xf32, #tpu.memory_space<hbm>>
      %dma_start3A_45 = arith.constant 0 : i32
      %dma_start3A_46 = tpu.memref_slice %arg6[%run_scoped3A, %dma_start3A_45] : memref<1x64xf32, #tpu.memory_space<hbm>> -> memref<1x64xf32, #tpu.memory_space<hbm>>
      %dma_start3A_47 = tpu.memref_squeeze %dma_start3A_46 : memref<1x64xf32, #tpu.memory_space<hbm>> -> memref<64xf32, #tpu.memory_space<hbm>>
      tpu.enqueue_dma source(%dma_start3A_47 : memref<64xf32, #tpu.memory_space<hbm>>) target(%arg9 : memref<64xf32, #tpu.memory_space<vmem>>) target_semaphore(%run_scoped3A_42 : memref<!tpu.dma_semaphore, #tpu.memory_space<semaphore_mem>>)
      %dma_wait3A = arith.constant 0 : i32
      %dma_wait3A_48 = tpu.memref_slice %arg6[%run_scoped3A, %dma_wait3A] : memref<1x64xf32, #tpu.memory_space<hbm>> -> memref<1x64xf32, #tpu.memory_space<hbm>>
      %dma_wait3A_49 = tpu.memref_squeeze %dma_wait3A_48 : memref<1x64xf32, #tpu.memory_space<hbm>> -> memref<64xf32, #tpu.memory_space<hbm>>
      %dma_wait3A_50 = arith.constant 0 : i32
      %dma_wait3A_51 = tpu.memref_slice %arg6[%run_scoped3A, %dma_wait3A_50] : memref<1x64xf32, #tpu.memory_space<hbm>> -> memref<1x64xf32, #tpu.memory_space<hbm>>
      %dma_wait3A_52 = tpu.memref_squeeze %dma_wait3A_51 : memref<1x64xf32, #tpu.memory_space<hbm>> -> memref<64xf32, #tpu.memory_space<hbm>>
      tpu.wait_dma2 semaphore(%run_scoped3A_42 : memref<!tpu.dma_semaphore, #tpu.memory_space<semaphore_mem>>) src(%dma_wait3A_52 : memref<64xf32, #tpu.memory_space<hbm>>) dst(%arg9 : memref<64xf32, #tpu.memory_space<vmem>>)
      tpu.yield
    }) : () -> ()
    %barrier3A = arith.constant 0 : index
    tpu.barrier barrier_id(%barrier3A)
    %mul3A = arith.constant 5000 : i32
    %mul3A_19 = arith.muli %arg1, %mul3A : i32
    %mul3A_20 = arith.constant 80000 : i32
    %mul3A_21 = arith.muli %arg0, %mul3A_20 : i32
    %add3A = arith.addi %mul3A_19, %mul3A_21 : i32
    %iota3A = tpu.iota {dimensions = array<i32: 0>} : vector<16xi32>
    %scan3A_22 = arith.constant 0 : i32
    %scan3A_23 = arith.constant 0 : i32
    %scan3A_24 = arith.constant 25 : i32
    %scan3A_25 = arith.addi %scan3A_23, %scan3A_24 : i32
    %scan3A_26 = arith.constant 1 : i32
    %scan3A_27 = scf.for %scan3A_42 = %scan3A_23 to %scan3A_25 step %scan3A_26 iter_args(%scan3A_43 = %scan3A_22) -> (i32)  : i32 {
      %mul3A_44 = arith.constant 200 : i32
      %mul3A_45 = arith.muli %scan3A_42, %mul3A_44 : i32
      %add3A_46 = arith.addi %add3A, %mul3A_45 : i32
      "tpu.region"() ({
        %run_scoped3A_65 = tpu.sem_alloc : memref<!tpu.dma_semaphore, #tpu.memory_space<semaphore_mem>>
        %dma_start3A_66 = tpu.memref_slice %arg4[%add3A_46] : memref<160000xi32, #tpu.memory_space<hbm>> -> memref<200xi32, #tpu.memory_space<hbm>>
        %dma_start3A_67 = tpu.memref_slice %arg4[%add3A_46] : memref<160000xi32, #tpu.memory_space<hbm>> -> memref<200xi32, #tpu.memory_space<hbm>>
        tpu.enqueue_dma source(%dma_start3A_67 : memref<200xi32, #tpu.memory_space<hbm>>) target(%arg10 : memref<200xi32, #tpu.memory_space<vmem>>) target_semaphore(%run_scoped3A_65 : memref<!tpu.dma_semaphore, #tpu.memory_space<semaphore_mem>>)
        %dma_wait3A_68 = tpu.memref_slice %arg4[%add3A_46] : memref<160000xi32, #tpu.memory_space<hbm>> -> memref<200xi32, #tpu.memory_space<hbm>>
        %dma_wait3A_69 = tpu.memref_slice %arg4[%add3A_46] : memref<160000xi32, #tpu.memory_space<hbm>> -> memref<200xi32, #tpu.memory_space<hbm>>
        tpu.wait_dma2 semaphore(%run_scoped3A_65 : memref<!tpu.dma_semaphore, #tpu.memory_space<semaphore_mem>>) src(%dma_wait3A_69 : memref<200xi32, #tpu.memory_space<hbm>>) dst(%arg10 : memref<200xi32, #tpu.memory_space<vmem>>)
        tpu.yield
      }) : () -> ()
      "tpu.region"() ({
        %run_scoped3A_65 = tpu.sem_alloc : memref<!tpu.dma_semaphore, #tpu.memory_space<semaphore_mem>>
        %dma_start3A_66 = tpu.memref_slice %arg5[%add3A_46] : memref<160000xi32, #tpu.memory_space<hbm>> -> memref<200xi32, #tpu.memory_space<hbm>>
        %dma_start3A_67 = tpu.memref_slice %arg5[%add3A_46] : memref<160000xi32, #tpu.memory_space<hbm>> -> memref<200xi32, #tpu.memory_space<hbm>>
        tpu.enqueue_dma source(%dma_start3A_67 : memref<200xi32, #tpu.memory_space<hbm>>) target(%arg11 : memref<200xi32, #tpu.memory_space<vmem>>) target_semaphore(%run_scoped3A_65 : memref<!tpu.dma_semaphore, #tpu.memory_space<semaphore_mem>>)
        %dma_wait3A_68 = tpu.memref_slice %arg5[%add3A_46] : memref<160000xi32, #tpu.memory_space<hbm>> -> memref<200xi32, #tpu.memory_space<hbm>>
        %dma_wait3A_69 = tpu.memref_slice %arg5[%add3A_46] : memref<160000xi32, #tpu.memory_space<hbm>> -> memref<200xi32, #tpu.memory_space<hbm>>
        tpu.wait_dma2 semaphore(%run_scoped3A_65 : memref<!tpu.dma_semaphore, #tpu.memory_space<semaphore_mem>>) src(%dma_wait3A_69 : memref<200xi32, #tpu.memory_space<hbm>>) dst(%arg11 : memref<200xi32, #tpu.memory_space<vmem>>)
        tpu.yield
      }) : () -> ()
      %dma_start3A = arith.constant 0 : i32
      %dma_start3A_47 = arith.constant 0 : i32
      %dma_start3A_48 = tpu.memref_slice %arg2[%dma_start3A, %dma_start3A_47] : memref<10000x64xf32, #tpu.memory_space<hbm>> -> memref<10000x64xf32, #tpu.memory_space<hbm>>
      tpu.enqueue_indirect_dma source(%dma_start3A_48 : memref<10000x64xf32, #tpu.memory_space<hbm>>) target(%arg14 : memref<200x64xf32, #tpu.memory_space<vmem>>) offsets(%arg10 : memref<200xi32, #tpu.memory_space<vmem>>) semaphore(%arg18 : memref<!tpu.dma_semaphore, #tpu.memory_space<semaphore_mem>>)
      %dma_start3A_49 = arith.constant 0 : i32
      %dma_start3A_50 = arith.constant 0 : i32
      %dma_start3A_51 = tpu.memref_slice %arg3[%dma_start3A_49, %dma_start3A_50] : memref<10000x64xf32, #tpu.memory_space<hbm>> -> memref<10000x64xf32, #tpu.memory_space<hbm>>
      tpu.enqueue_indirect_dma source(%dma_start3A_51 : memref<10000x64xf32, #tpu.memory_space<hbm>>) target(%arg15 : memref<200x64xf32, #tpu.memory_space<vmem>>) offsets(%arg11 : memref<200xi32, #tpu.memory_space<vmem>>) semaphore(%arg19 : memref<!tpu.dma_semaphore, #tpu.memory_space<semaphore_mem>>)
      %dma_wait3A = arith.constant 0 : i32
      %dma_wait3A_52 = arith.constant 0 : i32
      %dma_wait3A_53 = tpu.memref_slice %arg2[%dma_wait3A, %dma_wait3A_52] : memref<10000x64xf32, #tpu.memory_space<hbm>> -> memref<10000x64xf32, #tpu.memory_space<hbm>>
      tpu.wait_indirect_dma semaphore(%arg18 : memref<!tpu.dma_semaphore, #tpu.memory_space<semaphore_mem>>) src(%dma_wait3A_53 : memref<10000x64xf32, #tpu.memory_space<hbm>>) dst(%arg14 : memref<200x64xf32, #tpu.memory_space<vmem>>)
      %dma_wait3A_54 = arith.constant 0 : i32
      %dma_wait3A_55 = arith.constant 0 : i32
      %dma_wait3A_56 = tpu.memref_slice %arg3[%dma_wait3A_54, %dma_wait3A_55] : memref<10000x64xf32, #tpu.memory_space<hbm>> -> memref<10000x64xf32, #tpu.memory_space<hbm>>
      tpu.wait_indirect_dma semaphore(%arg19 : memref<!tpu.dma_semaphore, #tpu.memory_space<semaphore_mem>>) src(%dma_wait3A_56 : memref<10000x64xf32, #tpu.memory_space<hbm>>) dst(%arg15 : memref<200x64xf32, #tpu.memory_space<vmem>>)
      %scan3A_57 = arith.constant 0 : i32
      %scan3A_58 = arith.constant 0 : i32
      %scan3A_59 = arith.constant 200 : i32
      %scan3A_60 = arith.addi %scan3A_58, %scan3A_59 : i32
      %scan3A_61 = arith.constant 1 : i32
      %scan3A_62 = scf.for %scan3A_65 = %scan3A_58 to %scan3A_60 step %scan3A_61 iter_args(%scan3A_66 = %scan3A_57) -> (i32)  : i32 {
        %broadcast_in_dim3A = arith.constant 0.000000e+00 : f32
        %broadcast_in_dim3A_67 = vector.broadcast %broadcast_in_dim3A : f32 to vector<16xf32>
        %get3A = arith.index_cast %scan3A_65 : i32 to index
        %get3A_68 = arith.constant 0 : index
        %get3A_69 = tpu.vector_load %arg14[%get3A, %get3A_68] {strides = array<i32>} : memref<200x64xf32, #tpu.memory_space<vmem>>, vector<1x16xf32>,
        %get3A_70 = vector.shape_cast %get3A_69 : vector<1x16xf32> to vector<16xf32>
        %get3A_71 = arith.index_cast %scan3A_65 : i32 to index
        %get3A_72 = arith.constant 0 : index
        %get3A_73 = tpu.vector_load %arg15[%get3A_71, %get3A_72] {strides = array<i32>} : memref<200x64xf32, #tpu.memory_space<vmem>>, vector<1x16xf32>,
        %get3A_74 = vector.shape_cast %get3A_73 : vector<1x16xf32> to vector<16xf32>
        %add3A_75 = arith.addf %get3A_70, %get3A_74 : vector<16xf32>
        %gt3A = arith.constant 0.000000e+00 : f32
        %gt3A_76 = vector.broadcast %gt3A : f32 to vector<16xf32>
        %gt3A_77 = arith.cmpf ogt, %add3A_75, %gt3A_76 : vector<16xf32>
        %mul3A_78 = arith.constant 2.000000e-01 : f32
        %mul3A_79 = vector.broadcast %mul3A_78 : f32 to vector<16xf32>
        %mul3A_80 = arith.mulf %mul3A_79, %add3A_75 : vector<16xf32>
        %select_n3A_81 = arith.select %gt3A_77, %add3A_75, %mul3A_80 : vector<16xi1>, vector<16xf32>
        %get3A_82 = arith.constant 0 : index
        %get3A_83 = tpu.vector_load %arg9[%get3A_82] {strides = array<i32>} : memref<64xf32, #tpu.memory_space<vmem>>, vector<16xf32>,
        %get3A_84 = vector.shape_cast %get3A_83 : vector<16xf32> to vector<16xf32>
        %mul3A_85 = arith.mulf %select_n3A_81, %get3A_84 : vector<16xf32>
        %add3A_86 = arith.addf %broadcast_in_dim3A_67, %mul3A_85 : vector<16xf32>
        %get3A_87 = arith.index_cast %scan3A_65 : i32 to index
        %get3A_88 = arith.constant 16 : index
        %get3A_89 = tpu.vector_load %arg14[%get3A_87, %get3A_88] {strides = array<i32>} : memref<200x64xf32, #tpu.memory_space<vmem>>, vector<1x16xf32>,
        %get3A_90 = vector.shape_cast %get3A_89 : vector<1x16xf32> to vector<16xf32>
        %get3A_91 = arith.index_cast %scan3A_65 : i32 to index
        %get3A_92 = arith.constant 16 : index
        %get3A_93 = tpu.vector_load %arg15[%get3A_91, %get3A_92] {strides = array<i32>} : memref<200x64xf32, #tpu.memory_space<vmem>>, vector<1x16xf32>,
        %get3A_94 = vector.shape_cast %get3A_93 : vector<1x16xf32> to vector<16xf32>
        %add3A_95 = arith.addf %get3A_90, %get3A_94 : vector<16xf32>
        %gt3A_96 = arith.constant 0.000000e+00 : f32
        %gt3A_97 = vector.broadcast %gt3A_96 : f32 to vector<16xf32>
        %gt3A_98 = arith.cmpf ogt, %add3A_95, %gt3A_97 : vector<16xf32>
        %mul3A_99 = arith.constant 2.000000e-01 : f32
        %mul3A_100 = vector.broadcast %mul3A_99 : f32 to vector<16xf32>
        %mul3A_101 = arith.mulf %mul3A_100, %add3A_95 : vector<16xf32>
        %select_n3A_102 = arith.select %gt3A_98, %add3A_95, %mul3A_101 : vector<16xi1>, vector<16xf32>
        %get3A_103 = arith.constant 16 : index
        %get3A_104 = tpu.vector_load %arg9[%get3A_103] {strides = array<i32>} : memref<64xf32, #tpu.memory_space<vmem>>, vector<16xf32>,
        %get3A_105 = vector.shape_cast %get3A_104 : vector<16xf32> to vector<16xf32>
        %mul3A_106 = arith.mulf %select_n3A_102, %get3A_105 : vector<16xf32>
        %add3A_107 = arith.addf %add3A_86, %mul3A_106 : vector<16xf32>
        %get3A_108 = arith.index_cast %scan3A_65 : i32 to index
        %get3A_109 = arith.constant 32 : index
        %get3A_110 = tpu.vector_load %arg14[%get3A_108, %get3A_109] {strides = array<i32>} : memref<200x64xf32, #tpu.memory_space<vmem>>, vector<1x16xf32>,
        %get3A_111 = vector.shape_cast %get3A_110 : vector<1x16xf32> to vector<16xf32>
        %get3A_112 = arith.index_cast %scan3A_65 : i32 to index
        %get3A_113 = arith.constant 32 : index
        %get3A_114 = tpu.vector_load %arg15[%get3A_112, %get3A_113] {strides = array<i32>} : memref<200x64xf32, #tpu.memory_space<vmem>>, vector<1x16xf32>,
        %get3A_115 = vector.shape_cast %get3A_114 : vector<1x16xf32> to vector<16xf32>
        %add3A_116 = arith.addf %get3A_111, %get3A_115 : vector<16xf32>
        %gt3A_117 = arith.constant 0.000000e+00 : f32
        %gt3A_118 = vector.broadcast %gt3A_117 : f32 to vector<16xf32>
        %gt3A_119 = arith.cmpf ogt, %add3A_116, %gt3A_118 : vector<16xf32>
        %mul3A_120 = arith.constant 2.000000e-01 : f32
        %mul3A_121 = vector.broadcast %mul3A_120 : f32 to vector<16xf32>
        %mul3A_122 = arith.mulf %mul3A_121, %add3A_116 : vector<16xf32>
        %select_n3A_123 = arith.select %gt3A_119, %add3A_116, %mul3A_122 : vector<16xi1>, vector<16xf32>
        %get3A_124 = arith.constant 32 : index
        %get3A_125 = tpu.vector_load %arg9[%get3A_124] {strides = array<i32>} : memref<64xf32, #tpu.memory_space<vmem>>, vector<16xf32>,
        %get3A_126 = vector.shape_cast %get3A_125 : vector<16xf32> to vector<16xf32>
        %mul3A_127 = arith.mulf %select_n3A_123, %get3A_126 : vector<16xf32>
        %add3A_128 = arith.addf %add3A_107, %mul3A_127 : vector<16xf32>
        %get3A_129 = arith.index_cast %scan3A_65 : i32 to index
        %get3A_130 = arith.constant 48 : index
        %get3A_131 = tpu.vector_load %arg14[%get3A_129, %get3A_130] {strides = array<i32>} : memref<200x64xf32, #tpu.memory_space<vmem>>, vector<1x16xf32>,
        %get3A_132 = vector.shape_cast %get3A_131 : vector<1x16xf32> to vector<16xf32>
        %get3A_133 = arith.index_cast %scan3A_65 : i32 to index
        %get3A_134 = arith.constant 48 : index
        %get3A_135 = tpu.vector_load %arg15[%get3A_133, %get3A_134] {strides = array<i32>} : memref<200x64xf32, #tpu.memory_space<vmem>>, vector<1x16xf32>,
        %get3A_136 = vector.shape_cast %get3A_135 : vector<1x16xf32> to vector<16xf32>
        %add3A_137 = arith.addf %get3A_132, %get3A_136 : vector<16xf32>
        %gt3A_138 = arith.constant 0.000000e+00 : f32
        %gt3A_139 = vector.broadcast %gt3A_138 : f32 to vector<16xf32>
        %gt3A_140 = arith.cmpf ogt, %add3A_137, %gt3A_139 : vector<16xf32>
        %mul3A_141 = arith.constant 2.000000e-01 : f32
        %mul3A_142 = vector.broadcast %mul3A_141 : f32 to vector<16xf32>
        %mul3A_143 = arith.mulf %mul3A_142, %add3A_137 : vector<16xf32>
        %select_n3A_144 = arith.select %gt3A_140, %add3A_137, %mul3A_143 : vector<16xi1>, vector<16xf32>
        %get3A_145 = arith.constant 48 : index
        %get3A_146 = tpu.vector_load %arg9[%get3A_145] {strides = array<i32>} : memref<64xf32, #tpu.memory_space<vmem>>, vector<16xf32>,
        %get3A_147 = vector.shape_cast %get3A_146 : vector<16xf32> to vector<16xf32>
        %mul3A_148 = arith.mulf %select_n3A_144, %get3A_147 : vector<16xf32>
        %add3A_149 = arith.addf %add3A_128, %mul3A_148 : vector<16xf32>
        %xor3A = arith.constant 8 : i32
        %xor3A_150 = vector.broadcast %xor3A : i32 to vector<16xi32>
        %xor3A_151 = arith.xori %iota3A, %xor3A_150 : vector<16xi32>
        %lt3A_152 = arith.constant 0 : i32
        %lt3A_153 = vector.broadcast %lt3A_152 : i32 to vector<16xi32>
        %lt3A_154 = arith.cmpi slt, %xor3A_151, %lt3A_153 : vector<16xi32>
        %add3A_155 = arith.constant 16 : i32
        %add3A_156 = vector.broadcast %add3A_155 : i32 to vector<16xi32>
        %add3A_157 = arith.addi %xor3A_151, %add3A_156 : vector<16xi32>
        %select_n3A_158 = arith.select %lt3A_154, %add3A_157, %xor3A_151 : vector<16xi1>, vector<16xi32>
        %broadcast_in_dim3A_159 = vector.shape_cast %select_n3A_158 : vector<16xi32> to vector<16x1xi32>
        %gather3A = vector.shape_cast %broadcast_in_dim3A_159 : vector<16x1xi32> to vector<16xi32>
        %gather3A_160 = tpu.dynamic_gather %add3A_149[%gather3A] in [0] : vector<16xf32>, vector<16xi32> -> vector<16xf32>
        %add3A_161 = arith.addf %add3A_149, %gather3A_160 : vector<16xf32>
        %xor3A_162 = arith.constant 4 : i32
        %xor3A_163 = vector.broadcast %xor3A_162 : i32 to vector<16xi32>
        %xor3A_164 = arith.xori %iota3A, %xor3A_163 : vector<16xi32>
        %lt3A_165 = arith.constant 0 : i32
        %lt3A_166 = vector.broadcast %lt3A_165 : i32 to vector<16xi32>
        %lt3A_167 = arith.cmpi slt, %xor3A_164, %lt3A_166 : vector<16xi32>
        %add3A_168 = arith.constant 16 : i32
        %add3A_169 = vector.broadcast %add3A_168 : i32 to vector<16xi32>
        %add3A_170 = arith.addi %xor3A_164, %add3A_169 : vector<16xi32>
        %select_n3A_171 = arith.select %lt3A_167, %add3A_170, %xor3A_164 : vector<16xi1>, vector<16xi32>
        %broadcast_in_dim3A_172 = vector.shape_cast %select_n3A_171 : vector<16xi32> to vector<16x1xi32>
        %gather3A_173 = vector.shape_cast %broadcast_in_dim3A_172 : vector<16x1xi32> to vector<16xi32>
        %gather3A_174 = tpu.dynamic_gather %add3A_161[%gather3A_173] in [0] : vector<16xf32>, vector<16xi32> -> vector<16xf32>
        %add3A_175 = arith.addf %add3A_161, %gather3A_174 : vector<16xf32>
        %xor3A_176 = arith.constant 2 : i32
        %xor3A_177 = vector.broadcast %xor3A_176 : i32 to vector<16xi32>
        %xor3A_178 = arith.xori %iota3A, %xor3A_177 : vector<16xi32>
        %lt3A_179 = arith.constant 0 : i32
        %lt3A_180 = vector.broadcast %lt3A_179 : i32 to vector<16xi32>
        %lt3A_181 = arith.cmpi slt, %xor3A_178, %lt3A_180 : vector<16xi32>
        %add3A_182 = arith.constant 16 : i32
        %add3A_183 = vector.broadcast %add3A_182 : i32 to vector<16xi32>
        %add3A_184 = arith.addi %xor3A_178, %add3A_183 : vector<16xi32>
        %select_n3A_185 = arith.select %lt3A_181, %add3A_184, %xor3A_178 : vector<16xi1>, vector<16xi32>
        %broadcast_in_dim3A_186 = vector.shape_cast %select_n3A_185 : vector<16xi32> to vector<16x1xi32>
        %gather3A_187 = vector.shape_cast %broadcast_in_dim3A_186 : vector<16x1xi32> to vector<16xi32>
        %gather3A_188 = tpu.dynamic_gather %add3A_175[%gather3A_187] in [0] : vector<16xf32>, vector<16xi32> -> vector<16xf32>
        %add3A_189 = arith.addf %add3A_175, %gather3A_188 : vector<16xf32>
        %xor3A_190 = arith.constant 1 : i32
        %xor3A_191 = vector.broadcast %xor3A_190 : i32 to vector<16xi32>
        %xor3A_192 = arith.xori %iota3A, %xor3A_191 : vector<16xi32>
        %lt3A_193 = arith.constant 0 : i32
        %lt3A_194 = vector.broadcast %lt3A_193 : i32 to vector<16xi32>
        %lt3A_195 = arith.cmpi slt, %xor3A_192, %lt3A_194 : vector<16xi32>
        %add3A_196 = arith.constant 16 : i32
        %add3A_197 = vector.broadcast %add3A_196 : i32 to vector<16xi32>
        %add3A_198 = arith.addi %xor3A_192, %add3A_197 : vector<16xi32>
        %select_n3A_199 = arith.select %lt3A_195, %add3A_198, %xor3A_192 : vector<16xi1>, vector<16xi32>
        %broadcast_in_dim3A_200 = vector.shape_cast %select_n3A_199 : vector<16xi32> to vector<16x1xi32>
        %gather3A_201 = vector.shape_cast %broadcast_in_dim3A_200 : vector<16x1xi32> to vector<16xi32>
        %gather3A_202 = tpu.dynamic_gather %add3A_189[%gather3A_201] in [0] : vector<16xf32>, vector<16xi32> -> vector<16xf32>
        %add3A_203 = arith.addf %add3A_189, %gather3A_202 : vector<16xf32>
        %exp3A = math.exp %add3A_203 : vector<16xf32>
        %get3A_204 = arith.index_cast %scan3A_65 : i32 to index
        %get3A_205 = arith.constant 0 : index
        %get3A_206 = tpu.vector_load %arg14[%get3A_204, %get3A_205] {strides = array<i32>} : memref<200x64xf32, #tpu.memory_space<vmem>>, vector<1x16xf32>,
        %get3A_207 = vector.shape_cast %get3A_206 : vector<1x16xf32> to vector<16xf32>
        %mul3A_208 = arith.mulf %get3A_207, %exp3A : vector<16xf32>
        %swap3A = arith.index_cast %scan3A_65 : i32 to index
        %swap3A_209 = arith.constant 0 : index
        %swap3A_210 = tpu.vector_load %arg16[%swap3A, %swap3A_209] {strides = array<i32>} : memref<200x80xf32, #tpu.memory_space<vmem>>, vector<1x16xf32>,
        %swap3A_211 = vector.shape_cast %swap3A_210 : vector<1x16xf32> to vector<16xf32>
        %swap3A_212 = vector.shape_cast %mul3A_208 : vector<16xf32> to vector<1x16xf32>
        tpu.vector_store %arg16[%swap3A, %swap3A_209], %swap3A_212 {strides = array<i32>} : memref<200x80xf32, #tpu.memory_space<vmem>>, vector<1x16xf32>,
        %get3A_213 = arith.index_cast %scan3A_65 : i32 to index
        %get3A_214 = arith.constant 16 : index
        %get3A_215 = tpu.vector_load %arg14[%get3A_213, %get3A_214] {strides = array<i32>} : memref<200x64xf32, #tpu.memory_space<vmem>>, vector<1x16xf32>,
        %get3A_216 = vector.shape_cast %get3A_215 : vector<1x16xf32> to vector<16xf32>
        %mul3A_217 = arith.mulf %get3A_216, %exp3A : vector<16xf32>
        %swap3A_218 = arith.index_cast %scan3A_65 : i32 to index
        %swap3A_219 = arith.constant 16 : index
        %swap3A_220 = tpu.vector_load %arg16[%swap3A_218, %swap3A_219] {strides = array<i32>} : memref<200x80xf32, #tpu.memory_space<vmem>>, vector<1x16xf32>,
        %swap3A_221 = vector.shape_cast %swap3A_220 : vector<1x16xf32> to vector<16xf32>
        %swap3A_222 = vector.shape_cast %mul3A_217 : vector<16xf32> to vector<1x16xf32>
        tpu.vector_store %arg16[%swap3A_218, %swap3A_219], %swap3A_222 {strides = array<i32>} : memref<200x80xf32, #tpu.memory_space<vmem>>, vector<1x16xf32>,
        %get3A_223 = arith.index_cast %scan3A_65 : i32 to index
        %get3A_224 = arith.constant 32 : index
        %get3A_225 = tpu.vector_load %arg14[%get3A_223, %get3A_224] {strides = array<i32>} : memref<200x64xf32, #tpu.memory_space<vmem>>, vector<1x16xf32>,
        %get3A_226 = vector.shape_cast %get3A_225 : vector<1x16xf32> to vector<16xf32>
        %mul3A_227 = arith.mulf %get3A_226, %exp3A : vector<16xf32>
        %swap3A_228 = arith.index_cast %scan3A_65 : i32 to index
        %swap3A_229 = arith.constant 32 : index
        %swap3A_230 = tpu.vector_load %arg16[%swap3A_228, %swap3A_229] {strides = array<i32>} : memref<200x80xf32, #tpu.memory_space<vmem>>, vector<1x16xf32>,
        %swap3A_231 = vector.shape_cast %swap3A_230 : vector<1x16xf32> to vector<16xf32>
        %swap3A_232 = vector.shape_cast %mul3A_227 : vector<16xf32> to vector<1x16xf32>
        tpu.vector_store %arg16[%swap3A_228, %swap3A_229], %swap3A_232 {strides = array<i32>} : memref<200x80xf32, #tpu.memory_space<vmem>>, vector<1x16xf32>,
        %get3A_233 = arith.index_cast %scan3A_65 : i32 to index
        %get3A_234 = arith.constant 48 : index
        %get3A_235 = tpu.vector_load %arg14[%get3A_233, %get3A_234] {strides = array<i32>} : memref<200x64xf32, #tpu.memory_space<vmem>>, vector<1x16xf32>,
        %get3A_236 = vector.shape_cast %get3A_235 : vector<1x16xf32> to vector<16xf32>
        %mul3A_237 = arith.mulf %get3A_236, %exp3A : vector<16xf32>
        %swap3A_238 = arith.index_cast %scan3A_65 : i32 to index
        %swap3A_239 = arith.constant 48 : index
        %swap3A_240 = tpu.vector_load %arg16[%swap3A_238, %swap3A_239] {strides = array<i32>} : memref<200x80xf32, #tpu.memory_space<vmem>>, vector<1x16xf32>,
        %swap3A_241 = vector.shape_cast %swap3A_240 : vector<1x16xf32> to vector<16xf32>
        %swap3A_242 = vector.shape_cast %mul3A_237 : vector<16xf32> to vector<1x16xf32>
        tpu.vector_store %arg16[%swap3A_238, %swap3A_239], %swap3A_242 {strides = array<i32>} : memref<200x80xf32, #tpu.memory_space<vmem>>, vector<1x16xf32>,
        %eq3A = arith.constant 0 : i32
        %eq3A_243 = vector.broadcast %eq3A : i32 to vector<16xi32>
        %eq3A_244 = arith.cmpi eq, %iota3A, %eq3A_243 : vector<16xi32>
        %jit3A_245 = arith.constant 0.000000e+00 : f32
        %broadcast_in_dim3A_246 = vector.broadcast %jit3A_245 : f32 to vector<16xf32>
        %select_n3A_247 = arith.select %eq3A_244, %exp3A, %broadcast_in_dim3A_246 : vector<16xi1>, vector<16xf32>
        %swap3A_248 = arith.index_cast %scan3A_65 : i32 to index
        %swap3A_249 = arith.constant 64 : index
        %swap3A_250 = tpu.vector_load %arg16[%swap3A_248, %swap3A_249] {strides = array<i32>} : memref<200x80xf32, #tpu.memory_space<vmem>>, vector<1x16xf32>,
        %swap3A_251 = vector.shape_cast %swap3A_250 : vector<1x16xf32> to vector<16xf32>
        %swap3A_252 = vector.shape_cast %select_n3A_247 : vector<16xf32> to vector<1x16xf32>
        tpu.vector_store %arg16[%swap3A_248, %swap3A_249], %swap3A_252 {strides = array<i32>} : memref<200x80xf32, #tpu.memory_space<vmem>>, vector<1x16xf32>,
        %scan3A_253 = arith.constant 0 : i32
        scf.yield %scan3A_253 : i32
      }
      %scan3A_63 = arith.constant 200 : i32
      "tpu.region"() ({
        %run_scoped3A_65 = tpu.sem_alloc : memref<!tpu.dma_semaphore, #tpu.memory_space<semaphore_mem>>
        %dma_start3A_66 = arith.constant 0 : i32
        %dma_start3A_67 = arith.constant 0 : i32
        %dma_start3A_68 = tpu.memref_slice %arg8[%dma_start3A_66, %dma_start3A_67] : memref<10000x80xf32, #tpu.memory_space<vmem_shared>> -> memref<10000x80xf32, #tpu.memory_space<vmem_shared>>
        tpu.enqueue_indirect_dma source(%arg16 : memref<200x80xf32, #tpu.memory_space<vmem>>) target(%dma_start3A_68 : memref<10000x80xf32, #tpu.memory_space<vmem_shared>>) offsets(%arg11 : memref<200xi32, #tpu.memory_space<vmem>>) semaphore(%run_scoped3A_65 : memref<!tpu.dma_semaphore, #tpu.memory_space<semaphore_mem>>) {add = true}
        %dma_wait3A_69 = arith.constant 0 : i32
        %dma_wait3A_70 = arith.constant 0 : i32
        %dma_wait3A_71 = tpu.memref_slice %arg8[%dma_wait3A_69, %dma_wait3A_70] : memref<10000x80xf32, #tpu.memory_space<vmem_shared>> -> memref<10000x80xf32, #tpu.memory_space<vmem_shared>>
        tpu.wait_indirect_dma semaphore(%run_scoped3A_65 : memref<!tpu.dma_semaphore, #tpu.memory_space<semaphore_mem>>) src(%arg16 : memref<200x80xf32, #tpu.memory_space<vmem>>) dst(%dma_wait3A_71 : memref<10000x80xf32, #tpu.memory_space<vmem_shared>>)
        tpu.yield
      }) : () -> ()
      %scan3A_64 = arith.constant 0 : i32
      scf.yield %scan3A_64 : i32
    }
    %scan3A_28 = arith.constant 25 : i32
    %barrier3A_29 = arith.constant 0 : index
    tpu.barrier barrier_id(%barrier3A_29)
    %while3A_30 = arith.constant 0 : i32
    %while3A_31 = arith.constant 0 : i32
    %while3A_32 = arith.subi %select_n3A, %while3A_30 : i32
    %while3A_33 = arith.addi %while3A_30, %while3A_32 : i32
    %while3A_34 = arith.constant 1 : i32
    %while3A_35 = arith.divsi %while3A_32, %while3A_34 : i32
    %while3A_36 = arith.muli %while3A_35, %while3A_34 : i32
    %while3A_37 = arith.addi %while3A_30, %while3A_36 : i32
    %while3A_38 = arith.constant 1 : i32
    %while3A_39 = scf.for %while3A_42 = %while3A_30 to %while3A_37 step %while3A_38 iter_args(%while3A_43 = %while3A_31) -> (i32)  : i32 {
      %mul3A_44 = arith.constant 632 : i32
      %mul3A_45 = arith.muli %arg1, %mul3A_44 : i32
      %mul3A_46 = arith.constant 8 : i32
      %mul3A_47 = arith.muli %while3A_42, %mul3A_46 : i32
      %add3A_48 = arith.addi %mul3A_45, %mul3A_47 : i32
      %multiple_of3A = tpu.assume_multiple %add3A_48, 8 : i32
      "tpu.region"() ({
        %run_scoped3A_50 = tpu.sem_alloc : memref<!tpu.dma_semaphore, #tpu.memory_space<semaphore_mem>>
        %dma_start3A = arith.constant 0 : i32
        %dma_start3A_51 = tpu.memref_slice %arg7[%arg0, %multiple_of3A, %dma_start3A] : memref<2x10000x80xf32, #tpu.memory_space<hbm>> -> memref<1x8x80xf32, #tpu.memory_space<hbm>>
        %dma_start3A_52 = tpu.memref_squeeze %dma_start3A_51 : memref<1x8x80xf32, #tpu.memory_space<hbm>> -> memref<8x80xf32, #tpu.memory_space<hbm>>
        %dma_start3A_53 = arith.constant 0 : i32
        %dma_start3A_54 = tpu.memref_slice %arg8[%multiple_of3A, %dma_start3A_53] : memref<10000x80xf32, #tpu.memory_space<vmem_shared>> -> memref<8x80xf32, #tpu.memory_space<vmem_shared>>
        tpu.enqueue_dma source(%dma_start3A_54 : memref<8x80xf32, #tpu.memory_space<vmem_shared>>) target(%dma_start3A_52 : memref<8x80xf32, #tpu.memory_space<hbm>>) target_semaphore(%run_scoped3A_50 : memref<!tpu.dma_semaphore, #tpu.memory_space<semaphore_mem>>)
        %dma_wait3A = arith.constant 0 : i32
        %dma_wait3A_55 = tpu.memref_slice %arg7[%arg0, %multiple_of3A, %dma_wait3A] : memref<2x10000x80xf32, #tpu.memory_space<hbm>> -> memref<1x8x80xf32, #tpu.memory_space<hbm>>
        %dma_wait3A_56 = tpu.memref_squeeze %dma_wait3A_55 : memref<1x8x80xf32, #tpu.memory_space<hbm>> -> memref<8x80xf32, #tpu.memory_space<hbm>>
        %dma_wait3A_57 = arith.constant 0 : i32
        %dma_wait3A_58 = tpu.memref_slice %arg8[%multiple_of3A, %dma_wait3A_57] : memref<10000x80xf32, #tpu.memory_space<vmem_shared>> -> memref<8x80xf32, #tpu.memory_space<vmem_shared>>
        tpu.wait_dma2 semaphore(%run_scoped3A_50 : memref<!tpu.dma_semaphore, #tpu.memory_space<semaphore_mem>>) src(%dma_wait3A_58 : memref<8x80xf32, #tpu.memory_space<vmem_shared>>) dst(%dma_wait3A_56 : memref<8x80xf32, #tpu.memory_space<hbm>>)
        tpu.yield
      }) : () -> ()
      %while3A_49 = arith.constant 0 : i32
      scf.yield %while3A_49 : i32
    }
    %while3A_40 = arith.constant 1 : i32
    %while3A_41 = scf.for %while3A_42 = %while3A_37 to %while3A_33 step %while3A_40 iter_args(%while3A_43 = %while3A_39) -> (i32)  : i32 {
      %mul3A_44 = arith.constant 632 : i32
      %mul3A_45 = arith.muli %arg1, %mul3A_44 : i32
      %mul3A_46 = arith.constant 8 : i32
      %mul3A_47 = arith.muli %while3A_42, %mul3A_46 : i32
      %add3A_48 = arith.addi %mul3A_45, %mul3A_47 : i32
      %multiple_of3A = tpu.assume_multiple %add3A_48, 8 : i32
      "tpu.region"() ({
        %run_scoped3A_50 = tpu.sem_alloc : memref<!tpu.dma_semaphore, #tpu.memory_space<semaphore_mem>>
        %dma_start3A = arith.constant 0 : i32
        %dma_start3A_51 = tpu.memref_slice %arg7[%arg0, %multiple_of3A, %dma_start3A] : memref<2x10000x80xf32, #tpu.memory_space<hbm>> -> memref<1x8x80xf32, #tpu.memory_space<hbm>>
        %dma_start3A_52 = tpu.memref_squeeze %dma_start3A_51 : memref<1x8x80xf32, #tpu.memory_space<hbm>> -> memref<8x80xf32, #tpu.memory_space<hbm>>
        %dma_start3A_53 = arith.constant 0 : i32
        %dma_start3A_54 = tpu.memref_slice %arg8[%multiple_of3A, %dma_start3A_53] : memref<10000x80xf32, #tpu.memory_space<vmem_shared>> -> memref<8x80xf32, #tpu.memory_space<vmem_shared>>
        tpu.enqueue_dma source(%dma_start3A_54 : memref<8x80xf32, #tpu.memory_space<vmem_shared>>) target(%dma_start3A_52 : memref<8x80xf32, #tpu.memory_space<hbm>>) target_semaphore(%run_scoped3A_50 : memref<!tpu.dma_semaphore, #tpu.memory_space<semaphore_mem>>)
        %dma_wait3A = arith.constant 0 : i32
        %dma_wait3A_55 = tpu.memref_slice %arg7[%arg0, %multiple_of3A, %dma_wait3A] : memref<2x10000x80xf32, #tpu.memory_space<hbm>> -> memref<1x8x80xf32, #tpu.memory_space<hbm>>
        %dma_wait3A_56 = tpu.memref_squeeze %dma_wait3A_55 : memref<1x8x80xf32, #tpu.memory_space<hbm>> -> memref<8x80xf32, #tpu.memory_space<hbm>>
        %dma_wait3A_57 = arith.constant 0 : i32
        %dma_wait3A_58 = tpu.memref_slice %arg8[%multiple_of3A, %dma_wait3A_57] : memref<10000x80xf32, #tpu.memory_space<vmem_shared>> -> memref<8x80xf32, #tpu.memory_space<vmem_shared>>
        tpu.wait_dma2 semaphore(%run_scoped3A_50 : memref<!tpu.dma_semaphore, #tpu.memory_space<semaphore_mem>>) src(%dma_wait3A_58 : memref<8x80xf32, #tpu.memory_space<vmem_shared>>) dst(%dma_wait3A_56 : memref<8x80xf32, #tpu.memory_space<hbm>>)
        tpu.yield
      }) : () -> ()
      %while3A_49 = arith.constant 0 : i32
      scf.yield %while3A_49 : i32
    }
    return
  }
}

module attributes {stable_mosaic.version = 14 : i64} {
  func.func @body(%arg0: i32, %arg1: i32, %arg2: memref<1000x128xf32, #tpu.memory_space<vmem>>, %arg3: memref<128x128xf32, #tpu.memory_space<vmem>>, %arg4: memref<128x128xf32, #tpu.memory_space<vmem>>, %arg5: memref<1000x128xf32, #tpu.memory_space<vmem>>, %arg6: memref<1000x128xf32, #tpu.memory_space<vmem>>) attributes {dimension_semantics = [#tpu.dimension_semantics<arbitrary>, #tpu.dimension_semantics<arbitrary>], iteration_bounds = array<i64: 2, 10>, scalar_prefetch = 0 : i64, scratch_operands = 0 : i64, tpu.core_type = #tpu.core_type<tc>, window_params = [{transform_indices = @transform_0, window_bounds = array<i64: 1000, 128>}, {transform_indices = @transform_1, window_bounds = array<i64: 128, 128>}, {transform_indices = @transform_2, window_bounds = array<i64: 128, 128>}, {transform_indices = @transform_3, window_bounds = array<i64: 1000, 128>}, {transform_indices = @transform_4, window_bounds = array<i64: 1000, 128>}]} {
    %get3A = arith.constant 0 : index
    %get3A_0 = arith.constant 0 : index
    %get3A_1 = vector.load %arg2[%get3A, %get3A_0] : memref<1000x128xf32, #tpu.memory_space<vmem>>, vector<1000x128xf32>
    %get3A_2 = arith.constant 0 : index
    %get3A_3 = arith.constant 0 : index
    %get3A_4 = vector.load %arg3[%get3A_2, %get3A_3] : memref<128x128xf32, #tpu.memory_space<vmem>>, vector<128x128xf32>
    %dot_general3A = arith.constant dense<0.000000e+00> : vector<1000x128xf32>
    %dot_general3A_5 = tpu.matmul %get3A_1, %get3A_4, %dot_general3A {dimension_numbers = #tpu.dot_dimension_numbers<[1], [0], [0], [1], [0, 0, 1, 1], [], []>, transpose_lhs_hint = false} : vector<1000x128xf32>, vector<128x128xf32>, vector<1000x128xf32> -> vector<1000x128xf32>
    %swap3A = arith.constant 0 : index
    %swap3A_6 = arith.constant 0 : index
    %swap3A_7 = vector.load %arg5[%swap3A, %swap3A_6] : memref<1000x128xf32, #tpu.memory_space<vmem>>, vector<1000x128xf32>
    tpu.vector_store %arg5[%swap3A, %swap3A_6], %dot_general3A_5 {strides = array<i32>} : memref<1000x128xf32, #tpu.memory_space<vmem>>, vector<1000x128xf32>,
    %get3A_8 = arith.constant 0 : index
    %get3A_9 = arith.constant 0 : index
    %get3A_10 = vector.load %arg2[%get3A_8, %get3A_9] : memref<1000x128xf32, #tpu.memory_space<vmem>>, vector<1000x128xf32>
    %get3A_11 = arith.constant 0 : index
    %get3A_12 = arith.constant 0 : index
    %get3A_13 = vector.load %arg4[%get3A_11, %get3A_12] : memref<128x128xf32, #tpu.memory_space<vmem>>, vector<128x128xf32>
    %dot_general3A_14 = arith.constant dense<0.000000e+00> : vector<1000x128xf32>
    %dot_general3A_15 = tpu.matmul %get3A_10, %get3A_13, %dot_general3A_14 {dimension_numbers = #tpu.dot_dimension_numbers<[1], [0], [0], [1], [0, 0, 1, 1], [], []>, transpose_lhs_hint = false} : vector<1000x128xf32>, vector<128x128xf32>, vector<1000x128xf32> -> vector<1000x128xf32>
    %swap3A_16 = arith.constant 0 : index
    %swap3A_17 = arith.constant 0 : index
    %swap3A_18 = vector.load %arg6[%swap3A_16, %swap3A_17] : memref<1000x128xf32, #tpu.memory_space<vmem>>, vector<1000x128xf32>
    tpu.vector_store %arg6[%swap3A_16, %swap3A_17], %dot_general3A_15 {strides = array<i32>} : memref<1000x128xf32, #tpu.memory_space<vmem>>, vector<1000x128xf32>,
    return
  }
  func.func @transform_0(%arg0: i32, %arg1: i32) -> (i32, i32) {
    %c0_i32 = arith.constant 0 : i32
    %c0_i32_0 = arith.constant 0 : i32
    return %arg1, %c0_i32 : i32, i32
  }
  func.func @transform_1(%arg0: i32, %arg1: i32) -> (i32, i32) {
    %c0_i32 = arith.constant 0 : i32
    %c0_i32_0 = arith.constant 0 : i32
    return %c0_i32, %arg0 : i32, i32
  }
  func.func @transform_2(%arg0: i32, %arg1: i32) -> (i32, i32) {
    %c0_i32 = arith.constant 0 : i32
    %c0_i32_0 = arith.constant 0 : i32
    return %c0_i32, %arg0 : i32, i32
  }
  func.func @transform_3(%arg0: i32, %arg1: i32) -> (i32, i32) {
    %mul3A = arith.constant 10 : i32
    %mul3A_0 = arith.muli %arg0, %mul3A : i32
    %add3A = arith.addi %mul3A_0, %arg1 : i32
    %c0_i32 = arith.constant 0 : i32
    %c0_i32_1 = arith.constant 0 : i32
    return %add3A, %c0_i32 : i32, i32
  }
  func.func @transform_4(%arg0: i32, %arg1: i32) -> (i32, i32) {
    %mul3A = arith.constant 10 : i32
    %mul3A_0 = arith.muli %arg0, %mul3A : i32
    %add3A = arith.addi %mul3A_0, %arg1 : i32
    %c0_i32 = arith.constant 0 : i32
    %c0_i32_1 = arith.constant 0 : i32
    return %add3A, %c0_i32 : i32, i32
  }
}

module attributes {stable_mosaic.version = 14 : i64} {
  func.func @body(%arg0: i32, %arg1: i32, %arg2: memref<1000x256xf32, #tpu.memory_space<vmem>>, %arg3: memref<1000x256xf32, #tpu.memory_space<vmem>>, %arg4: memref<1x256xf32, #tpu.memory_space<vmem>>, %arg5: memref<256x128xf32, #tpu.memory_space<vmem>>, %arg6: memref<256x128xf32, #tpu.memory_space<vmem>>, %arg7: memref<1000x128xf32, #tpu.memory_space<vmem>>, %arg8: memref<1000x128xf32, #tpu.memory_space<vmem>>) attributes {dimension_semantics = [#tpu.dimension_semantics<arbitrary>, #tpu.dimension_semantics<arbitrary>], iteration_bounds = array<i64: 2, 10>, scalar_prefetch = 0 : i64, scratch_operands = 0 : i64, tpu.core_type = #tpu.core_type<tc>, window_params = [{transform_indices = @transform_0, window_bounds = array<i64: 1000, 256>}, {transform_indices = @transform_1, window_bounds = array<i64: 1000, 256>}, {pipeline_mode = #tpu.pipeline_mode<synchronous>, transform_indices = @transform_2, window_bounds = array<i64: 1, 256>}, {transform_indices = @transform_3, window_bounds = array<i64: 256, 128>}, {transform_indices = @transform_4, window_bounds = array<i64: 256, 128>}, {transform_indices = @transform_5, window_bounds = array<i64: 1000, 128>}, {transform_indices = @transform_6, window_bounds = array<i64: 1000, 128>}]} {
    %get3A = arith.constant 0 : index
    %get3A_0 = arith.constant 0 : index
    %get3A_1 = vector.load %arg2[%get3A, %get3A_0] : memref<1000x256xf32, #tpu.memory_space<vmem>>, vector<1000x256xf32>
    %get3A_2 = arith.constant 0 : index
    %get3A_3 = arith.constant 0 : index
    %get3A_4 = vector.load %arg3[%get3A_2, %get3A_3] : memref<1000x256xf32, #tpu.memory_space<vmem>>, vector<1000x256xf32>
    %div3A = arith.divf %get3A_1, %get3A_4 : vector<1000x256xf32>
    %get3A_5 = arith.constant 0 : index
    %get3A_6 = arith.constant 0 : index
    %get3A_7 = vector.load %arg4[%get3A_5, %get3A_6] : memref<1x256xf32, #tpu.memory_space<vmem>>, vector<1x256xf32>
    %add3A = vector.broadcast %get3A_7 : vector<1x256xf32> to vector<1000x256xf32>
    %add3A_8 = arith.addf %div3A, %add3A : vector<1000x256xf32>
    %gt3A = arith.constant 0.000000e+00 : f32
    %gt3A_9 = vector.broadcast %gt3A : f32 to vector<1000x256xf32>
    %gt3A_10 = arith.cmpf ogt, %add3A_8, %gt3A_9 : vector<1000x256xf32>
    %min3A = arith.constant 0.000000e+00 : f32
    %min3A_11 = vector.broadcast %min3A : f32 to vector<1000x256xf32>
    %min3A_12 = arith.minimumf %add3A_8, %min3A_11 : vector<1000x256xf32>
    %exp3A = math.exp %min3A_12 : vector<1000x256xf32>
    %sub3A = arith.constant 1.000000e+00 : f32
    %sub3A_13 = vector.broadcast %sub3A : f32 to vector<1000x256xf32>
    %sub3A_14 = arith.subf %exp3A, %sub3A_13 : vector<1000x256xf32>
    %select_n3A = arith.select %gt3A_10, %add3A_8, %sub3A_14 : vector<1000x256xi1>, vector<1000x256xf32>
    %gt3A_15 = arith.constant 0.000000e+00 : f32
    %gt3A_16 = vector.broadcast %gt3A_15 : f32 to vector<1000x256xf32>
    %gt3A_17 = arith.cmpf ogt, %select_n3A, %gt3A_16 : vector<1000x256xf32>
    %min3A_18 = arith.constant 0.000000e+00 : f32
    %min3A_19 = vector.broadcast %min3A_18 : f32 to vector<1000x256xf32>
    %min3A_20 = arith.minimumf %select_n3A, %min3A_19 : vector<1000x256xf32>
    %exp3A_21 = math.exp %min3A_20 : vector<1000x256xf32>
    %sub3A_22 = arith.constant 1.000000e+00 : f32
    %sub3A_23 = vector.broadcast %sub3A_22 : f32 to vector<1000x256xf32>
    %sub3A_24 = arith.subf %exp3A_21, %sub3A_23 : vector<1000x256xf32>
    %select_n3A_25 = arith.select %gt3A_17, %select_n3A, %sub3A_24 : vector<1000x256xi1>, vector<1000x256xf32>
    %get3A_26 = arith.constant 0 : index
    %get3A_27 = arith.constant 0 : index
    %get3A_28 = vector.load %arg5[%get3A_26, %get3A_27] : memref<256x128xf32, #tpu.memory_space<vmem>>, vector<256x128xf32>
    %dot_general3A = arith.constant dense<0.000000e+00> : vector<1000x128xf32>
    %dot_general3A_29 = tpu.matmul %select_n3A_25, %get3A_28, %dot_general3A {dimension_numbers = #tpu.dot_dimension_numbers<[1], [0], [0], [1], [0, 0, 1, 1], [], []>, transpose_lhs_hint = false} : vector<1000x256xf32>, vector<256x128xf32>, vector<1000x128xf32> -> vector<1000x128xf32>
    %swap3A = arith.constant 0 : index
    %swap3A_30 = arith.constant 0 : index
    %swap3A_31 = vector.load %arg7[%swap3A, %swap3A_30] : memref<1000x128xf32, #tpu.memory_space<vmem>>, vector<1000x128xf32>
    tpu.vector_store %arg7[%swap3A, %swap3A_30], %dot_general3A_29 {strides = array<i32>} : memref<1000x128xf32, #tpu.memory_space<vmem>>, vector<1000x128xf32>,
    %get3A_32 = arith.constant 0 : index
    %get3A_33 = arith.constant 0 : index
    %get3A_34 = vector.load %arg6[%get3A_32, %get3A_33] : memref<256x128xf32, #tpu.memory_space<vmem>>, vector<256x128xf32>
    %dot_general3A_35 = arith.constant dense<0.000000e+00> : vector<1000x128xf32>
    %dot_general3A_36 = tpu.matmul %select_n3A_25, %get3A_34, %dot_general3A_35 {dimension_numbers = #tpu.dot_dimension_numbers<[1], [0], [0], [1], [0, 0, 1, 1], [], []>, transpose_lhs_hint = false} : vector<1000x256xf32>, vector<256x128xf32>, vector<1000x128xf32> -> vector<1000x128xf32>
    %swap3A_37 = arith.constant 0 : index
    %swap3A_38 = arith.constant 0 : index
    %swap3A_39 = vector.load %arg8[%swap3A_37, %swap3A_38] : memref<1000x128xf32, #tpu.memory_space<vmem>>, vector<1000x128xf32>
    tpu.vector_store %arg8[%swap3A_37, %swap3A_38], %dot_general3A_36 {strides = array<i32>} : memref<1000x128xf32, #tpu.memory_space<vmem>>, vector<1000x128xf32>,
    return
  }
  func.func @transform_0(%arg0: i32, %arg1: i32) -> (i32, i32) {
    %c0_i32 = arith.constant 0 : i32
    %c0_i32_0 = arith.constant 0 : i32
    return %arg1, %c0_i32 : i32, i32
  }
  func.func @transform_1(%arg0: i32, %arg1: i32) -> (i32, i32) {
    %c0_i32 = arith.constant 0 : i32
    %c0_i32_0 = arith.constant 0 : i32
    return %arg1, %c0_i32 : i32, i32
  }
  func.func @transform_2(%arg0: i32, %arg1: i32) -> (i32, i32) {
    %c0_i32 = arith.constant 0 : i32
    %c0_i32_0 = arith.constant 0 : i32
    %c0_i32_1 = arith.constant 0 : i32
    return %c0_i32, %c0_i32_0 : i32, i32
  }
  func.func @transform_3(%arg0: i32, %arg1: i32) -> (i32, i32) {
    %c0_i32 = arith.constant 0 : i32
    %c0_i32_0 = arith.constant 0 : i32
    return %c0_i32, %arg0 : i32, i32
  }
  func.func @transform_4(%arg0: i32, %arg1: i32) -> (i32, i32) {
    %c0_i32 = arith.constant 0 : i32
    %c0_i32_0 = arith.constant 0 : i32
    return %c0_i32, %arg0 : i32, i32
  }
  func.func @transform_5(%arg0: i32, %arg1: i32) -> (i32, i32) {
    %mul3A = arith.constant 10 : i32
    %mul3A_0 = arith.muli %arg0, %mul3A : i32
    %add3A = arith.addi %mul3A_0, %arg1 : i32
    %c0_i32 = arith.constant 0 : i32
    %c0_i32_1 = arith.constant 0 : i32
    return %add3A, %c0_i32 : i32, i32
  }
  func.func @transform_6(%arg0: i32, %arg1: i32) -> (i32, i32) {
    %mul3A = arith.constant 10 : i32
    %mul3A_0 = arith.muli %arg0, %mul3A : i32
    %add3A = arith.addi %mul3A_0, %arg1 : i32
    %c0_i32 = arith.constant 0 : i32
    %c0_i32_1 = arith.constant 0 : i32
    return %add3A, %c0_i32 : i32, i32
  }
}

module attributes {stable_mosaic.version = 14 : i64} {
  func.func @body(%arg0: i32, %arg1: memref<1000x256xf32, #tpu.memory_space<vmem>>, %arg2: memref<1000x256xf32, #tpu.memory_space<vmem>>, %arg3: memref<1x256xf32, #tpu.memory_space<vmem>>, %arg4: memref<256x64xf32, #tpu.memory_space<vmem>>, %arg5: memref<256x64xf32, #tpu.memory_space<vmem>>, %arg6: memref<1000x64xf32, #tpu.memory_space<vmem>>, %arg7: memref<1000x64xf32, #tpu.memory_space<vmem>>, %arg8: memref<1x256xf32, #tpu.memory_space<vmem>>) attributes {dimension_semantics = [#tpu.dimension_semantics<arbitrary>], iteration_bounds = array<i64: 10>, scalar_prefetch = 0 : i64, scratch_operands = 0 : i64, tpu.core_type = #tpu.core_type<tc>, window_params = [{transform_indices = @transform_0, window_bounds = array<i64: 1000, 256>}, {transform_indices = @transform_1, window_bounds = array<i64: 1000, 256>}, {pipeline_mode = #tpu.pipeline_mode<synchronous>, transform_indices = @transform_2, window_bounds = array<i64: 1, 256>}, {pipeline_mode = #tpu.pipeline_mode<synchronous>, transform_indices = @transform_3, window_bounds = array<i64: 256, 64>}, {pipeline_mode = #tpu.pipeline_mode<synchronous>, transform_indices = @transform_4, window_bounds = array<i64: 256, 64>}, {transform_indices = @transform_5, window_bounds = array<i64: 1000, 64>}, {transform_indices = @transform_6, window_bounds = array<i64: 1000, 64>}, {pipeline_mode = #tpu.pipeline_mode<synchronous>, transform_indices = @transform_7, window_bounds = array<i64: 1, 256>}]} {
    %get3A = arith.constant 0 : index
    %get3A_0 = arith.constant 0 : index
    %get3A_1 = vector.load %arg1[%get3A, %get3A_0] : memref<1000x256xf32, #tpu.memory_space<vmem>>, vector<1000x256xf32>
    %get3A_2 = arith.constant 0 : index
    %get3A_3 = arith.constant 0 : index
    %get3A_4 = vector.load %arg2[%get3A_2, %get3A_3] : memref<1000x256xf32, #tpu.memory_space<vmem>>, vector<1000x256xf32>
    %div3A = arith.divf %get3A_1, %get3A_4 : vector<1000x256xf32>
    %get3A_5 = arith.constant 0 : index
    %get3A_6 = arith.constant 0 : index
    %get3A_7 = vector.load %arg3[%get3A_5, %get3A_6] : memref<1x256xf32, #tpu.memory_space<vmem>>, vector<1x256xf32>
    %add3A = vector.broadcast %get3A_7 : vector<1x256xf32> to vector<1000x256xf32>
    %add3A_8 = arith.addf %div3A, %add3A : vector<1000x256xf32>
    %gt3A = arith.constant 0.000000e+00 : f32
    %gt3A_9 = vector.broadcast %gt3A : f32 to vector<1000x256xf32>
    %gt3A_10 = arith.cmpf ogt, %add3A_8, %gt3A_9 : vector<1000x256xf32>
    %min3A = arith.constant 0.000000e+00 : f32
    %min3A_11 = vector.broadcast %min3A : f32 to vector<1000x256xf32>
    %min3A_12 = arith.minimumf %add3A_8, %min3A_11 : vector<1000x256xf32>
    %exp3A = math.exp %min3A_12 : vector<1000x256xf32>
    %sub3A = arith.constant 1.000000e+00 : f32
    %sub3A_13 = vector.broadcast %sub3A : f32 to vector<1000x256xf32>
    %sub3A_14 = arith.subf %exp3A, %sub3A_13 : vector<1000x256xf32>
    %select_n3A = arith.select %gt3A_10, %add3A_8, %sub3A_14 : vector<1000x256xi1>, vector<1000x256xf32>
    %gt3A_15 = arith.constant 0.000000e+00 : f32
    %gt3A_16 = vector.broadcast %gt3A_15 : f32 to vector<1000x256xf32>
    %gt3A_17 = arith.cmpf ogt, %select_n3A, %gt3A_16 : vector<1000x256xf32>
    %min3A_18 = arith.constant 0.000000e+00 : f32
    %min3A_19 = vector.broadcast %min3A_18 : f32 to vector<1000x256xf32>
    %min3A_20 = arith.minimumf %select_n3A, %min3A_19 : vector<1000x256xf32>
    %exp3A_21 = math.exp %min3A_20 : vector<1000x256xf32>
    %sub3A_22 = arith.constant 1.000000e+00 : f32
    %sub3A_23 = vector.broadcast %sub3A_22 : f32 to vector<1000x256xf32>
    %sub3A_24 = arith.subf %exp3A_21, %sub3A_23 : vector<1000x256xf32>
    %select_n3A_25 = arith.select %gt3A_17, %select_n3A, %sub3A_24 : vector<1000x256xi1>, vector<1000x256xf32>
    %get3A_26 = arith.constant 0 : index
    %get3A_27 = arith.constant 0 : index
    %get3A_28 = vector.load %arg4[%get3A_26, %get3A_27] : memref<256x64xf32, #tpu.memory_space<vmem>>, vector<256x64xf32>
    %dot_general3A = arith.constant dense<0.000000e+00> : vector<1000x64xf32>
    %dot_general3A_29 = tpu.matmul %select_n3A_25, %get3A_28, %dot_general3A {dimension_numbers = #tpu.dot_dimension_numbers<[1], [0], [0], [1], [0, 0, 1, 1], [], []>, transpose_lhs_hint = false} : vector<1000x256xf32>, vector<256x64xf32>, vector<1000x64xf32> -> vector<1000x64xf32>
    %swap3A = arith.constant 0 : index
    %swap3A_30 = arith.constant 0 : index
    %swap3A_31 = vector.load %arg6[%swap3A, %swap3A_30] : memref<1000x64xf32, #tpu.memory_space<vmem>>, vector<1000x64xf32>
    tpu.vector_store %arg6[%swap3A, %swap3A_30], %dot_general3A_29 {strides = array<i32>} : memref<1000x64xf32, #tpu.memory_space<vmem>>, vector<1000x64xf32>,
    %get3A_32 = arith.constant 0 : index
    %get3A_33 = arith.constant 0 : index
    %get3A_34 = vector.load %arg5[%get3A_32, %get3A_33] : memref<256x64xf32, #tpu.memory_space<vmem>>, vector<256x64xf32>
    %dot_general3A_35 = arith.constant dense<0.000000e+00> : vector<1000x64xf32>
    %dot_general3A_36 = tpu.matmul %select_n3A_25, %get3A_34, %dot_general3A_35 {dimension_numbers = #tpu.dot_dimension_numbers<[1], [0], [0], [1], [0, 0, 1, 1], [], []>, transpose_lhs_hint = false} : vector<1000x256xf32>, vector<256x64xf32>, vector<1000x64xf32> -> vector<1000x64xf32>
    %swap3A_37 = arith.constant 0 : index
    %swap3A_38 = arith.constant 0 : index
    %swap3A_39 = vector.load %arg7[%swap3A_37, %swap3A_38] : memref<1000x64xf32, #tpu.memory_space<vmem>>, vector<1000x64xf32>
    tpu.vector_store %arg7[%swap3A_37, %swap3A_38], %dot_general3A_36 {strides = array<i32>} : memref<1000x64xf32, #tpu.memory_space<vmem>>, vector<1000x64xf32>,
    %eq3A = arith.constant 0 : i32
    %eq3A_40 = arith.cmpi eq, %arg0, %eq3A : i32
    %convert_element_type3A = arith.extui %eq3A_40 : i1 to i32
    %cond3A = arith.constant 0 : i32
    %cond3A_41 = arith.cmpi ne, %convert_element_type3A, %cond3A : i32
    scf.if %cond3A_41 {
      %broadcast_in_dim3A_52 = arith.constant 0.000000e+00 : f32
      %broadcast_in_dim3A_53 = vector.broadcast %broadcast_in_dim3A_52 : f32 to vector<1x256xf32>
      %swap3A_54 = arith.constant 0 : index
      %swap3A_55 = arith.constant 0 : index
      %swap3A_56 = vector.load %arg8[%swap3A_54, %swap3A_55] : memref<1x256xf32, #tpu.memory_space<vmem>>, vector<1x256xf32>
      tpu.vector_store %arg8[%swap3A_54, %swap3A_55], %broadcast_in_dim3A_53 {strides = array<i32>} : memref<1x256xf32, #tpu.memory_space<vmem>>, vector<1x256xf32>,
    } else {
    }
    %get3A_42 = arith.constant 0 : index
    %get3A_43 = arith.constant 0 : index
    %get3A_44 = vector.load %arg8[%get3A_42, %get3A_43] : memref<1x256xf32, #tpu.memory_space<vmem>>, vector<1x256xf32>
    %reduce_sum3A = arith.constant dense<0.000000e+00> : vector<256xf32>
    %reduce_sum3A_45 = vector.multi_reduction <add>, %select_n3A_25, %reduce_sum3A [0] : vector<1000x256xf32> to vector<256xf32>
    %broadcast_in_dim3A = vector.shape_cast %reduce_sum3A_45 : vector<256xf32> to vector<1x256xf32>
    %mul3A = arith.constant 9.99999974E-5 : f32
    %mul3A_46 = vector.broadcast %mul3A : f32 to vector<1x256xf32>
    %mul3A_47 = arith.mulf %broadcast_in_dim3A, %mul3A_46 : vector<1x256xf32>
    %add3A_48 = arith.addf %get3A_44, %mul3A_47 : vector<1x256xf32>
    %swap3A_49 = arith.constant 0 : index
    %swap3A_50 = arith.constant 0 : index
    %swap3A_51 = vector.load %arg8[%swap3A_49, %swap3A_50] : memref<1x256xf32, #tpu.memory_space<vmem>>, vector<1x256xf32>
    tpu.vector_store %arg8[%swap3A_49, %swap3A_50], %add3A_48 {strides = array<i32>} : memref<1x256xf32, #tpu.memory_space<vmem>>, vector<1x256xf32>,
    return
  }
  func.func @transform_0(%arg0: i32) -> (i32, i32) {
    %c0_i32 = arith.constant 0 : i32
    %c0_i32_0 = arith.constant 0 : i32
    return %arg0, %c0_i32 : i32, i32
  }
  func.func @transform_1(%arg0: i32) -> (i32, i32) {
    %c0_i32 = arith.constant 0 : i32
    %c0_i32_0 = arith.constant 0 : i32
    return %arg0, %c0_i32 : i32, i32
  }
  func.func @transform_2(%arg0: i32) -> (i32, i32) {
    %c0_i32 = arith.constant 0 : i32
    %c0_i32_0 = arith.constant 0 : i32
    %c0_i32_1 = arith.constant 0 : i32
    return %c0_i32, %c0_i32_0 : i32, i32
  }
  func.func @transform_3(%arg0: i32) -> (i32, i32) {
    %c0_i32 = arith.constant 0 : i32
    %c0_i32_0 = arith.constant 0 : i32
    %c0_i32_1 = arith.constant 0 : i32
    return %c0_i32, %c0_i32_0 : i32, i32
  }
  func.func @transform_4(%arg0: i32) -> (i32, i32) {
    %c0_i32 = arith.constant 0 : i32
    %c0_i32_0 = arith.constant 0 : i32
    %c0_i32_1 = arith.constant 0 : i32
    return %c0_i32, %c0_i32_0 : i32, i32
  }
  func.func @transform_5(%arg0: i32) -> (i32, i32) {
    %c0_i32 = arith.constant 0 : i32
    %c0_i32_0 = arith.constant 0 : i32
    return %arg0, %c0_i32 : i32, i32
  }
  func.func @transform_6(%arg0: i32) -> (i32, i32) {
    %c0_i32 = arith.constant 0 : i32
    %c0_i32_0 = arith.constant 0 : i32
    return %arg0, %c0_i32 : i32, i32
  }
  func.func @transform_7(%arg0: i32) -> (i32, i32) {
    %c0_i32 = arith.constant 0 : i32
    %c0_i32_0 = arith.constant 0 : i32
    %c0_i32_1 = arith.constant 0 : i32
    return %c0_i32, %c0_i32_0 : i32, i32
  }
}

module attributes {stable_mosaic.version = 14 : i64} {
  func.func @body(%arg0: i32, %arg1: memref<1000x80xf32, #tpu.memory_space<vmem>>, %arg2: memref<1000x80xf32, #tpu.memory_space<vmem>>, %arg3: memref<1x64xf32, #tpu.memory_space<vmem>>, %arg4: memref<1000x64xf32, #tpu.memory_space<vmem>>) attributes {dimension_semantics = [#tpu.dimension_semantics<arbitrary>], iteration_bounds = array<i64: 10>, scalar_prefetch = 0 : i64, scratch_operands = 0 : i64, tpu.core_type = #tpu.core_type<tc>, window_params = [{transform_indices = @transform_0, window_bounds = array<i64: 1000, 80>}, {transform_indices = @transform_1, window_bounds = array<i64: 1000, 80>}, {pipeline_mode = #tpu.pipeline_mode<synchronous>, transform_indices = @transform_2, window_bounds = array<i64: 1, 64>}, {transform_indices = @transform_3, window_bounds = array<i64: 1000, 64>}]} {
    %get3A = arith.constant 0 : index
    %get3A_0 = arith.constant 0 : index
    %get3A_1 = vector.load %arg1[%get3A, %get3A_0] : memref<1000x80xf32, #tpu.memory_space<vmem>>, vector<1000x80xf32>
    %get3A_2 = arith.constant 0 : index
    %get3A_3 = arith.constant 0 : index
    %get3A_4 = vector.load %arg2[%get3A_2, %get3A_3] : memref<1000x80xf32, #tpu.memory_space<vmem>>, vector<1000x80xf32>
    %add3A = arith.addf %get3A_1, %get3A_4 : vector<1000x80xf32>
    %slice3A = vector.extract_strided_slice %add3A {offsets = [0, 0], sizes = [1000, 64], strides = [1, 1]} : vector<1000x80xf32> to vector<1000x64xf32>
    %slice3A_5 = vector.extract_strided_slice %add3A {offsets = [0, 64], sizes = [1000, 1], strides = [1, 1]} : vector<1000x80xf32> to vector<1000x1xf32>
    %add3A_6 = arith.constant 9.99999971E-10 : f32
    %add3A_7 = vector.broadcast %add3A_6 : f32 to vector<1000x1xf32>
    %add3A_8 = arith.addf %slice3A_5, %add3A_7 : vector<1000x1xf32>
    %div3A = vector.broadcast %add3A_8 : vector<1000x1xf32> to vector<1000x64xf32>
    %div3A_9 = arith.divf %slice3A, %div3A : vector<1000x64xf32>
    %get3A_10 = arith.constant 0 : index
    %get3A_11 = arith.constant 0 : index
    %get3A_12 = vector.load %arg3[%get3A_10, %get3A_11] : memref<1x64xf32, #tpu.memory_space<vmem>>, vector<1x64xf32>
    %add3A_13 = vector.broadcast %get3A_12 : vector<1x64xf32> to vector<1000x64xf32>
    %add3A_14 = arith.addf %div3A_9, %add3A_13 : vector<1000x64xf32>
    %gt3A = arith.constant 0.000000e+00 : f32
    %gt3A_15 = vector.broadcast %gt3A : f32 to vector<1000x64xf32>
    %gt3A_16 = arith.cmpf ogt, %add3A_14, %gt3A_15 : vector<1000x64xf32>
    %min3A = arith.constant 0.000000e+00 : f32
    %min3A_17 = vector.broadcast %min3A : f32 to vector<1000x64xf32>
    %min3A_18 = arith.minimumf %add3A_14, %min3A_17 : vector<1000x64xf32>
    %exp3A = math.exp %min3A_18 : vector<1000x64xf32>
    %sub3A = arith.constant 1.000000e+00 : f32
    %sub3A_19 = vector.broadcast %sub3A : f32 to vector<1000x64xf32>
    %sub3A_20 = arith.subf %exp3A, %sub3A_19 : vector<1000x64xf32>
    %select_n3A = arith.select %gt3A_16, %add3A_14, %sub3A_20 : vector<1000x64xi1>, vector<1000x64xf32>
    %swap3A = arith.constant 0 : index
    %swap3A_21 = arith.constant 0 : index
    %swap3A_22 = vector.load %arg4[%swap3A, %swap3A_21] : memref<1000x64xf32, #tpu.memory_space<vmem>>, vector<1000x64xf32>
    tpu.vector_store %arg4[%swap3A, %swap3A_21], %select_n3A {strides = array<i32>} : memref<1000x64xf32, #tpu.memory_space<vmem>>, vector<1000x64xf32>,
    return
  }
  func.func @transform_0(%arg0: i32) -> (i32, i32) {
    %c0_i32 = arith.constant 0 : i32
    %c0_i32_0 = arith.constant 0 : i32
    return %arg0, %c0_i32 : i32, i32
  }
  func.func @transform_1(%arg0: i32) -> (i32, i32) {
    %c0_i32 = arith.constant 0 : i32
    %c0_i32_0 = arith.constant 0 : i32
    return %arg0, %c0_i32 : i32, i32
  }
  func.func @transform_2(%arg0: i32) -> (i32, i32) {
    %c0_i32 = arith.constant 0 : i32
    %c0_i32_0 = arith.constant 0 : i32
    %c0_i32_1 = arith.constant 0 : i32
    return %c0_i32, %c0_i32_0 : i32, i32
  }
  func.func @transform_3(%arg0: i32) -> (i32, i32) {
    %c0_i32 = arith.constant 0 : i32
    %c0_i32_0 = arith.constant 0 : i32
    return %arg0, %c0_i32 : i32, i32
  }
}

</mosaic_0001>

<sc_bundles>
// kernel: kernel.10.cloned.1.call-start
scs
__scs_entry_jumppad:
0x0: {  	(pc) =	sbr.rel $0x88, $3  }
0x1: {  	(tag) =	ssettag $0x0;
	lr =	simm.s32 $0x1  }
0x2: {  	[smem:$0x3F93] =	sst lr;
	_ =	strace $0xD0000000  }
0x3: {  	_ = 	snop  }
0x4: {  	_ = 	snop  }
0x5: {  	_ = 	snop  }
0x6: {  	_ = 	snop  }
0x7: {  	_ = 	snop  }
__scs_overlays_trampoline_lowered:
0x8: {  	[smem:$0x3FA2] =	sst s0  }
0x9: {  	[smem:$0x3FA3] =	sst s1  }
0xa: {  	[smem:$0x3FA4] =	sst s2  }
0xb: {  	[smem:$0x3FA5] =	sst s3  }
0xc: {  	[smem:$0x3FA6] =	sst s4  }
0xd: {  	[smem:$0x3FA7] =	sst s5  }
0xe: {  	[smem:$0x3FA8] =	sst s6  }
0xf: {  	[smem:$0x3FA9] =	sst s7  }
0x10: {  	[smem:$0x3FAA] =	sst s8  }
0x11: {  	[smem:$0x3FAB] =	sst s9;
	s0 =	simm.s32 @!p0 $0x0  }
0x12: {  	s1 =	sld [smem:$0x3F91];
	s0 =	simm.s32 @p0 $0x1  }
0x13: {  	[smem:$0x3FAC] =	sst s0;
	s0 =	simm.s32 @!p1 $0x0  }
0x14: {  	s2 =	sld [smem:$0x3F90];
	s0 =	simm.s32 @p1 $0x1  }
0x15: {  	[smem:$0x3FAD] =	sst s0;
	s0 =	simm.s32 @!p2 $0x0  }
0x16: {  	s3 =	sld [smem:$0x3FDB];
	s0 =	simm.s32 @p2 $0x1  }
0x17: {  	s4 =	simm.s32 $0x1BF5;
	[smem:$0x3FAF] =	sst s0  }
0x18: {  	s0 =	sld [smem:$0x3F92];
	_ =	swait.ge [sflag:s4], $0x0  }
0x19: {  	s7 =	sld [smem:$0x3F93]  }
0x1a: {  	s8 =	sadd.s32 $0xFFFFE003, lr  }
0x1b: {  	s9 =	sadd.s32 $0xFFFFFEF7, lr;
	s5 =	simm.s32 $0xFFFFFFFF;
	p2 =	slt.u32 s8, $0xFFFFF086  }
0x1c: {  	p1 =	slt.u32 s9, $0xF7A;
	s5 =	simm.s32 @!p2 $0x0  }
0x1d: {  	s5 =	simm.s32 @p1 $0x1;
	p0 =	seq.s32 s7, s2  }
0x1e: {  	s7 =	smul.u32 @!p0 $0xF7A, s2;
	p2 =	seq.s32 @!p0 s5, $0x0  }
0x1f: {  	s9 =	smul.u32 $0xF7A, s1;
	s8 =	simm.s32 @!p0 $0x1BF5;
	p2 =	por !p2, p0  }
0x20: {  	[sflag:s8] =	ssyncset.s32 @!p0 $0xFFFFF086;
	s6 =	sadd.s32 @!p0 s3, s7;
	s7 =	simm.s32 @!p0 $0x108  }
0x21: {  	s3 =	sadd.s32 s3, s9;
	s6 =	sadd.s32 @!p0 $0x88, s6;
	s7 =	simm.s32 @p2 $0x1082  }
0x22: {  	[simem:s7], [sflag:s8] =	dma.local @!p0 [hbm:s6], $0xF7A  }
0x23: {  	s9 =	sor.u32 $0xD0000000, s2;
	s6 =	simm.s32 $0x108;
	_ =	swait.ge @!p0 [sflag:s8], $0x0  }
0x24: {  	s3 =	sadd.s32 $0x88, s3;
	s6 =	simm.s32 @!p1 $0x1082;
	[sflag:s4] =	ssyncset.s32 $0xFFFFF086  }
0x25: {  	[simem:s6], [sflag:s4] =	dma.local [hbm:s3], $0xF7A  }
0x26: {  	[smem:$0x3F93] =	sst s1;
	(tag) =	ssettag s2;
	_ =	strace s9  }
0x27: {  	s1 =	sld [smem:$0x3FA3]  }
0x28: {  	s2 =	sld [smem:$0x3FA4]  }
0x29: {  	s4 =	sld [smem:$0x3FA6]  }
0x2a: {  	p0 =	seq.s32 s5, $0x0;
	s5 =	sld [smem:$0x3FA7]  }
0x2b: {  	s6 =	sld [smem:$0x3FA8]  }
0x2c: {  	s7 =	sld [smem:$0x3FA9]  }
0x2d: {  	s3 =	simm.s32 $0x108;
	s8 =	sld [smem:$0x3FAA]  }
0x2e: {  	s3 =	simm.s32 @!p0 $0x1082;
	s9 =	sld [smem:$0x3FAB]  }
0x2f: {  	lr =	sadd.s32 s0, s3;
	s0 =	sld [smem:$0x3FA2]  }
0x30: {  	s3 =	sld [smem:$0x3FA5]  }
0x31: {  	[smem:$0x3FAE] =	sst s10  }
0x32: {  	s10 =	sld [smem:$0x3FAC];
	_ =	sdelay $0x3  }
0x33: {  	p0 =	seq.s32 s10, $0x1;
	s10 =	sld [smem:$0x3FAE];
	_ =	sdelay $0x3  }
0x34: {  	[smem:$0x3FAE] =	sst s10  }
0x35: {  	s10 =	sld [smem:$0x3FAD];
	_ =	sdelay $0x3  }
0x36: {  	p1 =	seq.s32 s10, $0x1;
	s10 =	sld [smem:$0x3FAE];
	_ =	sdelay $0x3  }
0x37: {  	[smem:$0x3FAE] =	sst s10  }
0x38: {  	s10 =	sld [smem:$0x3FAF]  }
0x39: {  	_ = 	snop;
	(pc) =	sbr.ind lr, $3  }
0x3a: {  	_ = 	snop  }
0x3b: {  	_ = 	snop  }
0x3c: {  	p2 =	seq.s32 s10, $0x1;
	s10 =	sld [smem:$0x3FAE]  }
0x3d: {  	_ =	shalt  }
0x3e: {  	_ =	shalt  }
0x3f: {  	_ =	shalt  }
0x40: {  	_ =	shalt  }
0x41: {  	_ =	shalt  }
0x42: {  	_ =	shalt  }
0x43: {  	_ =	shalt  }
0x44: {  	_ =	shalt  }
0x45: {  	_ =	shalt  }
0x46: {  	_ =	shalt  }
0x47: {  	_ =	shalt  }
0x48: {  	_ =	shalt  }
0x49: {  	_ =	shalt  }
0x4a: {  	_ =	shalt  }
0x4b: {  	_ =	shalt  }
0x4c: {  	_ =	shalt  }
0x4d: {  	_ =	shalt  }
0x4e: {  	_ =	shalt  }
0x4f: {  	_ =	shalt  }
0x50: {  	_ =	shalt  }
0x51: {  	_ =	shalt  }
0x52: {  	_ =	shalt  }
0x53: {  	_ =	shalt  }
0x54: {  	_ =	shalt  }
0x55: {  	_ =	shalt  }
0x56: {  	_ =	shalt  }
0x57: {  	_ =	shalt  }
0x58: {  	_ =	shalt  }
0x59: {  	_ =	shalt  }
0x5a: {  	_ =	shalt  }
0x5b: {  	_ =	shalt  }
0x5c: {  	_ =	shalt  }
0x5d: {  	_ =	shalt  }
0x5e: {  	_ =	shalt  }
0x5f: {  	_ =	shalt  }
0x60: {  	_ =	shalt  }
0x61: {  	_ =	shalt  }
0x62: {  	_ =	shalt  }
0x63: {  	_ =	shalt  }
0x64: {  	_ =	shalt  }
0x65: {  	_ =	shalt  }
0x66: {  	_ =	shalt  }
0x67: {  	_ =	shalt  }
0x68: {  	_ =	shalt  }
0x69: {  	_ =	shalt  }
0x6a: {  	_ =	shalt  }
0x6b: {  	_ =	shalt  }
0x6c: {  	_ =	shalt  }
0x6d: {  	_ =	shalt  }
0x6e: {  	_ =	shalt  }
0x6f: {  	_ =	shalt  }
0x70: {  	_ =	shalt  }
0x71: {  	_ =	shalt  }
0x72: {  	_ =	shalt  }
0x73: {  	_ =	shalt  }
0x74: {  	_ =	shalt  }
0x75: {  	_ =	shalt  }
0x76: {  	_ =	shalt  }
0x77: {  	_ =	shalt  }
0x78: {  	_ =	shalt  }
0x79: {  	_ =	shalt  }
0x7a: {  	_ =	shalt  }
0x7b: {  	_ =	shalt  }
0x7c: {  	_ =	shalt  }
0x7d: {  	_ =	shalt  }
0x7e: {  	_ =	shalt  }
0x7f: {  	_ =	shalt  }
0x80: {  	_ =	shalt  }
0x81: {  	_ =	shalt  }
0x82: {  	_ =	shalt  }
0x83: {  	_ =	shalt  }
0x84: {  	_ =	shalt  }
0x85: {  	_ =	shalt  }
0x86: {  	_ =	shalt  }
0x87: {  	_ =	shalt  }
.Lfunc_end0:
.L_simem_size_0:
called_computation_lowered:
.L_overlay_start_0:
0x88: {  	s2 =	sld [smem:$0x3FD9]  }
0x89: {  	s3 =	sld [smem:$0x3FFE];
	_ =	sdelay $0x1  }
0x8a: {  	s1 =	srdreg.scid  }
0x8b: {  	s0 =	sand.u32 $0x1, s1  }
0x8c: {  	s14 =	sshll.u32 s0, $0xA;
	s2 =	sadd.s32 s3, s2  }
0x8d: {  	s2 =	sadd.s32 s2, s14  }
0x8e: {  	[smem:$0x3FBA] =	sst s2  }
0x8f: {  	_ = 	snop  }
0x90: {  	s2 =	sld [smem:$0x3FD0];
	_ =	sdelay $0x2  }
0x91: {  	s15 =	simm.s32 $0xA;
	s4 =	simm.s32 $0x10  }
0x92: {  	[smem:s4], [sflag:s15] =	dma.local [hbm:s2], $0x1  }
0x93: {  	_ =	swait.eq [sflag:s15], $0x1  }
0x94: {  	[sflag:s15] =	ssyncset.done $0x0  }
0x95: {  	[sflag:s15] =	ssyncadd.s32 $0xFFFFFFFF  }
0x96: {  	s16 =	sld [smem:$0x11];
	(tm) =	ssettm $0x1  }
0x97: {  	s17 =	sld [smem:$0x3FFB];
	_ =	sdelay $0x3  }
0x98: {  	_ =	strace s17  }
0x99: {  	s3 =	sld [smem:$0x3FFC];
	_ =	sdelay $0x3  }
0x9a: {  	_ =	strace s3  }
0x9b: {  	s3 =	sld [smem:$0x3FFD];
	_ =	sdelay $0x3  }
0x9c: {  	_ =	strace s3  }
0x9d: {  	_ =	strace $0x8FFFFFFF  }
0x9e: {  	s18 =	sld [smem:$0x3FDB];
	_ =	sdelay $0x1  }
0x9f: {  	s19 =	simm.s32 $_scs_section_size  }
0xa0: {  	s5 =	simm.s32 $_size__tile_overlayer_lowered;
	s6 =	simm.s32 $_tile_overlayer_lowered  }
0xa1: {  	s22 =	simm.s32 $0x1BFF;
	s21 =	sshll.u32 s6, $0x1;
	s3 =	sadd.s32 s19, s18  }
0xa2: {  	s7 =	simm.s32 $0x0;
	s20 =	sshll.u32 s5, $0x1;
	s5 =	sadd.s32 s21, s3  }
0xa3: {  	[timem:s7], [sflag:s22] =	dma.local [hbm:s5], s20  }
0xa4: {  	_ =	swait.ge [sflag:s22], s20  }
0xa5: {  	s4 =	ssub.s32 $0x0, s20;
	[sflag:s22] =	ssyncset.done $0x0  }
0xa6: {  	[sflag:s22] =	ssyncadd.s32 s4;
	_ =	sdelay $0x1  }
0xa7: {  	s23 =	simm.s32 $0x1B8B  }
0xa8: {  	_ =	swait.ge [sflag:s23], $0x1  }
0xa9: {  	[sflag:s23] =	ssyncset.done $0x0  }
0xaa: {  	s25 =	simm.s32 $0x1B8E;
	s24 =	sld [smem:$0x3FFE];
	[sflag:s23] =	ssyncadd.s32 $0xFFFFFFFF  }
0xab: {  	s26 =	simm.s32 $execute0_lowered;
	[smem:$0x3FD2] =	sst s25  }
0xac: {  	s5 =	sshll.u32 s26, $0x1;
	_ =	strace $0x80000046;
	[dreg:$0x1] =	wrdreg $0xFFFFFFFF  }
0xad: {  	s28 =	simm.s32 $_size_execute0_lowered;
	s3 =	sadd.s32 s3, s5;
	[dreg:$0x0] =	wrdreg $0x0  }
0xae: {  	s5 =	sshll.u32 s28, $0x1;
	[dreg:$0x2] =	wrdreg s3  }
0xaf: {  	[dreg:$0x3] =	wrdreg s5  }
0xb0: {  	[dreg:$0x4] =	wrdreg $0xC0  }
0xb1: {  	_ =	task [dreg:s7], $0x5FFFF  }
0xb2: {  	[dreg:$0x1] =	wrdreg $0xFFFFFFFF  }
0xb3: {  	[dreg:$0x0] =	wrdreg $0x60  }
0xb4: {  	[dreg:$0x2] =	wrdreg s24  }
0xb5: {  	[dreg:$0x3] =	wrdreg s16  }
0xb6: {  	[dreg:$0x4] =	wrdreg $0x0  }
0xb7: {  	[dreg:$0x5] =	wrdreg $0x9  }
0xb8: {  	_ =	task.clear_ibuf [dreg:s7], $0x6FFFF;
	_ =	strace $0x90000046  }
0xb9: {  	s29 =	simm.s32 $0x9;
	_ =	strace $0x80000048  }
0xba: {  	_ =	swait.ge [sflag:s29], $0x1  }
0xbb: {  	[sflag:s29] =	ssyncadd.s32 $0xFFFFFFFF  }
0xbc: {  	_ =	strace $0x90000048  }
0xbd: {  	_ =	sfence  }
0xbe: {  	s30 =	sld [smem:$0x0];
	_ =	sdelay $0x2  }
0xbf: {  	s31 =	sshll.u32 s1, $0xD;
	s1 =	sshrl.u32 s1, $0x2  }
0xc0: {  	s3 =	sand.u32 $0x4000, s31;
	s1 =	sadd.s32 s1, s30  }
0xc1: {  	s0 =	sor.u32 s3, s0;
	s1 =	sshll.u32 s1, $0x11  }
0xc2: {  	s0 =	sor.u32 s1, s0  }
0xc3: {  	s0 =	sadd.s32 $0x8F2B, s0  }
0xc4: {  	[sflag:s0] =	ssyncadd.remote.s32 $0x1  }
0xc5: {  	_ =	sfence.sel $0xFFFF  }
0xc6: {  	[dreg:$0x0] =	wrdreg $0xFFFFFFFF;
	(pc) =	sbr.abs _section_cstart, $3  }
0xc7: {  	[dreg:$0x1] =	wrdreg $0xFFFFFFFF  }
0xc8: {  	_ =	task.clear_ibuf [dreg:s7], $0x2FFFF;
	_ =	strace $0x9FFFFFFF  }
0xc9: {  	(tm) =	ssettm $0x7FFFFFFF  }
tec
execute0_lowered:
.L_overlay_start_1:
0x0: {  	(tag) =	ssettag $0x1  }
0x1: {  	s0 =	rddreg [dreg:$0x0]  }
0x2: {  	s9 =	rddreg [dreg:$0x1]  }
0x3: {  	s1 =	rddreg [dreg:$0x2]  }
0x4: {  	s3 =	simm.s32 $0x0;
	s2 =	srdreg.scid;
	v0 =	vimm.s32 $0xBA98FEDC;
	v1 =	vimm.s32 $0x32107654;
	s14 =	simm.s32 $0x1DE50  }
0x5: {  	s17 =	simm.s32 $0x16010;
	s18 =	simm.s32 $0x16060;
	s19 =	simm.s32 $0x50;
	v0 =	vunpack.c.l.s4.s8 v0;
	v1 =	vunpack.c.l.s4.s8 v1  }
0x6: {  	s20 =	simm.s32 $0x160B0;
	s21 =	simm.s32 $0x16150;
	s22 =	simm.s32 $0x16100  }
0x7: {  	v3 =	vimm.s32 $0xFEDCBA98;
	s23 =	simm.s32 $0x18950;
	s24 =	simm.s32 $0x1;
	s26 =	simm.s32 $0x1B150;
	v0 =	vunpack.c.0.s8.s32 v0;
	v1 =	vunpack.c.0.s8.s32 v1  }
0x8: {  	v4 =	vimm.s32 $0xDCFE98BA;
	v6 =	vimm.s32 $0x67452301;
	[smem:$0x7FF] =	sst s3;
	s11 =	sand.u32 $0x1, s2;
	s4 =	sadd.s32 $0x5B200, s0  }
0x9: {  	s5 =	sadd.s32 $0xD000, s0;
	s6 =	sadd.s32 $0x8000, s0;
	s7 =	sadd.s32 $0x3000, s0;
	v3 =	vunpack.c.l.s4.s8 v3;
	v6 =	vunpack.c.l.s4.s8 v6;
	v5 =	vcombine.low v1, v0  }
0xa: {  	s25 =	simm.s32 $0x2;
	s2 =	stileid.u32;
	s8 =	smul.u32 $0x15F900, s11;
	v0 =	vunpack.c.l.s4.s8 v4;
	v1 =	vimm.s32 $0x54761032;
	v4 =	vimm.s32 $0xEFCDAB89  }
0xb: {  	v2 =	vimm.s32 $0x76543210;
	_ =	strace $0x80000047;
	s10 =	smul.u32 $0x16380, s2;
	s29 =	ssub.s32 $0x2, s11;
	v1 =	vunpack.c.l.s4.s8 v1;
	v4 =	vunpack.c.l.s4.s8 v4  }
0xc: {  	v2 =	vunpack.c.l.s4.s8 v2;
	p0 =	seq.s32 s2, $0xF;
	s30 =	sshll.u32 s11, $0x4;
	s13 =	smul.u32 $0x58E00, s2;
	v3 =	vunpack.c.0.s8.s32 v3;
	v6 =	vunpack.c.0.s8.s32 v6  }
0xd: {  	s15 =	smul.u32 $0x2710, s11;
	s12 =	sshrl.u32 s29, $0x1;
	s9 =	sadd.s32 s9, s30;
	v0 =	vunpack.c.0.s8.s32 v0;
	v1 =	vunpack.c.0.s8.s32 v1;
	v4 =	vunpack.c.0.s8.s32 v4  }
0xe: {  	vm0 =	vcmask $0x3F08;
	vm1 =	vmmov $0x1;
	v2 =	vunpack.c.0.s8.s32 v2;
	s8 =	sadd.s32 s10, s8;
	s12 =	ssub.s32 s29, s12;
	s10 =	smul.u32 $0x2710, s2  }
0xf: {  	s31 =	sshrl.u32 s13, $0x2;
	s8 =	sshrl.u32 s8, $0x3;
	s11 =	smax.u32 s12, $0x1;
	v3 =	vand.u32 $0xF, v3;
	v7 =	vcombine.low v1, v0;
	v6 =	vcombine.low v6, v4  }
0x10: {  	s12 =	sadd.s32 s31, s1;
	s0 =	sadd.s32 s8, s0;
	s8 =	simm.s32 $0x41;
	v2 =	vcombine.low v3, v2;
	v3 =	vand.u32 $0xF, v5;
	v0 =	vmov s15  }
0x11: {  	s8 =	simm.s32 @!p0 $0x4F;
	s13 =	sadd.s32 $0xA9400, s0;
	s15 =	simm.s32 $0x3;
	v1 =	vimm.f32 $0.0e+00;
	v4 =	vand.u32 $0xF, v7;
	v5 =	vand.u32 $0xF, v6  }
.LBB2_1:
0x12: {  	[tilespmem:$0x1DE50] =	vst v1  }
0x13: {  	[tilespmem:$0x1DE60] =	vst v1  }
0x14: {  	[tilespmem:$0x1DE70] =	vst v1  }
0x15: {  	[tilespmem:$0x1DE80] =	vst v1  }
0x16: {  	[tilespmem:$0x1DE90] =	vst v1  }
0x17: {  	[tilespmem:$0x1DEA0] =	vst v1  }
0x18: {  	[tilespmem:$0x1DEB0] =	vst v1  }
0x19: {  	[tilespmem:$0x1DEC0] =	vst v1  }
0x1a: {  	[tilespmem:$0x1DED0] =	vst v1  }
0x1b: {  	[tilespmem:$0x1DEE0] =	vst v1  }
0x1c: {  	[tilespmem:$0x1DEF0] =	vst v1  }
0x1d: {  	[tilespmem:$0x1DF00] =	vst v1  }
0x1e: {  	[tilespmem:$0x1DF10] =	vst v1  }
0x1f: {  	[tilespmem:$0x1DF20] =	vst v1  }
0x20: {  	[tilespmem:$0x1DF30] =	vst v1  }
0x21: {  	[tilespmem:$0x1DF40] =	vst v1  }
0x22: {  	[tilespmem:$0x1DF50] =	vst v1  }
0x23: {  	[tilespmem:$0x1DF60] =	vst v1  }
0x24: {  	[tilespmem:$0x1DF70] =	vst v1  }
0x25: {  	[tilespmem:$0x1DF80] =	vst v1  }
0x26: {  	[tilespmem:$0x1DF90] =	vst v1  }
0x27: {  	[tilespmem:$0x1DFA0] =	vst v1  }
0x28: {  	[tilespmem:$0x1DFB0] =	vst v1  }
0x29: {  	[tilespmem:$0x1DFC0] =	vst v1  }
0x2a: {  	[tilespmem:$0x1DFD0] =	vst v1  }
0x2b: {  	[tilespmem:$0x1DFE0] =	vst v1  }
0x2c: {  	[tilespmem:$0x1DFF0] =	vst v1  }
0x2d: {  	[tilespmem:$0x1E000] =	vst v1  }
0x2e: {  	[tilespmem:$0x1E010] =	vst v1  }
0x2f: {  	[tilespmem:$0x1E020] =	vst v1  }
0x30: {  	[tilespmem:$0x1E030] =	vst v1  }
0x31: {  	[tilespmem:$0x1E040] =	vst v1  }
0x32: {  	[tilespmem:$0x1E050] =	vst v1  }
0x33: {  	[tilespmem:$0x1E060] =	vst v1  }
0x34: {  	[tilespmem:$0x1E070] =	vst v1  }
0x35: {  	[tilespmem:$0x1E080] =	vst v1  }
0x36: {  	[tilespmem:$0x1E090] =	vst v1  }
0x37: {  	[tilespmem:$0x1E0A0] =	vst v1  }
0x38: {  	[tilespmem:$0x1E0B0] =	vst v1  }
0x39: {  	[tilespmem:$0x1E0C0] =	vst v1  }
0x3a: {  	[tilespmem:$0x1E0D0] =	vst v1  }
0x3b: {  	[tilespmem:$0x1E0E0] =	vst v1  }
0x3c: {  	[tilespmem:$0x1E0F0] =	vst v1  }
0x3d: {  	[tilespmem:$0x1E100] =	vst v1  }
0x3e: {  	[tilespmem:$0x1E110] =	vst v1  }
0x3f: {  	[tilespmem:$0x1E120] =	vst v1  }
0x40: {  	[tilespmem:$0x1E130] =	vst v1  }
0x41: {  	[tilespmem:$0x1E140] =	vst v1  }
0x42: {  	[tilespmem:$0x1E150] =	vst v1  }
0x43: {  	[tilespmem:$0x1E160] =	vst v1  }
0x44: {  	[tilespmem:$0x1E170] =	vst v1  }
0x45: {  	[tilespmem:$0x1E180] =	vst v1  }
0x46: {  	[tilespmem:$0x1E190] =	vst v1  }
0x47: {  	[tilespmem:$0x1E1A0] =	vst v1  }
0x48: {  	[tilespmem:$0x1E1B0] =	vst v1  }
0x49: {  	[tilespmem:$0x1E1C0] =	vst v1  }
0x4a: {  	[tilespmem:$0x1E1D0] =	vst v1  }
0x4b: {  	[tilespmem:$0x1E1E0] =	vst v1  }
0x4c: {  	[tilespmem:$0x1E1F0] =	vst v1  }
0x4d: {  	[tilespmem:$0x1E200] =	vst v1  }
0x4e: {  	[tilespmem:$0x1E210] =	vst v1  }
0x4f: {  	[tilespmem:$0x1E220] =	vst v1  }
0x50: {  	[tilespmem:$0x1E230] =	vst v1  }
0x51: {  	[tilespmem:$0x1E240] =	vst v1  }
0x52: {  	[tilespmem:$0x1E250] =	vst v1  }
0x53: {  	[tilespmem:$0x1E260] =	vst v1  }
0x54: {  	[tilespmem:$0x1E270] =	vst v1  }
0x55: {  	[tilespmem:$0x1E280] =	vst v1  }
0x56: {  	[tilespmem:$0x1E290] =	vst v1  }
0x57: {  	[tilespmem:$0x1E2A0] =	vst v1;
	p0 =	sne.s32 s8, $0x1  }
.Ltmp0:
0x58: {  	[tilespmem:$0x1E2B0] =	vst v1;
	(pc) =	sbr.rel @!p0 .LBB2_3-.Ltmp0, $4  }
0x59: {  	[tilespmem:$0x1E2C0] =	vst v1  }
0x5a: {  	[spmem:s12] =	stream.linear.scatter [tilespmem:s14], [sflag:$0x3], $0x480, $0x38;
	[tilespmem:$0x1E2D0] =	vst v63  }
0x5b: {  	_ =	swait.ge [sflag:s15], $0x480  }
0x5c: {  	s0 =	sadd.s32 $0xFFFFFFFF, s8;
	s16 =	smov.u32 s12;
	[sflag:s15] =	ssyncset.done $0x0  }
.LBB2_2:
0x5d: {  	p1 =	sne.s32 s0, $0x1;
	[sflag:s15] =	ssyncadd.s32 $0xFFFFFB80;
	s16 =	sadd.s32 $0x480, s16  }
.Ltmp1:
0x5e: {  	s0 =	sadd.s32 $0xFFFFFFFF, s0;
	(pc) =	sbr.rel @p1 .LBB2_2-.Ltmp1, $4  }
0x5f: {  	_ = 	snop  }
0x60: {  	[spmem:s16] =	stream.linear.scatter [tilespmem:s14], [sflag:$0x3], $0x480, $0x38;
	[tilespmem:$0x1E2D0] =	vst v63  }
0x61: {  	_ =	swait.ge [sflag:s15], $0x480  }
0x62: {  	[sflag:s15] =	ssyncset.done $0x0  }
.LBB2_3:
0x63: {  	[sflag:s15] =	ssyncadd.s32 $0xFFFFFB80;
	s28 =	simm.s32 $0x0;
	s0 =	simm.s32 $0x15F90  }
0x64: {  	[tilespmem:s0], [sflag:$0x3] =	stream.linear.gather [hbm4b:s9+s28], $0x80, $0x38;
	[tilespmem:$0x1E2D0] =	vst v63  }
0x65: {  	_ =	swait.ge [sflag:s15], $0x80  }
0x66: {  	[sflag:s15] =	ssyncset.done $0x0  }
0x67: {  	[sflag:s15] =	ssyncadd.s32 $0xFFFFFF80  }
0x68: {  	s29 =	simm.s32 $0x0;
	[bflag:$0x0] =	sbarrier.arrive $0xFFFF  }
.LBB2_4:
0x69: {  	s0 =	smul.u32 $0x50, s29;
	_ =	sdelay $0x1  }
0x6a: {  	s0 =	sadd.s32 s10, s0  }
0x6b: {  	s0 =	sshrl.u32 s0, $0x3  }
0x6c: {  	s16 =	sadd.s32 s6, s0  }
0x6d: {  	[tilespmem:s17], [sflag:$0x3] =	stream.linear.gather [hbm4b:s16+s28], $0x50, $0x38;
	[tilespmem:$0x1E2D0] =	vst v63  }
0x6e: {  	_ =	swait.ge [sflag:s15], $0x50  }
0x6f: {  	[sflag:s15] =	ssyncset.done $0x0  }
0x70: {  	s0 =	sadd.s32 s7, s0;
	[sflag:s15] =	ssyncadd.s32 $0xFFFFFFB0  }
0x71: {  	[tilespmem:s18], [sflag:$0x3] =	stream.linear.gather [hbm4b:s0+s28], $0x50, $0x38;
	[tilespmem:$0x1E2D0] =	vst v63  }
0x72: {  	_ =	swait.ge [sflag:s15], $0x50  }
0x73: {  	[sflag:s15] =	ssyncset.done $0x0  }
0x74: {  	[sflag:s15] =	ssyncadd.s32 $0xFFFFFFB0  }
0x75: {  	v6 =	vld [tilespmem:$0x16010]  }
0x76: {  	v7 =	vld [tilespmem:$0x16060]  }
0x77: {  	v8 =	vld [tilespmem:$0x16020]  }
0x78: {  	v9 =	vld [tilespmem:$0x16070]  }
0x79: {  	v10 =	vld [tilespmem:$0x16030]  }
0x7a: {  	v11 =	vld [tilespmem:$0x16080];
	v6 =	vadd.s32 v0, v6  }
0x7b: {  	[tilespmem:$0x160B0] =	vst v6;
	v6 =	vadd.s32 v0, v7;
	v7 =	vld [tilespmem:$0x16040]  }
0x7c: {  	[tilespmem:$0x16100] =	vst v6;
	v6 =	vadd.s32 v0, v8;
	v8 =	vld [tilespmem:$0x16090]  }
0x7d: {  	v38 =	vld [tilespmem:$0x16050];
	[tilespmem:$0x160C0] =	vst v6;
	v6 =	vadd.s32 v0, v9  }
0x7e: {  	v39 =	vld [tilespmem:$0x160A0];
	[tilespmem:$0x16110] =	vst v6;
	v6 =	vadd.s32 v0, v10  }
0x7f: {  	[tilespmem:$0x160D0] =	vst v6;
	v6 =	vadd.s32 v0, v11  }
0x80: {  	[tilespmem:$0x16120] =	vst v6;
	v6 =	vadd.s32 v0, v7  }
0x81: {  	[tilespmem:$0x160E0] =	vst v6;
	v6 =	vadd.s32 v0, v8  }
0x82: {  	[tilespmem:$0x16130] =	vst v6;
	v6 =	vadd.s32 v0, v38  }
0x83: {  	[tilespmem:$0x160F0] =	vst v6;
	v6 =	vadd.s32 v0, v39  }
0x84: {  	[tilespmem:$0x16140] =	vst v6  }
0x85: {  	[tilespmem:s21], [sflag:$0x1] =	stream.indirect.gather [hbm4b:s4+s19], $0x80, s20, s19, $0xb8;
	[tilespmem:$0x1E2D0] =	vst v63  }
0x86: {  	_ = 	snop  }
0x87: {  	[tilespmem:s23], [sflag:$0x2] =	stream.indirect.gather [hbm4b:s5+s19], $0x80, s22, s19, $0xb8;
	[tilespmem:$0x1E2D0] =	vst v63  }
0x88: {  	_ =	swait.ge [sflag:s24], $0x2800  }
0x89: {  	[sflag:s24] =	ssyncset.done $0x0  }
0x8a: {  	[sflag:s24] =	ssyncadd.s32 $0xFFFFD800  }
0x8b: {  	_ =	swait.ge [sflag:s25], $0x2800  }
0x8c: {  	[sflag:s25] =	ssyncset.done $0x0  }
0x8d: {  	s16 =	simm.s32 $0x0;
	[sflag:s25] =	ssyncadd.s32 $0xFFFFD800  }
0x8e: {  	v6 =	vld [tilespmem:s16+$0x18960]  }
0x8f: {  	v7 =	vld [tilespmem:s16+$0x16150]  }
0x90: {  	v8 =	vld [tilespmem:s16+$0x18950]  }
0x91: {  	v40 =	vld [tilespmem:s16+$0x16160]  }
0x92: {  	v41 =	vld [tilespmem:s16+$0x18970]  }
0x93: {  	v42 =	vld [tilespmem:s16+$0x16170]  }
0x94: {  	v12 =	vld [tilespmem:$0x15F90]  }
0x95: {  	v13 =	vld [tilespmem:s16+$0x16180];
	v8 =	vadd.f32 v8, v7  }
0x96: {  	v14 =	vld [tilespmem:s16+$0x18980]  }
0x97: {  	v15 =	vld [tilespmem:$0x15FA0];
	v6 =	vadd.f32 v6, v40;
	v43 =	vmul.f32 $2.000000030e-01, v8  }
0x98: {  	vm2 =	vgt.f32 v8, $0.0e+00  }
0x99: {  	v44 =	vld [tilespmem:$0x15FB0];
	v10 =	vadd.f32 v41, v42;
	v16 =	vmul.f32 $2.000000030e-01, v6;
	v8 =	vsel vm2, v8, v43  }
0x9a: {  	vm2 =	vgt.f32 v6, $0.0e+00;
	v8 =	vmul.f32 v8, v12  }
0x9b: {  	v47 =	vld [tilespmem:$0x15FC0];
	v46 =	vadd.f32 v14, v13;
	v45 =	vmul.f32 $2.000000030e-01, v10;
	v6 =	vsel vm2, v6, v16  }
0x9c: {  	vm2 =	vgt.f32 v10, $0.0e+00;
	v6 =	vmul.f32 v6, v15;
	v8 =	vadd.f32 $0.0e+00, v8  }
0x9d: {  	v48 =	vmul.f32 $2.000000030e-01, v46;
	v9 =	vsel vm2, v10, v45  }
0x9e: {  	vm2 =	vgt.f32 v46, $0.0e+00;
	v9 =	vmul.f32 v9, v44;
	v6 =	vadd.f32 v6, v8  }
0x9f: {  	v8 =	vsel vm2, v46, v48  }
0xa0: {  	v8 =	vmul.f32 v8, v47;
	v6 =	vadd.f32 v9, v6;
	_ =	sdelay $0x1  }
0xa1: {  	v6 =	vadd.f32 v8, v6;
	_ =	sdelay $0x1  }
0xa2: {  	v8 =	vperm.xlane v6, v2;
	_ =	sdelay $0x1  }
0xa3: {  	v6 =	vadd.f32 v8, v6;
	_ =	sdelay $0x1  }
0xa4: {  	v8 =	vperm.xlane v6, v3;
	_ =	sdelay $0x1  }
0xa5: {  	v6 =	vadd.f32 v8, v6;
	_ =	sdelay $0x1  }
0xa6: {  	v8 =	vperm.xlane v6, v4;
	_ =	sdelay $0x1  }
0xa7: {  	v49 =	vld [tilespmem:s16+$0x189C0];
	v6 =	vadd.f32 v8, v6  }
0xa8: {  	v50 =	vld [tilespmem:s16+$0x16190]  }
0xa9: {  	v8 =	vld [tilespmem:s16+$0x18990];
	v51 =	vperm.xlane v6, v5  }
0xaa: {  	v52 =	vld [tilespmem:s16+$0x189A0]  }
0xab: {  	v53 =	vld [tilespmem:s16+$0x161A0];
	v6 =	vadd.f32 v51, v6  }
0xac: {  	v54 =	vld [tilespmem:s16+$0x189B0]  }
0xad: {  	v55 =	vld [tilespmem:s16+$0x161B0];
	v6 =	vmul.f32 $1.442695020e+00, v6  }
0xae: {  	v56 =	vld [tilespmem:$0x15FD0];
	v8 =	vadd.f32 v8, v50  }
0xaf: {  	v57 =	vld [tilespmem:s16+$0x161C0];
	(erf) = vpow2.f32 v6  }
0xb0: {  	v58 =	vld [tilespmem:$0x15FE0];
	v12 =	vadd.f32 v52, v53;
	v6 =	vmul.f32 $2.000000030e-01, v8  }
0xb1: {  	vm2 =	vgt.f32 v8, $0.0e+00  }
0xb2: {  	v59 =	vld [tilespmem:$0x15FF0];
	v11 =	vadd.f32 v54, v55;
	v6 =	vsel vm2, v8, v6;
	v8 =	vmul.f32 $2.000000030e-01, v12  }
0xb3: {  	vm2 =	vgt.f32 v12, $0.0e+00;
	v6 =	vmul.f32 v6, v56  }
0xb4: {  	v61 =	vld [tilespmem:$0x16000];
	v60 =	vmul.f32 $2.000000030e-01, v11;
	v9 =	vadd.f32 v49, v57;
	v8 =	vsel vm2, v12, v8  }
0xb5: {  	vm2 =	vgt.f32 v11, $0.0e+00;
	v6 =	vadd.f32 $0.0e+00, v6;
	v8 =	vmul.f32 v8, v58  }
0xb6: {  	v62 =	vmul.f32 $2.000000030e-01, v9;
	v10 =	vsel vm2, v11, v60  }
0xb7: {  	vm2 =	vgt.f32 v9, $0.0e+00;
	v6 =	vadd.f32 v8, v6;
	v8 =	vmul.f32 v10, v59  }
0xb8: {  	v9 =	vsel vm2, v9, v62;
	v63 =	vpop (erf)  }
0xb9: {  	v6 =	vadd.f32 v8, v6;
	v8 =	vmul.f32 v9, v61;
	v7 =	vmul.f32 v63, v7  }
0xba: {  	s30 =	simm.s32 $0x1B190  }
0xbb: {  	v6 =	vadd.f32 v8, v6;
	[tilespmem:s30+$0xFFFFFFC0] =	vst v7  }
0xbc: {  	v7 =	vld [tilespmem:s16+$0x16160]  }
0xbd: {  	v8 =	vperm.xlane v6, v2;
	_ =	sdelay $0x1  }
0xbe: {  	v6 =	vadd.f32 v8, v6;
	_ =	sdelay $0x1  }
0xbf: {  	v8 =	vperm.xlane v6, v3;
	v7 =	vmul.f32 v7, v63;
	_ =	sdelay $0x1  }
0xc0: {  	v6 =	vadd.f32 v8, v6;
	[tilespmem:s30+$0xFFFFFFD0] =	vst v7  }
0xc1: {  	v7 =	vld [tilespmem:s16+$0x16170]  }
0xc2: {  	v8 =	vperm.xlane v6, v4;
	_ =	sdelay $0x1  }
0xc3: {  	v6 =	vadd.f32 v8, v6;
	_ =	sdelay $0x1  }
0xc4: {  	v8 =	vperm.xlane v6, v5;
	v7 =	vmul.f32 v7, v63;
	_ =	sdelay $0x1  }
0xc5: {  	v6 =	vadd.f32 v8, v6;
	[tilespmem:s30+$0xFFFFFFE0] =	vst v7  }
0xc6: {  	v7 =	vld [tilespmem:s16+$0x16180]  }
0xc7: {  	v6 =	vmul.f32 $1.442695020e+00, v6;
	_ =	sdelay $0x1  }
0xc8: {  	(erf) = vpow2.f32 v6;
	_ =	sdelay $0x1  }
0xc9: {  	v6 =	vmul.f32 v7, v63;
	_ =	sdelay $0x1  }
0xca: {  	[tilespmem:s30+$0xFFFFFFF0] =	vst v6  }
0xcb: {  	v7 =	vld [tilespmem:s16+$0x16190];
	_ =	sdelay $0x3  }
0xcc: {  	v6 =	vpop (erf)  }
0xcd: {  	v7 =	vmul.f32 v7, v6;
	_ =	sdelay $0x1  }
0xce: {  	[tilespmem:s30+$0x0] =	vst v7  }
0xcf: {  	v7 =	vld [tilespmem:s16+$0x161A0];
	_ =	sdelay $0x4  }
0xd0: {  	v7 =	vmul.f32 v7, v6;
	_ =	sdelay $0x1  }
0xd1: {  	[tilespmem:s30+$0x10] =	vst v7  }
0xd2: {  	v7 =	vld [tilespmem:s16+$0x161B0];
	_ =	sdelay $0x4  }
0xd3: {  	v7 =	vmul.f32 v7, v6;
	_ =	sdelay $0x1  }
0xd4: {  	v8 =	vsel vm0, $0x0, v6;
	[tilespmem:s30+$0x20] =	vst v7  }
0xd5: {  	v8 =	vsel vm1, v63, v8;
	v7 =	vld [tilespmem:s16+$0x161C0]  }
0xd6: {  	s31 =	simm.s32 $0x200;
	s0 =	simm.s32 $0x1B190;
	[tilespmem:s30+$0x40] =	vst v8  }
.LBB2_5:
0xd7: {  	_ =	sdelay $0x1  }
0xd8: {  	p1 =	sne.s32 s31, $0x9E00  }
0xd9: {  	s30 =	sadd.s32 $0x90, s30;
	s16 =	smov.u32 s31;
	s31 =	sadd.s32 $0x200, s31;
	v6 =	vmul.f32 v7, v6  }
0xda: {  	_ = 	snop  }
0xdb: {  	[tilespmem:s0+$0x30] =	vst v6;
	s0 =	smov.u32 s30  }
0xdc: {  	s16 =	sshra.s32 s16, $0x2;
	v7 =	vld [tilespmem:$0x15FA0]  }
0xdd: {  	v8 =	vld [tilespmem:s16+$0x18960]  }
0xde: {  	v6 =	vld [tilespmem:s16+$0x16150]  }
0xdf: {  	v9 =	vld [tilespmem:s16+$0x18950]  }
0xe0: {  	v10 =	vld [tilespmem:s16+$0x16160]  }
0xe1: {  	v11 =	vld [tilespmem:s16+$0x18970]  }
0xe2: {  	v12 =	vld [tilespmem:s16+$0x16170]  }
0xe3: {  	v13 =	vld [tilespmem:$0x15F90]  }
0xe4: {  	v9 =	vadd.f32 v9, v6;
	v14 =	vld [tilespmem:s16+$0x16180]  }
0xe5: {  	v8 =	vadd.f32 v8, v10;
	v10 =	vld [tilespmem:s16+$0x18980]  }
0xe6: {  	vm2 =	vgt.f32 v9, $0.0e+00;
	v15 =	vmul.f32 $2.000000030e-01, v9  }
0xe7: {  	v16 =	vmul.f32 $2.000000030e-01, v8;
	v11 =	vadd.f32 v11, v12;
	v12 =	vld [tilespmem:$0x15FB0]  }
0xe8: {  	v9 =	vsel vm2, v9, v15;
	vm2 =	vgt.f32 v8, $0.0e+00  }
0xe9: {  	v9 =	vmul.f32 v9, v13;
	v8 =	vsel vm2, v8, v16;
	v13 =	vmul.f32 $2.000000030e-01, v11  }
0xea: {  	vm2 =	vgt.f32 v11, $0.0e+00;
	v7 =	vmul.f32 v8, v7;
	v8 =	vadd.f32 v10, v14;
	v10 =	vld [tilespmem:$0x15FC0]  }
0xeb: {  	v9 =	vadd.f32 $0.0e+00, v9;
	v11 =	vsel vm2, v11, v13  }
0xec: {  	v11 =	vmul.f32 v11, v12;
	v12 =	vmul.f32 $2.000000030e-01, v8  }
0xed: {  	vm2 =	vgt.f32 v8, $0.0e+00;
	v7 =	vadd.f32 v7, v9  }
0xee: {  	v8 =	vsel vm2, v8, v12  }
0xef: {  	v7 =	vadd.f32 v11, v7;
	v8 =	vmul.f32 v8, v10;
	_ =	sdelay $0x1  }
0xf0: {  	v7 =	vadd.f32 v8, v7;
	_ =	sdelay $0x1  }
0xf1: {  	v8 =	vperm.xlane v7, v2;
	_ =	sdelay $0x1  }
0xf2: {  	v7 =	vadd.f32 v8, v7;
	_ =	sdelay $0x1  }
0xf3: {  	v8 =	vperm.xlane v7, v3;
	_ =	sdelay $0x1  }
0xf4: {  	v7 =	vadd.f32 v8, v7;
	_ =	sdelay $0x1  }
0xf5: {  	v8 =	vperm.xlane v7, v4;
	_ =	sdelay $0x1  }
0xf6: {  	v9 =	vld [tilespmem:s16+$0x189C0];
	v7 =	vadd.f32 v8, v7  }
0xf7: {  	v8 =	vld [tilespmem:s16+$0x18990]  }
0xf8: {  	v10 =	vld [tilespmem:s16+$0x16190];
	v11 =	vperm.xlane v7, v5  }
0xf9: {  	v12 =	vld [tilespmem:s16+$0x189A0]  }
0xfa: {  	v13 =	vld [tilespmem:s16+$0x161A0];
	v7 =	vadd.f32 v11, v7  }
0xfb: {  	v11 =	vld [tilespmem:s16+$0x189B0]  }
0xfc: {  	v14 =	vld [tilespmem:s16+$0x161B0];
	v7 =	vmul.f32 $1.442695020e+00, v7  }
0xfd: {  	v8 =	vadd.f32 v8, v10;
	v10 =	vld [tilespmem:$0x15FD0]  }
0xfe: {  	v15 =	vld [tilespmem:s16+$0x161C0];
	(erf) = vpow2.f32 v7  }
0xff: {  	v7 =	vmul.f32 $2.000000030e-01, v8;
	v12 =	vadd.f32 v12, v13;
	v13 =	vld [tilespmem:$0x15FE0]  }
0x100: {  	vm2 =	vgt.f32 v8, $0.0e+00  }
0x101: {  	v7 =	vsel vm2, v8, v7;
	v8 =	vmul.f32 $2.000000030e-01, v12;
	v11 =	vadd.f32 v11, v14;
	v14 =	vld [tilespmem:$0x15FF0]  }
0x102: {  	vm2 =	vgt.f32 v12, $0.0e+00;
	v7 =	vmul.f32 v7, v10  }
0x103: {  	v8 =	vsel vm2, v12, v8;
	v10 =	vmul.f32 $2.000000030e-01, v11;
	v9 =	vadd.f32 v9, v15;
	v12 =	vld [tilespmem:$0x16000]  }
0x104: {  	vm2 =	vgt.f32 v11, $0.0e+00;
	v7 =	vadd.f32 $0.0e+00, v7;
	v8 =	vmul.f32 v8, v13  }
0x105: {  	v13 =	vsel vm2, v11, v10;
	v11 =	vmul.f32 $2.000000030e-01, v9  }
0x106: {  	vm2 =	vgt.f32 v9, $0.0e+00;
	v7 =	vadd.f32 v8, v7;
	v8 =	vmul.f32 v13, v14  }
0x107: {  	v9 =	vsel vm2, v9, v11;
	v10 =	vpop (erf)  }
0x108: {  	v7 =	vadd.f32 v8, v7;
	v8 =	vmul.f32 v9, v12;
	v6 =	vmul.f32 v10, v6;
	_ =	sdelay $0x1  }
0x109: {  	v7 =	vadd.f32 v8, v7;
	[tilespmem:s30+$0xFFFFFFC0] =	vst v6  }
0x10a: {  	v6 =	vld [tilespmem:s16+$0x16160]  }
0x10b: {  	v8 =	vperm.xlane v7, v2;
	_ =	sdelay $0x1  }
0x10c: {  	v7 =	vadd.f32 v8, v7;
	_ =	sdelay $0x1  }
0x10d: {  	v8 =	vperm.xlane v7, v3;
	v6 =	vmul.f32 v6, v10;
	_ =	sdelay $0x1  }
0x10e: {  	v7 =	vadd.f32 v8, v7;
	[tilespmem:s30+$0xFFFFFFD0] =	vst v6  }
0x10f: {  	v6 =	vld [tilespmem:s16+$0x16170]  }
0x110: {  	v8 =	vperm.xlane v7, v4;
	_ =	sdelay $0x1  }
0x111: {  	v7 =	vadd.f32 v8, v7;
	_ =	sdelay $0x1  }
0x112: {  	v8 =	vperm.xlane v7, v5;
	v6 =	vmul.f32 v6, v10;
	_ =	sdelay $0x1  }
0x113: {  	v7 =	vadd.f32 v8, v7;
	[tilespmem:s30+$0xFFFFFFE0] =	vst v6  }
0x114: {  	v6 =	vld [tilespmem:s16+$0x16180]  }
0x115: {  	v7 =	vmul.f32 $1.442695020e+00, v7;
	_ =	sdelay $0x1  }
0x116: {  	(erf) = vpow2.f32 v7;
	_ =	sdelay $0x1  }
0x117: {  	v6 =	vmul.f32 v6, v10;
	_ =	sdelay $0x1  }
0x118: {  	[tilespmem:s30+$0xFFFFFFF0] =	vst v6  }
0x119: {  	v7 =	vld [tilespmem:s16+$0x16190];
	_ =	sdelay $0x3  }
0x11a: {  	v6 =	vpop (erf)  }
0x11b: {  	v7 =	vmul.f32 v7, v6;
	v8 =	vsel vm0, $0x0, v6  }
0x11c: {  	v8 =	vsel vm1, v10, v8  }
0x11d: {  	[tilespmem:s30+$0x0] =	vst v7  }
0x11e: {  	v7 =	vld [tilespmem:s16+$0x161A0];
	_ =	sdelay $0x4  }
0x11f: {  	v7 =	vmul.f32 v7, v6;
	_ =	sdelay $0x1  }
0x120: {  	[tilespmem:s30+$0x10] =	vst v7  }
0x121: {  	v7 =	vld [tilespmem:s16+$0x161B0];
	_ =	sdelay $0x4  }
.Ltmp2:
0x122: {  	v7 =	vmul.f32 v7, v6;
	(pc) =	sbr.rel @p1 .LBB2_5-.Ltmp2, $4  }
0x123: {  	_ = 	snop  }
0x124: {  	[tilespmem:s30+$0x20] =	vst v7  }
0x125: {  	v7 =	vld [tilespmem:s16+$0x161C0]  }
0x126: {  	[tilespmem:s30+$0x40] =	vst v8  }
0x127: {  	_ =	sdelay $0x2  }
0x128: {  	s29 =	sadd.s32 $0x1, s29;
	v6 =	vmul.f32 v7, v6  }
0x129: {  	p1 =	sne.s32 s29, $0x7D  }
.Ltmp3:
0x12a: {  	[tilespmem:s0+$0x30] =	vst v6;
	(pc) =	sbr.rel @p1 .LBB2_4-.Ltmp3, $4  }
0x12b: {  	[spmem:s1] =	stream.indirect.scatter.add.f32 [tilespmem:s26], [sflag:$0x3], $0x90, s18, s19, $0xb8;
	[tilespmem:$0x1E2D0] =	vst v63  }
0x12c: {  	_ =	swait.ge [sflag:s15], $0x2D00  }
0x12d: {  	[sflag:s15] =	ssyncset.done $0x0  }
0x12e: {  	[sflag:s15] =	ssyncadd.s32 $0xFFFFD300  }
.Ltmp4:
0x12f: {  	(pc) =	sbr.rel @!p0 .LBB2_9-.Ltmp4, $4  }
0x130: {  	s0 =	sshll.u32 s2, $0x6;
	[bflag:$0x0] =	sbarrier.arrive $0xFFFF  }
0x131: {  	s16 =	sshrl.u32 s12, $0x3;
	s28 =	sadd.s32 $0x480, s12;
	s0 =	sor.u32 $0x1C03, s0  }
0x132: {  	[hbm:s13], [sflag:s0] =	dma.local [spmem:s16], $0x90  }
0x133: {  	s29 =	smov.u32 s13;
	s16 =	sadd.s32 $0xFFFFFFFF, s8;
	_ =	swait.ge [sflag:s15], $0x90  }
.LBB2_8:
0x134: {  	[sflag:s15] =	ssyncset.done $0x0;
	s29 =	sadd.s32 $0x90, s29;
	p0 =	sne.s32 s16, $0x1  }
.Ltmp5:
0x135: {  	s30 =	sshrl.u32 s28, $0x3;
	[sflag:s15] =	ssyncadd.s32 $0xFFFFFF70;
	(pc) =	sbr.rel @p0 .LBB2_8-.Ltmp5, $3  }
0x136: {  	[hbm:s29], [sflag:s0] =	dma.local [spmem:s30], $0x90  }
0x137: {  	s16 =	sadd.s32 $0xFFFFFFFF, s16;
	_ =	sdelay $0x1  }
0x138: {  	s28 =	sadd.s32 $0x480, s28;
	_ =	swait.ge [sflag:s15], $0x90  }
.LBB2_9:
0x139: {  	s3 =	sadd.s32 $0x1, s3  }
0x13a: {  	p0 =	sne.s32 s3, s11  }
.Ltmp6:
0x13b: {  	_ = 	snop;
	(pc) =	sbr.rel @p0 .LBB2_1-.Ltmp6, $3  }
0x13c: {  	_ =	sdelay $0x1  }
0x13d: {  	[sflag:s15] =	ssyncset.done $0x0  }
0x13e: {  	[sflag:s15] =	ssyncadd.s32 $0xFFFFFF70  }
0x13f: {  	_ =	sfence.sel $0x180000  }
0x140: {  	[bflag:$0x0] =	sbarrier.arrive $0xFFFF  }
0x141: {  	_ =	strace $0x90000047  }
0x142: {  	[bflag:$0x2] =	sbarrier.arrive $0xFFFF  }
0x143: {  	p0 =	sne.s32 s2, $0x0;
	s0 =	rddreg [dreg:$0x3]  }
0x144: {  	s0 =	sadd.s32 @!p0 $0x100000, s0  }
0x145: {  	[sflag:s0] =	ssyncadd.tile.s32 @!p0 $0x1;
	_ =	shalt  }
.Lfunc_end2:
_tile_overlayer_lowered:
.L_overlay_start_2:
0x146: {  	(tag) =	ssettag $0x2  }
0x147: {  	s0 =	rddreg [dreg:$0x0];
	s2 =	stileid.u32  }
0x148: {  	s1 =	rddreg [dreg:$0x1];
	p0 =	sne.s32 s2, $0x0  }
0x149: {  	s3 =	rddreg [dreg:$0x2];
	[bflag:$0x3] =	sbarrier.arrive $0xFFFF;
	s2 =	simm.s32 @!p0 $0x1C03  }
0x14a: {  	[timem:s3], [sflag:s2] =	dma.local @!p0 [hbm:s0], s1  }
0x14b: {  	s0 =	simm.s32 @!p0 $0x3  }
0x14c: {  	_ =	swait.ge @!p0 [sflag:s0], s1  }
0x14d: {  	s1 =	ssub.s32 @!p0 $0x0, s1;
	[sflag:s0] =	ssyncset.done @!p0 $0x0  }
0x14e: {  	[sflag:s0] =	ssyncadd.s32 @!p0 s1  }
0x14f: {  	[bflag:$0x3] =	sbarrier.arrive $0xFFFF  }
0x150: {  	_ =	shalt  }

// kernel: kernel.13.cloned.1.call-start
scs
__scs_entry_jumppad:
0x0: {  	(pc) =	sbr.rel $0x88, $3  }
0x1: {  	(tag) =	ssettag $0x0;
	lr =	simm.s32 $0x1  }
0x2: {  	[smem:$0x3F93] =	sst lr;
	_ =	strace $0xD0000000  }
0x3: {  	_ = 	snop  }
0x4: {  	_ = 	snop  }
0x5: {  	_ = 	snop  }
0x6: {  	_ = 	snop  }
0x7: {  	_ = 	snop  }
__scs_overlays_trampoline_lowered:
0x8: {  	[smem:$0x3FA2] =	sst s0  }
0x9: {  	[smem:$0x3FA3] =	sst s1  }
0xa: {  	[smem:$0x3FA4] =	sst s2  }
0xb: {  	[smem:$0x3FA5] =	sst s3  }
0xc: {  	[smem:$0x3FA6] =	sst s4  }
0xd: {  	[smem:$0x3FA7] =	sst s5  }
0xe: {  	[smem:$0x3FA8] =	sst s6  }
0xf: {  	[smem:$0x3FA9] =	sst s7  }
0x10: {  	[smem:$0x3FAA] =	sst s8  }
0x11: {  	[smem:$0x3FAB] =	sst s9;
	s0 =	simm.s32 @!p0 $0x0  }
0x12: {  	s1 =	sld [smem:$0x3F91];
	s0 =	simm.s32 @p0 $0x1  }
0x13: {  	[smem:$0x3FAC] =	sst s0;
	s0 =	simm.s32 @!p1 $0x0  }
0x14: {  	s2 =	sld [smem:$0x3F90];
	s0 =	simm.s32 @p1 $0x1  }
0x15: {  	[smem:$0x3FAD] =	sst s0;
	s0 =	simm.s32 @!p2 $0x0  }
0x16: {  	s3 =	sld [smem:$0x3FDB];
	s0 =	simm.s32 @p2 $0x1  }
0x17: {  	s4 =	simm.s32 $0x1BF5;
	[smem:$0x3FAF] =	sst s0  }
0x18: {  	s0 =	sld [smem:$0x3F92];
	_ =	swait.ge [sflag:s4], $0x0  }
0x19: {  	s7 =	sld [smem:$0x3F93]  }
0x1a: {  	s8 =	sadd.s32 $0xFFFFE003, lr  }
0x1b: {  	s9 =	sadd.s32 $0xFFFFFEF7, lr;
	s5 =	simm.s32 $0xFFFFFFFF;
	p2 =	slt.u32 s8, $0xFFFFF086  }
0x1c: {  	p1 =	slt.u32 s9, $0xF7A;
	s5 =	simm.s32 @!p2 $0x0  }
0x1d: {  	s5 =	simm.s32 @p1 $0x1;
	p0 =	seq.s32 s7, s2  }
0x1e: {  	s7 =	smul.u32 @!p0 $0xF7A, s2;
	p2 =	seq.s32 @!p0 s5, $0x0  }
0x1f: {  	s9 =	smul.u32 $0xF7A, s1;
	s8 =	simm.s32 @!p0 $0x1BF5;
	p2 =	por !p2, p0  }
0x20: {  	[sflag:s8] =	ssyncset.s32 @!p0 $0xFFFFF086;
	s6 =	sadd.s32 @!p0 s3, s7;
	s7 =	simm.s32 @!p0 $0x108  }
0x21: {  	s3 =	sadd.s32 s3, s9;
	s6 =	sadd.s32 @!p0 $0x88, s6;
	s7 =	simm.s32 @p2 $0x1082  }
0x22: {  	[simem:s7], [sflag:s8] =	dma.local @!p0 [hbm:s6], $0xF7A  }
0x23: {  	s9 =	sor.u32 $0xD0000000, s2;
	s6 =	simm.s32 $0x108;
	_ =	swait.ge @!p0 [sflag:s8], $0x0  }
0x24: {  	s3 =	sadd.s32 $0x88, s3;
	s6 =	simm.s32 @!p1 $0x1082;
	[sflag:s4] =	ssyncset.s32 $0xFFFFF086  }
0x25: {  	[simem:s6], [sflag:s4] =	dma.local [hbm:s3], $0xF7A  }
0x26: {  	[smem:$0x3F93] =	sst s1;
	(tag) =	ssettag s2;
	_ =	strace s9  }
0x27: {  	s1 =	sld [smem:$0x3FA3]  }
0x28: {  	s2 =	sld [smem:$0x3FA4]  }
0x29: {  	s4 =	sld [smem:$0x3FA6]  }
0x2a: {  	p0 =	seq.s32 s5, $0x0;
	s5 =	sld [smem:$0x3FA7]  }
0x2b: {  	s6 =	sld [smem:$0x3FA8]  }
0x2c: {  	s7 =	sld [smem:$0x3FA9]  }
0x2d: {  	s3 =	simm.s32 $0x108;
	s8 =	sld [smem:$0x3FAA]  }
0x2e: {  	s3 =	simm.s32 @!p0 $0x1082;
	s9 =	sld [smem:$0x3FAB]  }
0x2f: {  	lr =	sadd.s32 s0, s3;
	s0 =	sld [smem:$0x3FA2]  }
0x30: {  	s3 =	sld [smem:$0x3FA5]  }
0x31: {  	[smem:$0x3FAE] =	sst s10  }
0x32: {  	s10 =	sld [smem:$0x3FAC];
	_ =	sdelay $0x3  }
0x33: {  	p0 =	seq.s32 s10, $0x1;
	s10 =	sld [smem:$0x3FAE];
	_ =	sdelay $0x3  }
0x34: {  	[smem:$0x3FAE] =	sst s10  }
0x35: {  	s10 =	sld [smem:$0x3FAD];
	_ =	sdelay $0x3  }
0x36: {  	p1 =	seq.s32 s10, $0x1;
	s10 =	sld [smem:$0x3FAE];
	_ =	sdelay $0x3  }
0x37: {  	[smem:$0x3FAE] =	sst s10  }
0x38: {  	s10 =	sld [smem:$0x3FAF]  }
0x39: {  	_ = 	snop;
	(pc) =	sbr.ind lr, $3  }
0x3a: {  	_ = 	snop  }
0x3b: {  	_ = 	snop  }
0x3c: {  	p2 =	seq.s32 s10, $0x1;
	s10 =	sld [smem:$0x3FAE]  }
0x3d: {  	_ =	shalt  }
0x3e: {  	_ =	shalt  }
0x3f: {  	_ =	shalt  }
0x40: {  	_ =	shalt  }
0x41: {  	_ =	shalt  }
0x42: {  	_ =	shalt  }
0x43: {  	_ =	shalt  }
0x44: {  	_ =	shalt  }
0x45: {  	_ =	shalt  }
0x46: {  	_ =	shalt  }
0x47: {  	_ =	shalt  }
0x48: {  	_ =	shalt  }
0x49: {  	_ =	shalt  }
0x4a: {  	_ =	shalt  }
0x4b: {  	_ =	shalt  }
0x4c: {  	_ =	shalt  }
0x4d: {  	_ =	shalt  }
0x4e: {  	_ =	shalt  }
0x4f: {  	_ =	shalt  }
0x50: {  	_ =	shalt  }
0x51: {  	_ =	shalt  }
0x52: {  	_ =	shalt  }
0x53: {  	_ =	shalt  }
0x54: {  	_ =	shalt  }
0x55: {  	_ =	shalt  }
0x56: {  	_ =	shalt  }
0x57: {  	_ =	shalt  }
0x58: {  	_ =	shalt  }
0x59: {  	_ =	shalt  }
0x5a: {  	_ =	shalt  }
0x5b: {  	_ =	shalt  }
0x5c: {  	_ =	shalt  }
0x5d: {  	_ =	shalt  }
0x5e: {  	_ =	shalt  }
0x5f: {  	_ =	shalt  }
0x60: {  	_ =	shalt  }
0x61: {  	_ =	shalt  }
0x62: {  	_ =	shalt  }
0x63: {  	_ =	shalt  }
0x64: {  	_ =	shalt  }
0x65: {  	_ =	shalt  }
0x66: {  	_ =	shalt  }
0x67: {  	_ =	shalt  }
0x68: {  	_ =	shalt  }
0x69: {  	_ =	shalt  }
0x6a: {  	_ =	shalt  }
0x6b: {  	_ =	shalt  }
0x6c: {  	_ =	shalt  }
0x6d: {  	_ =	shalt  }
0x6e: {  	_ =	shalt  }
0x6f: {  	_ =	shalt  }
0x70: {  	_ =	shalt  }
0x71: {  	_ =	shalt  }
0x72: {  	_ =	shalt  }
0x73: {  	_ =	shalt  }
0x74: {  	_ =	shalt  }
0x75: {  	_ =	shalt  }
0x76: {  	_ =	shalt  }
0x77: {  	_ =	shalt  }
0x78: {  	_ =	shalt  }
0x79: {  	_ =	shalt  }
0x7a: {  	_ =	shalt  }
0x7b: {  	_ =	shalt  }
0x7c: {  	_ =	shalt  }
0x7d: {  	_ =	shalt  }
0x7e: {  	_ =	shalt  }
0x7f: {  	_ =	shalt  }
0x80: {  	_ =	shalt  }
0x81: {  	_ =	shalt  }
0x82: {  	_ =	shalt  }
0x83: {  	_ =	shalt  }
0x84: {  	_ =	shalt  }
0x85: {  	_ =	shalt  }
0x86: {  	_ =	shalt  }
0x87: {  	_ =	shalt  }
.Lfunc_end0:
.L_simem_size_0:
called_computation.1_lowered:
.L_overlay_start_0:
0x88: {  	s2 =	sld [smem:$0x3FD9]  }
0x89: {  	s3 =	sld [smem:$0x3FFE];
	_ =	sdelay $0x1  }
0x8a: {  	s1 =	srdreg.scid  }
0x8b: {  	s0 =	sand.u32 $0x1, s1  }
0x8c: {  	s14 =	sshll.u32 s0, $0xA;
	s2 =	sadd.s32 s3, s2  }
0x8d: {  	s2 =	sadd.s32 s2, s14  }
0x8e: {  	[smem:$0x3FBA] =	sst s2  }
0x8f: {  	_ = 	snop  }
0x90: {  	s2 =	sld [smem:$0x3FD0];
	_ =	sdelay $0x2  }
0x91: {  	s15 =	simm.s32 $0xA;
	s4 =	simm.s32 $0x10  }
0x92: {  	[smem:s4], [sflag:s15] =	dma.local [hbm:s2], $0x1  }
0x93: {  	_ =	swait.eq [sflag:s15], $0x1  }
0x94: {  	[sflag:s15] =	ssyncset.done $0x0  }
0x95: {  	[sflag:s15] =	ssyncadd.s32 $0xFFFFFFFF  }
0x96: {  	s16 =	sld [smem:$0x12];
	(tm) =	ssettm $0x1  }
0x97: {  	s17 =	sld [smem:$0x3FFB];
	_ =	sdelay $0x3  }
0x98: {  	_ =	strace s17  }
0x99: {  	s3 =	sld [smem:$0x3FFC];
	_ =	sdelay $0x3  }
0x9a: {  	_ =	strace s3  }
0x9b: {  	s3 =	sld [smem:$0x3FFD];
	_ =	sdelay $0x3  }
0x9c: {  	_ =	strace s3  }
0x9d: {  	_ =	strace $0x8FFFFFFF  }
0x9e: {  	s18 =	sld [smem:$0x3FDB];
	_ =	sdelay $0x1  }
0x9f: {  	s19 =	simm.s32 $_scs_section_size  }
0xa0: {  	s5 =	simm.s32 $_size__tile_overlayer_lowered;
	s6 =	simm.s32 $_tile_overlayer_lowered  }
0xa1: {  	s22 =	simm.s32 $0x1BFF;
	s21 =	sshll.u32 s6, $0x1;
	s3 =	sadd.s32 s19, s18  }
0xa2: {  	s7 =	simm.s32 $0x0;
	s20 =	sshll.u32 s5, $0x1;
	s5 =	sadd.s32 s21, s3  }
0xa3: {  	[timem:s7], [sflag:s22] =	dma.local [hbm:s5], s20  }
0xa4: {  	_ =	swait.ge [sflag:s22], s20  }
0xa5: {  	s4 =	ssub.s32 $0x0, s20;
	[sflag:s22] =	ssyncset.done $0x0  }
0xa6: {  	[sflag:s22] =	ssyncadd.s32 s4;
	_ =	sdelay $0x1  }
0xa7: {  	s23 =	simm.s32 $0x1B8B  }
0xa8: {  	_ =	swait.ge [sflag:s23], $0x1  }
0xa9: {  	[sflag:s23] =	ssyncset.done $0x0  }
0xaa: {  	s25 =	simm.s32 $0x1B8E;
	s24 =	sld [smem:$0x3FFE];
	[sflag:s23] =	ssyncadd.s32 $0xFFFFFFFF  }
0xab: {  	s26 =	simm.s32 $execute0_lowered;
	[smem:$0x3FD2] =	sst s25  }
0xac: {  	s5 =	sshll.u32 s26, $0x1;
	_ =	strace $0x80000049;
	[dreg:$0x1] =	wrdreg $0xFFFFFFFF  }
0xad: {  	s28 =	simm.s32 $_size_execute0_lowered;
	s3 =	sadd.s32 s3, s5;
	[dreg:$0x0] =	wrdreg $0x0  }
0xae: {  	s5 =	sshll.u32 s28, $0x1;
	[dreg:$0x2] =	wrdreg s3  }
0xaf: {  	[dreg:$0x3] =	wrdreg s5  }
0xb0: {  	[dreg:$0x4] =	wrdreg $0xC0  }
0xb1: {  	_ =	task [dreg:s7], $0x5FFFF  }
0xb2: {  	[dreg:$0x1] =	wrdreg $0xFFFFFFFF  }
0xb3: {  	[dreg:$0x0] =	wrdreg $0x60  }
0xb4: {  	[dreg:$0x2] =	wrdreg s24  }
0xb5: {  	[dreg:$0x3] =	wrdreg s16  }
0xb6: {  	[dreg:$0x4] =	wrdreg $0x0  }
0xb7: {  	[dreg:$0x5] =	wrdreg $0x9  }
0xb8: {  	_ =	task.clear_ibuf [dreg:s7], $0x6FFFF;
	_ =	strace $0x90000049  }
0xb9: {  	s29 =	simm.s32 $0x9;
	_ =	strace $0x8000004B  }
0xba: {  	_ =	swait.ge [sflag:s29], $0x1  }
0xbb: {  	[sflag:s29] =	ssyncadd.s32 $0xFFFFFFFF  }
0xbc: {  	_ =	strace $0x9000004B  }
0xbd: {  	_ =	sfence  }
0xbe: {  	s30 =	sld [smem:$0x0];
	_ =	sdelay $0x2  }
0xbf: {  	s31 =	sshll.u32 s1, $0xD;
	s1 =	sshrl.u32 s1, $0x2  }
0xc0: {  	s3 =	sand.u32 $0x4000, s31;
	s1 =	sadd.s32 s1, s30  }
0xc1: {  	s0 =	sor.u32 s3, s0;
	s1 =	sshll.u32 s1, $0x11  }
0xc2: {  	s0 =	sor.u32 s1, s0  }
0xc3: {  	s0 =	sadd.s32 $0x8F2B, s0  }
0xc4: {  	[sflag:s0] =	ssyncadd.remote.s32 $0x1  }
0xc5: {  	_ =	sfence.sel $0xFFFF  }
0xc6: {  	[dreg:$0x0] =	wrdreg $0xFFFFFFFF;
	(pc) =	sbr.abs _section_cstart, $3  }
0xc7: {  	[dreg:$0x1] =	wrdreg $0xFFFFFFFF  }
0xc8: {  	_ =	task.clear_ibuf [dreg:s7], $0x2FFFF;
	_ =	strace $0x9FFFFFFF  }
0xc9: {  	(tm) =	ssettm $0x7FFFFFFF  }
tec
execute0_lowered:
.L_overlay_start_1:
0x0: {  	(tag) =	ssettag $0x1  }
0x1: {  	s0 =	rddreg [dreg:$0x0]  }
0x2: {  	s9 =	rddreg [dreg:$0x1]  }
0x3: {  	s1 =	rddreg [dreg:$0x2]  }
0x4: {  	s3 =	simm.s32 $0x0;
	s2 =	srdreg.scid;
	v0 =	vimm.s32 $0xBA98FEDC;
	v1 =	vimm.s32 $0x32107654;
	s14 =	simm.s32 $0x1DE50  }
0x5: {  	s17 =	simm.s32 $0x16010;
	s18 =	simm.s32 $0x16060;
	s19 =	simm.s32 $0x50;
	v0 =	vunpack.c.l.s4.s8 v0;
	v1 =	vunpack.c.l.s4.s8 v1  }
0x6: {  	s20 =	simm.s32 $0x160B0;
	s21 =	simm.s32 $0x16150;
	s22 =	simm.s32 $0x16100  }
0x7: {  	v3 =	vimm.s32 $0xFEDCBA98;
	s23 =	simm.s32 $0x18950;
	s24 =	simm.s32 $0x1;
	s26 =	simm.s32 $0x1B150;
	v0 =	vunpack.c.0.s8.s32 v0;
	v1 =	vunpack.c.0.s8.s32 v1  }
0x8: {  	v4 =	vimm.s32 $0xDCFE98BA;
	v6 =	vimm.s32 $0x67452301;
	[smem:$0x7FF] =	sst s3;
	s11 =	sand.u32 $0x1, s2;
	s4 =	sadd.s32 $0xD000, s0  }
0x9: {  	s5 =	sadd.s32 $0x5B200, s0;
	s6 =	sadd.s32 $0x8000, s0;
	s7 =	sadd.s32 $0x3000, s0;
	v3 =	vunpack.c.l.s4.s8 v3;
	v6 =	vunpack.c.l.s4.s8 v6;
	v5 =	vcombine.low v1, v0  }
0xa: {  	s25 =	simm.s32 $0x2;
	s2 =	stileid.u32;
	s8 =	smul.u32 $0x15F900, s11;
	v0 =	vunpack.c.l.s4.s8 v4;
	v1 =	vimm.s32 $0x54761032;
	v4 =	vimm.s32 $0xEFCDAB89  }
0xb: {  	v2 =	vimm.s32 $0x76543210;
	_ =	strace $0x8000004A;
	s10 =	smul.u32 $0x16380, s2;
	s29 =	ssub.s32 $0x2, s11;
	v1 =	vunpack.c.l.s4.s8 v1;
	v4 =	vunpack.c.l.s4.s8 v4  }
0xc: {  	v2 =	vunpack.c.l.s4.s8 v2;
	p0 =	seq.s32 s2, $0xF;
	s30 =	sshll.u32 s11, $0x4;
	s13 =	smul.u32 $0x58E00, s2;
	v3 =	vunpack.c.0.s8.s32 v3;
	v6 =	vunpack.c.0.s8.s32 v6  }
0xd: {  	s15 =	smul.u32 $0x2710, s11;
	s12 =	sshrl.u32 s29, $0x1;
	s9 =	sadd.s32 s9, s30;
	v0 =	vunpack.c.0.s8.s32 v0;
	v1 =	vunpack.c.0.s8.s32 v1;
	v4 =	vunpack.c.0.s8.s32 v4  }
0xe: {  	vm0 =	vcmask $0x3F08;
	vm1 =	vmmov $0x1;
	v2 =	vunpack.c.0.s8.s32 v2;
	s8 =	sadd.s32 s10, s8;
	s12 =	ssub.s32 s29, s12;
	s10 =	smul.u32 $0x2710, s2  }
0xf: {  	s31 =	sshrl.u32 s13, $0x2;
	s8 =	sshrl.u32 s8, $0x3;
	s11 =	smax.u32 s12, $0x1;
	v3 =	vand.u32 $0xF, v3;
	v7 =	vcombine.low v1, v0;
	v6 =	vcombine.low v6, v4  }
0x10: {  	s12 =	sadd.s32 s31, s1;
	s0 =	sadd.s32 s8, s0;
	s8 =	simm.s32 $0x41;
	v2 =	vcombine.low v3, v2;
	v3 =	vand.u32 $0xF, v5;
	v0 =	vmov s15  }
0x11: {  	s8 =	simm.s32 @!p0 $0x4F;
	s13 =	sadd.s32 $0xA9400, s0;
	s15 =	simm.s32 $0x3;
	v1 =	vimm.f32 $0.0e+00;
	v4 =	vand.u32 $0xF, v7;
	v5 =	vand.u32 $0xF, v6  }
.LBB2_1:
0x12: {  	[tilespmem:$0x1DE50] =	vst v1  }
0x13: {  	[tilespmem:$0x1DE60] =	vst v1  }
0x14: {  	[tilespmem:$0x1DE70] =	vst v1  }
0x15: {  	[tilespmem:$0x1DE80] =	vst v1  }
0x16: {  	[tilespmem:$0x1DE90] =	vst v1  }
0x17: {  	[tilespmem:$0x1DEA0] =	vst v1  }
0x18: {  	[tilespmem:$0x1DEB0] =	vst v1  }
0x19: {  	[tilespmem:$0x1DEC0] =	vst v1  }
0x1a: {  	[tilespmem:$0x1DED0] =	vst v1  }
0x1b: {  	[tilespmem:$0x1DEE0] =	vst v1  }
0x1c: {  	[tilespmem:$0x1DEF0] =	vst v1  }
0x1d: {  	[tilespmem:$0x1DF00] =	vst v1  }
0x1e: {  	[tilespmem:$0x1DF10] =	vst v1  }
0x1f: {  	[tilespmem:$0x1DF20] =	vst v1  }
0x20: {  	[tilespmem:$0x1DF30] =	vst v1  }
0x21: {  	[tilespmem:$0x1DF40] =	vst v1  }
0x22: {  	[tilespmem:$0x1DF50] =	vst v1  }
0x23: {  	[tilespmem:$0x1DF60] =	vst v1  }
0x24: {  	[tilespmem:$0x1DF70] =	vst v1  }
0x25: {  	[tilespmem:$0x1DF80] =	vst v1  }
0x26: {  	[tilespmem:$0x1DF90] =	vst v1  }
0x27: {  	[tilespmem:$0x1DFA0] =	vst v1  }
0x28: {  	[tilespmem:$0x1DFB0] =	vst v1  }
0x29: {  	[tilespmem:$0x1DFC0] =	vst v1  }
0x2a: {  	[tilespmem:$0x1DFD0] =	vst v1  }
0x2b: {  	[tilespmem:$0x1DFE0] =	vst v1  }
0x2c: {  	[tilespmem:$0x1DFF0] =	vst v1  }
0x2d: {  	[tilespmem:$0x1E000] =	vst v1  }
0x2e: {  	[tilespmem:$0x1E010] =	vst v1  }
0x2f: {  	[tilespmem:$0x1E020] =	vst v1  }
0x30: {  	[tilespmem:$0x1E030] =	vst v1  }
0x31: {  	[tilespmem:$0x1E040] =	vst v1  }
0x32: {  	[tilespmem:$0x1E050] =	vst v1  }
0x33: {  	[tilespmem:$0x1E060] =	vst v1  }
0x34: {  	[tilespmem:$0x1E070] =	vst v1  }
0x35: {  	[tilespmem:$0x1E080] =	vst v1  }
0x36: {  	[tilespmem:$0x1E090] =	vst v1  }
0x37: {  	[tilespmem:$0x1E0A0] =	vst v1  }
0x38: {  	[tilespmem:$0x1E0B0] =	vst v1  }
0x39: {  	[tilespmem:$0x1E0C0] =	vst v1  }
0x3a: {  	[tilespmem:$0x1E0D0] =	vst v1  }
0x3b: {  	[tilespmem:$0x1E0E0] =	vst v1  }
0x3c: {  	[tilespmem:$0x1E0F0] =	vst v1  }
0x3d: {  	[tilespmem:$0x1E100] =	vst v1  }
0x3e: {  	[tilespmem:$0x1E110] =	vst v1  }
0x3f: {  	[tilespmem:$0x1E120] =	vst v1  }
0x40: {  	[tilespmem:$0x1E130] =	vst v1  }
0x41: {  	[tilespmem:$0x1E140] =	vst v1  }
0x42: {  	[tilespmem:$0x1E150] =	vst v1  }
0x43: {  	[tilespmem:$0x1E160] =	vst v1  }
0x44: {  	[tilespmem:$0x1E170] =	vst v1  }
0x45: {  	[tilespmem:$0x1E180] =	vst v1  }
0x46: {  	[tilespmem:$0x1E190] =	vst v1  }
0x47: {  	[tilespmem:$0x1E1A0] =	vst v1  }
0x48: {  	[tilespmem:$0x1E1B0] =	vst v1  }
0x49: {  	[tilespmem:$0x1E1C0] =	vst v1  }
0x4a: {  	[tilespmem:$0x1E1D0] =	vst v1  }
0x4b: {  	[tilespmem:$0x1E1E0] =	vst v1  }
0x4c: {  	[tilespmem:$0x1E1F0] =	vst v1  }
0x4d: {  	[tilespmem:$0x1E200] =	vst v1  }
0x4e: {  	[tilespmem:$0x1E210] =	vst v1  }
0x4f: {  	[tilespmem:$0x1E220] =	vst v1  }
0x50: {  	[tilespmem:$0x1E230] =	vst v1  }
0x51: {  	[tilespmem:$0x1E240] =	vst v1  }
0x52: {  	[tilespmem:$0x1E250] =	vst v1  }
0x53: {  	[tilespmem:$0x1E260] =	vst v1  }
0x54: {  	[tilespmem:$0x1E270] =	vst v1  }
0x55: {  	[tilespmem:$0x1E280] =	vst v1  }
0x56: {  	[tilespmem:$0x1E290] =	vst v1  }
0x57: {  	[tilespmem:$0x1E2A0] =	vst v1;
	p0 =	sne.s32 s8, $0x1  }
.Ltmp0:
0x58: {  	[tilespmem:$0x1E2B0] =	vst v1;
	(pc) =	sbr.rel @!p0 .LBB2_3-.Ltmp0, $4  }
0x59: {  	[tilespmem:$0x1E2C0] =	vst v1  }
0x5a: {  	[spmem:s12] =	stream.linear.scatter [tilespmem:s14], [sflag:$0x3], $0x480, $0x38;
	[tilespmem:$0x1E2D0] =	vst v63  }
0x5b: {  	_ =	swait.ge [sflag:s15], $0x480  }
0x5c: {  	s0 =	sadd.s32 $0xFFFFFFFF, s8;
	s16 =	smov.u32 s12;
	[sflag:s15] =	ssyncset.done $0x0  }
.LBB2_2:
0x5d: {  	p1 =	sne.s32 s0, $0x1;
	[sflag:s15] =	ssyncadd.s32 $0xFFFFFB80;
	s16 =	sadd.s32 $0x480, s16  }
.Ltmp1:
0x5e: {  	s0 =	sadd.s32 $0xFFFFFFFF, s0;
	(pc) =	sbr.rel @p1 .LBB2_2-.Ltmp1, $4  }
0x5f: {  	_ = 	snop  }
0x60: {  	[spmem:s16] =	stream.linear.scatter [tilespmem:s14], [sflag:$0x3], $0x480, $0x38;
	[tilespmem:$0x1E2D0] =	vst v63  }
0x61: {  	_ =	swait.ge [sflag:s15], $0x480  }
0x62: {  	[sflag:s15] =	ssyncset.done $0x0  }
.LBB2_3:
0x63: {  	[sflag:s15] =	ssyncadd.s32 $0xFFFFFB80;
	s28 =	simm.s32 $0x0;
	s0 =	simm.s32 $0x15F90  }
0x64: {  	[tilespmem:s0], [sflag:$0x3] =	stream.linear.gather [hbm4b:s9+s28], $0x80, $0x38;
	[tilespmem:$0x1E2D0] =	vst v63  }
0x65: {  	_ =	swait.ge [sflag:s15], $0x80  }
0x66: {  	[sflag:s15] =	ssyncset.done $0x0  }
0x67: {  	[sflag:s15] =	ssyncadd.s32 $0xFFFFFF80  }
0x68: {  	s29 =	simm.s32 $0x0;
	[bflag:$0x0] =	sbarrier.arrive $0xFFFF  }
.LBB2_4:
0x69: {  	s0 =	smul.u32 $0x50, s29;
	_ =	sdelay $0x1  }
0x6a: {  	s0 =	sadd.s32 s10, s0  }
0x6b: {  	s0 =	sshrl.u32 s0, $0x3  }
0x6c: {  	s16 =	sadd.s32 s6, s0  }
0x6d: {  	[tilespmem:s17], [sflag:$0x3] =	stream.linear.gather [hbm4b:s16+s28], $0x50, $0x38;
	[tilespmem:$0x1E2D0] =	vst v63  }
0x6e: {  	_ =	swait.ge [sflag:s15], $0x50  }
0x6f: {  	[sflag:s15] =	ssyncset.done $0x0  }
0x70: {  	s0 =	sadd.s32 s7, s0;
	[sflag:s15] =	ssyncadd.s32 $0xFFFFFFB0  }
0x71: {  	[tilespmem:s18], [sflag:$0x3] =	stream.linear.gather [hbm4b:s0+s28], $0x50, $0x38;
	[tilespmem:$0x1E2D0] =	vst v63  }
0x72: {  	_ =	swait.ge [sflag:s15], $0x50  }
0x73: {  	[sflag:s15] =	ssyncset.done $0x0  }
0x74: {  	[sflag:s15] =	ssyncadd.s32 $0xFFFFFFB0  }
0x75: {  	v6 =	vld [tilespmem:$0x16010]  }
0x76: {  	v7 =	vld [tilespmem:$0x16060]  }
0x77: {  	v8 =	vld [tilespmem:$0x16020]  }
0x78: {  	v9 =	vld [tilespmem:$0x16070]  }
0x79: {  	v10 =	vld [tilespmem:$0x16030]  }
0x7a: {  	v11 =	vld [tilespmem:$0x16080];
	v6 =	vadd.s32 v0, v6  }
0x7b: {  	[tilespmem:$0x160B0] =	vst v6;
	v6 =	vadd.s32 v0, v7;
	v7 =	vld [tilespmem:$0x16040]  }
0x7c: {  	[tilespmem:$0x16100] =	vst v6;
	v6 =	vadd.s32 v0, v8;
	v8 =	vld [tilespmem:$0x16090]  }
0x7d: {  	v38 =	vld [tilespmem:$0x16050];
	[tilespmem:$0x160C0] =	vst v6;
	v6 =	vadd.s32 v0, v9  }
0x7e: {  	v39 =	vld [tilespmem:$0x160A0];
	[tilespmem:$0x16110] =	vst v6;
	v6 =	vadd.s32 v0, v10  }
0x7f: {  	[tilespmem:$0x160D0] =	vst v6;
	v6 =	vadd.s32 v0, v11  }
0x80: {  	[tilespmem:$0x16120] =	vst v6;
	v6 =	vadd.s32 v0, v7  }
0x81: {  	[tilespmem:$0x160E0] =	vst v6;
	v6 =	vadd.s32 v0, v8  }
0x82: {  	[tilespmem:$0x16130] =	vst v6;
	v6 =	vadd.s32 v0, v38  }
0x83: {  	[tilespmem:$0x160F0] =	vst v6;
	v6 =	vadd.s32 v0, v39  }
0x84: {  	[tilespmem:$0x16140] =	vst v6  }
0x85: {  	[tilespmem:s21], [sflag:$0x1] =	stream.indirect.gather [hbm4b:s4+s19], $0x80, s20, s19, $0xb8;
	[tilespmem:$0x1E2D0] =	vst v63  }
0x86: {  	_ = 	snop  }
0x87: {  	[tilespmem:s23], [sflag:$0x2] =	stream.indirect.gather [hbm4b:s5+s19], $0x80, s22, s19, $0xb8;
	[tilespmem:$0x1E2D0] =	vst v63  }
0x88: {  	_ =	swait.ge [sflag:s24], $0x2800  }
0x89: {  	[sflag:s24] =	ssyncset.done $0x0  }
0x8a: {  	[sflag:s24] =	ssyncadd.s32 $0xFFFFD800  }
0x8b: {  	_ =	swait.ge [sflag:s25], $0x2800  }
0x8c: {  	[sflag:s25] =	ssyncset.done $0x0  }
0x8d: {  	s16 =	simm.s32 $0x0;
	[sflag:s25] =	ssyncadd.s32 $0xFFFFD800  }
0x8e: {  	v6 =	vld [tilespmem:s16+$0x18960]  }
0x8f: {  	v7 =	vld [tilespmem:s16+$0x16150]  }
0x90: {  	v8 =	vld [tilespmem:s16+$0x18950]  }
0x91: {  	v40 =	vld [tilespmem:s16+$0x16160]  }
0x92: {  	v41 =	vld [tilespmem:s16+$0x18970]  }
0x93: {  	v42 =	vld [tilespmem:s16+$0x16170]  }
0x94: {  	v12 =	vld [tilespmem:$0x15F90]  }
0x95: {  	v13 =	vld [tilespmem:s16+$0x16180];
	v8 =	vadd.f32 v8, v7  }
0x96: {  	v14 =	vld [tilespmem:s16+$0x18980]  }
0x97: {  	v15 =	vld [tilespmem:$0x15FA0];
	v6 =	vadd.f32 v6, v40;
	v43 =	vmul.f32 $2.000000030e-01, v8  }
0x98: {  	vm2 =	vgt.f32 v8, $0.0e+00  }
0x99: {  	v44 =	vld [tilespmem:$0x15FB0];
	v10 =	vadd.f32 v41, v42;
	v16 =	vmul.f32 $2.000000030e-01, v6;
	v8 =	vsel vm2, v8, v43  }
0x9a: {  	vm2 =	vgt.f32 v6, $0.0e+00;
	v8 =	vmul.f32 v8, v12  }
0x9b: {  	v47 =	vld [tilespmem:$0x15FC0];
	v46 =	vadd.f32 v14, v13;
	v45 =	vmul.f32 $2.000000030e-01, v10;
	v6 =	vsel vm2, v6, v16  }
0x9c: {  	vm2 =	vgt.f32 v10, $0.0e+00;
	v6 =	vmul.f32 v6, v15;
	v8 =	vadd.f32 $0.0e+00, v8  }
0x9d: {  	v48 =	vmul.f32 $2.000000030e-01, v46;
	v9 =	vsel vm2, v10, v45  }
0x9e: {  	vm2 =	vgt.f32 v46, $0.0e+00;
	v9 =	vmul.f32 v9, v44;
	v6 =	vadd.f32 v6, v8  }
0x9f: {  	v8 =	vsel vm2, v46, v48  }
0xa0: {  	v8 =	vmul.f32 v8, v47;
	v6 =	vadd.f32 v9, v6;
	_ =	sdelay $0x1  }
0xa1: {  	v6 =	vadd.f32 v8, v6;
	_ =	sdelay $0x1  }
0xa2: {  	v8 =	vperm.xlane v6, v2;
	_ =	sdelay $0x1  }
0xa3: {  	v6 =	vadd.f32 v8, v6;
	_ =	sdelay $0x1  }
0xa4: {  	v8 =	vperm.xlane v6, v3;
	_ =	sdelay $0x1  }
0xa5: {  	v6 =	vadd.f32 v8, v6;
	_ =	sdelay $0x1  }
0xa6: {  	v8 =	vperm.xlane v6, v4;
	_ =	sdelay $0x1  }
0xa7: {  	v49 =	vld [tilespmem:s16+$0x189C0];
	v6 =	vadd.f32 v8, v6  }
0xa8: {  	v50 =	vld [tilespmem:s16+$0x16190]  }
0xa9: {  	v8 =	vld [tilespmem:s16+$0x18990];
	v51 =	vperm.xlane v6, v5  }
0xaa: {  	v52 =	vld [tilespmem:s16+$0x189A0]  }
0xab: {  	v53 =	vld [tilespmem:s16+$0x161A0];
	v6 =	vadd.f32 v51, v6  }
0xac: {  	v54 =	vld [tilespmem:s16+$0x189B0]  }
0xad: {  	v55 =	vld [tilespmem:s16+$0x161B0];
	v6 =	vmul.f32 $1.442695020e+00, v6  }
0xae: {  	v56 =	vld [tilespmem:$0x15FD0];
	v8 =	vadd.f32 v8, v50  }
0xaf: {  	v57 =	vld [tilespmem:s16+$0x161C0];
	(erf) = vpow2.f32 v6  }
0xb0: {  	v58 =	vld [tilespmem:$0x15FE0];
	v12 =	vadd.f32 v52, v53;
	v6 =	vmul.f32 $2.000000030e-01, v8  }
0xb1: {  	vm2 =	vgt.f32 v8, $0.0e+00  }
0xb2: {  	v59 =	vld [tilespmem:$0x15FF0];
	v11 =	vadd.f32 v54, v55;
	v6 =	vsel vm2, v8, v6;
	v8 =	vmul.f32 $2.000000030e-01, v12  }
0xb3: {  	vm2 =	vgt.f32 v12, $0.0e+00;
	v6 =	vmul.f32 v6, v56  }
0xb4: {  	v61 =	vld [tilespmem:$0x16000];
	v60 =	vmul.f32 $2.000000030e-01, v11;
	v9 =	vadd.f32 v49, v57;
	v8 =	vsel vm2, v12, v8  }
0xb5: {  	vm2 =	vgt.f32 v11, $0.0e+00;
	v6 =	vadd.f32 $0.0e+00, v6;
	v8 =	vmul.f32 v8, v58  }
0xb6: {  	v62 =	vmul.f32 $2.000000030e-01, v9;
	v10 =	vsel vm2, v11, v60  }
0xb7: {  	vm2 =	vgt.f32 v9, $0.0e+00;
	v6 =	vadd.f32 v8, v6;
	v8 =	vmul.f32 v10, v59  }
0xb8: {  	v9 =	vsel vm2, v9, v62;
	v63 =	vpop (erf)  }
0xb9: {  	v6 =	vadd.f32 v8, v6;
	v8 =	vmul.f32 v9, v61;
	v7 =	vmul.f32 v63, v7  }
0xba: {  	s30 =	simm.s32 $0x1B190  }
0xbb: {  	v6 =	vadd.f32 v8, v6;
	[tilespmem:s30+$0xFFFFFFC0] =	vst v7  }
0xbc: {  	v7 =	vld [tilespmem:s16+$0x16160]  }
0xbd: {  	v8 =	vperm.xlane v6, v2;
	_ =	sdelay $0x1  }
0xbe: {  	v6 =	vadd.f32 v8, v6;
	_ =	sdelay $0x1  }
0xbf: {  	v8 =	vperm.xlane v6, v3;
	v7 =	vmul.f32 v7, v63;
	_ =	sdelay $0x1  }
0xc0: {  	v6 =	vadd.f32 v8, v6;
	[tilespmem:s30+$0xFFFFFFD0] =	vst v7  }
0xc1: {  	v7 =	vld [tilespmem:s16+$0x16170]  }
0xc2: {  	v8 =	vperm.xlane v6, v4;
	_ =	sdelay $0x1  }
0xc3: {  	v6 =	vadd.f32 v8, v6;
	_ =	sdelay $0x1  }
0xc4: {  	v8 =	vperm.xlane v6, v5;
	v7 =	vmul.f32 v7, v63;
	_ =	sdelay $0x1  }
0xc5: {  	v6 =	vadd.f32 v8, v6;
	[tilespmem:s30+$0xFFFFFFE0] =	vst v7  }
0xc6: {  	v7 =	vld [tilespmem:s16+$0x16180]  }
0xc7: {  	v6 =	vmul.f32 $1.442695020e+00, v6;
	_ =	sdelay $0x1  }
0xc8: {  	(erf) = vpow2.f32 v6;
	_ =	sdelay $0x1  }
0xc9: {  	v6 =	vmul.f32 v7, v63;
	_ =	sdelay $0x1  }
0xca: {  	[tilespmem:s30+$0xFFFFFFF0] =	vst v6  }
0xcb: {  	v7 =	vld [tilespmem:s16+$0x16190];
	_ =	sdelay $0x3  }
0xcc: {  	v6 =	vpop (erf)  }
0xcd: {  	v7 =	vmul.f32 v7, v6;
	_ =	sdelay $0x1  }
0xce: {  	[tilespmem:s30+$0x0] =	vst v7  }
0xcf: {  	v7 =	vld [tilespmem:s16+$0x161A0];
	_ =	sdelay $0x4  }
0xd0: {  	v7 =	vmul.f32 v7, v6;
	_ =	sdelay $0x1  }
0xd1: {  	[tilespmem:s30+$0x10] =	vst v7  }
0xd2: {  	v7 =	vld [tilespmem:s16+$0x161B0];
	_ =	sdelay $0x4  }
0xd3: {  	v7 =	vmul.f32 v7, v6;
	_ =	sdelay $0x1  }
0xd4: {  	v8 =	vsel vm0, $0x0, v6;
	[tilespmem:s30+$0x20] =	vst v7  }
0xd5: {  	v8 =	vsel vm1, v63, v8;
	v7 =	vld [tilespmem:s16+$0x161C0]  }
0xd6: {  	s31 =	simm.s32 $0x200;
	s0 =	simm.s32 $0x1B190;
	[tilespmem:s30+$0x40] =	vst v8  }
.LBB2_5:
0xd7: {  	_ =	sdelay $0x1  }
0xd8: {  	p1 =	sne.s32 s31, $0x9E00  }
0xd9: {  	s30 =	sadd.s32 $0x90, s30;
	s16 =	smov.u32 s31;
	s31 =	sadd.s32 $0x200, s31;
	v6 =	vmul.f32 v7, v6  }
0xda: {  	_ = 	snop  }
0xdb: {  	[tilespmem:s0+$0x30] =	vst v6;
	s0 =	smov.u32 s30  }
0xdc: {  	s16 =	sshra.s32 s16, $0x2;
	v7 =	vld [tilespmem:$0x15FA0]  }
0xdd: {  	v8 =	vld [tilespmem:s16+$0x18960]  }
0xde: {  	v6 =	vld [tilespmem:s16+$0x16150]  }
0xdf: {  	v9 =	vld [tilespmem:s16+$0x18950]  }
0xe0: {  	v10 =	vld [tilespmem:s16+$0x16160]  }
0xe1: {  	v11 =	vld [tilespmem:s16+$0x18970]  }
0xe2: {  	v12 =	vld [tilespmem:s16+$0x16170]  }
0xe3: {  	v13 =	vld [tilespmem:$0x15F90]  }
0xe4: {  	v9 =	vadd.f32 v9, v6;
	v14 =	vld [tilespmem:s16+$0x16180]  }
0xe5: {  	v8 =	vadd.f32 v8, v10;
	v10 =	vld [tilespmem:s16+$0x18980]  }
0xe6: {  	vm2 =	vgt.f32 v9, $0.0e+00;
	v15 =	vmul.f32 $2.000000030e-01, v9  }
0xe7: {  	v16 =	vmul.f32 $2.000000030e-01, v8;
	v11 =	vadd.f32 v11, v12;
	v12 =	vld [tilespmem:$0x15FB0]  }
0xe8: {  	v9 =	vsel vm2, v9, v15;
	vm2 =	vgt.f32 v8, $0.0e+00  }
0xe9: {  	v9 =	vmul.f32 v9, v13;
	v8 =	vsel vm2, v8, v16;
	v13 =	vmul.f32 $2.000000030e-01, v11  }
0xea: {  	vm2 =	vgt.f32 v11, $0.0e+00;
	v7 =	vmul.f32 v8, v7;
	v8 =	vadd.f32 v10, v14;
	v10 =	vld [tilespmem:$0x15FC0]  }
0xeb: {  	v9 =	vadd.f32 $0.0e+00, v9;
	v11 =	vsel vm2, v11, v13  }
0xec: {  	v11 =	vmul.f32 v11, v12;
	v12 =	vmul.f32 $2.000000030e-01, v8  }
0xed: {  	vm2 =	vgt.f32 v8, $0.0e+00;
	v7 =	vadd.f32 v7, v9  }
0xee: {  	v8 =	vsel vm2, v8, v12  }
0xef: {  	v7 =	vadd.f32 v11, v7;
	v8 =	vmul.f32 v8, v10;
	_ =	sdelay $0x1  }
0xf0: {  	v7 =	vadd.f32 v8, v7;
	_ =	sdelay $0x1  }
0xf1: {  	v8 =	vperm.xlane v7, v2;
	_ =	sdelay $0x1  }
0xf2: {  	v7 =	vadd.f32 v8, v7;
	_ =	sdelay $0x1  }
0xf3: {  	v8 =	vperm.xlane v7, v3;
	_ =	sdelay $0x1  }
0xf4: {  	v7 =	vadd.f32 v8, v7;
	_ =	sdelay $0x1  }
0xf5: {  	v8 =	vperm.xlane v7, v4;
	_ =	sdelay $0x1  }
0xf6: {  	v9 =	vld [tilespmem:s16+$0x189C0];
	v7 =	vadd.f32 v8, v7  }
0xf7: {  	v8 =	vld [tilespmem:s16+$0x18990]  }
0xf8: {  	v10 =	vld [tilespmem:s16+$0x16190];
	v11 =	vperm.xlane v7, v5  }
0xf9: {  	v12 =	vld [tilespmem:s16+$0x189A0]  }
0xfa: {  	v13 =	vld [tilespmem:s16+$0x161A0];
	v7 =	vadd.f32 v11, v7  }
0xfb: {  	v11 =	vld [tilespmem:s16+$0x189B0]  }
0xfc: {  	v14 =	vld [tilespmem:s16+$0x161B0];
	v7 =	vmul.f32 $1.442695020e+00, v7  }
0xfd: {  	v8 =	vadd.f32 v8, v10;
	v10 =	vld [tilespmem:$0x15FD0]  }
0xfe: {  	v15 =	vld [tilespmem:s16+$0x161C0];
	(erf) = vpow2.f32 v7  }
0xff: {  	v7 =	vmul.f32 $2.000000030e-01, v8;
	v12 =	vadd.f32 v12, v13;
	v13 =	vld [tilespmem:$0x15FE0]  }
0x100: {  	vm2 =	vgt.f32 v8, $0.0e+00  }
0x101: {  	v7 =	vsel vm2, v8, v7;
	v8 =	vmul.f32 $2.000000030e-01, v12;
	v11 =	vadd.f32 v11, v14;
	v14 =	vld [tilespmem:$0x15FF0]  }
0x102: {  	vm2 =	vgt.f32 v12, $0.0e+00;
	v7 =	vmul.f32 v7, v10  }
0x103: {  	v8 =	vsel vm2, v12, v8;
	v10 =	vmul.f32 $2.000000030e-01, v11;
	v9 =	vadd.f32 v9, v15;
	v12 =	vld [tilespmem:$0x16000]  }
0x104: {  	vm2 =	vgt.f32 v11, $0.0e+00;
	v7 =	vadd.f32 $0.0e+00, v7;
	v8 =	vmul.f32 v8, v13  }
0x105: {  	v13 =	vsel vm2, v11, v10;
	v11 =	vmul.f32 $2.000000030e-01, v9  }
0x106: {  	vm2 =	vgt.f32 v9, $0.0e+00;
	v7 =	vadd.f32 v8, v7;
	v8 =	vmul.f32 v13, v14  }
0x107: {  	v9 =	vsel vm2, v9, v11;
	v10 =	vpop (erf)  }
0x108: {  	v7 =	vadd.f32 v8, v7;
	v8 =	vmul.f32 v9, v12;
	v6 =	vmul.f32 v10, v6;
	_ =	sdelay $0x1  }
0x109: {  	v7 =	vadd.f32 v8, v7;
	[tilespmem:s30+$0xFFFFFFC0] =	vst v6  }
0x10a: {  	v6 =	vld [tilespmem:s16+$0x16160]  }
0x10b: {  	v8 =	vperm.xlane v7, v2;
	_ =	sdelay $0x1  }
0x10c: {  	v7 =	vadd.f32 v8, v7;
	_ =	sdelay $0x1  }
0x10d: {  	v8 =	vperm.xlane v7, v3;
	v6 =	vmul.f32 v6, v10;
	_ =	sdelay $0x1  }
0x10e: {  	v7 =	vadd.f32 v8, v7;
	[tilespmem:s30+$0xFFFFFFD0] =	vst v6  }
0x10f: {  	v6 =	vld [tilespmem:s16+$0x16170]  }
0x110: {  	v8 =	vperm.xlane v7, v4;
	_ =	sdelay $0x1  }
0x111: {  	v7 =	vadd.f32 v8, v7;
	_ =	sdelay $0x1  }
0x112: {  	v8 =	vperm.xlane v7, v5;
	v6 =	vmul.f32 v6, v10;
	_ =	sdelay $0x1  }
0x113: {  	v7 =	vadd.f32 v8, v7;
	[tilespmem:s30+$0xFFFFFFE0] =	vst v6  }
0x114: {  	v6 =	vld [tilespmem:s16+$0x16180]  }
0x115: {  	v7 =	vmul.f32 $1.442695020e+00, v7;
	_ =	sdelay $0x1  }
0x116: {  	(erf) = vpow2.f32 v7;
	_ =	sdelay $0x1  }
0x117: {  	v6 =	vmul.f32 v6, v10;
	_ =	sdelay $0x1  }
0x118: {  	[tilespmem:s30+$0xFFFFFFF0] =	vst v6  }
0x119: {  	v7 =	vld [tilespmem:s16+$0x16190];
	_ =	sdelay $0x3  }
0x11a: {  	v6 =	vpop (erf)  }
0x11b: {  	v7 =	vmul.f32 v7, v6;
	v8 =	vsel vm0, $0x0, v6  }
0x11c: {  	v8 =	vsel vm1, v10, v8  }
0x11d: {  	[tilespmem:s30+$0x0] =	vst v7  }
0x11e: {  	v7 =	vld [tilespmem:s16+$0x161A0];
	_ =	sdelay $0x4  }
0x11f: {  	v7 =	vmul.f32 v7, v6;
	_ =	sdelay $0x1  }
0x120: {  	[tilespmem:s30+$0x10] =	vst v7  }
0x121: {  	v7 =	vld [tilespmem:s16+$0x161B0];
	_ =	sdelay $0x4  }
.Ltmp2:
0x122: {  	v7 =	vmul.f32 v7, v6;
	(pc) =	sbr.rel @p1 .LBB2_5-.Ltmp2, $4  }
0x123: {  	_ = 	snop  }
0x124: {  	[tilespmem:s30+$0x20] =	vst v7  }
0x125: {  	v7 =	vld [tilespmem:s16+$0x161C0]  }
0x126: {  	[tilespmem:s30+$0x40] =	vst v8  }
0x127: {  	_ =	sdelay $0x2  }
0x128: {  	s29 =	sadd.s32 $0x1, s29;
	v6 =	vmul.f32 v7, v6  }
0x129: {  	p1 =	sne.s32 s29, $0x7D  }
.Ltmp3:
0x12a: {  	[tilespmem:s0+$0x30] =	vst v6;
	(pc) =	sbr.rel @p1 .LBB2_4-.Ltmp3, $4  }
0x12b: {  	[spmem:s1] =	stream.indirect.scatter.add.f32 [tilespmem:s26], [sflag:$0x3], $0x90, s18, s19, $0xb8;
	[tilespmem:$0x1E2D0] =	vst v63  }
0x12c: {  	_ =	swait.ge [sflag:s15], $0x2D00  }
0x12d: {  	[sflag:s15] =	ssyncset.done $0x0  }
0x12e: {  	[sflag:s15] =	ssyncadd.s32 $0xFFFFD300  }
.Ltmp4:
0x12f: {  	(pc) =	sbr.rel @!p0 .LBB2_9-.Ltmp4, $4  }
0x130: {  	s0 =	sshll.u32 s2, $0x6;
	[bflag:$0x0] =	sbarrier.arrive $0xFFFF  }
0x131: {  	s16 =	sshrl.u32 s12, $0x3;
	s28 =	sadd.s32 $0x480, s12;
	s0 =	sor.u32 $0x1C03, s0  }
0x132: {  	[hbm:s13], [sflag:s0] =	dma.local [spmem:s16], $0x90  }
0x133: {  	s29 =	smov.u32 s13;
	s16 =	sadd.s32 $0xFFFFFFFF, s8;
	_ =	swait.ge [sflag:s15], $0x90  }
.LBB2_8:
0x134: {  	[sflag:s15] =	ssyncset.done $0x0;
	s29 =	sadd.s32 $0x90, s29;
	p0 =	sne.s32 s16, $0x1  }
.Ltmp5:
0x135: {  	s30 =	sshrl.u32 s28, $0x3;
	[sflag:s15] =	ssyncadd.s32 $0xFFFFFF70;
	(pc) =	sbr.rel @p0 .LBB2_8-.Ltmp5, $3  }
0x136: {  	[hbm:s29], [sflag:s0] =	dma.local [spmem:s30], $0x90  }
0x137: {  	s16 =	sadd.s32 $0xFFFFFFFF, s16;
	_ =	sdelay $0x1  }
0x138: {  	s28 =	sadd.s32 $0x480, s28;
	_ =	swait.ge [sflag:s15], $0x90  }
.LBB2_9:
0x139: {  	s3 =	sadd.s32 $0x1, s3  }
0x13a: {  	p0 =	sne.s32 s3, s11  }
.Ltmp6:
0x13b: {  	_ = 	snop;
	(pc) =	sbr.rel @p0 .LBB2_1-.Ltmp6, $3  }
0x13c: {  	_ =	sdelay $0x1  }
0x13d: {  	[sflag:s15] =	ssyncset.done $0x0  }
0x13e: {  	[sflag:s15] =	ssyncadd.s32 $0xFFFFFF70  }
0x13f: {  	_ =	sfence.sel $0x180000  }
0x140: {  	[bflag:$0x0] =	sbarrier.arrive $0xFFFF  }
0x141: {  	_ =	strace $0x9000004A  }
0x142: {  	[bflag:$0x2] =	sbarrier.arrive $0xFFFF  }
0x143: {  	p0 =	sne.s32 s2, $0x0;
	s0 =	rddreg [dreg:$0x3]  }
0x144: {  	s0 =	sadd.s32 @!p0 $0x100000, s0  }
0x145: {  	[sflag:s0] =	ssyncadd.tile.s32 @!p0 $0x1;
	_ =	shalt  }
.Lfunc_end2:
_tile_overlayer_lowered:
.L_overlay_start_2:
0x146: {  	(tag) =	ssettag $0x2  }
0x147: {  	s0 =	rddreg [dreg:$0x0];
	s2 =	stileid.u32  }
0x148: {  	s1 =	rddreg [dreg:$0x1];
	p0 =	sne.s32 s2, $0x0  }
0x149: {  	s3 =	rddreg [dreg:$0x2];
	[bflag:$0x3] =	sbarrier.arrive $0xFFFF;
	s2 =	simm.s32 @!p0 $0x1C03  }
0x14a: {  	[timem:s3], [sflag:s2] =	dma.local @!p0 [hbm:s0], s1  }
0x14b: {  	s0 =	simm.s32 @!p0 $0x3  }
0x14c: {  	_ =	swait.ge @!p0 [sflag:s0], s1  }
0x14d: {  	s1 =	ssub.s32 @!p0 $0x0, s1;
	[sflag:s0] =	ssyncset.done @!p0 $0x0  }
0x14e: {  	[sflag:s0] =	ssyncadd.s32 @!p0 s1  }
0x14f: {  	[bflag:$0x3] =	sbarrier.arrive $0xFFFF  }
0x150: {  	_ =	shalt  }

// kernel: kernel.16.cloned.1.call-start
scs
__scs_entry_jumppad:
0x0: {  	(pc) =	sbr.rel $0x88, $3  }
0x1: {  	(tag) =	ssettag $0x0;
	lr =	simm.s32 $0x1  }
0x2: {  	[smem:$0x3F93] =	sst lr;
	_ =	strace $0xD0000000  }
0x3: {  	_ = 	snop  }
0x4: {  	_ = 	snop  }
0x5: {  	_ = 	snop  }
0x6: {  	_ = 	snop  }
0x7: {  	_ = 	snop  }
__scs_overlays_trampoline_lowered:
0x8: {  	[smem:$0x3FA2] =	sst s0  }
0x9: {  	[smem:$0x3FA3] =	sst s1  }
0xa: {  	[smem:$0x3FA4] =	sst s2  }
0xb: {  	[smem:$0x3FA5] =	sst s3  }
0xc: {  	[smem:$0x3FA6] =	sst s4  }
0xd: {  	[smem:$0x3FA7] =	sst s5  }
0xe: {  	[smem:$0x3FA8] =	sst s6  }
0xf: {  	[smem:$0x3FA9] =	sst s7  }
0x10: {  	[smem:$0x3FAA] =	sst s8  }
0x11: {  	[smem:$0x3FAB] =	sst s9;
	s0 =	simm.s32 @!p0 $0x0  }
0x12: {  	s1 =	sld [smem:$0x3F91];
	s0 =	simm.s32 @p0 $0x1  }
0x13: {  	[smem:$0x3FAC] =	sst s0;
	s0 =	simm.s32 @!p1 $0x0  }
0x14: {  	s2 =	sld [smem:$0x3F90];
	s0 =	simm.s32 @p1 $0x1  }
0x15: {  	[smem:$0x3FAD] =	sst s0;
	s0 =	simm.s32 @!p2 $0x0  }
0x16: {  	s3 =	sld [smem:$0x3FDB];
	s0 =	simm.s32 @p2 $0x1  }
0x17: {  	s4 =	simm.s32 $0x1BF5;
	[smem:$0x3FAF] =	sst s0  }
0x18: {  	s0 =	sld [smem:$0x3F92];
	_ =	swait.ge [sflag:s4], $0x0  }
0x19: {  	s7 =	sld [smem:$0x3F93]  }
0x1a: {  	s8 =	sadd.s32 $0xFFFFE003, lr  }
0x1b: {  	s9 =	sadd.s32 $0xFFFFFEF7, lr;
	s5 =	simm.s32 $0xFFFFFFFF;
	p2 =	slt.u32 s8, $0xFFFFF086  }
0x1c: {  	p1 =	slt.u32 s9, $0xF7A;
	s5 =	simm.s32 @!p2 $0x0  }
0x1d: {  	s5 =	simm.s32 @p1 $0x1;
	p0 =	seq.s32 s7, s2  }
0x1e: {  	s7 =	smul.u32 @!p0 $0xF7A, s2;
	p2 =	seq.s32 @!p0 s5, $0x0  }
0x1f: {  	s9 =	smul.u32 $0xF7A, s1;
	s8 =	simm.s32 @!p0 $0x1BF5;
	p2 =	por !p2, p0  }
0x20: {  	[sflag:s8] =	ssyncset.s32 @!p0 $0xFFFFF086;
	s6 =	sadd.s32 @!p0 s3, s7;
	s7 =	simm.s32 @!p0 $0x108  }
0x21: {  	s3 =	sadd.s32 s3, s9;
	s6 =	sadd.s32 @!p0 $0x88, s6;
	s7 =	simm.s32 @p2 $0x1082  }
0x22: {  	[simem:s7], [sflag:s8] =	dma.local @!p0 [hbm:s6], $0xF7A  }
0x23: {  	s9 =	sor.u32 $0xD0000000, s2;
	s6 =	simm.s32 $0x108;
	_ =	swait.ge @!p0 [sflag:s8], $0x0  }
0x24: {  	s3 =	sadd.s32 $0x88, s3;
	s6 =	simm.s32 @!p1 $0x1082;
	[sflag:s4] =	ssyncset.s32 $0xFFFFF086  }
0x25: {  	[simem:s6], [sflag:s4] =	dma.local [hbm:s3], $0xF7A  }
0x26: {  	[smem:$0x3F93] =	sst s1;
	(tag) =	ssettag s2;
	_ =	strace s9  }
0x27: {  	s1 =	sld [smem:$0x3FA3]  }
0x28: {  	s2 =	sld [smem:$0x3FA4]  }
0x29: {  	s4 =	sld [smem:$0x3FA6]  }
0x2a: {  	p0 =	seq.s32 s5, $0x0;
	s5 =	sld [smem:$0x3FA7]  }
0x2b: {  	s6 =	sld [smem:$0x3FA8]  }
0x2c: {  	s7 =	sld [smem:$0x3FA9]  }
0x2d: {  	s3 =	simm.s32 $0x108;
	s8 =	sld [smem:$0x3FAA]  }
0x2e: {  	s3 =	simm.s32 @!p0 $0x1082;
	s9 =	sld [smem:$0x3FAB]  }
0x2f: {  	lr =	sadd.s32 s0, s3;
	s0 =	sld [smem:$0x3FA2]  }
0x30: {  	s3 =	sld [smem:$0x3FA5]  }
0x31: {  	[smem:$0x3FAE] =	sst s10  }
0x32: {  	s10 =	sld [smem:$0x3FAC];
	_ =	sdelay $0x3  }
0x33: {  	p0 =	seq.s32 s10, $0x1;
	s10 =	sld [smem:$0x3FAE];
	_ =	sdelay $0x3  }
0x34: {  	[smem:$0x3FAE] =	sst s10  }
0x35: {  	s10 =	sld [smem:$0x3FAD];
	_ =	sdelay $0x3  }
0x36: {  	p1 =	seq.s32 s10, $0x1;
	s10 =	sld [smem:$0x3FAE];
	_ =	sdelay $0x3  }
0x37: {  	[smem:$0x3FAE] =	sst s10  }
0x38: {  	s10 =	sld [smem:$0x3FAF]  }
0x39: {  	_ = 	snop;
	(pc) =	sbr.ind lr, $3  }
0x3a: {  	_ = 	snop  }
0x3b: {  	_ = 	snop  }
0x3c: {  	p2 =	seq.s32 s10, $0x1;
	s10 =	sld [smem:$0x3FAE]  }
0x3d: {  	_ =	shalt  }
0x3e: {  	_ =	shalt  }
0x3f: {  	_ =	shalt  }
0x40: {  	_ =	shalt  }
0x41: {  	_ =	shalt  }
0x42: {  	_ =	shalt  }
0x43: {  	_ =	shalt  }
0x44: {  	_ =	shalt  }
0x45: {  	_ =	shalt  }
0x46: {  	_ =	shalt  }
0x47: {  	_ =	shalt  }
0x48: {  	_ =	shalt  }
0x49: {  	_ =	shalt  }
0x4a: {  	_ =	shalt  }
0x4b: {  	_ =	shalt  }
0x4c: {  	_ =	shalt  }
0x4d: {  	_ =	shalt  }
0x4e: {  	_ =	shalt  }
0x4f: {  	_ =	shalt  }
0x50: {  	_ =	shalt  }
0x51: {  	_ =	shalt  }
0x52: {  	_ =	shalt  }
0x53: {  	_ =	shalt  }
0x54: {  	_ =	shalt  }
0x55: {  	_ =	shalt  }
0x56: {  	_ =	shalt  }
0x57: {  	_ =	shalt  }
0x58: {  	_ =	shalt  }
0x59: {  	_ =	shalt  }
0x5a: {  	_ =	shalt  }
0x5b: {  	_ =	shalt  }
0x5c: {  	_ =	shalt  }
0x5d: {  	_ =	shalt  }
0x5e: {  	_ =	shalt  }
0x5f: {  	_ =	shalt  }
0x60: {  	_ =	shalt  }
0x61: {  	_ =	shalt  }
0x62: {  	_ =	shalt  }
0x63: {  	_ =	shalt  }
0x64: {  	_ =	shalt  }
0x65: {  	_ =	shalt  }
0x66: {  	_ =	shalt  }
0x67: {  	_ =	shalt  }
0x68: {  	_ =	shalt  }
0x69: {  	_ =	shalt  }
0x6a: {  	_ =	shalt  }
0x6b: {  	_ =	shalt  }
0x6c: {  	_ =	shalt  }
0x6d: {  	_ =	shalt  }
0x6e: {  	_ =	shalt  }
0x6f: {  	_ =	shalt  }
0x70: {  	_ =	shalt  }
0x71: {  	_ =	shalt  }
0x72: {  	_ =	shalt  }
0x73: {  	_ =	shalt  }
0x74: {  	_ =	shalt  }
0x75: {  	_ =	shalt  }
0x76: {  	_ =	shalt  }
0x77: {  	_ =	shalt  }
0x78: {  	_ =	shalt  }
0x79: {  	_ =	shalt  }
0x7a: {  	_ =	shalt  }
0x7b: {  	_ =	shalt  }
0x7c: {  	_ =	shalt  }
0x7d: {  	_ =	shalt  }
0x7e: {  	_ =	shalt  }
0x7f: {  	_ =	shalt  }
0x80: {  	_ =	shalt  }
0x81: {  	_ =	shalt  }
0x82: {  	_ =	shalt  }
0x83: {  	_ =	shalt  }
0x84: {  	_ =	shalt  }
0x85: {  	_ =	shalt  }
0x86: {  	_ =	shalt  }
0x87: {  	_ =	shalt  }
.Lfunc_end0:
.L_simem_size_0:
called_computation.2_lowered:
.L_overlay_start_0:
0x88: {  	s2 =	sld [smem:$0x3FD9]  }
0x89: {  	s3 =	sld [smem:$0x3FFE];
	_ =	sdelay $0x1  }
0x8a: {  	s1 =	srdreg.scid  }
0x8b: {  	s0 =	sand.u32 $0x1, s1  }
0x8c: {  	s14 =	sshll.u32 s0, $0xA;
	s2 =	sadd.s32 s3, s2  }
0x8d: {  	s2 =	sadd.s32 s2, s14  }
0x8e: {  	[smem:$0x3FBA] =	sst s2  }
0x8f: {  	_ = 	snop  }
0x90: {  	s2 =	sld [smem:$0x3FD0];
	_ =	sdelay $0x2  }
0x91: {  	s15 =	simm.s32 $0xA;
	s4 =	simm.s32 $0x10  }
0x92: {  	[smem:s4], [sflag:s15] =	dma.local [hbm:s2], $0x1  }
0x93: {  	_ =	swait.eq [sflag:s15], $0x1  }
0x94: {  	[sflag:s15] =	ssyncset.done $0x0  }
0x95: {  	[sflag:s15] =	ssyncadd.s32 $0xFFFFFFFF  }
0x96: {  	s16 =	sld [smem:$0x12];
	(tm) =	ssettm $0x1  }
0x97: {  	s17 =	sld [smem:$0x3FFB];
	_ =	sdelay $0x3  }
0x98: {  	_ =	strace s17  }
0x99: {  	s3 =	sld [smem:$0x3FFC];
	_ =	sdelay $0x3  }
0x9a: {  	_ =	strace s3  }
0x9b: {  	s3 =	sld [smem:$0x3FFD];
	_ =	sdelay $0x3  }
0x9c: {  	_ =	strace s3  }
0x9d: {  	_ =	strace $0x8FFFFFFF  }
0x9e: {  	s18 =	sld [smem:$0x3FDB];
	_ =	sdelay $0x1  }
0x9f: {  	s19 =	simm.s32 $_scs_section_size  }
0xa0: {  	s5 =	simm.s32 $_size__tile_overlayer_lowered;
	s6 =	simm.s32 $_tile_overlayer_lowered  }
0xa1: {  	s22 =	simm.s32 $0x1BFF;
	s21 =	sshll.u32 s6, $0x1;
	s3 =	sadd.s32 s19, s18  }
0xa2: {  	s7 =	simm.s32 $0x0;
	s20 =	sshll.u32 s5, $0x1;
	s5 =	sadd.s32 s21, s3  }
0xa3: {  	[timem:s7], [sflag:s22] =	dma.local [hbm:s5], s20  }
0xa4: {  	_ =	swait.ge [sflag:s22], s20  }
0xa5: {  	s4 =	ssub.s32 $0x0, s20;
	[sflag:s22] =	ssyncset.done $0x0  }
0xa6: {  	[sflag:s22] =	ssyncadd.s32 s4;
	_ =	sdelay $0x1  }
0xa7: {  	s23 =	simm.s32 $0x1B8B  }
0xa8: {  	_ =	swait.ge [sflag:s23], $0x1  }
0xa9: {  	[sflag:s23] =	ssyncset.done $0x0  }
0xaa: {  	s25 =	simm.s32 $0x1B8E;
	s24 =	sld [smem:$0x3FFE];
	[sflag:s23] =	ssyncadd.s32 $0xFFFFFFFF  }
0xab: {  	s26 =	simm.s32 $execute0_lowered;
	[smem:$0x3FD2] =	sst s25  }
0xac: {  	s5 =	sshll.u32 s26, $0x1;
	_ =	strace $0x8000004C;
	[dreg:$0x1] =	wrdreg $0xFFFFFFFF  }
0xad: {  	s28 =	simm.s32 $_size_execute0_lowered;
	s3 =	sadd.s32 s3, s5;
	[dreg:$0x0] =	wrdreg $0x0  }
0xae: {  	s5 =	sshll.u32 s28, $0x1;
	[dreg:$0x2] =	wrdreg s3  }
0xaf: {  	[dreg:$0x3] =	wrdreg s5  }
0xb0: {  	[dreg:$0x4] =	wrdreg $0xC0  }
0xb1: {  	_ =	task [dreg:s7], $0x5FFFF  }
0xb2: {  	[dreg:$0x1] =	wrdreg $0xFFFFFFFF  }
0xb3: {  	[dreg:$0x0] =	wrdreg $0x60  }
0xb4: {  	[dreg:$0x2] =	wrdreg s24  }
0xb5: {  	[dreg:$0x3] =	wrdreg s16  }
0xb6: {  	[dreg:$0x4] =	wrdreg $0x9  }
0xb7: {  	_ =	task.clear_ibuf [dreg:s7], $0x5FFFF;
	_ =	strace $0x9000004C  }
0xb8: {  	s29 =	simm.s32 $0x9;
	_ =	strace $0x8000004E  }
0xb9: {  	_ =	swait.ge [sflag:s29], $0x1  }
0xba: {  	[sflag:s29] =	ssyncadd.s32 $0xFFFFFFFF  }
0xbb: {  	_ =	strace $0x9000004E  }
0xbc: {  	_ =	sfence  }
0xbd: {  	s30 =	sld [smem:$0x0];
	_ =	sdelay $0x2  }
0xbe: {  	s31 =	sshll.u32 s1, $0xD;
	s1 =	sshrl.u32 s1, $0x2  }
0xbf: {  	s3 =	sand.u32 $0x4000, s31;
	s1 =	sadd.s32 s1, s30  }
0xc0: {  	s0 =	sor.u32 s3, s0;
	s1 =	sshll.u32 s1, $0x11  }
0xc1: {  	s0 =	sor.u32 s1, s0  }
0xc2: {  	s0 =	sadd.s32 $0x8F2B, s0  }
0xc3: {  	[sflag:s0] =	ssyncadd.remote.s32 $0x1  }
0xc4: {  	_ =	sfence.sel $0xFFFF  }
0xc5: {  	[dreg:$0x0] =	wrdreg $0xFFFFFFFF;
	(pc) =	sbr.abs _section_cstart, $3  }
0xc6: {  	[dreg:$0x1] =	wrdreg $0xFFFFFFFF  }
0xc7: {  	_ =	task.clear_ibuf [dreg:s7], $0x2FFFF;
	_ =	strace $0x9FFFFFFF  }
0xc8: {  	(tm) =	ssettm $0x7FFFFFFF  }
0xc9: {  	_ =	shalt  }
tec
execute0_lowered:
.L_overlay_start_1:
0x0: {  	(tag) =	ssettag $0x1  }
0x1: {  	s0 =	rddreg [dreg:$0x0];
	v0 =	vimm.s32 $0x76543210  }
0x2: {  	s6 =	rddreg [dreg:$0x1];
	s1 =	simm.s32 $0x0;
	v1 =	vimm.s32 $0xFEDCBA98;
	v2 =	vimm.s32 $0xBA98FEDC;
	s8 =	srdreg.scid;
	v3 =	vimm.s32 $0x32107654  }
0x3: {  	v4 =	vimm.s32 $0xDCFE98BA;
	s9 =	stileid.u32;
	v5 =	vimm.s32 $0x54761032;
	v6 =	vimm.s32 $0xEFCDAB89;
	s13 =	simm.s32 $0x4;
	s14 =	simm.s32 $0x80  }
0x4: {  	v7 =	vimm.s32 $0x67452301;
	s15 =	simm.s32 $0xD0;
	s16 =	simm.s32 $0x50;
	s17 =	simm.s32 $0x120  }
0x5: {  	s19 =	simm.s32 $0x1;
	s20 =	simm.s32 $0x170;
	s21 =	simm.s32 $0x29C0;
	v0 =	vunpack.c.l.s4.s8 v0;
	v1 =	vunpack.c.l.s4.s8 v1;
	v2 =	vunpack.c.l.s4.s8 v2  }
0x6: {  	s22 =	simm.s32 $0x2;
	s23 =	simm.s32 $0x51C0;
	s24 =	simm.s32 $0x3;
	v3 =	vunpack.c.l.s4.s8 v3;
	v4 =	vunpack.c.l.s4.s8 v4;
	v5 =	vunpack.c.l.s4.s8 v5  }
0x7: {  	s25 =	simm.s32 $0x7EC0;
	s26 =	simm.s32 $0x0;
	[smem:$0x7FF] =	sst s1;
	v6 =	vunpack.c.l.s4.s8 v6;
	v7 =	vunpack.c.l.s4.s8 v7;
	v2 =	vunpack.c.0.s8.s32 v2  }
0x8: {  	s2 =	sadd.s32 $0xD000, s0;
	s3 =	sadd.s32 $0x5B200, s0;
	s4 =	sadd.s32 $0x3000, s0;
	v3 =	vunpack.c.0.s8.s32 v3;
	v4 =	vunpack.c.0.s8.s32 v4;
	v5 =	vunpack.c.0.s8.s32 v5  }
0x9: {  	s5 =	sadd.s32 $0x8000, s0;
	s7 =	sadd.s32 $0x101400, s0;
	s11 =	sand.u32 $0x1, s8;
	v1 =	vunpack.c.0.s8.s32 v1;
	v6 =	vunpack.c.0.s8.s32 v6;
	v7 =	vunpack.c.0.s8.s32 v7  }
0xa: {  	s8 =	sadd.s32 $0xA9400, s0;
	s31 =	ssub.s32 $0x2, s11;
	s18 =	smul.u32 $0x2710, s11;
	v2 =	vcombine.low v3, v2;
	v3 =	vcombine.low v5, v4;
	v4 =	vunpack.c.0.s8.s32 v0  }
0xb: {  	vm0 =	vcmask $0x3F08;
	s9 =	smul.u32 $0x2710, s9;
	_ =	strace $0x8000004D;
	s10 =	sshrl.u32 s31, $0x1;
	v5 =	vcombine.low v7, v6;
	v1 =	vand.u32 $0xF, v1  }
0xc: {  	vm1 =	vmmov $0x1;
	s12 =	sshll.u32 s11, $0x4;
	s11 =	smul.u32 $0x271000, s11;
	s0 =	ssub.s32 s31, s10;
	v0 =	vmov s18;
	v1 =	vcombine.low v1, v4  }
0xd: {  	s10 =	sadd.s32 s6, s12;
	s12 =	smax.u32 s0, $0x1;
	s18 =	simm.s32 $0x1C0;
	v2 =	vand.u32 $0xF, v2;
	v3 =	vand.u32 $0xF, v3;
	v4 =	vand.u32 $0xF, v5  }
.LBB2_1:
0xe: {  	[tilespmem:s1], [sflag:$0x4] =	stream.linear.gather [hbm4b:s10+s1], $0x80, $0x38;
	[tilespmem:$0x83C0] =	vst v63  }
0xf: {  	_ =	swait.ge [sflag:s13], $0x80  }
0x10: {  	[sflag:s13] =	ssyncset.done $0x0  }
0x11: {  	s28 =	simm.s32 $0x0;
	[sflag:s13] =	ssyncadd.s32 $0xFFFFFF80  }
.LBB2_2:
0x12: {  	s0 =	smul.u32 $0x50, s28;
	_ =	sdelay $0x1  }
0x13: {  	s29 =	sadd.s32 s9, s0  }
0x14: {  	s0 =	sshrl.u32 s29, $0x3  }
0x15: {  	s30 =	simm.s32 $0x0;
	s6 =	sadd.s32 s5, s0  }
0x16: {  	[tilespmem:s14], [sflag:$0x4] =	stream.linear.gather [hbm4b:s6+s30], $0x50, $0x38;
	[tilespmem:$0x83C0] =	vst v63  }
0x17: {  	_ =	swait.ge [sflag:s13], $0x50  }
0x18: {  	[sflag:s13] =	ssyncset.done $0x0  }
0x19: {  	s0 =	sadd.s32 s4, s0;
	[sflag:s13] =	ssyncadd.s32 $0xFFFFFFB0  }
0x1a: {  	[tilespmem:s15], [sflag:$0x4] =	stream.linear.gather [hbm4b:s0+s30], $0x50, $0x38;
	[tilespmem:$0x83C0] =	vst v63  }
0x1b: {  	_ =	swait.ge [sflag:s13], $0x50  }
0x1c: {  	[sflag:s13] =	ssyncset.done $0x0  }
0x1d: {  	[sflag:s13] =	ssyncadd.s32 $0xFFFFFFB0  }
0x1e: {  	v5 =	vld [tilespmem:$0x80]  }
0x1f: {  	v6 =	vld [tilespmem:$0xD0]  }
0x20: {  	v7 =	vld [tilespmem:$0x90]  }
0x21: {  	v8 =	vld [tilespmem:$0xE0]  }
0x22: {  	v9 =	vld [tilespmem:$0xA0]  }
0x23: {  	v10 =	vld [tilespmem:$0xF0];
	v5 =	vadd.s32 v0, v5  }
0x24: {  	[tilespmem:$0x120] =	vst v5;
	v5 =	vadd.s32 v0, v6;
	v6 =	vld [tilespmem:$0xB0]  }
0x25: {  	[tilespmem:$0x170] =	vst v5;
	v5 =	vadd.s32 v0, v7;
	v7 =	vld [tilespmem:$0x100]  }
0x26: {  	[tilespmem:$0x130] =	vst v5;
	v5 =	vadd.s32 v0, v8;
	v8 =	vld [tilespmem:$0xC0]  }
0x27: {  	[tilespmem:$0x180] =	vst v5;
	v5 =	vadd.s32 v0, v9;
	v9 =	vld [tilespmem:$0x110]  }
0x28: {  	[tilespmem:$0x140] =	vst v5;
	v5 =	vadd.s32 v0, v10  }
0x29: {  	[tilespmem:$0x190] =	vst v5;
	v5 =	vadd.s32 v0, v6  }
0x2a: {  	[tilespmem:$0x150] =	vst v5;
	v5 =	vadd.s32 v0, v7  }
0x2b: {  	[tilespmem:$0x1A0] =	vst v5;
	v5 =	vadd.s32 v0, v8  }
0x2c: {  	[tilespmem:$0x160] =	vst v5;
	v5 =	vadd.s32 v0, v9  }
0x2d: {  	[tilespmem:$0x1B0] =	vst v5  }
0x2e: {  	[tilespmem:s18], [sflag:$0x1] =	stream.indirect.gather [hbm4b:s2+s16], $0x80, s17, s16, $0xb8;
	[tilespmem:$0x83C0] =	vst v63  }
0x2f: {  	_ =	swait.ge [sflag:s19], $0x2800  }
0x30: {  	[sflag:s19] =	ssyncset.done $0x0  }
0x31: {  	[sflag:s19] =	ssyncadd.s32 $0xFFFFD800  }
0x32: {  	[tilespmem:s21], [sflag:$0x2] =	stream.indirect.gather [hbm4b:s3+s16], $0x80, s20, s16, $0xb8;
	[tilespmem:$0x83C0] =	vst v63  }
0x33: {  	_ =	swait.ge [sflag:s22], $0x2800  }
0x34: {  	[sflag:s22] =	ssyncset.done $0x0  }
0x35: {  	[sflag:s22] =	ssyncadd.s32 $0xFFFFD800  }
0x36: {  	[tilespmem:s23], [sflag:$0x3] =	stream.indirect.gather [hbm4b:s8+s16], $0x90, s20, s16, $0xb8;
	[tilespmem:$0x83C0] =	vst v63  }
0x37: {  	_ =	swait.ge [sflag:s24], $0x2D00  }
0x38: {  	[sflag:s24] =	ssyncset.done $0x0  }
0x39: {  	s6 =	simm.s32 $0x0;
	[sflag:s24] =	ssyncadd.s32 $0xFFFFD300  }
0x3a: {  	v5 =	vld [tilespmem:s6+$0x29F0]  }
0x3b: {  	v6 =	vld [tilespmem:s6+$0x1F0]  }
0x3c: {  	v7 =	vld [tilespmem:s6+$0x29E0]  }
0x3d: {  	v8 =	vld [tilespmem:s6+$0x1E0]  }
0x3e: {  	v9 =	vld [tilespmem:s6+$0x2A30]  }
0x3f: {  	v10 =	vld [tilespmem:s6+$0x230]  }
0x40: {  	v11 =	vld [tilespmem:s6+$0x29D0]  }
0x41: {  	v12 =	vld [tilespmem:s6+$0x1D0]  }
0x42: {  	v13 =	vld [tilespmem:s6+$0x2A20]  }
0x43: {  	v14 =	vld [tilespmem:s6+$0x29C0]  }
0x44: {  	v15 =	vld [tilespmem:s6+$0x1C0]  }
0x45: {  	v16 =	vld [tilespmem:s6+$0x2A00]  }
0x46: {  	v18 =	vld [tilespmem:s6+$0x220]  }
0x47: {  	v17 =	vld [tilespmem:s6+$0x200]  }
0x48: {  	v7 =	vadd.f32 v7, v8;
	v5 =	vadd.f32 v5, v6;
	v6 =	vld [tilespmem:s6+$0x2A10]  }
0x49: {  	v8 =	vld [tilespmem:s6+$0x210]  }
0x4a: {  	v11 =	vadd.f32 v11, v12;
	v9 =	vadd.f32 v9, v10;
	v12 =	vmul.f32 $2.000000030e-01, v7  }
0x4b: {  	v14 =	vadd.f32 v14, v15;
	v13 =	vadd.f32 v13, v18;
	vm3 =	vgt.f32 v7, $0.0e+00  }
0x4c: {  	v10 =	vmul.f32 $2.000000030e-01, v11;
	v7 =	vsel vm3, v7, v12;
	v12 =	vadd.f32 v16, v17;
	v16 =	vld [tilespmem:$0x40]  }
0x4d: {  	v15 =	vld [tilespmem:$0x0];
	vm2 =	vgt.f32 v5, $0.0e+00;
	v19 =	vmul.f32 $2.000000030e-01, v5;
	vm3 =	vgt.f32 v11, $0.0e+00  }
0x4e: {  	v10 =	vsel vm3, v11, v10;
	v6 =	vadd.f32 v6, v8;
	v8 =	vld [tilespmem:$0x50];
	v11 =	vmul.f32 $2.000000030e-01, v12  }
0x4f: {  	v21 =	vld [tilespmem:$0x10];
	v20 =	vmul.f32 $2.000000030e-01, v14;
	vm4 =	vgt.f32 v14, $0.0e+00;
	vm3 =	vgt.f32 v12, $0.0e+00  }
0x50: {  	v18 =	vld [tilespmem:$0x60];
	v17 =	vmul.f32 $2.000000030e-01, v9;
	v11 =	vsel vm3, v12, v11;
	v12 =	vmul.f32 $2.000000030e-01, v6  }
0x51: {  	v63 =	vld [tilespmem:$0x20];
	v14 =	vsel vm4, v14, v20;
	vm3 =	vgt.f32 v6, $0.0e+00;
	v11 =	vmul.f32 v11, v16  }
0x52: {  	v14 =	vmul.f32 v14, v15;
	v15 =	vld [tilespmem:$0x70];
	v6 =	vsel vm3, v6, v12;
	v12 =	vmul.f32 $2.000000030e-01, v13  }
0x53: {  	v16 =	vld [tilespmem:$0x30];
	vm3 =	vgt.f32 v13, $0.0e+00;
	v11 =	vadd.f32 $0.0e+00, v11;
	v6 =	vmul.f32 v6, v8  }
0x54: {  	v10 =	vmul.f32 v10, v21;
	v8 =	vadd.f32 $0.0e+00, v14;
	v12 =	vsel vm3, v13, v12  }
0x55: {  	vm3 =	vgt.f32 v9, $0.0e+00;
	v6 =	vadd.f32 v6, v11;
	v11 =	vmul.f32 v12, v18  }
0x56: {  	v7 =	vmul.f32 v7, v63;
	v8 =	vadd.f32 v10, v8;
	v9 =	vsel vm3, v9, v17  }
0x57: {  	v5 =	vsel vm2, v5, v19;
	v9 =	vmul.f32 v9, v15;
	v6 =	vadd.f32 v11, v6  }
0x58: {  	v5 =	vmul.f32 v5, v16;
	v7 =	vadd.f32 v7, v8  }
0x59: {  	v6 =	vadd.f32 v9, v6  }
0x5a: {  	v5 =	vadd.f32 v5, v7  }
0x5b: {  	v7 =	vperm.xlane v6, v1  }
0x5c: {  	v8 =	vperm.xlane v5, v1  }
0x5d: {  	v6 =	vadd.f32 v7, v6  }
0x5e: {  	v5 =	vadd.f32 v8, v5  }
0x5f: {  	v7 =	vperm.xlane v6, v2  }
0x60: {  	v8 =	vperm.xlane v5, v2  }
0x61: {  	v6 =	vadd.f32 v7, v6  }
0x62: {  	v5 =	vadd.f32 v8, v5  }
0x63: {  	v7 =	vperm.xlane v6, v3  }
0x64: {  	v8 =	vperm.xlane v5, v3  }
0x65: {  	v6 =	vadd.f32 v7, v6  }
0x66: {  	v5 =	vadd.f32 v8, v5  }
0x67: {  	s31 =	simm.s32 $0x5240;
	v7 =	vperm.xlane v6, v4  }
0x68: {  	v9 =	vld [tilespmem:s31+$0x0];
	v8 =	vperm.xlane v5, v4  }
0x69: {  	v6 =	vadd.f32 v7, v6  }
0x6a: {  	v5 =	vadd.f32 v8, v5  }
0x6b: {  	v6 =	vmul.f32 $1.442695020e+00, v6  }
0x6c: {  	v5 =	vmul.f32 $1.442695020e+00, v5  }
0x6d: {  	v7 =	vadd.f32 $9.999999710e-10, v9;
	(erf) = vpow2.f32 v6  }
0x6e: {  	(erf) = vpow2.f32 v5  }
0x6f: {  	(erf) = vrcp.f32 v7;
	_ =	sdelay $0x6  }
0x70: {  	v5 =	vpop (erf)  }
0x71: {  	v5 =	vsel vm0, $0x0, v5;
	v6 =	vpop (erf)  }
0x72: {  	v5 =	vsel vm1, v6, v5;
	v6 =	vpop (erf)  }
0x73: {  	v5 =	vmul.f32 v5, v6  }
0x74: {  	s30 =	simm.s32 $0x7EC0  }
0x75: {  	s6 =	simm.s32 $0x80;
	[tilespmem:s30+$0x0] =	vst v5  }
0x76: {  	v10 =	vld [tilespmem:s6+$0x29F0]  }
0x77: {  	v11 =	vld [tilespmem:s6+$0x1F0]  }
0x78: {  	v13 =	vld [tilespmem:s6+$0x29E0]  }
0x79: {  	v15 =	vld [tilespmem:s6+$0x1E0]  }
0x7a: {  	v6 =	vld [tilespmem:s6+$0x2A30]  }
0x7b: {  	v7 =	vld [tilespmem:s6+$0x230]  }
0x7c: {  	v14 =	vld [tilespmem:s6+$0x29D0]  }
0x7d: {  	v16 =	vld [tilespmem:s6+$0x1D0]  }
0x7e: {  	v5 =	vld [tilespmem:s6+$0x2A20]  }
0x7f: {  	v8 =	vld [tilespmem:s6+$0x29C0]  }
0x80: {  	v9 =	vld [tilespmem:s6+$0x1C0]  }
0x81: {  	s0 =	simm.s32 $0x400;
	v12 =	vld [tilespmem:s6+$0x2A00]  }
.LBB2_3:
0x82: {  	p0 =	sne.s32 s0, $0x9E00;
	v17 =	vld [tilespmem:s6+$0x200]  }
0x83: {  	v13 =	vadd.f32 v13, v15;
	v10 =	vadd.f32 v10, v11;
	v11 =	vld [tilespmem:s6+$0x2A10]  }
0x84: {  	v15 =	vld [tilespmem:s6+$0x210]  }
0x85: {  	v14 =	vadd.f32 v14, v16;
	v16 =	vmul.f32 $2.000000030e-01, v13;
	vm2 =	vgt.f32 v10, $0.0e+00;
	v18 =	vld [tilespmem:s6+$0x220]  }
0x86: {  	v6 =	vadd.f32 v6, v7;
	vm3 =	vgt.f32 v13, $0.0e+00;
	v19 =	vmul.f32 $2.000000030e-01, v10  }
0x87: {  	v7 =	vmul.f32 $2.000000030e-01, v14;
	v13 =	vsel vm3, v13, v16;
	v12 =	vadd.f32 v12, v17;
	v16 =	vld [tilespmem:$0x40]  }
0x88: {  	v8 =	vadd.f32 v8, v9;
	vm3 =	vgt.f32 v14, $0.0e+00;
	v17 =	vmul.f32 $2.000000030e-01, v6;
	v9 =	vld [tilespmem:$0x0]  }
0x89: {  	v7 =	vsel vm3, v14, v7;
	v14 =	vmul.f32 $2.000000030e-01, v12;
	v11 =	vadd.f32 v11, v15;
	v15 =	vld [tilespmem:$0x50]  }
0x8a: {  	v20 =	vmul.f32 $2.000000030e-01, v8;
	vm3 =	vgt.f32 v12, $0.0e+00;
	v21 =	vld [tilespmem:$0x10];
	v5 =	vadd.f32 v5, v18  }
0x8b: {  	vm4 =	vgt.f32 v8, $0.0e+00;
	v12 =	vsel vm3, v12, v14;
	v14 =	vmul.f32 $2.000000030e-01, v11;
	v18 =	vld [tilespmem:$0x60]  }
0x8c: {  	v8 =	vsel vm4, v8, v20;
	vm3 =	vgt.f32 v11, $0.0e+00;
	v20 =	vld [tilespmem:$0x20];
	v12 =	vmul.f32 v12, v16  }
0x8d: {  	v8 =	vmul.f32 v8, v9;
	v9 =	vsel vm3, v11, v14;
	v11 =	vmul.f32 $2.000000030e-01, v5;
	v14 =	vld [tilespmem:$0x70]  }
0x8e: {  	vm3 =	vgt.f32 v5, $0.0e+00;
	v16 =	vld [tilespmem:$0x30];
	v12 =	vadd.f32 $0.0e+00, v12;
	v9 =	vmul.f32 v9, v15  }
0x8f: {  	v8 =	vadd.f32 $0.0e+00, v8;
	v7 =	vmul.f32 v7, v21;
	v5 =	vsel vm3, v5, v11  }
0x90: {  	vm3 =	vgt.f32 v6, $0.0e+00;
	v9 =	vadd.f32 v9, v12;
	v5 =	vmul.f32 v5, v18  }
0x91: {  	v6 =	vsel vm3, v6, v17;
	v7 =	vadd.f32 v7, v8;
	v8 =	vmul.f32 v13, v20  }
0x92: {  	v10 =	vsel vm2, v10, v19;
	v5 =	vadd.f32 v5, v9;
	v6 =	vmul.f32 v6, v14  }
0x93: {  	v7 =	vadd.f32 v8, v7;
	v8 =	vmul.f32 v10, v16  }
0x94: {  	v5 =	vadd.f32 v6, v5  }
0x95: {  	v6 =	vadd.f32 v8, v7  }
0x96: {  	v7 =	vperm.xlane v5, v1  }
0x97: {  	v8 =	vperm.xlane v6, v1  }
0x98: {  	v5 =	vadd.f32 v7, v5  }
0x99: {  	v6 =	vadd.f32 v8, v6  }
0x9a: {  	v7 =	vperm.xlane v5, v2  }
0x9b: {  	v8 =	vperm.xlane v6, v2  }
0x9c: {  	v5 =	vadd.f32 v7, v5  }
0x9d: {  	v6 =	vadd.f32 v8, v6  }
0x9e: {  	v7 =	vperm.xlane v5, v3  }
0x9f: {  	v8 =	vperm.xlane v6, v3  }
0xa0: {  	v5 =	vadd.f32 v7, v5  }
0xa1: {  	v6 =	vadd.f32 v8, v6  }
0xa2: {  	s31 =	sadd.s32 $0x90, s31;
	v7 =	vperm.xlane v5, v4  }
0xa3: {  	v8 =	vperm.xlane v6, v4;
	v9 =	vld [tilespmem:s31+$0x0]  }
0xa4: {  	v5 =	vadd.f32 v7, v5  }
0xa5: {  	v6 =	vadd.f32 v8, v6  }
0xa6: {  	v5 =	vmul.f32 $1.442695020e+00, v5  }
0xa7: {  	v6 =	vmul.f32 $1.442695020e+00, v6  }
0xa8: {  	v7 =	vadd.f32 $9.999999710e-10, v9;
	(erf) = vpow2.f32 v5  }
0xa9: {  	(erf) = vpow2.f32 v6  }
0xaa: {  	(erf) = vrcp.f32 v7;
	_ =	sdelay $0x6  }
0xab: {  	v5 =	vpop (erf)  }
0xac: {  	v5 =	vsel vm0, $0x0, v5;
	v6 =	vpop (erf)  }
0xad: {  	v5 =	vsel vm1, v6, v5;
	v6 =	vpop (erf)  }
0xae: {  	v5 =	vmul.f32 v5, v6  }
0xaf: {  	s30 =	sadd.s32 $0x10, s30  }
0xb0: {  	s6 =	sshra.s32 s0, $0x2;
	[tilespmem:s30+$0x0] =	vst v5  }
0xb1: {  	v10 =	vld [tilespmem:s6+$0x29F0]  }
0xb2: {  	v11 =	vld [tilespmem:s6+$0x1F0]  }
0xb3: {  	v13 =	vld [tilespmem:s6+$0x29E0]  }
0xb4: {  	v15 =	vld [tilespmem:s6+$0x1E0]  }
0xb5: {  	v6 =	vld [tilespmem:s6+$0x2A30]  }
0xb6: {  	v7 =	vld [tilespmem:s6+$0x230]  }
0xb7: {  	v14 =	vld [tilespmem:s6+$0x29D0]  }
.Ltmp0:
0xb8: {  	v16 =	vld [tilespmem:s6+$0x1D0];
	(pc) =	sbr.rel @p0 .LBB2_3-.Ltmp0, $4  }
0xb9: {  	v5 =	vld [tilespmem:s6+$0x2A20]  }
0xba: {  	v8 =	vld [tilespmem:s6+$0x29C0]  }
0xbb: {  	v9 =	vld [tilespmem:s6+$0x1C0]  }
0xbc: {  	s0 =	sadd.s32 $0x200, s0;
	v12 =	vld [tilespmem:s6+$0x2A00]  }
0xbd: {  	v17 =	vld [tilespmem:s6+$0x200]  }
0xbe: {  	v13 =	vadd.f32 v13, v15;
	v46 =	vld [tilespmem:s6+$0x2A10]  }
0xbf: {  	v10 =	vadd.f32 v10, v11;
	v47 =	vld [tilespmem:s6+$0x210]  }
0xc0: {  	v14 =	vadd.f32 v14, v16;
	v18 =	vld [tilespmem:s6+$0x220];
	v6 =	vadd.f32 v6, v7;
	v48 =	vmul.f32 $2.000000030e-01, v13  }
0xc1: {  	vm2 =	vgt.f32 v10, $0.0e+00;
	vm3 =	vgt.f32 v13, $0.0e+00;
	v19 =	vmul.f32 $2.000000030e-01, v10  }
0xc2: {  	v49 =	vld [tilespmem:$0x40];
	v7 =	vmul.f32 $2.000000030e-01, v14;
	v51 =	vmul.f32 $2.000000030e-01, v6;
	v12 =	vadd.f32 v12, v17  }
0xc3: {  	v50 =	vld [tilespmem:$0x0];
	v8 =	vadd.f32 v8, v9;
	v13 =	vsel vm3, v13, v48;
	vm3 =	vgt.f32 v14, $0.0e+00  }
0xc4: {  	v53 =	vld [tilespmem:$0x50];
	v7 =	vsel vm3, v14, v7;
	v11 =	vadd.f32 v46, v47;
	v52 =	vmul.f32 $2.000000030e-01, v12  }
0xc5: {  	v21 =	vld [tilespmem:$0x10];
	v20 =	vmul.f32 $2.000000030e-01, v8;
	v5 =	vadd.f32 v5, v18;
	vm3 =	vgt.f32 v12, $0.0e+00  }
0xc6: {  	v55 =	vld [tilespmem:$0x60];
	vm4 =	vgt.f32 v8, $0.0e+00;
	v54 =	vmul.f32 $2.000000030e-01, v11;
	v12 =	vsel vm3, v12, v52  }
0xc7: {  	v56 =	vld [tilespmem:$0x20];
	v8 =	vsel vm4, v8, v20;
	vm3 =	vgt.f32 v11, $0.0e+00;
	v12 =	vmul.f32 v12, v49  }
0xc8: {  	v59 =	vld [tilespmem:$0x70];
	v58 =	vmul.f32 $2.000000030e-01, v5;
	v8 =	vmul.f32 v8, v50;
	v57 =	vsel vm3, v11, v54  }
0xc9: {  	v60 =	vld [tilespmem:$0x30];
	vm3 =	vgt.f32 v5, $0.0e+00;
	v9 =	vmul.f32 v57, v53;
	v12 =	vadd.f32 $0.0e+00, v12  }
0xca: {  	v7 =	vmul.f32 v7, v21;
	v8 =	vadd.f32 $0.0e+00, v8;
	v5 =	vsel vm3, v5, v58  }
0xcb: {  	vm3 =	vgt.f32 v6, $0.0e+00;
	v5 =	vmul.f32 v5, v55;
	v9 =	vadd.f32 v9, v12  }
0xcc: {  	v61 =	vmul.f32 v13, v56;
	v7 =	vadd.f32 v7, v8;
	v6 =	vsel vm3, v6, v51  }
0xcd: {  	v10 =	vsel vm2, v10, v19;
	v6 =	vmul.f32 v6, v59;
	v5 =	vadd.f32 v5, v9  }
0xce: {  	v62 =	vmul.f32 v10, v60;
	v7 =	vadd.f32 v61, v7  }
0xcf: {  	v5 =	vadd.f32 v6, v5  }
0xd0: {  	v6 =	vadd.f32 v62, v7  }
0xd1: {  	v7 =	vperm.xlane v5, v1  }
0xd2: {  	v8 =	vperm.xlane v6, v1  }
0xd3: {  	v5 =	vadd.f32 v7, v5  }
0xd4: {  	v6 =	vadd.f32 v8, v6  }
0xd5: {  	v7 =	vperm.xlane v5, v2  }
0xd6: {  	v8 =	vperm.xlane v6, v2  }
0xd7: {  	v5 =	vadd.f32 v7, v5  }
0xd8: {  	v6 =	vadd.f32 v8, v6  }
0xd9: {  	v7 =	vperm.xlane v5, v3  }
0xda: {  	v8 =	vperm.xlane v6, v3  }
0xdb: {  	v5 =	vadd.f32 v7, v5  }
0xdc: {  	v6 =	vadd.f32 v8, v6  }
0xdd: {  	s0 =	sadd.s32 $0x90, s31;
	v7 =	vperm.xlane v5, v4  }
0xde: {  	v63 =	vld [tilespmem:s0+$0x0];
	v8 =	vperm.xlane v6, v4  }
0xdf: {  	v5 =	vadd.f32 v7, v5  }
0xe0: {  	v6 =	vadd.f32 v8, v6  }
0xe1: {  	v5 =	vmul.f32 $1.442695020e+00, v5  }
0xe2: {  	v6 =	vmul.f32 $1.442695020e+00, v6  }
0xe3: {  	v7 =	vadd.f32 $9.999999710e-10, v63;
	(erf) = vpow2.f32 v5  }
0xe4: {  	(erf) = vpow2.f32 v6  }
0xe5: {  	(erf) = vrcp.f32 v7;
	_ =	sdelay $0x6  }
0xe6: {  	v5 =	vpop (erf)  }
0xe7: {  	v5 =	vsel vm0, $0x0, v5;
	v6 =	vpop (erf)  }
0xe8: {  	s29 =	sshll.u32 s29, $0x4;
	v5 =	vsel vm1, v6, v5;
	v6 =	vpop (erf)  }
0xe9: {  	s28 =	sadd.s32 $0x1, s28;
	s0 =	sadd.s32 s11, s29;
	v5 =	vmul.f32 v5, v6  }
0xea: {  	s31 =	sadd.s32 $0x10, s30;
	p0 =	sne.s32 s28, $0x7D;
	s0 =	sshrl.u32 s0, $0x3  }
.Ltmp1:
0xeb: {  	s0 =	sadd.s32 s7, s0;
	[tilespmem:s31+$0x0] =	vst v5;
	(pc) =	sbr.rel @p0 .LBB2_2-.Ltmp1, $4  }
0xec: {  	[hbm4b:s0+s1] =	stream.linear.scatter [tilespmem:s25], [sflag:$0x4], $0x500, $0x38;
	[tilespmem:$0x83C0] =	vst v63  }
0xed: {  	_ =	swait.ge [sflag:s13], $0x500  }
0xee: {  	[sflag:s13] =	ssyncset.done $0x0  }
0xef: {  	[sflag:s13] =	ssyncadd.s32 $0xFFFFFB00  }
0xf0: {  	s26 =	sadd.s32 $0x1, s26  }
0xf1: {  	p0 =	sne.s32 s26, s12  }
.Ltmp2:
0xf2: {  	_ = 	snop;
	(pc) =	sbr.rel @p0 .LBB2_1-.Ltmp2, $1  }
0xf3: {  	_ =	sdelay $0x3  }
0xf4: {  	_ =	sfence.sel $0x180000  }
0xf5: {  	[bflag:$0x0] =	sbarrier.arrive $0xFFFF  }
0xf6: {  	_ =	strace $0x9000004D  }
0xf7: {  	s0 =	stileid.u32;
	[bflag:$0x2] =	sbarrier.arrive $0xFFFF  }
0xf8: {  	p0 =	sne.s32 s0, $0x0;
	s0 =	rddreg [dreg:$0x2]  }
0xf9: {  	s0 =	sadd.s32 @!p0 $0x100000, s0  }
0xfa: {  	[sflag:s0] =	ssyncadd.tile.s32 @!p0 $0x1;
	_ =	shalt  }
.Lfunc_end2:
_tile_overlayer_lowered:
.L_overlay_start_2:
0xfb: {  	(tag) =	ssettag $0x2  }
0xfc: {  	s0 =	rddreg [dreg:$0x0];
	s2 =	stileid.u32  }
0xfd: {  	s1 =	rddreg [dreg:$0x1];
	p0 =	sne.s32 s2, $0x0  }
0xfe: {  	s3 =	rddreg [dreg:$0x2];
	[bflag:$0x3] =	sbarrier.arrive $0xFFFF;
	s2 =	simm.s32 @!p0 $0x1C04  }
0xff: {  	[timem:s3], [sflag:s2] =	dma.local @!p0 [hbm:s0], s1  }
0x100: {  	s0 =	simm.s32 @!p0 $0x4  }
0x101: {  	_ =	swait.ge @!p0 [sflag:s0], s1  }
0x102: {  	s1 =	ssub.s32 @!p0 $0x0, s1;
	[sflag:s0] =	ssyncset.done @!p0 $0x0  }
0x103: {  	[sflag:s0] =	ssyncadd.s32 @!p0 s1  }
0x104: {  	[bflag:$0x3] =	sbarrier.arrive $0xFFFF  }
0x105: {  	_ =	shalt  }

// kernel: kernel.19.cloned.1.call-start
scs
__scs_entry_jumppad:
0x0: {  	(pc) =	sbr.rel $0x88, $3  }
0x1: {  	(tag) =	ssettag $0x0;
	lr =	simm.s32 $0x1  }
0x2: {  	[smem:$0x3F93] =	sst lr;
	_ =	strace $0xD0000000  }
0x3: {  	_ = 	snop  }
0x4: {  	_ = 	snop  }
0x5: {  	_ = 	snop  }
0x6: {  	_ = 	snop  }
0x7: {  	_ = 	snop  }
__scs_overlays_trampoline_lowered:
0x8: {  	[smem:$0x3FA2] =	sst s0  }
0x9: {  	[smem:$0x3FA3] =	sst s1  }
0xa: {  	[smem:$0x3FA4] =	sst s2  }
0xb: {  	[smem:$0x3FA5] =	sst s3  }
0xc: {  	[smem:$0x3FA6] =	sst s4  }
0xd: {  	[smem:$0x3FA7] =	sst s5  }
0xe: {  	[smem:$0x3FA8] =	sst s6  }
0xf: {  	[smem:$0x3FA9] =	sst s7  }
0x10: {  	[smem:$0x3FAA] =	sst s8  }
0x11: {  	[smem:$0x3FAB] =	sst s9;
	s0 =	simm.s32 @!p0 $0x0  }
0x12: {  	s1 =	sld [smem:$0x3F91];
	s0 =	simm.s32 @p0 $0x1  }
0x13: {  	[smem:$0x3FAC] =	sst s0;
	s0 =	simm.s32 @!p1 $0x0  }
0x14: {  	s2 =	sld [smem:$0x3F90];
	s0 =	simm.s32 @p1 $0x1  }
0x15: {  	[smem:$0x3FAD] =	sst s0;
	s0 =	simm.s32 @!p2 $0x0  }
0x16: {  	s3 =	sld [smem:$0x3FDB];
	s0 =	simm.s32 @p2 $0x1  }
0x17: {  	s4 =	simm.s32 $0x1BF5;
	[smem:$0x3FAF] =	sst s0  }
0x18: {  	s0 =	sld [smem:$0x3F92];
	_ =	swait.ge [sflag:s4], $0x0  }
0x19: {  	s7 =	sld [smem:$0x3F93]  }
0x1a: {  	s8 =	sadd.s32 $0xFFFFE003, lr  }
0x1b: {  	s9 =	sadd.s32 $0xFFFFFEF7, lr;
	s5 =	simm.s32 $0xFFFFFFFF;
	p2 =	slt.u32 s8, $0xFFFFF086  }
0x1c: {  	p1 =	slt.u32 s9, $0xF7A;
	s5 =	simm.s32 @!p2 $0x0  }
0x1d: {  	s5 =	simm.s32 @p1 $0x1;
	p0 =	seq.s32 s7, s2  }
0x1e: {  	s7 =	smul.u32 @!p0 $0xF7A, s2;
	p2 =	seq.s32 @!p0 s5, $0x0  }
0x1f: {  	s9 =	smul.u32 $0xF7A, s1;
	s8 =	simm.s32 @!p0 $0x1BF5;
	p2 =	por !p2, p0  }
0x20: {  	[sflag:s8] =	ssyncset.s32 @!p0 $0xFFFFF086;
	s6 =	sadd.s32 @!p0 s3, s7;
	s7 =	simm.s32 @!p0 $0x108  }
0x21: {  	s3 =	sadd.s32 s3, s9;
	s6 =	sadd.s32 @!p0 $0x88, s6;
	s7 =	simm.s32 @p2 $0x1082  }
0x22: {  	[simem:s7], [sflag:s8] =	dma.local @!p0 [hbm:s6], $0xF7A  }
0x23: {  	s9 =	sor.u32 $0xD0000000, s2;
	s6 =	simm.s32 $0x108;
	_ =	swait.ge @!p0 [sflag:s8], $0x0  }
0x24: {  	s3 =	sadd.s32 $0x88, s3;
	s6 =	simm.s32 @!p1 $0x1082;
	[sflag:s4] =	ssyncset.s32 $0xFFFFF086  }
0x25: {  	[simem:s6], [sflag:s4] =	dma.local [hbm:s3], $0xF7A  }
0x26: {  	[smem:$0x3F93] =	sst s1;
	(tag) =	ssettag s2;
	_ =	strace s9  }
0x27: {  	s1 =	sld [smem:$0x3FA3]  }
0x28: {  	s2 =	sld [smem:$0x3FA4]  }
0x29: {  	s4 =	sld [smem:$0x3FA6]  }
0x2a: {  	p0 =	seq.s32 s5, $0x0;
	s5 =	sld [smem:$0x3FA7]  }
0x2b: {  	s6 =	sld [smem:$0x3FA8]  }
0x2c: {  	s7 =	sld [smem:$0x3FA9]  }
0x2d: {  	s3 =	simm.s32 $0x108;
	s8 =	sld [smem:$0x3FAA]  }
0x2e: {  	s3 =	simm.s32 @!p0 $0x1082;
	s9 =	sld [smem:$0x3FAB]  }
0x2f: {  	lr =	sadd.s32 s0, s3;
	s0 =	sld [smem:$0x3FA2]  }
0x30: {  	s3 =	sld [smem:$0x3FA5]  }
0x31: {  	[smem:$0x3FAE] =	sst s10  }
0x32: {  	s10 =	sld [smem:$0x3FAC];
	_ =	sdelay $0x3  }
0x33: {  	p0 =	seq.s32 s10, $0x1;
	s10 =	sld [smem:$0x3FAE];
	_ =	sdelay $0x3  }
0x34: {  	[smem:$0x3FAE] =	sst s10  }
0x35: {  	s10 =	sld [smem:$0x3FAD];
	_ =	sdelay $0x3  }
0x36: {  	p1 =	seq.s32 s10, $0x1;
	s10 =	sld [smem:$0x3FAE];
	_ =	sdelay $0x3  }
0x37: {  	[smem:$0x3FAE] =	sst s10  }
0x38: {  	s10 =	sld [smem:$0x3FAF]  }
0x39: {  	_ = 	snop;
	(pc) =	sbr.ind lr, $3  }
0x3a: {  	_ = 	snop  }
0x3b: {  	_ = 	snop  }
0x3c: {  	p2 =	seq.s32 s10, $0x1;
	s10 =	sld [smem:$0x3FAE]  }
0x3d: {  	_ =	shalt  }
0x3e: {  	_ =	shalt  }
0x3f: {  	_ =	shalt  }
0x40: {  	_ =	shalt  }
0x41: {  	_ =	shalt  }
0x42: {  	_ =	shalt  }
0x43: {  	_ =	shalt  }
0x44: {  	_ =	shalt  }
0x45: {  	_ =	shalt  }
0x46: {  	_ =	shalt  }
0x47: {  	_ =	shalt  }
0x48: {  	_ =	shalt  }
0x49: {  	_ =	shalt  }
0x4a: {  	_ =	shalt  }
0x4b: {  	_ =	shalt  }
0x4c: {  	_ =	shalt  }
0x4d: {  	_ =	shalt  }
0x4e: {  	_ =	shalt  }
0x4f: {  	_ =	shalt  }
0x50: {  	_ =	shalt  }
0x51: {  	_ =	shalt  }
0x52: {  	_ =	shalt  }
0x53: {  	_ =	shalt  }
0x54: {  	_ =	shalt  }
0x55: {  	_ =	shalt  }
0x56: {  	_ =	shalt  }
0x57: {  	_ =	shalt  }
0x58: {  	_ =	shalt  }
0x59: {  	_ =	shalt  }
0x5a: {  	_ =	shalt  }
0x5b: {  	_ =	shalt  }
0x5c: {  	_ =	shalt  }
0x5d: {  	_ =	shalt  }
0x5e: {  	_ =	shalt  }
0x5f: {  	_ =	shalt  }
0x60: {  	_ =	shalt  }
0x61: {  	_ =	shalt  }
0x62: {  	_ =	shalt  }
0x63: {  	_ =	shalt  }
0x64: {  	_ =	shalt  }
0x65: {  	_ =	shalt  }
0x66: {  	_ =	shalt  }
0x67: {  	_ =	shalt  }
0x68: {  	_ =	shalt  }
0x69: {  	_ =	shalt  }
0x6a: {  	_ =	shalt  }
0x6b: {  	_ =	shalt  }
0x6c: {  	_ =	shalt  }
0x6d: {  	_ =	shalt  }
0x6e: {  	_ =	shalt  }
0x6f: {  	_ =	shalt  }
0x70: {  	_ =	shalt  }
0x71: {  	_ =	shalt  }
0x72: {  	_ =	shalt  }
0x73: {  	_ =	shalt  }
0x74: {  	_ =	shalt  }
0x75: {  	_ =	shalt  }
0x76: {  	_ =	shalt  }
0x77: {  	_ =	shalt  }
0x78: {  	_ =	shalt  }
0x79: {  	_ =	shalt  }
0x7a: {  	_ =	shalt  }
0x7b: {  	_ =	shalt  }
0x7c: {  	_ =	shalt  }
0x7d: {  	_ =	shalt  }
0x7e: {  	_ =	shalt  }
0x7f: {  	_ =	shalt  }
0x80: {  	_ =	shalt  }
0x81: {  	_ =	shalt  }
0x82: {  	_ =	shalt  }
0x83: {  	_ =	shalt  }
0x84: {  	_ =	shalt  }
0x85: {  	_ =	shalt  }
0x86: {  	_ =	shalt  }
0x87: {  	_ =	shalt  }
.Lfunc_end0:
.L_simem_size_0:
called_computation.3_lowered:
.L_overlay_start_0:
0x88: {  	s2 =	sld [smem:$0x3FD9]  }
0x89: {  	s3 =	sld [smem:$0x3FFE];
	_ =	sdelay $0x1  }
0x8a: {  	s1 =	srdreg.scid  }
0x8b: {  	s0 =	sand.u32 $0x1, s1  }
0x8c: {  	s14 =	sshll.u32 s0, $0xA;
	s2 =	sadd.s32 s3, s2  }
0x8d: {  	s2 =	sadd.s32 s2, s14  }
0x8e: {  	[smem:$0x3FBA] =	sst s2  }
0x8f: {  	_ = 	snop  }
0x90: {  	s2 =	sld [smem:$0x3FD0];
	_ =	sdelay $0x2  }
0x91: {  	s4 =	simm.s32 $0xA;
	s5 =	simm.s32 $0x10;
	s15 =	sld [smem:$0x3FBD]  }
0x92: {  	[smem:s5], [sflag:s4] =	dma.local [hbm:s2], $0x1  }
0x93: {  	_ =	swait.eq [sflag:s4], $0x1  }
0x94: {  	[sflag:s4] =	ssyncset.done $0x0  }
0x95: {  	[sflag:s4] =	ssyncadd.s32 $0xFFFFFFFF  }
0x96: {  	s16 =	sld [smem:$0x10];
	(tm) =	ssettm $0x1  }
0x97: {  	s17 =	sld [smem:$0x3FFB];
	_ =	sdelay $0x3  }
0x98: {  	_ =	strace s17  }
0x99: {  	s4 =	sld [smem:$0x3FFC];
	_ =	sdelay $0x3  }
0x9a: {  	_ =	strace s4  }
0x9b: {  	s4 =	sld [smem:$0x3FFD];
	_ =	sdelay $0x3  }
0x9c: {  	_ =	strace s4  }
0x9d: {  	_ =	strace $0x8FFFFFFF  }
0x9e: {  	s18 =	sld [smem:$0x3FDB];
	_ =	sdelay $0x1  }
0x9f: {  	s19 =	simm.s32 $_scs_section_size  }
0xa0: {  	s6 =	simm.s32 $_size__tile_overlayer_lowered;
	s7 =	simm.s32 $_tile_overlayer_lowered  }
0xa1: {  	s22 =	simm.s32 $0x1BFF;
	s21 =	sshll.u32 s7, $0x1;
	s4 =	sadd.s32 s19, s18  }
0xa2: {  	s8 =	simm.s32 $0x0;
	s20 =	sshll.u32 s6, $0x1;
	s6 =	sadd.s32 s21, s4  }
0xa3: {  	[timem:s8], [sflag:s22] =	dma.local [hbm:s6], s20  }
0xa4: {  	_ =	swait.ge [sflag:s22], s20  }
0xa5: {  	s5 =	ssub.s32 $0x0, s20;
	[sflag:s22] =	ssyncset.done $0x0  }
0xa6: {  	[sflag:s22] =	ssyncadd.s32 s5;
	_ =	sdelay $0x1  }
0xa7: {  	s23 =	simm.s32 $0x1B8B  }
0xa8: {  	_ =	swait.ge [sflag:s23], $0x1  }
0xa9: {  	[sflag:s23] =	ssyncset.done $0x0  }
0xaa: {  	s25 =	simm.s32 $0x1B8E;
	s24 =	sld [smem:$0x3FFE];
	[sflag:s23] =	ssyncadd.s32 $0xFFFFFFFF  }
0xab: {  	s26 =	simm.s32 $execute0_lowered;
	[smem:$0x3FD2] =	sst s25  }
0xac: {  	s6 =	sshll.u32 s26, $0x1;
	_ =	strace $0x8000004F;
	[dreg:$0x1] =	wrdreg $0xFFFFFFFF  }
0xad: {  	s28 =	simm.s32 $_size_execute0_lowered;
	s4 =	sadd.s32 s4, s6;
	[dreg:$0x0] =	wrdreg $0x0  }
0xae: {  	s6 =	sshll.u32 s28, $0x1;
	[dreg:$0x2] =	wrdreg s4  }
0xaf: {  	[dreg:$0x3] =	wrdreg s6  }
0xb0: {  	[dreg:$0x4] =	wrdreg $0xC0  }
0xb1: {  	_ =	task [dreg:s8], $0x5FFFF  }
0xb2: {  	[dreg:$0x1] =	wrdreg $0xFFFFFFFF  }
0xb3: {  	[dreg:$0x0] =	wrdreg $0x60  }
0xb4: {  	[dreg:$0x2] =	wrdreg s16  }
0xb5: {  	[dreg:$0x3] =	wrdreg s24  }
0xb6: {  	[dreg:$0x4] =	wrdreg s15  }
0xb7: {  	[dreg:$0x5] =	wrdreg $0x0  }
0xb8: {  	[dreg:$0x6] =	wrdreg $0x9  }
0xb9: {  	_ =	task.clear_ibuf [dreg:s8], $0x7FFFF;
	_ =	strace $0x9000004F  }
0xba: {  	s29 =	simm.s32 $0x9;
	_ =	strace $0x80000051  }
0xbb: {  	_ =	swait.ge [sflag:s29], $0x1  }
0xbc: {  	[sflag:s29] =	ssyncadd.s32 $0xFFFFFFFF  }
0xbd: {  	_ =	strace $0x90000051  }
0xbe: {  	_ =	sfence  }
0xbf: {  	s30 =	sld [smem:$0x0];
	_ =	sdelay $0x2  }
0xc0: {  	s31 =	sshll.u32 s1, $0xD;
	s1 =	sshrl.u32 s1, $0x2  }
0xc1: {  	s3 =	sand.u32 $0x4000, s31;
	s1 =	sadd.s32 s1, s30  }
0xc2: {  	s0 =	sor.u32 s3, s0;
	s1 =	sshll.u32 s1, $0x11  }
0xc3: {  	s0 =	sor.u32 s1, s0  }
0xc4: {  	s0 =	sadd.s32 $0x8F2B, s0  }
0xc5: {  	[sflag:s0] =	ssyncadd.remote.s32 $0x1  }
0xc6: {  	_ =	sfence.sel $0xFFFF  }
0xc7: {  	[dreg:$0x0] =	wrdreg $0xFFFFFFFF;
	(pc) =	sbr.abs _section_cstart, $3  }
0xc8: {  	[dreg:$0x1] =	wrdreg $0xFFFFFFFF  }
0xc9: {  	_ =	task.clear_ibuf [dreg:s8], $0x2FFFF;
	_ =	strace $0x9FFFFFFF  }
0xca: {  	(tm) =	ssettm $0x7FFFFFFF  }
0xcb: {  	_ =	shalt  }
tec
execute0_lowered:
.L_overlay_start_1:
0x0: {  	(tag) =	ssettag $0x1  }
0x1: {  	s1 =	rddreg [dreg:$0x0]  }
0x2: {  	s9 =	rddreg [dreg:$0x1]  }
0x3: {  	s2 =	rddreg [dreg:$0x2]  }
0x4: {  	s3 =	rddreg [dreg:$0x3];
	s4 =	srdreg.scid  }
0x5: {  	s0 =	rddreg [dreg:$0x4];
	s5 =	simm.s32 $0x0;
	s16 =	simm.s32 $0xC350  }
0x6: {  	v0 =	vimm.s32 $0xFEDCBA98;
	s17 =	simm.s32 $0xC390;
	s18 =	simm.s32 $0xC458;
	s19 =	simm.s32 $0xC8  }
0x7: {  	v1 =	vimm.s32 $0x76543210;
	v2 =	vimm.s32 $0xBA98FEDC;
	s20 =	simm.s32 $0xC520;
	s21 =	simm.s32 $0xF720;
	s10 =	sand.u32 $0x1, s4  }
0x8: {  	v3 =	vimm.s32 $0x32107654;
	v4 =	vimm.s32 $0xDCFE98BA;
	s22 =	simm.s32 $0x1;
	s4 =	stileid.u32;
	s11 =	smul.u32 $0xC3500, s10  }
0x9: {  	v5 =	vimm.s32 $0x54761032;
	v6 =	vimm.s32 $0xEFCDAB89;
	s23 =	simm.s32 $0x2;
	s24 =	simm.s32 $0x12920;
	s12 =	smul.u32 $0xC580, s4  }
0xa: {  	v7 =	vimm.s32 $0x67452301;
	v0 =	vunpack.c.l.s4.s8 v0;
	[smem:$0x7FF] =	sst s5;
	s6 =	sadd.s32 $0xD000, s9;
	v1 =	vunpack.c.l.s4.s8 v1;
	s13 =	smul.u32 $0x1388, s4  }
0xb: {  	s7 =	sadd.s32 $0x8000, s9;
	s8 =	sadd.s32 $0x3000, s9;
	v2 =	vunpack.c.l.s4.s8 v2;
	v3 =	vunpack.c.l.s4.s8 v3;
	v4 =	vunpack.c.l.s4.s8 v4;
	s15 =	smul.u32 $0x31600, s4  }
0xc: {  	v5 =	vunpack.c.l.s4.s8 v5;
	v6 =	vunpack.c.l.s4.s8 v6;
	v7 =	vunpack.c.l.s4.s8 v7;
	_ =	strace $0x80000050;
	s29 =	ssub.s32 $0x2, s10;
	s10 =	smul.u32 $0x13880, s10  }
0xd: {  	p0 =	seq.s32 s4, $0xF;
	v0 =	vunpack.c.0.s8.s32 v0;
	v1 =	vunpack.c.0.s8.s32 v1;
	s30 =	sshrl.u32 s29, $0x1;
	v2 =	vunpack.c.0.s8.s32 v2;
	s11 =	sadd.s32 s12, s11  }
0xe: {  	v3 =	vunpack.c.0.s8.s32 v3;
	v4 =	vunpack.c.0.s8.s32 v4;
	v5 =	vunpack.c.0.s8.s32 v5;
	s31 =	sshrl.u32 s15, $0x2;
	s10 =	sadd.s32 s10, s13;
	s11 =	sshrl.u32 s11, $0x3  }
0xf: {  	v6 =	vunpack.c.0.s8.s32 v6;
	v7 =	vunpack.c.0.s8.s32 v7;
	s15 =	simm.s32 $0x3;
	v0 =	vand.u32 $0xF, v0;
	s14 =	sadd.s32 s11, s9;
	s9 =	simm.s32 $0x41  }
0x10: {  	vm0 =	vmmov $0x1;
	s12 =	sadd.s32 s31, s3;
	s11 =	ssub.s32 s29, s30;
	v0 =	vcombine.low v0, v1;
	v1 =	vcombine.low v3, v2;
	s9 =	simm.s32 @!p0 $0x4F  }
0x11: {  	v2 =	vcombine.low v5, v4;
	v3 =	vimm.f32 $0.0e+00;
	v4 =	vcombine.low v7, v6;
	s11 =	smax.u32 s11, $0x1;
	s13 =	sadd.s32 $0x20A00, s14;
	s14 =	simm.s32 $0x167A0  }
.LBB2_1:
0x12: {  	[tilespmem:$0x167A0] =	vst v3  }
0x13: {  	[tilespmem:$0x167B0] =	vst v3  }
0x14: {  	[tilespmem:$0x167C0] =	vst v3  }
0x15: {  	[tilespmem:$0x167D0] =	vst v3  }
0x16: {  	[tilespmem:$0x167E0] =	vst v3  }
0x17: {  	[tilespmem:$0x167F0] =	vst v3  }
0x18: {  	[tilespmem:$0x16800] =	vst v3  }
0x19: {  	[tilespmem:$0x16810] =	vst v3  }
0x1a: {  	[tilespmem:$0x16820] =	vst v3  }
0x1b: {  	[tilespmem:$0x16830] =	vst v3  }
0x1c: {  	[tilespmem:$0x16840] =	vst v3  }
0x1d: {  	[tilespmem:$0x16850] =	vst v3  }
0x1e: {  	[tilespmem:$0x16860] =	vst v3  }
0x1f: {  	[tilespmem:$0x16870] =	vst v3  }
0x20: {  	[tilespmem:$0x16880] =	vst v3  }
0x21: {  	[tilespmem:$0x16890] =	vst v3  }
0x22: {  	[tilespmem:$0x168A0] =	vst v3  }
0x23: {  	[tilespmem:$0x168B0] =	vst v3  }
0x24: {  	[tilespmem:$0x168C0] =	vst v3  }
0x25: {  	[tilespmem:$0x168D0] =	vst v3  }
0x26: {  	[tilespmem:$0x168E0] =	vst v3  }
0x27: {  	[tilespmem:$0x168F0] =	vst v3  }
0x28: {  	[tilespmem:$0x16900] =	vst v3  }
0x29: {  	[tilespmem:$0x16910] =	vst v3  }
0x2a: {  	[tilespmem:$0x16920] =	vst v3  }
0x2b: {  	[tilespmem:$0x16930] =	vst v3  }
0x2c: {  	[tilespmem:$0x16940] =	vst v3  }
0x2d: {  	[tilespmem:$0x16950] =	vst v3  }
0x2e: {  	[tilespmem:$0x16960] =	vst v3  }
0x2f: {  	[tilespmem:$0x16970] =	vst v3  }
0x30: {  	[tilespmem:$0x16980] =	vst v3  }
0x31: {  	[tilespmem:$0x16990] =	vst v3  }
0x32: {  	[tilespmem:$0x169A0] =	vst v3  }
0x33: {  	[tilespmem:$0x169B0] =	vst v3  }
0x34: {  	[tilespmem:$0x169C0] =	vst v3  }
0x35: {  	[tilespmem:$0x169D0] =	vst v3  }
0x36: {  	[tilespmem:$0x169E0] =	vst v3  }
0x37: {  	[tilespmem:$0x169F0] =	vst v3;
	p0 =	sne.s32 s9, $0x1  }
.Ltmp0:
0x38: {  	[tilespmem:$0x16A00] =	vst v3;
	(pc) =	sbr.rel @!p0 .LBB2_3-.Ltmp0, $4  }
0x39: {  	[tilespmem:$0x16A10] =	vst v3  }
0x3a: {  	[spmem:s12] =	stream.linear.scatter [tilespmem:s14], [sflag:$0x3], $0x280, $0x38;
	[tilespmem:$0x16A20] =	vst v63  }
0x3b: {  	_ =	swait.ge [sflag:s15], $0x280  }
0x3c: {  	s25 =	sadd.s32 $0xFFFFFFFF, s9;
	s26 =	smov.u32 s12;
	[sflag:s15] =	ssyncset.done $0x0  }
.LBB2_2:
0x3d: {  	p1 =	sne.s32 s25, $0x1;
	[sflag:s15] =	ssyncadd.s32 $0xFFFFFD80;
	s26 =	sadd.s32 $0x280, s26  }
.Ltmp1:
0x3e: {  	s25 =	sadd.s32 $0xFFFFFFFF, s25;
	(pc) =	sbr.rel @p1 .LBB2_2-.Ltmp1, $4  }
0x3f: {  	_ = 	snop  }
0x40: {  	[spmem:s26] =	stream.linear.scatter [tilespmem:s14], [sflag:$0x3], $0x280, $0x38;
	[tilespmem:$0x16A20] =	vst v63  }
0x41: {  	_ =	swait.ge [sflag:s15], $0x280  }
0x42: {  	[sflag:s15] =	ssyncset.done $0x0  }
.LBB2_3:
0x43: {  	[sflag:s15] =	ssyncadd.s32 $0xFFFFFD80;
	s25 =	simm.s32 $0x0  }
0x44: {  	[tilespmem:s16], [sflag:$0x3] =	stream.linear.gather [hbm4b:s2+s25], $0x40, $0x38;
	[tilespmem:$0x16A20] =	vst v63  }
0x45: {  	_ =	swait.ge [sflag:s15], $0x40  }
0x46: {  	[sflag:s15] =	ssyncset.done $0x0  }
0x47: {  	[sflag:s15] =	ssyncadd.s32 $0xFFFFFFC0  }
0x48: {  	s26 =	simm.s32 $0x0;
	[bflag:$0x0] =	sbarrier.arrive $0xFFFF  }
.LBB2_4:
0x49: {  	s28 =	smul.u32 $0xC8, s26;
	_ =	sdelay $0x1  }
0x4a: {  	s28 =	sadd.s32 s28, s10  }
0x4b: {  	s28 =	sshrl.u32 s28, $0x3  }
0x4c: {  	s29 =	sadd.s32 s7, s28  }
0x4d: {  	[tilespmem:s17], [sflag:$0x3] =	stream.linear.gather [hbm4b:s29+s25], $0xC8, $0x38;
	[tilespmem:$0x16A20] =	vst v63  }
0x4e: {  	_ =	swait.ge [sflag:s15], $0xC8  }
0x4f: {  	[sflag:s15] =	ssyncset.done $0x0  }
0x50: {  	s28 =	sadd.s32 s8, s28;
	[sflag:s15] =	ssyncadd.s32 $0xFFFFFF38  }
0x51: {  	[tilespmem:s18], [sflag:$0x3] =	stream.linear.gather [hbm4b:s28+s25], $0xC8, $0x38;
	[tilespmem:$0x16A20] =	vst v63  }
0x52: {  	_ =	swait.ge [sflag:s15], $0xC8  }
0x53: {  	[sflag:s15] =	ssyncset.done $0x0  }
0x54: {  	[sflag:s15] =	ssyncadd.s32 $0xFFFFFF38  }
0x55: {  	[tilespmem:s20], [sflag:$0x1] =	stream.indirect.gather [hbm4b:s1+s19], $0x40, s17, s19, $0xb8;
	[tilespmem:$0x16A20] =	vst v63  }
0x56: {  	_ = 	snop  }
0x57: {  	[tilespmem:s21], [sflag:$0x2] =	stream.indirect.gather [hbm4b:s6+s19], $0x40, s18, s19, $0xb8;
	[tilespmem:$0x16A20] =	vst v63  }
0x58: {  	_ =	swait.ge [sflag:s22], $0x3200  }
0x59: {  	[sflag:s22] =	ssyncset.done $0x0  }
0x5a: {  	[sflag:s22] =	ssyncadd.s32 $0xFFFFCE00  }
0x5b: {  	_ =	swait.ge [sflag:s23], $0x3200  }
0x5c: {  	[sflag:s23] =	ssyncset.done $0x0  }
0x5d: {  	s29 =	simm.s32 $0x0;
	[sflag:s23] =	ssyncadd.s32 $0xFFFFCE00  }
0x5e: {  	v5 =	vld [tilespmem:s29+$0xC540]  }
0x5f: {  	v6 =	vld [tilespmem:s29+$0xF720]  }
0x60: {  	v7 =	vld [tilespmem:s29+$0xC520]  }
0x61: {  	v8 =	vld [tilespmem:s29+$0xF730]  }
0x62: {  	v9 =	vld [tilespmem:s29+$0xC530]  }
0x63: {  	v10 =	vld [tilespmem:s29+$0xF740]  }
0x64: {  	v11 =	vld [tilespmem:s29+$0xC550]  }
0x65: {  	v12 =	vld [tilespmem:$0xC350];
	v6 =	vadd.f32 v6, v7  }
0x66: {  	v13 =	vld [tilespmem:s29+$0xF750]  }
0x67: {  	v14 =	vld [tilespmem:$0xC360];
	v8 =	vadd.f32 v8, v9;
	v15 =	vmul.f32 $2.000000030e-01, v6  }
0x68: {  	vm1 =	vgt.f32 v6, $0.0e+00  }
0x69: {  	v59 =	vld [tilespmem:$0xC370];
	v5 =	vadd.f32 v10, v5;
	v60 =	vmul.f32 $2.000000030e-01, v8;
	v6 =	vsel vm1, v6, v15  }
0x6a: {  	vm1 =	vgt.f32 v8, $0.0e+00;
	v6 =	vmul.f32 v6, v12  }
0x6b: {  	v61 =	vld [tilespmem:$0xC380];
	v11 =	vadd.f32 v13, v11;
	v62 =	vmul.f32 $2.000000030e-01, v5;
	v8 =	vsel vm1, v8, v60  }
0x6c: {  	vm1 =	vgt.f32 v5, $0.0e+00;
	v8 =	vmul.f32 v8, v14;
	v6 =	vadd.f32 $0.0e+00, v6  }
0x6d: {  	v63 =	vmul.f32 $2.000000030e-01, v11;
	v5 =	vsel vm1, v5, v62  }
0x6e: {  	vm1 =	vgt.f32 v11, $0.0e+00;
	v5 =	vmul.f32 v5, v59;
	v6 =	vadd.f32 v8, v6  }
0x6f: {  	v8 =	vsel vm1, v11, v63  }
0x70: {  	v5 =	vadd.f32 v5, v6;
	v6 =	vmul.f32 v8, v61;
	_ =	sdelay $0x1  }
0x71: {  	v5 =	vadd.f32 v6, v5;
	_ =	sdelay $0x1  }
0x72: {  	v6 =	vperm.xlane v5, v0;
	_ =	sdelay $0x1  }
0x73: {  	v5 =	vadd.f32 v5, v6;
	_ =	sdelay $0x1  }
0x74: {  	v6 =	vperm.xlane v5, v1;
	_ =	sdelay $0x1  }
0x75: {  	v5 =	vadd.f32 v5, v6;
	_ =	sdelay $0x1  }
0x76: {  	v6 =	vperm.xlane v5, v2;
	_ =	sdelay $0x1  }
0x77: {  	v5 =	vadd.f32 v5, v6;
	_ =	sdelay $0x1  }
0x78: {  	v6 =	vperm.xlane v5, v4;
	_ =	sdelay $0x1  }
0x79: {  	v5 =	vadd.f32 v5, v6;
	_ =	sdelay $0x1  }
0x7a: {  	v5 =	vmul.f32 $1.442695020e+00, v5;
	_ =	sdelay $0x1  }
0x7b: {  	(erf) = vpow2.f32 v5;
	_ =	sdelay $0x8  }
0x7c: {  	v5 =	vpop (erf)  }
0x7d: {  	v6 =	vmul.f32 v5, v7  }
0x7e: {  	s28 =	simm.s32 $0x12940  }
0x7f: {  	[tilespmem:s28+$0xFFFFFFE0] =	vst v6  }
0x80: {  	v6 =	vld [tilespmem:s29+$0xC530];
	_ =	sdelay $0x4  }
0x81: {  	v6 =	vmul.f32 v5, v6;
	_ =	sdelay $0x1  }
0x82: {  	[tilespmem:s28+$0xFFFFFFF0] =	vst v6  }
0x83: {  	v6 =	vld [tilespmem:s29+$0xC540];
	_ =	sdelay $0x4  }
0x84: {  	v6 =	vmul.f32 v5, v6;
	_ =	sdelay $0x1  }
0x85: {  	[tilespmem:s28+$0x0] =	vst v6  }
0x86: {  	v6 =	vld [tilespmem:s29+$0xC550];
	_ =	sdelay $0x4  }
0x87: {  	v7 =	vnsel vm0, $0x0, v5;
	v5 =	vmul.f32 v5, v6  }
0x88: {  	[tilespmem:s28+$0x20] =	vst v7  }
0x89: {  	s29 =	simm.s32 $0x40;
	[tilespmem:s28+$0x10] =	vst v5  }
0x8a: {  	v5 =	vld [tilespmem:s29+$0xC540]  }
0x8b: {  	v6 =	vld [tilespmem:s29+$0xF740]  }
0x8c: {  	s30 =	simm.s32 $0x200;
	v7 =	vld [tilespmem:s29+$0xF720]  }
.LBB2_5:
0x8d: {  	p1 =	sne.s32 s30, $0xC700;
	v8 =	vld [tilespmem:s29+$0xC520]  }
0x8e: {  	v9 =	vld [tilespmem:s29+$0xF730]  }
0x8f: {  	v10 =	vld [tilespmem:s29+$0xC530]  }
0x90: {  	v11 =	vld [tilespmem:s29+$0xC550]  }
0x91: {  	v12 =	vld [tilespmem:s29+$0xF750]  }
0x92: {  	v7 =	vadd.f32 v7, v8;
	v13 =	vld [tilespmem:$0xC350]  }
0x93: {  	v14 =	vld [tilespmem:$0xC360]  }
0x94: {  	v15 =	vmul.f32 $2.000000030e-01, v7;
	v9 =	vadd.f32 v9, v10;
	v10 =	vld [tilespmem:$0xC370]  }
0x95: {  	vm1 =	vgt.f32 v7, $0.0e+00;
	v16 =	vld [tilespmem:$0xC380]  }
0x96: {  	v5 =	vadd.f32 v6, v5;
	v7 =	vsel vm1, v7, v15;
	v15 =	vmul.f32 $2.000000030e-01, v9  }
0x97: {  	vm1 =	vgt.f32 v9, $0.0e+00;
	v6 =	vmul.f32 v7, v13  }
0x98: {  	v11 =	vadd.f32 v12, v11;
	v7 =	vsel vm1, v9, v15;
	v9 =	vmul.f32 $2.000000030e-01, v5  }
0x99: {  	vm1 =	vgt.f32 v5, $0.0e+00;
	v6 =	vadd.f32 $0.0e+00, v6;
	v7 =	vmul.f32 v7, v14  }
0x9a: {  	v5 =	vsel vm1, v5, v9;
	v9 =	vmul.f32 $2.000000030e-01, v11  }
0x9b: {  	vm1 =	vgt.f32 v11, $0.0e+00;
	v6 =	vadd.f32 v7, v6;
	v5 =	vmul.f32 v5, v10  }
0x9c: {  	v7 =	vsel vm1, v11, v9  }
0x9d: {  	v5 =	vadd.f32 v5, v6;
	v6 =	vmul.f32 v7, v16;
	_ =	sdelay $0x1  }
0x9e: {  	v5 =	vadd.f32 v6, v5;
	_ =	sdelay $0x1  }
0x9f: {  	v6 =	vperm.xlane v5, v0;
	_ =	sdelay $0x1  }
0xa0: {  	v5 =	vadd.f32 v5, v6;
	_ =	sdelay $0x1  }
0xa1: {  	v6 =	vperm.xlane v5, v1;
	_ =	sdelay $0x1  }
0xa2: {  	v5 =	vadd.f32 v5, v6;
	_ =	sdelay $0x1  }
0xa3: {  	v6 =	vperm.xlane v5, v2;
	_ =	sdelay $0x1  }
0xa4: {  	v5 =	vadd.f32 v5, v6;
	_ =	sdelay $0x1  }
0xa5: {  	v6 =	vperm.xlane v5, v4;
	_ =	sdelay $0x1  }
0xa6: {  	v5 =	vadd.f32 v5, v6;
	_ =	sdelay $0x1  }
0xa7: {  	v5 =	vmul.f32 $1.442695020e+00, v5;
	_ =	sdelay $0x1  }
0xa8: {  	(erf) = vpow2.f32 v5;
	_ =	sdelay $0x8  }
0xa9: {  	v5 =	vpop (erf)  }
0xaa: {  	v6 =	vmul.f32 v5, v8;
	v7 =	vnsel vm0, $0x0, v5  }
0xab: {  	s28 =	sadd.s32 $0x50, s28  }
0xac: {  	[tilespmem:s28+$0xFFFFFFE0] =	vst v6  }
0xad: {  	v6 =	vld [tilespmem:s29+$0xC530];
	_ =	sdelay $0x4  }
0xae: {  	v6 =	vmul.f32 v5, v6;
	_ =	sdelay $0x1  }
0xaf: {  	[tilespmem:s28+$0xFFFFFFF0] =	vst v6  }
0xb0: {  	v6 =	vld [tilespmem:s29+$0xC540];
	_ =	sdelay $0x4  }
0xb1: {  	v6 =	vmul.f32 v5, v6;
	_ =	sdelay $0x1  }
0xb2: {  	[tilespmem:s28+$0x0] =	vst v6  }
0xb3: {  	v6 =	vld [tilespmem:s29+$0xC550];
	[tilespmem:s28+$0x20] =	vst v7;
	_ =	sdelay $0x4  }
0xb4: {  	v5 =	vmul.f32 v5, v6  }
.Ltmp2:
0xb5: {  	(pc) =	sbr.rel @p1 .LBB2_5-.Ltmp2, $4  }
0xb6: {  	s29 =	sshra.s32 s30, $0x2;
	[tilespmem:s28+$0x10] =	vst v5  }
0xb7: {  	v5 =	vld [tilespmem:s29+$0xC540]  }
0xb8: {  	v6 =	vld [tilespmem:s29+$0xF740]  }
0xb9: {  	s30 =	sadd.s32 $0x100, s30;
	v7 =	vld [tilespmem:s29+$0xF720]  }
0xba: {  	v8 =	vld [tilespmem:s29+$0xC520]  }
0xbb: {  	v9 =	vld [tilespmem:s29+$0xF730]  }
0xbc: {  	v10 =	vld [tilespmem:s29+$0xC530];
	_ =	sdelay $0x1  }
0xbd: {  	v11 =	vld [tilespmem:s29+$0xC550]  }
0xbe: {  	v12 =	vld [tilespmem:$0xC350];
	v7 =	vadd.f32 v7, v8  }
0xbf: {  	v13 =	vld [tilespmem:s29+$0xF750]  }
0xc0: {  	v14 =	vld [tilespmem:$0xC360];
	v9 =	vadd.f32 v9, v10;
	v15 =	vmul.f32 $2.000000030e-01, v7  }
0xc1: {  	vm1 =	vgt.f32 v7, $0.0e+00  }
0xc2: {  	v59 =	vld [tilespmem:$0xC370];
	v5 =	vadd.f32 v6, v5;
	v60 =	vmul.f32 $2.000000030e-01, v9;
	v7 =	vsel vm1, v7, v15  }
0xc3: {  	vm1 =	vgt.f32 v9, $0.0e+00;
	v6 =	vmul.f32 v7, v12  }
0xc4: {  	v61 =	vmul.f32 $2.000000030e-01, v5;
	v11 =	vadd.f32 v13, v11;
	v7 =	vld [tilespmem:$0xC380];
	v9 =	vsel vm1, v9, v60  }
0xc5: {  	vm1 =	vgt.f32 v5, $0.0e+00;
	v9 =	vmul.f32 v9, v14;
	v6 =	vadd.f32 $0.0e+00, v6  }
0xc6: {  	v62 =	vmul.f32 $2.000000030e-01, v11;
	v5 =	vsel vm1, v5, v61  }
0xc7: {  	vm1 =	vgt.f32 v11, $0.0e+00;
	v5 =	vmul.f32 v5, v59;
	v6 =	vadd.f32 v9, v6  }
0xc8: {  	v63 =	vsel vm1, v11, v62  }
0xc9: {  	v5 =	vadd.f32 v5, v6;
	v6 =	vmul.f32 v63, v7;
	_ =	sdelay $0x1  }
0xca: {  	v5 =	vadd.f32 v6, v5;
	_ =	sdelay $0x1  }
0xcb: {  	v6 =	vperm.xlane v5, v0;
	_ =	sdelay $0x1  }
0xcc: {  	v5 =	vadd.f32 v5, v6;
	_ =	sdelay $0x1  }
0xcd: {  	v6 =	vperm.xlane v5, v1;
	_ =	sdelay $0x1  }
0xce: {  	v5 =	vadd.f32 v5, v6;
	_ =	sdelay $0x1  }
0xcf: {  	v6 =	vperm.xlane v5, v2;
	_ =	sdelay $0x1  }
0xd0: {  	v5 =	vadd.f32 v5, v6;
	_ =	sdelay $0x1  }
0xd1: {  	v6 =	vperm.xlane v5, v4;
	_ =	sdelay $0x1  }
0xd2: {  	v5 =	vadd.f32 v5, v6;
	_ =	sdelay $0x1  }
0xd3: {  	v5 =	vmul.f32 $1.442695020e+00, v5;
	_ =	sdelay $0x1  }
0xd4: {  	(erf) = vpow2.f32 v5;
	_ =	sdelay $0x8  }
0xd5: {  	v5 =	vpop (erf)  }
0xd6: {  	v6 =	vmul.f32 v5, v8  }
0xd7: {  	s28 =	sadd.s32 $0x50, s28  }
0xd8: {  	[tilespmem:s28+$0xFFFFFFE0] =	vst v6  }
0xd9: {  	v6 =	vld [tilespmem:s29+$0xC530];
	_ =	sdelay $0x4  }
0xda: {  	v6 =	vmul.f32 v5, v6;
	_ =	sdelay $0x1  }
0xdb: {  	[tilespmem:s28+$0xFFFFFFF0] =	vst v6  }
0xdc: {  	v6 =	vld [tilespmem:s29+$0xC540];
	_ =	sdelay $0x4  }
0xdd: {  	v6 =	vmul.f32 v5, v6;
	_ =	sdelay $0x1  }
0xde: {  	[tilespmem:s28+$0x0] =	vst v6  }
0xdf: {  	v6 =	vld [tilespmem:s29+$0xC550];
	_ =	sdelay $0x4  }
0xe0: {  	s26 =	sadd.s32 $0x1, s26;
	v7 =	vnsel vm0, $0x0, v5;
	v5 =	vmul.f32 v5, v6  }
0xe1: {  	p1 =	sne.s32 s26, $0x19;
	[tilespmem:s28+$0x20] =	vst v7  }
.Ltmp3:
0xe2: {  	[tilespmem:s28+$0x10] =	vst v5;
	(pc) =	sbr.rel @p1 .LBB2_4-.Ltmp3, $4  }
0xe3: {  	[spmem:s3] =	stream.indirect.scatter.add.f32 [tilespmem:s24], [sflag:$0x3], $0x50, s18, s19, $0xb8;
	[tilespmem:$0x16A20] =	vst v63  }
0xe4: {  	_ =	swait.ge [sflag:s15], $0x3E80  }
0xe5: {  	[sflag:s15] =	ssyncset.done $0x0  }
0xe6: {  	[sflag:s15] =	ssyncadd.s32 $0xFFFFC180  }
.Ltmp4:
0xe7: {  	(pc) =	sbr.rel @!p0 .LBB2_9-.Ltmp4, $4  }
0xe8: {  	s25 =	sshll.u32 s4, $0x6;
	[bflag:$0x0] =	sbarrier.arrive $0xFFFF  }
0xe9: {  	s26 =	sshrl.u32 s12, $0x3;
	s28 =	sadd.s32 $0x280, s12;
	s25 =	sor.u32 $0x1C03, s25  }
0xea: {  	[hbm:s13], [sflag:s25] =	dma.local [spmem:s26], $0x50  }
0xeb: {  	s29 =	smov.u32 s13;
	s26 =	sadd.s32 $0xFFFFFFFF, s9;
	_ =	swait.ge [sflag:s15], $0x50  }
.LBB2_8:
0xec: {  	[sflag:s15] =	ssyncset.done $0x0;
	s29 =	sadd.s32 $0x50, s29;
	p0 =	sne.s32 s26, $0x1  }
.Ltmp5:
0xed: {  	s30 =	sshrl.u32 s28, $0x3;
	[sflag:s15] =	ssyncadd.s32 $0xFFFFFFB0;
	(pc) =	sbr.rel @p0 .LBB2_8-.Ltmp5, $3  }
0xee: {  	[hbm:s29], [sflag:s25] =	dma.local [spmem:s30], $0x50  }
0xef: {  	s26 =	sadd.s32 $0xFFFFFFFF, s26;
	_ =	sdelay $0x1  }
0xf0: {  	s28 =	sadd.s32 $0x280, s28;
	_ =	swait.ge [sflag:s15], $0x50  }
.LBB2_9:
0xf1: {  	s5 =	sadd.s32 $0x1, s5  }
0xf2: {  	p0 =	sne.s32 s5, s11  }
.Ltmp6:
0xf3: {  	_ = 	snop;
	(pc) =	sbr.rel @p0 .LBB2_1-.Ltmp6, $3  }
0xf4: {  	_ =	sdelay $0x1  }
0xf5: {  	[sflag:s15] =	ssyncset.done $0x0  }
0xf6: {  	[sflag:s15] =	ssyncadd.s32 $0xFFFFFFB0  }
0xf7: {  	_ =	sfence.sel $0x180000  }
0xf8: {  	[bflag:$0x0] =	sbarrier.arrive $0xFFFF  }
0xf9: {  	p0 =	sne.s32 s4, $0x0;
	_ =	strace $0x90000050  }
0xfa: {  	s0 =	sadd.s32 @!p0 $0x100000, s0;
	[bflag:$0x2] =	sbarrier.arrive $0xFFFF  }
0xfb: {  	[sflag:s0] =	ssyncadd.tile.s32 @!p0 $0x1;
	_ =	shalt  }
.Lfunc_end2:
_tile_overlayer_lowered:
.L_overlay_start_2:
0xfc: {  	(tag) =	ssettag $0x2  }
0xfd: {  	s0 =	rddreg [dreg:$0x0];
	s2 =	stileid.u32  }
0xfe: {  	s1 =	rddreg [dreg:$0x1];
	p0 =	sne.s32 s2, $0x0  }
0xff: {  	s3 =	rddreg [dreg:$0x2];
	[bflag:$0x3] =	sbarrier.arrive $0xFFFF;
	s2 =	simm.s32 @!p0 $0x1C03  }
0x100: {  	[timem:s3], [sflag:s2] =	dma.local @!p0 [hbm:s0], s1  }
0x101: {  	s0 =	simm.s32 @!p0 $0x3  }
0x102: {  	_ =	swait.ge @!p0 [sflag:s0], s1  }
0x103: {  	s1 =	ssub.s32 @!p0 $0x0, s1;
	[sflag:s0] =	ssyncset.done @!p0 $0x0  }
0x104: {  	[sflag:s0] =	ssyncadd.s32 @!p0 s1  }
0x105: {  	[bflag:$0x3] =	sbarrier.arrive $0xFFFF  }
0x106: {  	_ =	shalt  }

</sc_bundles>
